<compile_context>
chip_gen: v7x
topology: tpu7x:2x2x1
jax: 0.10.2.dev20260603
libtpu: 0.0.44.dev20260713+nightly
codegen_flags: <defaults>
</compile_context>

<pallas_src>
import jax
import jax.numpy as jnp
from jax import lax
from jax.experimental import pallas as pl
from jax.experimental.pallas import tpu as pltpu
from jax.experimental.pallas import tpu_sc as plsc

N = 10000
E = 160000
D = 256
HALF = 128
NC, NS = 2, 16
NP = 10240
EP = 163840
CHUNK = 128
GC = 64
JUNK = N
ROWS_PER_TILE = NP // NS
SC_CHUNKS = EP // NS // GC
NB = 4
LOOK = 2
DEG_CHUNKS = EP // (NC * NS) // CHUNK
BM = 512
BME = 400


def _deg_body(dst_hbm, deg_out, dstv, onesv, zv, deg_sh):
    c = lax.axis_index("c")
    s = lax.axis_index("s")
    wid = c * NS + s
    for i in range(CHUNK // 16):
        onesv[pl.ds(i * 16, 16)] = jnp.ones((16,), jnp.float32)
    for i in range(ROWS_PER_TILE // 16):
        zv[pl.ds(i * 16, 16)] = jnp.zeros((16,), jnp.float32)
    pltpu.sync_copy(zv, deg_sh.at[pl.ds(s * ROWS_PER_TILE, ROWS_PER_TILE)])
    pltpu.sync_copy(dst_hbm.at[wid], dstv)
    plsc.subcore_barrier()

    def body(j, carry):
        pltpu.sync_copy(onesv, deg_sh.at[dstv.at[j]], add=True)
        return carry

    lax.fori_loop(0, DEG_CHUNKS, body, 0)
    plsc.subcore_barrier()
    sl = pl.ds(s * ROWS_PER_TILE, ROWS_PER_TILE)
    pltpu.sync_copy(deg_sh.at[sl], deg_out.at[c, sl])


def _scat_body(g0, g1, src_hbm, dst_hbm, s0_in, s1_in, s0_out, s1_out,
               srcv, dstring, bufs, gsems, isems, ssems, s_sh):
    c = lax.axis_index("c")
    s = lax.axis_index("s")
    sl = pl.ds(s * ROWS_PER_TILE, ROWS_PER_TILE)

    @pl.when(c == 0)
    def _():
        pltpu.sync_copy(s0_in.at[sl], s_sh.at[sl])

    @pl.when(c == 1)
    def _():
        pltpu.sync_copy(s1_in.at[sl], s_sh.at[sl])

    pltpu.sync_copy(src_hbm.at[s], srcv)
    plsc.subcore_barrier()

    def run(g):
        def sidx(j):
            return srcv.at[j // 2, pl.ds((j % 2) * GC, GC)]

        def fill(j, b):
            pltpu.async_copy(dst_hbm.at[s, j], dstring.at[b], isems.at[b])
            pltpu.async_copy(g.at[sidx(j)], bufs.at[b], gsems.at[b])

        def step(j, u, drain_pre):
            b_pre = (u + LOOK) % NB
            pltpu.make_async_copy(g.at[sidx(j)], bufs.at[u],
                                  gsems.at[u]).wait()
            pltpu.make_async_copy(dst_hbm.at[s, j], dstring.at[u],
                                  isems.at[u]).wait()
            pltpu.async_copy(bufs.at[u], s_sh.at[dstring.at[u]], ssems.at[u],
                             add=True)
            if drain_pre:
                pltpu.make_async_copy(
                    bufs.at[b_pre], s_sh.at[dstring.at[b_pre]],
                    ssems.at[b_pre]).wait()
            fill(j + LOOK, b_pre)

        for b in range(LOOK):
            fill(b, b)
        for u in range(NB):
            step(u, u, u >= LOOK)

        def body(grp, carry):
            j0 = grp * NB
            for u in range(NB):
                step(j0 + u, u, True)
            return carry

        lax.fori_loop(1, SC_CHUNKS // NB, body, 0)
        for t in range(LOOK):
            u = (SC_CHUNKS - LOOK + t) % NB
            pltpu.make_async_copy(bufs.at[u], s_sh.at[dstring.at[u]],
                                  ssems.at[u]).wait()
        for t in range(LOOK):
            b = (SC_CHUNKS + t) % NB
            j = SC_CHUNKS + t
            pltpu.make_async_copy(g.at[sidx(j)], bufs.at[b],
                                  gsems.at[b]).wait()
            pltpu.make_async_copy(dst_hbm.at[s, j], dstring.at[b],
                                  isems.at[b]).wait()

    @pl.when(c == 0)
    def _():
        run(g0)

    @pl.when(c == 1)
    def _():
        run(g1)

    plsc.subcore_barrier()

    @pl.when(c == 0)
    def _():
        pltpu.sync_copy(s_sh.at[sl], s0_out.at[sl])

    @pl.when(c == 1)
    def _():
        pltpu.sync_copy(s_sh.at[sl], s1_out.at[sl])


def _mm_body(x_ref, w_ref, deg_ref, g0_ref, g1_ref):
    dr = deg_ref[...]
    dinv = lax.rsqrt(dr[0] + dr[1] + 1.0)
    h = lax.dot_general(x_ref[...], w_ref[...],
                        (((1,), (1,)), ((), ())),
                        preferred_element_type=jnp.float32)
    g = h * dinv
    g0_ref[...] = g[:, :HALF]
    g1_ref[...] = g[:, HALF:]


def _epi_body(g0_ref, g1_ref, s0_ref, s1_ref, deg_ref, b_ref, out_ref):
    dr = deg_ref[...]
    dinv = lax.rsqrt(dr[0] + dr[1] + 1.0)
    bv = b_ref[...]
    a0 = dinv * (g0_ref[...] + s0_ref[...]) + bv[:, :HALF]
    a1 = dinv * (g1_ref[...] + s1_ref[...]) + bv[:, HALF:]
    out_ref[:, :HALF] = jnp.maximum(a0, 0.0)
    out_ref[:, HALF:] = jnp.maximum(a1, 0.0)


def kernel(x, edge_index, W, b):
    src = edge_index[0].astype(jnp.int32)
    dst = edge_index[1].astype(jnp.int32)
    pad = EP - E
    src_p = jnp.concatenate([src, jnp.zeros((pad,), jnp.int32)])
    dst_p = jnp.concatenate([dst, jnp.full((pad,), JUNK, jnp.int32)])
    src_t = jnp.concatenate(
        [src_p.reshape(NS, SC_CHUNKS // 2, CHUNK),
         jnp.zeros((NS, 1, CHUNK), jnp.int32)], axis=1)
    dst_t = jnp.concatenate(
        [dst_p.reshape(NS, SC_CHUNKS, GC),
         jnp.full((NS, LOOK, GC), JUNK, jnp.int32)], axis=1)
    dst_d = dst_p.reshape(NC * NS, DEG_CHUNKS, CHUNK)
    x_p = jnp.pad(x, ((0, NP - N), (0, 0)))
    zinit = jnp.zeros((NP, HALF), jnp.float32)

    mesh = plsc.VectorSubcoreMesh(core_axis_name="c", subcore_axis_name="s")

    deg_call = pl.kernel(
        _deg_body,
        out_type=jax.ShapeDtypeStruct((NC, NP), jnp.float32),
        mesh=mesh,
        scratch_types=[
            pltpu.VMEM((DEG_CHUNKS, CHUNK), jnp.int32),
            pltpu.VMEM((CHUNK,), jnp.float32),
            pltpu.VMEM((ROWS_PER_TILE,), jnp.float32),
            pltpu.VMEM_SHARED((NP,), jnp.float32),
        ],
    )
    deg2 = deg_call(dst_d)
    deg3 = deg2[:, :, None]

    g0, g1 = pl.pallas_call(
        _mm_body,
        in_specs=[
            pl.BlockSpec((BM, D), lambda i: (i, 0)),
            pl.BlockSpec((D, D), lambda i: (0, 0)),
            pl.BlockSpec((NC, BM, 1), lambda i: (0, i, 0)),
        ],
        out_specs=[
            pl.BlockSpec((BM, HALF), lambda i: (i, 0)),
            pl.BlockSpec((BM, HALF), lambda i: (i, 0)),
        ],
        out_shape=[
            jax.ShapeDtypeStruct((NP, HALF), jnp.float32),
            jax.ShapeDtypeStruct((NP, HALF), jnp.float32),
        ],
        grid=(NP // BM,),
    )(x_p, W, deg3)

    scat_call = pl.kernel(
        _scat_body,
        out_type=(
            jax.ShapeDtypeStruct((NP, HALF), jnp.float32),
            jax.ShapeDtypeStruct((NP, HALF), jnp.float32),
        ),
        mesh=mesh,
        scratch_types=[
            pltpu.VMEM((SC_CHUNKS // 2 + 1, CHUNK), jnp.int32),
            pltpu.VMEM((NB, GC), jnp.int32),
            pltpu.VMEM((NB, GC, HALF), jnp.float32),
            pltpu.SemaphoreType.DMA((NB,)),
            pltpu.SemaphoreType.DMA((NB,)),
            pltpu.SemaphoreType.DMA((NB,)),
            pltpu.VMEM_SHARED((NP, HALF), jnp.float32),
        ],
    )
    s0, s1 = scat_call(g0, g1, src_t, dst_t, zinit, zinit)

    out = pl.pallas_call(
        _epi_body,
        grid=(N // BME,),
        in_specs=[
            pl.BlockSpec((BME, HALF), lambda i: (i, 0)),
            pl.BlockSpec((BME, HALF), lambda i: (i, 0)),
            pl.BlockSpec((BME, HALF), lambda i: (i, 0)),
            pl.BlockSpec((BME, HALF), lambda i: (i, 0)),
            pl.BlockSpec((NC, BME, 1), lambda i: (0, i, 0)),
            pl.BlockSpec((1, D), lambda i: (0, 0)),
        ],
        out_specs=pl.BlockSpec((BME, D), lambda i: (i, 0)),
        out_shape=jax.ShapeDtypeStruct((N, D), jnp.float32),
    )(g0, g1, s0, s1, deg3, b.reshape(1, D))

    return out

# --- scband reference (transcript-rebuilt; emitter-appended) ---
"""Pipeline reference for scband-base-conv-layer-32023276159565 (READ-ONLY COPY).

The authoritative reference and input builder live on the scoring server;
editing this copy changes nothing except your own understanding.
"""

import jax, jax.numpy as jnp
import numpy as np

N_NODES = 10000
N_EDGES = 160000
DIM_IN = 256
DIM_OUT = 256


def setup_inputs(seed: int = 0) -> dict:
    key = jax.random.key(seed)
    k1, k2, k3, k4 = jax.random.split(key, 4)
    x = jax.random.normal(k1, (N_NODES, DIM_IN), dtype=jnp.float32)
    edge_index = jax.random.randint(k2, (2, N_EDGES), 0, N_NODES, dtype=jnp.int64)
    # GCNConv learned params: lin weight [dim_out, dim_in] (no bias on lin), bias [dim_out]
    W = jax.random.normal(k3, (DIM_OUT, DIM_IN), dtype=jnp.float32) * (1.0 / np.sqrt(DIM_IN))
    b = jax.random.normal(k4, (DIM_OUT,), dtype=jnp.float32) * 0.01
    return {"x": x, "edge_index": edge_index, "W": W, "b": b}


def reference(x, edge_index, W, b):
    # Faithful GCNConv (add_self_loops=True, normalize=True) + ReLU; dropout is
    # identity in eval mode.
    N = x.shape[0]
    src = edge_index[0]
    dst = edge_index[1]
    loop = jnp.arange(N, dtype=edge_index.dtype)
    src2 = jnp.concatenate([src, loop], axis=0)
    dst2 = jnp.concatenate([dst, loop], axis=0)
    # symmetric normalization: deg computed on destination (includes self-loops)
    deg = jnp.zeros((N,), dtype=x.dtype).at[dst2].add(1.0)
    deg_inv_sqrt = jnp.where(deg > 0, jax.lax.rsqrt(deg), 0.0)
    norm = deg_inv_sqrt[src2] * deg_inv_sqrt[dst2]
    # linear transform then propagate
    h = x @ W.T
    msg = h[src2] * norm[:, None]
    out = jnp.zeros((N, W.shape[0]), dtype=x.dtype).at[dst2].add(msg)
    out = out + b
    out = jax.nn.relu(out)
    return out

if __name__ == "__main__":
    import jax
    _d = setup_inputs()
    print(jax.jit(kernel)(*tuple(_d.values())))

</pallas_src>

<mosaic_0001>
#map = affine_map<(d0, d1) -> (0, 0, 0)>
#map1 = affine_map<(d0, d1) -> (0, 0)>
module attributes {stable_mosaic.version = 14 : i64} {
  func.func @_deg_body(%arg0: i32, %arg1: i32, %arg2: memref<32x40x128xi32, #tpu.memory_space<hbm>>, %arg3: memref<2x10240xf32, #tpu.memory_space<hbm>>, %arg4: memref<40x128xi32, #tpu.memory_space<vmem>>, %arg5: memref<128xf32, #tpu.memory_space<vmem>>, %arg6: memref<640xf32, #tpu.memory_space<vmem>>, %arg7: memref<10240xf32, #tpu.memory_space<vmem_shared>>) attributes {dimension_semantics = [#tpu.dimension_semantics<core_parallel>, #tpu.dimension_semantics<subcore_parallel>], iteration_bounds = array<i64: 2, 16>, scalar_prefetch = 0 : i64, scratch_operands = 4 : i64, tpu.core_type = #tpu.core_type<sc_vector_subcore>, window_params = [{transform_indices = #map}, {transform_indices = #map1}]} {
    %mul3A = arith.constant 16 : i32
    %mul3A_0 = arith.muli %arg0, %mul3A : i32
    %add3A = arith.addi %mul3A_0, %arg1 : i32
    %broadcast_in_dim3A = arith.constant 1.000000e+00 : f32
    %broadcast_in_dim3A_1 = vector.broadcast %broadcast_in_dim3A : f32 to vector<16xf32>
    %swap3A = arith.constant 0 : index
    %swap3A_2 = tpu.vector_load %arg5[%swap3A] {strides = array<i32>} : memref<128xf32, #tpu.memory_space<vmem>>, vector<16xf32>,
    %swap3A_3 = vector.shape_cast %swap3A_2 : vector<16xf32> to vector<16xf32>
    %swap3A_4 = vector.shape_cast %broadcast_in_dim3A_1 : vector<16xf32> to vector<16xf32>
    tpu.vector_store %arg5[%swap3A], %swap3A_4 {strides = array<i32>} : memref<128xf32, #tpu.memory_space<vmem>>, vector<16xf32>,
    %broadcast_in_dim3A_5 = arith.constant 1.000000e+00 : f32
    %broadcast_in_dim3A_6 = vector.broadcast %broadcast_in_dim3A_5 : f32 to vector<16xf32>
    %swap3A_7 = arith.constant 16 : index
    %swap3A_8 = tpu.vector_load %arg5[%swap3A_7] {strides = array<i32>} : memref<128xf32, #tpu.memory_space<vmem>>, vector<16xf32>,
    %swap3A_9 = vector.shape_cast %swap3A_8 : vector<16xf32> to vector<16xf32>
    %swap3A_10 = vector.shape_cast %broadcast_in_dim3A_6 : vector<16xf32> to vector<16xf32>
    tpu.vector_store %arg5[%swap3A_7], %swap3A_10 {strides = array<i32>} : memref<128xf32, #tpu.memory_space<vmem>>, vector<16xf32>,
    %broadcast_in_dim3A_11 = arith.constant 1.000000e+00 : f32
    %broadcast_in_dim3A_12 = vector.broadcast %broadcast_in_dim3A_11 : f32 to vector<16xf32>
    %swap3A_13 = arith.constant 32 : index
    %swap3A_14 = tpu.vector_load %arg5[%swap3A_13] {strides = array<i32>} : memref<128xf32, #tpu.memory_space<vmem>>, vector<16xf32>,
    %swap3A_15 = vector.shape_cast %swap3A_14 : vector<16xf32> to vector<16xf32>
    %swap3A_16 = vector.shape_cast %broadcast_in_dim3A_12 : vector<16xf32> to vector<16xf32>
    tpu.vector_store %arg5[%swap3A_13], %swap3A_16 {strides = array<i32>} : memref<128xf32, #tpu.memory_space<vmem>>, vector<16xf32>,
    %broadcast_in_dim3A_17 = arith.constant 1.000000e+00 : f32
    %broadcast_in_dim3A_18 = vector.broadcast %broadcast_in_dim3A_17 : f32 to vector<16xf32>
    %swap3A_19 = arith.constant 48 : index
    %swap3A_20 = tpu.vector_load %arg5[%swap3A_19] {strides = array<i32>} : memref<128xf32, #tpu.memory_space<vmem>>, vector<16xf32>,
    %swap3A_21 = vector.shape_cast %swap3A_20 : vector<16xf32> to vector<16xf32>
    %swap3A_22 = vector.shape_cast %broadcast_in_dim3A_18 : vector<16xf32> to vector<16xf32>
    tpu.vector_store %arg5[%swap3A_19], %swap3A_22 {strides = array<i32>} : memref<128xf32, #tpu.memory_space<vmem>>, vector<16xf32>,
    %broadcast_in_dim3A_23 = arith.constant 1.000000e+00 : f32
    %broadcast_in_dim3A_24 = vector.broadcast %broadcast_in_dim3A_23 : f32 to vector<16xf32>
    %swap3A_25 = arith.constant 64 : index
    %swap3A_26 = tpu.vector_load %arg5[%swap3A_25] {strides = array<i32>} : memref<128xf32, #tpu.memory_space<vmem>>, vector<16xf32>,
    %swap3A_27 = vector.shape_cast %swap3A_26 : vector<16xf32> to vector<16xf32>
    %swap3A_28 = vector.shape_cast %broadcast_in_dim3A_24 : vector<16xf32> to vector<16xf32>
    tpu.vector_store %arg5[%swap3A_25], %swap3A_28 {strides = array<i32>} : memref<128xf32, #tpu.memory_space<vmem>>, vector<16xf32>,
    %broadcast_in_dim3A_29 = arith.constant 1.000000e+00 : f32
    %broadcast_in_dim3A_30 = vector.broadcast %broadcast_in_dim3A_29 : f32 to vector<16xf32>
    %swap3A_31 = arith.constant 80 : index
    %swap3A_32 = tpu.vector_load %arg5[%swap3A_31] {strides = array<i32>} : memref<128xf32, #tpu.memory_space<vmem>>, vector<16xf32>,
    %swap3A_33 = vector.shape_cast %swap3A_32 : vector<16xf32> to vector<16xf32>
    %swap3A_34 = vector.shape_cast %broadcast_in_dim3A_30 : vector<16xf32> to vector<16xf32>
    tpu.vector_store %arg5[%swap3A_31], %swap3A_34 {strides = array<i32>} : memref<128xf32, #tpu.memory_space<vmem>>, vector<16xf32>,
    %broadcast_in_dim3A_35 = arith.constant 1.000000e+00 : f32
    %broadcast_in_dim3A_36 = vector.broadcast %broadcast_in_dim3A_35 : f32 to vector<16xf32>
    %swap3A_37 = arith.constant 96 : index
    %swap3A_38 = tpu.vector_load %arg5[%swap3A_37] {strides = array<i32>} : memref<128xf32, #tpu.memory_space<vmem>>, vector<16xf32>,
    %swap3A_39 = vector.shape_cast %swap3A_38 : vector<16xf32> to vector<16xf32>
    %swap3A_40 = vector.shape_cast %broadcast_in_dim3A_36 : vector<16xf32> to vector<16xf32>
    tpu.vector_store %arg5[%swap3A_37], %swap3A_40 {strides = array<i32>} : memref<128xf32, #tpu.memory_space<vmem>>, vector<16xf32>,
    %broadcast_in_dim3A_41 = arith.constant 1.000000e+00 : f32
    %broadcast_in_dim3A_42 = vector.broadcast %broadcast_in_dim3A_41 : f32 to vector<16xf32>
    %swap3A_43 = arith.constant 112 : index
    %swap3A_44 = tpu.vector_load %arg5[%swap3A_43] {strides = array<i32>} : memref<128xf32, #tpu.memory_space<vmem>>, vector<16xf32>,
    %swap3A_45 = vector.shape_cast %swap3A_44 : vector<16xf32> to vector<16xf32>
    %swap3A_46 = vector.shape_cast %broadcast_in_dim3A_42 : vector<16xf32> to vector<16xf32>
    tpu.vector_store %arg5[%swap3A_43], %swap3A_46 {strides = array<i32>} : memref<128xf32, #tpu.memory_space<vmem>>, vector<16xf32>,
    %broadcast_in_dim3A_47 = arith.constant 0.000000e+00 : f32
    %broadcast_in_dim3A_48 = vector.broadcast %broadcast_in_dim3A_47 : f32 to vector<16xf32>
    %swap3A_49 = arith.constant 0 : index
    %swap3A_50 = tpu.vector_load %arg6[%swap3A_49] {strides = array<i32>} : memref<640xf32, #tpu.memory_space<vmem>>, vector<16xf32>,
    %swap3A_51 = vector.shape_cast %swap3A_50 : vector<16xf32> to vector<16xf32>
    %swap3A_52 = vector.shape_cast %broadcast_in_dim3A_48 : vector<16xf32> to vector<16xf32>
    tpu.vector_store %arg6[%swap3A_49], %swap3A_52 {strides = array<i32>} : memref<640xf32, #tpu.memory_space<vmem>>, vector<16xf32>,
    %broadcast_in_dim3A_53 = arith.constant 0.000000e+00 : f32
    %broadcast_in_dim3A_54 = vector.broadcast %broadcast_in_dim3A_53 : f32 to vector<16xf32>
    %swap3A_55 = arith.constant 16 : index
    %swap3A_56 = tpu.vector_load %arg6[%swap3A_55] {strides = array<i32>} : memref<640xf32, #tpu.memory_space<vmem>>, vector<16xf32>,
    %swap3A_57 = vector.shape_cast %swap3A_56 : vector<16xf32> to vector<16xf32>
    %swap3A_58 = vector.shape_cast %broadcast_in_dim3A_54 : vector<16xf32> to vector<16xf32>
    tpu.vector_store %arg6[%swap3A_55], %swap3A_58 {strides = array<i32>} : memref<640xf32, #tpu.memory_space<vmem>>, vector<16xf32>,
    %broadcast_in_dim3A_59 = arith.constant 0.000000e+00 : f32
    %broadcast_in_dim3A_60 = vector.broadcast %broadcast_in_dim3A_59 : f32 to vector<16xf32>
    %swap3A_61 = arith.constant 32 : index
    %swap3A_62 = tpu.vector_load %arg6[%swap3A_61] {strides = array<i32>} : memref<640xf32, #tpu.memory_space<vmem>>, vector<16xf32>,
    %swap3A_63 = vector.shape_cast %swap3A_62 : vector<16xf32> to vector<16xf32>
    %swap3A_64 = vector.shape_cast %broadcast_in_dim3A_60 : vector<16xf32> to vector<16xf32>
    tpu.vector_store %arg6[%swap3A_61], %swap3A_64 {strides = array<i32>} : memref<640xf32, #tpu.memory_space<vmem>>, vector<16xf32>,
    %broadcast_in_dim3A_65 = arith.constant 0.000000e+00 : f32
    %broadcast_in_dim3A_66 = vector.broadcast %broadcast_in_dim3A_65 : f32 to vector<16xf32>
    %swap3A_67 = arith.constant 48 : index
    %swap3A_68 = tpu.vector_load %arg6[%swap3A_67] {strides = array<i32>} : memref<640xf32, #tpu.memory_space<vmem>>, vector<16xf32>,
    %swap3A_69 = vector.shape_cast %swap3A_68 : vector<16xf32> to vector<16xf32>
    %swap3A_70 = vector.shape_cast %broadcast_in_dim3A_66 : vector<16xf32> to vector<16xf32>
    tpu.vector_store %arg6[%swap3A_67], %swap3A_70 {strides = array<i32>} : memref<640xf32, #tpu.memory_space<vmem>>, vector<16xf32>,
    %broadcast_in_dim3A_71 = arith.constant 0.000000e+00 : f32
    %broadcast_in_dim3A_72 = vector.broadcast %broadcast_in_dim3A_71 : f32 to vector<16xf32>
    %swap3A_73 = arith.constant 64 : index
    %swap3A_74 = tpu.vector_load %arg6[%swap3A_73] {strides = array<i32>} : memref<640xf32, #tpu.memory_space<vmem>>, vector<16xf32>,
    %swap3A_75 = vector.shape_cast %swap3A_74 : vector<16xf32> to vector<16xf32>
    %swap3A_76 = vector.shape_cast %broadcast_in_dim3A_72 : vector<16xf32> to vector<16xf32>
    tpu.vector_store %arg6[%swap3A_73], %swap3A_76 {strides = array<i32>} : memref<640xf32, #tpu.memory_space<vmem>>, vector<16xf32>,
    %broadcast_in_dim3A_77 = arith.constant 0.000000e+00 : f32
    %broadcast_in_dim3A_78 = vector.broadcast %broadcast_in_dim3A_77 : f32 to vector<16xf32>
    %swap3A_79 = arith.constant 80 : index
    %swap3A_80 = tpu.vector_load %arg6[%swap3A_79] {strides = array<i32>} : memref<640xf32, #tpu.memory_space<vmem>>, vector<16xf32>,
    %swap3A_81 = vector.shape_cast %swap3A_80 : vector<16xf32> to vector<16xf32>
    %swap3A_82 = vector.shape_cast %broadcast_in_dim3A_78 : vector<16xf32> to vector<16xf32>
    tpu.vector_store %arg6[%swap3A_79], %swap3A_82 {strides = array<i32>} : memref<640xf32, #tpu.memory_space<vmem>>, vector<16xf32>,
    %broadcast_in_dim3A_83 = arith.constant 0.000000e+00 : f32
    %broadcast_in_dim3A_84 = vector.broadcast %broadcast_in_dim3A_83 : f32 to vector<16xf32>
    %swap3A_85 = arith.constant 96 : index
    %swap3A_86 = tpu.vector_load %arg6[%swap3A_85] {strides = array<i32>} : memref<640xf32, #tpu.memory_space<vmem>>, vector<16xf32>,
    %swap3A_87 = vector.shape_cast %swap3A_86 : vector<16xf32> to vector<16xf32>
    %swap3A_88 = vector.shape_cast %broadcast_in_dim3A_84 : vector<16xf32> to vector<16xf32>
    tpu.vector_store %arg6[%swap3A_85], %swap3A_88 {strides = array<i32>} : memref<640xf32, #tpu.memory_space<vmem>>, vector<16xf32>,
    %broadcast_in_dim3A_89 = arith.constant 0.000000e+00 : f32
    %broadcast_in_dim3A_90 = vector.broadcast %broadcast_in_dim3A_89 : f32 to vector<16xf32>
    %swap3A_91 = arith.constant 112 : index
    %swap3A_92 = tpu.vector_load %arg6[%swap3A_91] {strides = array<i32>} : memref<640xf32, #tpu.memory_space<vmem>>, vector<16xf32>,
    %swap3A_93 = vector.shape_cast %swap3A_92 : vector<16xf32> to vector<16xf32>
    %swap3A_94 = vector.shape_cast %broadcast_in_dim3A_90 : vector<16xf32> to vector<16xf32>
    tpu.vector_store %arg6[%swap3A_91], %swap3A_94 {strides = array<i32>} : memref<640xf32, #tpu.memory_space<vmem>>, vector<16xf32>,
    %broadcast_in_dim3A_95 = arith.constant 0.000000e+00 : f32
    %broadcast_in_dim3A_96 = vector.broadcast %broadcast_in_dim3A_95 : f32 to vector<16xf32>
    %swap3A_97 = arith.constant 128 : index
    %swap3A_98 = tpu.vector_load %arg6[%swap3A_97] {strides = array<i32>} : memref<640xf32, #tpu.memory_space<vmem>>, vector<16xf32>,
    %swap3A_99 = vector.shape_cast %swap3A_98 : vector<16xf32> to vector<16xf32>
    %swap3A_100 = vector.shape_cast %broadcast_in_dim3A_96 : vector<16xf32> to vector<16xf32>
    tpu.vector_store %arg6[%swap3A_97], %swap3A_100 {strides = array<i32>} : memref<640xf32, #tpu.memory_space<vmem>>, vector<16xf32>,
    %broadcast_in_dim3A_101 = arith.constant 0.000000e+00 : f32
    %broadcast_in_dim3A_102 = vector.broadcast %broadcast_in_dim3A_101 : f32 to vector<16xf32>
    %swap3A_103 = arith.constant 144 : index
    %swap3A_104 = tpu.vector_load %arg6[%swap3A_103] {strides = array<i32>} : memref<640xf32, #tpu.memory_space<vmem>>, vector<16xf32>,
    %swap3A_105 = vector.shape_cast %swap3A_104 : vector<16xf32> to vector<16xf32>
    %swap3A_106 = vector.shape_cast %broadcast_in_dim3A_102 : vector<16xf32> to vector<16xf32>
    tpu.vector_store %arg6[%swap3A_103], %swap3A_106 {strides = array<i32>} : memref<640xf32, #tpu.memory_space<vmem>>, vector<16xf32>,
    %broadcast_in_dim3A_107 = arith.constant 0.000000e+00 : f32
    %broadcast_in_dim3A_108 = vector.broadcast %broadcast_in_dim3A_107 : f32 to vector<16xf32>
    %swap3A_109 = arith.constant 160 : index
    %swap3A_110 = tpu.vector_load %arg6[%swap3A_109] {strides = array<i32>} : memref<640xf32, #tpu.memory_space<vmem>>, vector<16xf32>,
    %swap3A_111 = vector.shape_cast %swap3A_110 : vector<16xf32> to vector<16xf32>
    %swap3A_112 = vector.shape_cast %broadcast_in_dim3A_108 : vector<16xf32> to vector<16xf32>
    tpu.vector_store %arg6[%swap3A_109], %swap3A_112 {strides = array<i32>} : memref<640xf32, #tpu.memory_space<vmem>>, vector<16xf32>,
    %broadcast_in_dim3A_113 = arith.constant 0.000000e+00 : f32
    %broadcast_in_dim3A_114 = vector.broadcast %broadcast_in_dim3A_113 : f32 to vector<16xf32>
    %swap3A_115 = arith.constant 176 : index
    %swap3A_116 = tpu.vector_load %arg6[%swap3A_115] {strides = array<i32>} : memref<640xf32, #tpu.memory_space<vmem>>, vector<16xf32>,
    %swap3A_117 = vector.shape_cast %swap3A_116 : vector<16xf32> to vector<16xf32>
    %swap3A_118 = vector.shape_cast %broadcast_in_dim3A_114 : vector<16xf32> to vector<16xf32>
    tpu.vector_store %arg6[%swap3A_115], %swap3A_118 {strides = array<i32>} : memref<640xf32, #tpu.memory_space<vmem>>, vector<16xf32>,
    %broadcast_in_dim3A_119 = arith.constant 0.000000e+00 : f32
    %broadcast_in_dim3A_120 = vector.broadcast %broadcast_in_dim3A_119 : f32 to vector<16xf32>
    %swap3A_121 = arith.constant 192 : index
    %swap3A_122 = tpu.vector_load %arg6[%swap3A_121] {strides = array<i32>} : memref<640xf32, #tpu.memory_space<vmem>>, vector<16xf32>,
    %swap3A_123 = vector.shape_cast %swap3A_122 : vector<16xf32> to vector<16xf32>
    %swap3A_124 = vector.shape_cast %broadcast_in_dim3A_120 : vector<16xf32> to vector<16xf32>
    tpu.vector_store %arg6[%swap3A_121], %swap3A_124 {strides = array<i32>} : memref<640xf32, #tpu.memory_space<vmem>>, vector<16xf32>,
    %broadcast_in_dim3A_125 = arith.constant 0.000000e+00 : f32
    %broadcast_in_dim3A_126 = vector.broadcast %broadcast_in_dim3A_125 : f32 to vector<16xf32>
    %swap3A_127 = arith.constant 208 : index
    %swap3A_128 = tpu.vector_load %arg6[%swap3A_127] {strides = array<i32>} : memref<640xf32, #tpu.memory_space<vmem>>, vector<16xf32>,
    %swap3A_129 = vector.shape_cast %swap3A_128 : vector<16xf32> to vector<16xf32>
    %swap3A_130 = vector.shape_cast %broadcast_in_dim3A_126 : vector<16xf32> to vector<16xf32>
    tpu.vector_store %arg6[%swap3A_127], %swap3A_130 {strides = array<i32>} : memref<640xf32, #tpu.memory_space<vmem>>, vector<16xf32>,
    %broadcast_in_dim3A_131 = arith.constant 0.000000e+00 : f32
    %broadcast_in_dim3A_132 = vector.broadcast %broadcast_in_dim3A_131 : f32 to vector<16xf32>
    %swap3A_133 = arith.constant 224 : index
    %swap3A_134 = tpu.vector_load %arg6[%swap3A_133] {strides = array<i32>} : memref<640xf32, #tpu.memory_space<vmem>>, vector<16xf32>,
    %swap3A_135 = vector.shape_cast %swap3A_134 : vector<16xf32> to vector<16xf32>
    %swap3A_136 = vector.shape_cast %broadcast_in_dim3A_132 : vector<16xf32> to vector<16xf32>
    tpu.vector_store %arg6[%swap3A_133], %swap3A_136 {strides = array<i32>} : memref<640xf32, #tpu.memory_space<vmem>>, vector<16xf32>,
    %broadcast_in_dim3A_137 = arith.constant 0.000000e+00 : f32
    %broadcast_in_dim3A_138 = vector.broadcast %broadcast_in_dim3A_137 : f32 to vector<16xf32>
    %swap3A_139 = arith.constant 240 : index
    %swap3A_140 = tpu.vector_load %arg6[%swap3A_139] {strides = array<i32>} : memref<640xf32, #tpu.memory_space<vmem>>, vector<16xf32>,
    %swap3A_141 = vector.shape_cast %swap3A_140 : vector<16xf32> to vector<16xf32>
    %swap3A_142 = vector.shape_cast %broadcast_in_dim3A_138 : vector<16xf32> to vector<16xf32>
    tpu.vector_store %arg6[%swap3A_139], %swap3A_142 {strides = array<i32>} : memref<640xf32, #tpu.memory_space<vmem>>, vector<16xf32>,
    %broadcast_in_dim3A_143 = arith.constant 0.000000e+00 : f32
    %broadcast_in_dim3A_144 = vector.broadcast %broadcast_in_dim3A_143 : f32 to vector<16xf32>
    %swap3A_145 = arith.constant 256 : index
    %swap3A_146 = tpu.vector_load %arg6[%swap3A_145] {strides = array<i32>} : memref<640xf32, #tpu.memory_space<vmem>>, vector<16xf32>,
    %swap3A_147 = vector.shape_cast %swap3A_146 : vector<16xf32> to vector<16xf32>
    %swap3A_148 = vector.shape_cast %broadcast_in_dim3A_144 : vector<16xf32> to vector<16xf32>
    tpu.vector_store %arg6[%swap3A_145], %swap3A_148 {strides = array<i32>} : memref<640xf32, #tpu.memory_space<vmem>>, vector<16xf32>,
    %broadcast_in_dim3A_149 = arith.constant 0.000000e+00 : f32
    %broadcast_in_dim3A_150 = vector.broadcast %broadcast_in_dim3A_149 : f32 to vector<16xf32>
    %swap3A_151 = arith.constant 272 : index
    %swap3A_152 = tpu.vector_load %arg6[%swap3A_151] {strides = array<i32>} : memref<640xf32, #tpu.memory_space<vmem>>, vector<16xf32>,
    %swap3A_153 = vector.shape_cast %swap3A_152 : vector<16xf32> to vector<16xf32>
    %swap3A_154 = vector.shape_cast %broadcast_in_dim3A_150 : vector<16xf32> to vector<16xf32>
    tpu.vector_store %arg6[%swap3A_151], %swap3A_154 {strides = array<i32>} : memref<640xf32, #tpu.memory_space<vmem>>, vector<16xf32>,
    %broadcast_in_dim3A_155 = arith.constant 0.000000e+00 : f32
    %broadcast_in_dim3A_156 = vector.broadcast %broadcast_in_dim3A_155 : f32 to vector<16xf32>
    %swap3A_157 = arith.constant 288 : index
    %swap3A_158 = tpu.vector_load %arg6[%swap3A_157] {strides = array<i32>} : memref<640xf32, #tpu.memory_space<vmem>>, vector<16xf32>,
    %swap3A_159 = vector.shape_cast %swap3A_158 : vector<16xf32> to vector<16xf32>
    %swap3A_160 = vector.shape_cast %broadcast_in_dim3A_156 : vector<16xf32> to vector<16xf32>
    tpu.vector_store %arg6[%swap3A_157], %swap3A_160 {strides = array<i32>} : memref<640xf32, #tpu.memory_space<vmem>>, vector<16xf32>,
    %broadcast_in_dim3A_161 = arith.constant 0.000000e+00 : f32
    %broadcast_in_dim3A_162 = vector.broadcast %broadcast_in_dim3A_161 : f32 to vector<16xf32>
    %swap3A_163 = arith.constant 304 : index
    %swap3A_164 = tpu.vector_load %arg6[%swap3A_163] {strides = array<i32>} : memref<640xf32, #tpu.memory_space<vmem>>, vector<16xf32>,
    %swap3A_165 = vector.shape_cast %swap3A_164 : vector<16xf32> to vector<16xf32>
    %swap3A_166 = vector.shape_cast %broadcast_in_dim3A_162 : vector<16xf32> to vector<16xf32>
    tpu.vector_store %arg6[%swap3A_163], %swap3A_166 {strides = array<i32>} : memref<640xf32, #tpu.memory_space<vmem>>, vector<16xf32>,
    %broadcast_in_dim3A_167 = arith.constant 0.000000e+00 : f32
    %broadcast_in_dim3A_168 = vector.broadcast %broadcast_in_dim3A_167 : f32 to vector<16xf32>
    %swap3A_169 = arith.constant 320 : index
    %swap3A_170 = tpu.vector_load %arg6[%swap3A_169] {strides = array<i32>} : memref<640xf32, #tpu.memory_space<vmem>>, vector<16xf32>,
    %swap3A_171 = vector.shape_cast %swap3A_170 : vector<16xf32> to vector<16xf32>
    %swap3A_172 = vector.shape_cast %broadcast_in_dim3A_168 : vector<16xf32> to vector<16xf32>
    tpu.vector_store %arg6[%swap3A_169], %swap3A_172 {strides = array<i32>} : memref<640xf32, #tpu.memory_space<vmem>>, vector<16xf32>,
    %broadcast_in_dim3A_173 = arith.constant 0.000000e+00 : f32
    %broadcast_in_dim3A_174 = vector.broadcast %broadcast_in_dim3A_173 : f32 to vector<16xf32>
    %swap3A_175 = arith.constant 336 : index
    %swap3A_176 = tpu.vector_load %arg6[%swap3A_175] {strides = array<i32>} : memref<640xf32, #tpu.memory_space<vmem>>, vector<16xf32>,
    %swap3A_177 = vector.shape_cast %swap3A_176 : vector<16xf32> to vector<16xf32>
    %swap3A_178 = vector.shape_cast %broadcast_in_dim3A_174 : vector<16xf32> to vector<16xf32>
    tpu.vector_store %arg6[%swap3A_175], %swap3A_178 {strides = array<i32>} : memref<640xf32, #tpu.memory_space<vmem>>, vector<16xf32>,
    %broadcast_in_dim3A_179 = arith.constant 0.000000e+00 : f32
    %broadcast_in_dim3A_180 = vector.broadcast %broadcast_in_dim3A_179 : f32 to vector<16xf32>
    %swap3A_181 = arith.constant 352 : index
    %swap3A_182 = tpu.vector_load %arg6[%swap3A_181] {strides = array<i32>} : memref<640xf32, #tpu.memory_space<vmem>>, vector<16xf32>,
    %swap3A_183 = vector.shape_cast %swap3A_182 : vector<16xf32> to vector<16xf32>
    %swap3A_184 = vector.shape_cast %broadcast_in_dim3A_180 : vector<16xf32> to vector<16xf32>
    tpu.vector_store %arg6[%swap3A_181], %swap3A_184 {strides = array<i32>} : memref<640xf32, #tpu.memory_space<vmem>>, vector<16xf32>,
    %broadcast_in_dim3A_185 = arith.constant 0.000000e+00 : f32
    %broadcast_in_dim3A_186 = vector.broadcast %broadcast_in_dim3A_185 : f32 to vector<16xf32>
    %swap3A_187 = arith.constant 368 : index
    %swap3A_188 = tpu.vector_load %arg6[%swap3A_187] {strides = array<i32>} : memref<640xf32, #tpu.memory_space<vmem>>, vector<16xf32>,
    %swap3A_189 = vector.shape_cast %swap3A_188 : vector<16xf32> to vector<16xf32>
    %swap3A_190 = vector.shape_cast %broadcast_in_dim3A_186 : vector<16xf32> to vector<16xf32>
    tpu.vector_store %arg6[%swap3A_187], %swap3A_190 {strides = array<i32>} : memref<640xf32, #tpu.memory_space<vmem>>, vector<16xf32>,
    %broadcast_in_dim3A_191 = arith.constant 0.000000e+00 : f32
    %broadcast_in_dim3A_192 = vector.broadcast %broadcast_in_dim3A_191 : f32 to vector<16xf32>
    %swap3A_193 = arith.constant 384 : index
    %swap3A_194 = tpu.vector_load %arg6[%swap3A_193] {strides = array<i32>} : memref<640xf32, #tpu.memory_space<vmem>>, vector<16xf32>,
    %swap3A_195 = vector.shape_cast %swap3A_194 : vector<16xf32> to vector<16xf32>
    %swap3A_196 = vector.shape_cast %broadcast_in_dim3A_192 : vector<16xf32> to vector<16xf32>
    tpu.vector_store %arg6[%swap3A_193], %swap3A_196 {strides = array<i32>} : memref<640xf32, #tpu.memory_space<vmem>>, vector<16xf32>,
    %broadcast_in_dim3A_197 = arith.constant 0.000000e+00 : f32
    %broadcast_in_dim3A_198 = vector.broadcast %broadcast_in_dim3A_197 : f32 to vector<16xf32>
    %swap3A_199 = arith.constant 400 : index
    %swap3A_200 = tpu.vector_load %arg6[%swap3A_199] {strides = array<i32>} : memref<640xf32, #tpu.memory_space<vmem>>, vector<16xf32>,
    %swap3A_201 = vector.shape_cast %swap3A_200 : vector<16xf32> to vector<16xf32>
    %swap3A_202 = vector.shape_cast %broadcast_in_dim3A_198 : vector<16xf32> to vector<16xf32>
    tpu.vector_store %arg6[%swap3A_199], %swap3A_202 {strides = array<i32>} : memref<640xf32, #tpu.memory_space<vmem>>, vector<16xf32>,
    %broadcast_in_dim3A_203 = arith.constant 0.000000e+00 : f32
    %broadcast_in_dim3A_204 = vector.broadcast %broadcast_in_dim3A_203 : f32 to vector<16xf32>
    %swap3A_205 = arith.constant 416 : index
    %swap3A_206 = tpu.vector_load %arg6[%swap3A_205] {strides = array<i32>} : memref<640xf32, #tpu.memory_space<vmem>>, vector<16xf32>,
    %swap3A_207 = vector.shape_cast %swap3A_206 : vector<16xf32> to vector<16xf32>
    %swap3A_208 = vector.shape_cast %broadcast_in_dim3A_204 : vector<16xf32> to vector<16xf32>
    tpu.vector_store %arg6[%swap3A_205], %swap3A_208 {strides = array<i32>} : memref<640xf32, #tpu.memory_space<vmem>>, vector<16xf32>,
    %broadcast_in_dim3A_209 = arith.constant 0.000000e+00 : f32
    %broadcast_in_dim3A_210 = vector.broadcast %broadcast_in_dim3A_209 : f32 to vector<16xf32>
    %swap3A_211 = arith.constant 432 : index
    %swap3A_212 = tpu.vector_load %arg6[%swap3A_211] {strides = array<i32>} : memref<640xf32, #tpu.memory_space<vmem>>, vector<16xf32>,
    %swap3A_213 = vector.shape_cast %swap3A_212 : vector<16xf32> to vector<16xf32>
    %swap3A_214 = vector.shape_cast %broadcast_in_dim3A_210 : vector<16xf32> to vector<16xf32>
    tpu.vector_store %arg6[%swap3A_211], %swap3A_214 {strides = array<i32>} : memref<640xf32, #tpu.memory_space<vmem>>, vector<16xf32>,
    %broadcast_in_dim3A_215 = arith.constant 0.000000e+00 : f32
    %broadcast_in_dim3A_216 = vector.broadcast %broadcast_in_dim3A_215 : f32 to vector<16xf32>
    %swap3A_217 = arith.constant 448 : index
    %swap3A_218 = tpu.vector_load %arg6[%swap3A_217] {strides = array<i32>} : memref<640xf32, #tpu.memory_space<vmem>>, vector<16xf32>,
    %swap3A_219 = vector.shape_cast %swap3A_218 : vector<16xf32> to vector<16xf32>
    %swap3A_220 = vector.shape_cast %broadcast_in_dim3A_216 : vector<16xf32> to vector<16xf32>
    tpu.vector_store %arg6[%swap3A_217], %swap3A_220 {strides = array<i32>} : memref<640xf32, #tpu.memory_space<vmem>>, vector<16xf32>,
    %broadcast_in_dim3A_221 = arith.constant 0.000000e+00 : f32
    %broadcast_in_dim3A_222 = vector.broadcast %broadcast_in_dim3A_221 : f32 to vector<16xf32>
    %swap3A_223 = arith.constant 464 : index
    %swap3A_224 = tpu.vector_load %arg6[%swap3A_223] {strides = array<i32>} : memref<640xf32, #tpu.memory_space<vmem>>, vector<16xf32>,
    %swap3A_225 = vector.shape_cast %swap3A_224 : vector<16xf32> to vector<16xf32>
    %swap3A_226 = vector.shape_cast %broadcast_in_dim3A_222 : vector<16xf32> to vector<16xf32>
    tpu.vector_store %arg6[%swap3A_223], %swap3A_226 {strides = array<i32>} : memref<640xf32, #tpu.memory_space<vmem>>, vector<16xf32>,
    %broadcast_in_dim3A_227 = arith.constant 0.000000e+00 : f32
    %broadcast_in_dim3A_228 = vector.broadcast %broadcast_in_dim3A_227 : f32 to vector<16xf32>
    %swap3A_229 = arith.constant 480 : index
    %swap3A_230 = tpu.vector_load %arg6[%swap3A_229] {strides = array<i32>} : memref<640xf32, #tpu.memory_space<vmem>>, vector<16xf32>,
    %swap3A_231 = vector.shape_cast %swap3A_230 : vector<16xf32> to vector<16xf32>
    %swap3A_232 = vector.shape_cast %broadcast_in_dim3A_228 : vector<16xf32> to vector<16xf32>
    tpu.vector_store %arg6[%swap3A_229], %swap3A_232 {strides = array<i32>} : memref<640xf32, #tpu.memory_space<vmem>>, vector<16xf32>,
    %broadcast_in_dim3A_233 = arith.constant 0.000000e+00 : f32
    %broadcast_in_dim3A_234 = vector.broadcast %broadcast_in_dim3A_233 : f32 to vector<16xf32>
    %swap3A_235 = arith.constant 496 : index
    %swap3A_236 = tpu.vector_load %arg6[%swap3A_235] {strides = array<i32>} : memref<640xf32, #tpu.memory_space<vmem>>, vector<16xf32>,
    %swap3A_237 = vector.shape_cast %swap3A_236 : vector<16xf32> to vector<16xf32>
    %swap3A_238 = vector.shape_cast %broadcast_in_dim3A_234 : vector<16xf32> to vector<16xf32>
    tpu.vector_store %arg6[%swap3A_235], %swap3A_238 {strides = array<i32>} : memref<640xf32, #tpu.memory_space<vmem>>, vector<16xf32>,
    %broadcast_in_dim3A_239 = arith.constant 0.000000e+00 : f32
    %broadcast_in_dim3A_240 = vector.broadcast %broadcast_in_dim3A_239 : f32 to vector<16xf32>
    %swap3A_241 = arith.constant 512 : index
    %swap3A_242 = tpu.vector_load %arg6[%swap3A_241] {strides = array<i32>} : memref<640xf32, #tpu.memory_space<vmem>>, vector<16xf32>,
    %swap3A_243 = vector.shape_cast %swap3A_242 : vector<16xf32> to vector<16xf32>
    %swap3A_244 = vector.shape_cast %broadcast_in_dim3A_240 : vector<16xf32> to vector<16xf32>
    tpu.vector_store %arg6[%swap3A_241], %swap3A_244 {strides = array<i32>} : memref<640xf32, #tpu.memory_space<vmem>>, vector<16xf32>,
    %broadcast_in_dim3A_245 = arith.constant 0.000000e+00 : f32
    %broadcast_in_dim3A_246 = vector.broadcast %broadcast_in_dim3A_245 : f32 to vector<16xf32>
    %swap3A_247 = arith.constant 528 : index
    %swap3A_248 = tpu.vector_load %arg6[%swap3A_247] {strides = array<i32>} : memref<640xf32, #tpu.memory_space<vmem>>, vector<16xf32>,
    %swap3A_249 = vector.shape_cast %swap3A_248 : vector<16xf32> to vector<16xf32>
    %swap3A_250 = vector.shape_cast %broadcast_in_dim3A_246 : vector<16xf32> to vector<16xf32>
    tpu.vector_store %arg6[%swap3A_247], %swap3A_250 {strides = array<i32>} : memref<640xf32, #tpu.memory_space<vmem>>, vector<16xf32>,
    %broadcast_in_dim3A_251 = arith.constant 0.000000e+00 : f32
    %broadcast_in_dim3A_252 = vector.broadcast %broadcast_in_dim3A_251 : f32 to vector<16xf32>
    %swap3A_253 = arith.constant 544 : index
    %swap3A_254 = tpu.vector_load %arg6[%swap3A_253] {strides = array<i32>} : memref<640xf32, #tpu.memory_space<vmem>>, vector<16xf32>,
    %swap3A_255 = vector.shape_cast %swap3A_254 : vector<16xf32> to vector<16xf32>
    %swap3A_256 = vector.shape_cast %broadcast_in_dim3A_252 : vector<16xf32> to vector<16xf32>
    tpu.vector_store %arg6[%swap3A_253], %swap3A_256 {strides = array<i32>} : memref<640xf32, #tpu.memory_space<vmem>>, vector<16xf32>,
    %broadcast_in_dim3A_257 = arith.constant 0.000000e+00 : f32
    %broadcast_in_dim3A_258 = vector.broadcast %broadcast_in_dim3A_257 : f32 to vector<16xf32>
    %swap3A_259 = arith.constant 560 : index
    %swap3A_260 = tpu.vector_load %arg6[%swap3A_259] {strides = array<i32>} : memref<640xf32, #tpu.memory_space<vmem>>, vector<16xf32>,
    %swap3A_261 = vector.shape_cast %swap3A_260 : vector<16xf32> to vector<16xf32>
    %swap3A_262 = vector.shape_cast %broadcast_in_dim3A_258 : vector<16xf32> to vector<16xf32>
    tpu.vector_store %arg6[%swap3A_259], %swap3A_262 {strides = array<i32>} : memref<640xf32, #tpu.memory_space<vmem>>, vector<16xf32>,
    %broadcast_in_dim3A_263 = arith.constant 0.000000e+00 : f32
    %broadcast_in_dim3A_264 = vector.broadcast %broadcast_in_dim3A_263 : f32 to vector<16xf32>
    %swap3A_265 = arith.constant 576 : index
    %swap3A_266 = tpu.vector_load %arg6[%swap3A_265] {strides = array<i32>} : memref<640xf32, #tpu.memory_space<vmem>>, vector<16xf32>,
    %swap3A_267 = vector.shape_cast %swap3A_266 : vector<16xf32> to vector<16xf32>
    %swap3A_268 = vector.shape_cast %broadcast_in_dim3A_264 : vector<16xf32> to vector<16xf32>
    tpu.vector_store %arg6[%swap3A_265], %swap3A_268 {strides = array<i32>} : memref<640xf32, #tpu.memory_space<vmem>>, vector<16xf32>,
    %broadcast_in_dim3A_269 = arith.constant 0.000000e+00 : f32
    %broadcast_in_dim3A_270 = vector.broadcast %broadcast_in_dim3A_269 : f32 to vector<16xf32>
    %swap3A_271 = arith.constant 592 : index
    %swap3A_272 = tpu.vector_load %arg6[%swap3A_271] {strides = array<i32>} : memref<640xf32, #tpu.memory_space<vmem>>, vector<16xf32>,
    %swap3A_273 = vector.shape_cast %swap3A_272 : vector<16xf32> to vector<16xf32>
    %swap3A_274 = vector.shape_cast %broadcast_in_dim3A_270 : vector<16xf32> to vector<16xf32>
    tpu.vector_store %arg6[%swap3A_271], %swap3A_274 {strides = array<i32>} : memref<640xf32, #tpu.memory_space<vmem>>, vector<16xf32>,
    %broadcast_in_dim3A_275 = arith.constant 0.000000e+00 : f32
    %broadcast_in_dim3A_276 = vector.broadcast %broadcast_in_dim3A_275 : f32 to vector<16xf32>
    %swap3A_277 = arith.constant 608 : index
    %swap3A_278 = tpu.vector_load %arg6[%swap3A_277] {strides = array<i32>} : memref<640xf32, #tpu.memory_space<vmem>>, vector<16xf32>,
    %swap3A_279 = vector.shape_cast %swap3A_278 : vector<16xf32> to vector<16xf32>
    %swap3A_280 = vector.shape_cast %broadcast_in_dim3A_276 : vector<16xf32> to vector<16xf32>
    tpu.vector_store %arg6[%swap3A_277], %swap3A_280 {strides = array<i32>} : memref<640xf32, #tpu.memory_space<vmem>>, vector<16xf32>,
    %broadcast_in_dim3A_281 = arith.constant 0.000000e+00 : f32
    %broadcast_in_dim3A_282 = vector.broadcast %broadcast_in_dim3A_281 : f32 to vector<16xf32>
    %swap3A_283 = arith.constant 624 : index
    %swap3A_284 = tpu.vector_load %arg6[%swap3A_283] {strides = array<i32>} : memref<640xf32, #tpu.memory_space<vmem>>, vector<16xf32>,
    %swap3A_285 = vector.shape_cast %swap3A_284 : vector<16xf32> to vector<16xf32>
    %swap3A_286 = vector.shape_cast %broadcast_in_dim3A_282 : vector<16xf32> to vector<16xf32>
    tpu.vector_store %arg6[%swap3A_283], %swap3A_286 {strides = array<i32>} : memref<640xf32, #tpu.memory_space<vmem>>, vector<16xf32>,
    %mul3A_287 = arith.constant 640 : i32
    %mul3A_288 = arith.muli %arg1, %mul3A_287 : i32
    "tpu.region"() ({
      %run_scoped3A = tpu.sem_alloc : memref<!tpu.dma_semaphore, #tpu.memory_space<semaphore_mem>>
      %dma_start3A = tpu.memref_slice %arg7[%mul3A_288] : memref<10240xf32, #tpu.memory_space<vmem_shared>> -> memref<640xf32, #tpu.memory_space<vmem_shared>>
      %dma_start3A_297 = tpu.memref_slice %arg7[%mul3A_288] : memref<10240xf32, #tpu.memory_space<vmem_shared>> -> memref<640xf32, #tpu.memory_space<vmem_shared>>
      tpu.enqueue_dma source(%arg6 : memref<640xf32, #tpu.memory_space<vmem>>) target(%dma_start3A_297 : memref<640xf32, #tpu.memory_space<vmem_shared>>) target_semaphore(%run_scoped3A : memref<!tpu.dma_semaphore, #tpu.memory_space<semaphore_mem>>)
      %dma_wait3A = tpu.memref_slice %arg7[%mul3A_288] : memref<10240xf32, #tpu.memory_space<vmem_shared>> -> memref<640xf32, #tpu.memory_space<vmem_shared>>
      %dma_wait3A_298 = tpu.memref_slice %arg7[%mul3A_288] : memref<10240xf32, #tpu.memory_space<vmem_shared>> -> memref<640xf32, #tpu.memory_space<vmem_shared>>
      tpu.wait_dma2 semaphore(%run_scoped3A : memref<!tpu.dma_semaphore, #tpu.memory_space<semaphore_mem>>) src(%arg6 : memref<640xf32, #tpu.memory_space<vmem>>) dst(%dma_wait3A_298 : memref<640xf32, #tpu.memory_space<vmem_shared>>)
      tpu.yield
    }) : () -> ()
    "tpu.region"() ({
      %run_scoped3A = tpu.sem_alloc : memref<!tpu.dma_semaphore, #tpu.memory_space<semaphore_mem>>
      %dma_start3A = arith.constant 0 : i32
      %dma_start3A_297 = arith.constant 0 : i32
      %dma_start3A_298 = tpu.memref_slice %arg2[%add3A, %dma_start3A, %dma_start3A_297] : memref<32x40x128xi32, #tpu.memory_space<hbm>> -> memref<1x40x128xi32, #tpu.memory_space<hbm>>
      %dma_start3A_299 = tpu.memref_squeeze %dma_start3A_298 : memref<1x40x128xi32, #tpu.memory_space<hbm>> -> memref<40x128xi32, #tpu.memory_space<hbm>>
      %dma_start3A_300 = arith.constant 0 : i32
      %dma_start3A_301 = arith.constant 0 : i32
      %dma_start3A_302 = tpu.memref_slice %arg2[%add3A, %dma_start3A_300, %dma_start3A_301] : memref<32x40x128xi32, #tpu.memory_space<hbm>> -> memref<1x40x128xi32, #tpu.memory_space<hbm>>
      %dma_start3A_303 = tpu.memref_squeeze %dma_start3A_302 : memref<1x40x128xi32, #tpu.memory_space<hbm>> -> memref<40x128xi32, #tpu.memory_space<hbm>>
      tpu.enqueue_dma source(%dma_start3A_303 : memref<40x128xi32, #tpu.memory_space<hbm>>) target(%arg4 : memref<40x128xi32, #tpu.memory_space<vmem>>) target_semaphore(%run_scoped3A : memref<!tpu.dma_semaphore, #tpu.memory_space<semaphore_mem>>)
      %dma_wait3A = arith.constant 0 : i32
      %dma_wait3A_304 = arith.constant 0 : i32
      %dma_wait3A_305 = tpu.memref_slice %arg2[%add3A, %dma_wait3A, %dma_wait3A_304] : memref<32x40x128xi32, #tpu.memory_space<hbm>> -> memref<1x40x128xi32, #tpu.memory_space<hbm>>
      %dma_wait3A_306 = tpu.memref_squeeze %dma_wait3A_305 : memref<1x40x128xi32, #tpu.memory_space<hbm>> -> memref<40x128xi32, #tpu.memory_space<hbm>>
      %dma_wait3A_307 = arith.constant 0 : i32
      %dma_wait3A_308 = arith.constant 0 : i32
      %dma_wait3A_309 = tpu.memref_slice %arg2[%add3A, %dma_wait3A_307, %dma_wait3A_308] : memref<32x40x128xi32, #tpu.memory_space<hbm>> -> memref<1x40x128xi32, #tpu.memory_space<hbm>>
      %dma_wait3A_310 = tpu.memref_squeeze %dma_wait3A_309 : memref<1x40x128xi32, #tpu.memory_space<hbm>> -> memref<40x128xi32, #tpu.memory_space<hbm>>
      tpu.wait_dma2 semaphore(%run_scoped3A : memref<!tpu.dma_semaphore, #tpu.memory_space<semaphore_mem>>) src(%dma_wait3A_310 : memref<40x128xi32, #tpu.memory_space<hbm>>) dst(%arg4 : memref<40x128xi32, #tpu.memory_space<vmem>>)
      tpu.yield
    }) : () -> ()
    %barrier3A = arith.constant 0 : index
    tpu.barrier barrier_id(%barrier3A)
    %scan3A = arith.constant 0 : i32
    %scan3A_289 = arith.constant 0 : i32
    %scan3A_290 = arith.constant 40 : i32
    %scan3A_291 = arith.addi %scan3A_289, %scan3A_290 : i32
    %scan3A_292 = arith.constant 1 : i32
    scf.for %scan3A_297 = %scan3A_289 to %scan3A_291 step %scan3A_292  : i32 {
      "tpu.region"() ({
        %run_scoped3A = tpu.sem_alloc : memref<!tpu.dma_semaphore, #tpu.memory_space<semaphore_mem>>
        %dma_start3A = arith.constant 0 : i32
        %dma_start3A_298 = tpu.memref_slice %arg4[%scan3A_297, %dma_start3A] : memref<40x128xi32, #tpu.memory_space<vmem>> -> memref<1x128xi32, #tpu.memory_space<vmem>>
        %dma_start3A_299 = tpu.memref_squeeze %dma_start3A_298 : memref<1x128xi32, #tpu.memory_space<vmem>> -> memref<128xi32, #tpu.memory_space<vmem>>
        %dma_start3A_300 = arith.constant 0 : i32
        %dma_start3A_301 = tpu.memref_slice %arg7[%dma_start3A_300] : memref<10240xf32, #tpu.memory_space<vmem_shared>> -> memref<10240xf32, #tpu.memory_space<vmem_shared>>
        tpu.enqueue_indirect_dma source(%arg5 : memref<128xf32, #tpu.memory_space<vmem>>) target(%dma_start3A_301 : memref<10240xf32, #tpu.memory_space<vmem_shared>>) offsets(%dma_start3A_299 : memref<128xi32, #tpu.memory_space<vmem>>) semaphore(%run_scoped3A : memref<!tpu.dma_semaphore, #tpu.memory_space<semaphore_mem>>) {add = true}
        %dma_wait3A = arith.constant 0 : i32
        %dma_wait3A_302 = tpu.memref_slice %arg4[%scan3A_297, %dma_wait3A] : memref<40x128xi32, #tpu.memory_space<vmem>> -> memref<1x128xi32, #tpu.memory_space<vmem>>
        %dma_wait3A_303 = tpu.memref_squeeze %dma_wait3A_302 : memref<1x128xi32, #tpu.memory_space<vmem>> -> memref<128xi32, #tpu.memory_space<vmem>>
        %dma_wait3A_304 = arith.constant 0 : i32
        %dma_wait3A_305 = tpu.memref_slice %arg7[%dma_wait3A_304] : memref<10240xf32, #tpu.memory_space<vmem_shared>> -> memref<10240xf32, #tpu.memory_space<vmem_shared>>
        tpu.wait_indirect_dma semaphore(%run_scoped3A : memref<!tpu.dma_semaphore, #tpu.memory_space<semaphore_mem>>) src(%arg5 : memref<128xf32, #tpu.memory_space<vmem>>) dst(%dma_wait3A_305 : memref<10240xf32, #tpu.memory_space<vmem_shared>>)
        tpu.yield
      }) : () -> ()
    }
    %scan3A_293 = arith.constant 40 : i32
    %barrier3A_294 = arith.constant 0 : index
    tpu.barrier barrier_id(%barrier3A_294)
    %mul3A_295 = arith.constant 640 : i32
    %mul3A_296 = arith.muli %arg1, %mul3A_295 : i32
    "tpu.region"() ({
      %run_scoped3A = tpu.sem_alloc : memref<!tpu.dma_semaphore, #tpu.memory_space<semaphore_mem>>
      %dma_start3A = tpu.memref_slice %arg3[%arg0, %mul3A_296] : memref<2x10240xf32, #tpu.memory_space<hbm>> -> memref<1x640xf32, #tpu.memory_space<hbm>>
      %dma_start3A_297 = tpu.memref_squeeze %dma_start3A : memref<1x640xf32, #tpu.memory_space<hbm>> -> memref<640xf32, #tpu.memory_space<hbm>>
      %dma_start3A_298 = tpu.memref_slice %arg7[%mul3A_296] : memref<10240xf32, #tpu.memory_space<vmem_shared>> -> memref<640xf32, #tpu.memory_space<vmem_shared>>
      tpu.enqueue_dma source(%dma_start3A_298 : memref<640xf32, #tpu.memory_space<vmem_shared>>) target(%dma_start3A_297 : memref<640xf32, #tpu.memory_space<hbm>>) target_semaphore(%run_scoped3A : memref<!tpu.dma_semaphore, #tpu.memory_space<semaphore_mem>>)
      %dma_wait3A = tpu.memref_slice %arg3[%arg0, %mul3A_296] : memref<2x10240xf32, #tpu.memory_space<hbm>> -> memref<1x640xf32, #tpu.memory_space<hbm>>
      %dma_wait3A_299 = tpu.memref_squeeze %dma_wait3A : memref<1x640xf32, #tpu.memory_space<hbm>> -> memref<640xf32, #tpu.memory_space<hbm>>
      %dma_wait3A_300 = tpu.memref_slice %arg7[%mul3A_296] : memref<10240xf32, #tpu.memory_space<vmem_shared>> -> memref<640xf32, #tpu.memory_space<vmem_shared>>
      tpu.wait_dma2 semaphore(%run_scoped3A : memref<!tpu.dma_semaphore, #tpu.memory_space<semaphore_mem>>) src(%dma_wait3A_300 : memref<640xf32, #tpu.memory_space<vmem_shared>>) dst(%dma_wait3A_299 : memref<640xf32, #tpu.memory_space<hbm>>)
      tpu.yield
    }) : () -> ()
    return
  }
}

#map = affine_map<(d0, d1) -> (0, 0)>
#map1 = affine_map<(d0, d1) -> (0, 0, 0)>
module attributes {stable_mosaic.version = 14 : i64} {
  func.func @_scat_body(%arg0: i32, %arg1: i32, %arg2: memref<10240x128xf32, #tpu.memory_space<hbm>>, %arg3: memref<10240x128xf32, #tpu.memory_space<hbm>>, %arg4: memref<16x81x128xi32, #tpu.memory_space<hbm>>, %arg5: memref<16x162x64xi32, #tpu.memory_space<hbm>>, %arg6: memref<10240x128xf32, #tpu.memory_space<hbm>>, %arg7: memref<10240x128xf32, #tpu.memory_space<hbm>>, %arg8: memref<10240x128xf32, #tpu.memory_space<hbm>>, %arg9: memref<10240x128xf32, #tpu.memory_space<hbm>>, %arg10: memref<81x128xi32, #tpu.memory_space<vmem>>, %arg11: memref<4x64xi32, #tpu.memory_space<vmem>>, %arg12: memref<4x64x128xf32, #tpu.memory_space<vmem>>, %arg13: memref<4x!tpu.dma_semaphore, #tpu.memory_space<semaphore_mem>>, %arg14: memref<4x!tpu.dma_semaphore, #tpu.memory_space<semaphore_mem>>, %arg15: memref<4x!tpu.dma_semaphore, #tpu.memory_space<semaphore_mem>>, %arg16: memref<10240x128xf32, #tpu.memory_space<vmem_shared>>) attributes {dimension_semantics = [#tpu.dimension_semantics<core_parallel>, #tpu.dimension_semantics<subcore_parallel>], iteration_bounds = array<i64: 2, 16>, scalar_prefetch = 0 : i64, scratch_operands = 7 : i64, tpu.core_type = #tpu.core_type<sc_vector_subcore>, window_params = [{transform_indices = #map}, {transform_indices = #map}, {transform_indices = #map1}, {transform_indices = #map1}, {transform_indices = #map}, {transform_indices = #map}, {transform_indices = #map}, {transform_indices = #map}]} {
    %mul3A = arith.constant 640 : i32
    %mul3A_0 = arith.muli %arg1, %mul3A : i32
    %eq3A = arith.constant 0 : i32
    %eq3A_1 = arith.cmpi eq, %arg0, %eq3A : i32
    %convert_element_type3A = arith.extui %eq3A_1 : i1 to i32
    %cond3A = arith.constant 0 : i32
    %cond3A_2 = arith.cmpi ne, %convert_element_type3A, %cond3A : i32
    scf.if %cond3A_2 {
      "tpu.region"() ({
        %run_scoped3A = tpu.sem_alloc : memref<!tpu.dma_semaphore, #tpu.memory_space<semaphore_mem>>
        %dma_start3A = arith.constant 0 : i32
        %dma_start3A_29 = tpu.memref_slice %arg16[%mul3A_0, %dma_start3A] : memref<10240x128xf32, #tpu.memory_space<vmem_shared>> -> memref<640x128xf32, #tpu.memory_space<vmem_shared>>
        %dma_start3A_30 = arith.constant 0 : i32
        %dma_start3A_31 = tpu.memref_slice %arg6[%mul3A_0, %dma_start3A_30] : memref<10240x128xf32, #tpu.memory_space<hbm>> -> memref<640x128xf32, #tpu.memory_space<hbm>>
        tpu.enqueue_dma source(%dma_start3A_31 : memref<640x128xf32, #tpu.memory_space<hbm>>) target(%dma_start3A_29 : memref<640x128xf32, #tpu.memory_space<vmem_shared>>) target_semaphore(%run_scoped3A : memref<!tpu.dma_semaphore, #tpu.memory_space<semaphore_mem>>)
        %dma_wait3A = arith.constant 0 : i32
        %dma_wait3A_32 = tpu.memref_slice %arg16[%mul3A_0, %dma_wait3A] : memref<10240x128xf32, #tpu.memory_space<vmem_shared>> -> memref<640x128xf32, #tpu.memory_space<vmem_shared>>
        %dma_wait3A_33 = arith.constant 0 : i32
        %dma_wait3A_34 = tpu.memref_slice %arg6[%mul3A_0, %dma_wait3A_33] : memref<10240x128xf32, #tpu.memory_space<hbm>> -> memref<640x128xf32, #tpu.memory_space<hbm>>
        tpu.wait_dma2 semaphore(%run_scoped3A : memref<!tpu.dma_semaphore, #tpu.memory_space<semaphore_mem>>) src(%dma_wait3A_34 : memref<640x128xf32, #tpu.memory_space<hbm>>) dst(%dma_wait3A_32 : memref<640x128xf32, #tpu.memory_space<vmem_shared>>)
        tpu.yield
      }) : () -> ()
    } else {
    }
    %eq3A_3 = arith.constant 1 : i32
    %eq3A_4 = arith.cmpi eq, %arg0, %eq3A_3 : i32
    %convert_element_type3A_5 = arith.extui %eq3A_4 : i1 to i32
    %cond3A_6 = arith.constant 0 : i32
    %cond3A_7 = arith.cmpi ne, %convert_element_type3A_5, %cond3A_6 : i32
    scf.if %cond3A_7 {
      "tpu.region"() ({
        %run_scoped3A = tpu.sem_alloc : memref<!tpu.dma_semaphore, #tpu.memory_space<semaphore_mem>>
        %dma_start3A = arith.constant 0 : i32
        %dma_start3A_29 = tpu.memref_slice %arg16[%mul3A_0, %dma_start3A] : memref<10240x128xf32, #tpu.memory_space<vmem_shared>> -> memref<640x128xf32, #tpu.memory_space<vmem_shared>>
        %dma_start3A_30 = arith.constant 0 : i32
        %dma_start3A_31 = tpu.memref_slice %arg7[%mul3A_0, %dma_start3A_30] : memref<10240x128xf32, #tpu.memory_space<hbm>> -> memref<640x128xf32, #tpu.memory_space<hbm>>
        tpu.enqueue_dma source(%dma_start3A_31 : memref<640x128xf32, #tpu.memory_space<hbm>>) target(%dma_start3A_29 : memref<640x128xf32, #tpu.memory_space<vmem_shared>>) target_semaphore(%run_scoped3A : memref<!tpu.dma_semaphore, #tpu.memory_space<semaphore_mem>>)
        %dma_wait3A = arith.constant 0 : i32
        %dma_wait3A_32 = tpu.memref_slice %arg16[%mul3A_0, %dma_wait3A] : memref<10240x128xf32, #tpu.memory_space<vmem_shared>> -> memref<640x128xf32, #tpu.memory_space<vmem_shared>>
        %dma_wait3A_33 = arith.constant 0 : i32
        %dma_wait3A_34 = tpu.memref_slice %arg7[%mul3A_0, %dma_wait3A_33] : memref<10240x128xf32, #tpu.memory_space<hbm>> -> memref<640x128xf32, #tpu.memory_space<hbm>>
        tpu.wait_dma2 semaphore(%run_scoped3A : memref<!tpu.dma_semaphore, #tpu.memory_space<semaphore_mem>>) src(%dma_wait3A_34 : memref<640x128xf32, #tpu.memory_space<hbm>>) dst(%dma_wait3A_32 : memref<640x128xf32, #tpu.memory_space<vmem_shared>>)
        tpu.yield
      }) : () -> ()
    } else {
    }
    "tpu.region"() ({
      %run_scoped3A = tpu.sem_alloc : memref<!tpu.dma_semaphore, #tpu.memory_space<semaphore_mem>>
      %dma_start3A = arith.constant 0 : i32
      %dma_start3A_29 = arith.constant 0 : i32
      %dma_start3A_30 = tpu.memref_slice %arg4[%arg1, %dma_start3A, %dma_start3A_29] : memref<16x81x128xi32, #tpu.memory_space<hbm>> -> memref<1x81x128xi32, #tpu.memory_space<hbm>>
      %dma_start3A_31 = tpu.memref_squeeze %dma_start3A_30 : memref<1x81x128xi32, #tpu.memory_space<hbm>> -> memref<81x128xi32, #tpu.memory_space<hbm>>
      %dma_start3A_32 = arith.constant 0 : i32
      %dma_start3A_33 = arith.constant 0 : i32
      %dma_start3A_34 = tpu.memref_slice %arg4[%arg1, %dma_start3A_32, %dma_start3A_33] : memref<16x81x128xi32, #tpu.memory_space<hbm>> -> memref<1x81x128xi32, #tpu.memory_space<hbm>>
      %dma_start3A_35 = tpu.memref_squeeze %dma_start3A_34 : memref<1x81x128xi32, #tpu.memory_space<hbm>> -> memref<81x128xi32, #tpu.memory_space<hbm>>
      tpu.enqueue_dma source(%dma_start3A_35 : memref<81x128xi32, #tpu.memory_space<hbm>>) target(%arg10 : memref<81x128xi32, #tpu.memory_space<vmem>>) target_semaphore(%run_scoped3A : memref<!tpu.dma_semaphore, #tpu.memory_space<semaphore_mem>>)
      %dma_wait3A = arith.constant 0 : i32
      %dma_wait3A_36 = arith.constant 0 : i32
      %dma_wait3A_37 = tpu.memref_slice %arg4[%arg1, %dma_wait3A, %dma_wait3A_36] : memref<16x81x128xi32, #tpu.memory_space<hbm>> -> memref<1x81x128xi32, #tpu.memory_space<hbm>>
      %dma_wait3A_38 = tpu.memref_squeeze %dma_wait3A_37 : memref<1x81x128xi32, #tpu.memory_space<hbm>> -> memref<81x128xi32, #tpu.memory_space<hbm>>
      %dma_wait3A_39 = arith.constant 0 : i32
      %dma_wait3A_40 = arith.constant 0 : i32
      %dma_wait3A_41 = tpu.memref_slice %arg4[%arg1, %dma_wait3A_39, %dma_wait3A_40] : memref<16x81x128xi32, #tpu.memory_space<hbm>> -> memref<1x81x128xi32, #tpu.memory_space<hbm>>
      %dma_wait3A_42 = tpu.memref_squeeze %dma_wait3A_41 : memref<1x81x128xi32, #tpu.memory_space<hbm>> -> memref<81x128xi32, #tpu.memory_space<hbm>>
      tpu.wait_dma2 semaphore(%run_scoped3A : memref<!tpu.dma_semaphore, #tpu.memory_space<semaphore_mem>>) src(%dma_wait3A_42 : memref<81x128xi32, #tpu.memory_space<hbm>>) dst(%arg10 : memref<81x128xi32, #tpu.memory_space<vmem>>)
      tpu.yield
    }) : () -> ()
    %barrier3A = arith.constant 0 : index
    tpu.barrier barrier_id(%barrier3A)
    %eq3A_8 = arith.constant 0 : i32
    %eq3A_9 = arith.cmpi eq, %arg0, %eq3A_8 : i32
    %convert_element_type3A_10 = arith.extui %eq3A_9 : i1 to i32
    %cond3A_11 = arith.constant 0 : i32
    %cond3A_12 = arith.cmpi ne, %convert_element_type3A_10, %cond3A_11 : i32
    scf.if %cond3A_12 {
      %dma_start3A = arith.constant 0 : i32
      %dma_start3A_29 = arith.constant 0 : i32
      %dma_start3A_30 = arith.constant 0 : i32
      %dma_start3A_31 = arith.constant 0 : i32
      %dma_start3A_32 = tpu.memref_slice %arg11[%dma_start3A_29, %dma_start3A_31] : memref<4x64xi32, #tpu.memory_space<vmem>> -> memref<1x64xi32, #tpu.memory_space<vmem>>
      %dma_start3A_33 = tpu.memref_squeeze %dma_start3A_32 : memref<1x64xi32, #tpu.memory_space<vmem>> -> memref<64xi32, #tpu.memory_space<vmem>>
      %dma_start3A_34 = arith.constant 0 : i32
      %dma_start3A_35 = tpu.memref_slice %arg5[%arg1, %dma_start3A, %dma_start3A_34] : memref<16x162x64xi32, #tpu.memory_space<hbm>> -> memref<1x1x64xi32, #tpu.memory_space<hbm>>
      %dma_start3A_36 = tpu.memref_squeeze %dma_start3A_35 : memref<1x1x64xi32, #tpu.memory_space<hbm>> -> memref<64xi32, #tpu.memory_space<hbm>>
      %dma_start3A_37 = tpu.memref_slice %arg14[%dma_start3A_30] : memref<4x!tpu.dma_semaphore, #tpu.memory_space<semaphore_mem>> -> memref<1x!tpu.dma_semaphore, #tpu.memory_space<semaphore_mem>>
      %dma_start3A_38 = tpu.memref_squeeze %dma_start3A_37 : memref<1x!tpu.dma_semaphore, #tpu.memory_space<semaphore_mem>> -> memref<!tpu.dma_semaphore, #tpu.memory_space<semaphore_mem>>
      %dma_start3A_39 = arith.constant 0 : i32
      %dma_start3A_40 = tpu.memref_slice %arg11[%dma_start3A_29, %dma_start3A_39] : memref<4x64xi32, #tpu.memory_space<vmem>> -> memref<1x64xi32, #tpu.memory_space<vmem>>
      %dma_start3A_41 = tpu.memref_squeeze %dma_start3A_40 : memref<1x64xi32, #tpu.memory_space<vmem>> -> memref<64xi32, #tpu.memory_space<vmem>>
      %dma_start3A_42 = arith.constant 0 : i32
      %dma_start3A_43 = tpu.memref_slice %arg5[%arg1, %dma_start3A, %dma_start3A_42] : memref<16x162x64xi32, #tpu.memory_space<hbm>> -> memref<1x1x64xi32, #tpu.memory_space<hbm>>
      %dma_start3A_44 = tpu.memref_squeeze %dma_start3A_43 : memref<1x1x64xi32, #tpu.memory_space<hbm>> -> memref<64xi32, #tpu.memory_space<hbm>>
      tpu.enqueue_dma source(%dma_start3A_44 : memref<64xi32, #tpu.memory_space<hbm>>) target(%dma_start3A_41 : memref<64xi32, #tpu.memory_space<vmem>>) target_semaphore(%dma_start3A_38 : memref<!tpu.dma_semaphore, #tpu.memory_space<semaphore_mem>>)
      %dma_start3A_45 = arith.constant 0 : i32
      %dma_start3A_46 = arith.constant 0 : i32
      %dma_start3A_47 = arith.constant 0 : i32
      %dma_start3A_48 = arith.constant 0 : i32
      %dma_start3A_49 = arith.constant 0 : i32
      %dma_start3A_50 = tpu.memref_slice %arg12[%dma_start3A_46, %dma_start3A_48, %dma_start3A_49] : memref<4x64x128xf32, #tpu.memory_space<vmem>> -> memref<1x64x128xf32, #tpu.memory_space<vmem>>
      %dma_start3A_51 = tpu.memref_squeeze %dma_start3A_50 : memref<1x64x128xf32, #tpu.memory_space<vmem>> -> memref<64x128xf32, #tpu.memory_space<vmem>>
      %dma_start3A_52 = arith.constant 0 : i32
      %dma_start3A_53 = tpu.memref_slice %arg10[%dma_start3A_45, %dma_start3A_52] : memref<81x128xi32, #tpu.memory_space<vmem>> -> memref<1x64xi32, #tpu.memory_space<vmem>>
      %dma_start3A_54 = tpu.memref_squeeze %dma_start3A_53 : memref<1x64xi32, #tpu.memory_space<vmem>> -> memref<64xi32, #tpu.memory_space<vmem>>
      %dma_start3A_55 = arith.constant 0 : i32
      %dma_start3A_56 = arith.constant 0 : i32
      %dma_start3A_57 = tpu.memref_slice %arg2[%dma_start3A_55, %dma_start3A_56] : memref<10240x128xf32, #tpu.memory_space<hbm>> -> memref<10240x128xf32, #tpu.memory_space<hbm>>
      %dma_start3A_58 = tpu.memref_slice %arg13[%dma_start3A_47] : memref<4x!tpu.dma_semaphore, #tpu.memory_space<semaphore_mem>> -> memref<1x!tpu.dma_semaphore, #tpu.memory_space<semaphore_mem>>
      %dma_start3A_59 = tpu.memref_squeeze %dma_start3A_58 : memref<1x!tpu.dma_semaphore, #tpu.memory_space<semaphore_mem>> -> memref<!tpu.dma_semaphore, #tpu.memory_space<semaphore_mem>>
      tpu.enqueue_indirect_dma source(%dma_start3A_57 : memref<10240x128xf32, #tpu.memory_space<hbm>>) target(%dma_start3A_51 : memref<64x128xf32, #tpu.memory_space<vmem>>) offsets(%dma_start3A_54 : memref<64xi32, #tpu.memory_space<vmem>>) semaphore(%dma_start3A_59 : memref<!tpu.dma_semaphore, #tpu.memory_space<semaphore_mem>>)
      %dma_start3A_60 = arith.constant 1 : i32
      %dma_start3A_61 = arith.constant 1 : i32
      %dma_start3A_62 = arith.constant 1 : i32
      %dma_start3A_63 = arith.constant 0 : i32
      %dma_start3A_64 = tpu.memref_slice %arg11[%dma_start3A_61, %dma_start3A_63] : memref<4x64xi32, #tpu.memory_space<vmem>> -> memref<1x64xi32, #tpu.memory_space<vmem>>
      %dma_start3A_65 = tpu.memref_squeeze %dma_start3A_64 : memref<1x64xi32, #tpu.memory_space<vmem>> -> memref<64xi32, #tpu.memory_space<vmem>>
      %dma_start3A_66 = arith.constant 0 : i32
      %dma_start3A_67 = tpu.memref_slice %arg5[%arg1, %dma_start3A_60, %dma_start3A_66] : memref<16x162x64xi32, #tpu.memory_space<hbm>> -> memref<1x1x64xi32, #tpu.memory_space<hbm>>
      %dma_start3A_68 = tpu.memref_squeeze %dma_start3A_67 : memref<1x1x64xi32, #tpu.memory_space<hbm>> -> memref<64xi32, #tpu.memory_space<hbm>>
      %dma_start3A_69 = tpu.memref_slice %arg14[%dma_start3A_62] : memref<4x!tpu.dma_semaphore, #tpu.memory_space<semaphore_mem>> -> memref<1x!tpu.dma_semaphore, #tpu.memory_space<semaphore_mem>>
      %dma_start3A_70 = tpu.memref_squeeze %dma_start3A_69 : memref<1x!tpu.dma_semaphore, #tpu.memory_space<semaphore_mem>> -> memref<!tpu.dma_semaphore, #tpu.memory_space<semaphore_mem>>
      %dma_start3A_71 = arith.constant 0 : i32
      %dma_start3A_72 = tpu.memref_slice %arg11[%dma_start3A_61, %dma_start3A_71] : memref<4x64xi32, #tpu.memory_space<vmem>> -> memref<1x64xi32, #tpu.memory_space<vmem>>
      %dma_start3A_73 = tpu.memref_squeeze %dma_start3A_72 : memref<1x64xi32, #tpu.memory_space<vmem>> -> memref<64xi32, #tpu.memory_space<vmem>>
      %dma_start3A_74 = arith.constant 0 : i32
      %dma_start3A_75 = tpu.memref_slice %arg5[%arg1, %dma_start3A_60, %dma_start3A_74] : memref<16x162x64xi32, #tpu.memory_space<hbm>> -> memref<1x1x64xi32, #tpu.memory_space<hbm>>
      %dma_start3A_76 = tpu.memref_squeeze %dma_start3A_75 : memref<1x1x64xi32, #tpu.memory_space<hbm>> -> memref<64xi32, #tpu.memory_space<hbm>>
      tpu.enqueue_dma source(%dma_start3A_76 : memref<64xi32, #tpu.memory_space<hbm>>) target(%dma_start3A_73 : memref<64xi32, #tpu.memory_space<vmem>>) target_semaphore(%dma_start3A_70 : memref<!tpu.dma_semaphore, #tpu.memory_space<semaphore_mem>>)
      %dma_start3A_77 = arith.constant 0 : i32
      %dma_start3A_78 = arith.constant 1 : i32
      %dma_start3A_79 = arith.constant 1 : i32
      %dma_start3A_80 = arith.constant 0 : i32
      %dma_start3A_81 = arith.constant 0 : i32
      %dma_start3A_82 = tpu.memref_slice %arg12[%dma_start3A_78, %dma_start3A_80, %dma_start3A_81] : memref<4x64x128xf32, #tpu.memory_space<vmem>> -> memref<1x64x128xf32, #tpu.memory_space<vmem>>
      %dma_start3A_83 = tpu.memref_squeeze %dma_start3A_82 : memref<1x64x128xf32, #tpu.memory_space<vmem>> -> memref<64x128xf32, #tpu.memory_space<vmem>>
      %dma_start3A_84 = arith.constant 64 : i32
      %dma_start3A_85 = tpu.memref_slice %arg10[%dma_start3A_77, %dma_start3A_84] : memref<81x128xi32, #tpu.memory_space<vmem>> -> memref<1x64xi32, #tpu.memory_space<vmem>>
      %dma_start3A_86 = tpu.memref_squeeze %dma_start3A_85 : memref<1x64xi32, #tpu.memory_space<vmem>> -> memref<64xi32, #tpu.memory_space<vmem>>
      %dma_start3A_87 = arith.constant 0 : i32
      %dma_start3A_88 = arith.constant 0 : i32
      %dma_start3A_89 = tpu.memref_slice %arg2[%dma_start3A_87, %dma_start3A_88] : memref<10240x128xf32, #tpu.memory_space<hbm>> -> memref<10240x128xf32, #tpu.memory_space<hbm>>
      %dma_start3A_90 = tpu.memref_slice %arg13[%dma_start3A_79] : memref<4x!tpu.dma_semaphore, #tpu.memory_space<semaphore_mem>> -> memref<1x!tpu.dma_semaphore, #tpu.memory_space<semaphore_mem>>
      %dma_start3A_91 = tpu.memref_squeeze %dma_start3A_90 : memref<1x!tpu.dma_semaphore, #tpu.memory_space<semaphore_mem>> -> memref<!tpu.dma_semaphore, #tpu.memory_space<semaphore_mem>>
      tpu.enqueue_indirect_dma source(%dma_start3A_89 : memref<10240x128xf32, #tpu.memory_space<hbm>>) target(%dma_start3A_83 : memref<64x128xf32, #tpu.memory_space<vmem>>) offsets(%dma_start3A_86 : memref<64xi32, #tpu.memory_space<vmem>>) semaphore(%dma_start3A_91 : memref<!tpu.dma_semaphore, #tpu.memory_space<semaphore_mem>>)
      %dma_wait3A = arith.constant 0 : i32
      %dma_wait3A_92 = arith.constant 0 : i32
      %dma_wait3A_93 = arith.constant 0 : i32
      %dma_wait3A_94 = arith.constant 0 : i32
      %dma_wait3A_95 = arith.constant 0 : i32
      %dma_wait3A_96 = tpu.memref_slice %arg12[%dma_wait3A_92, %dma_wait3A_94, %dma_wait3A_95] : memref<4x64x128xf32, #tpu.memory_space<vmem>> -> memref<1x64x128xf32, #tpu.memory_space<vmem>>
      %dma_wait3A_97 = tpu.memref_squeeze %dma_wait3A_96 : memref<1x64x128xf32, #tpu.memory_space<vmem>> -> memref<64x128xf32, #tpu.memory_space<vmem>>
      %dma_wait3A_98 = arith.constant 0 : i32
      %dma_wait3A_99 = tpu.memref_slice %arg10[%dma_wait3A, %dma_wait3A_98] : memref<81x128xi32, #tpu.memory_space<vmem>> -> memref<1x64xi32, #tpu.memory_space<vmem>>
      %dma_wait3A_100 = tpu.memref_squeeze %dma_wait3A_99 : memref<1x64xi32, #tpu.memory_space<vmem>> -> memref<64xi32, #tpu.memory_space<vmem>>
      %dma_wait3A_101 = arith.constant 0 : i32
      %dma_wait3A_102 = arith.constant 0 : i32
      %dma_wait3A_103 = tpu.memref_slice %arg2[%dma_wait3A_101, %dma_wait3A_102] : memref<10240x128xf32, #tpu.memory_space<hbm>> -> memref<10240x128xf32, #tpu.memory_space<hbm>>
      %dma_wait3A_104 = tpu.memref_slice %arg13[%dma_wait3A_93] : memref<4x!tpu.dma_semaphore, #tpu.memory_space<semaphore_mem>> -> memref<1x!tpu.dma_semaphore, #tpu.memory_space<semaphore_mem>>
      %dma_wait3A_105 = tpu.memref_squeeze %dma_wait3A_104 : memref<1x!tpu.dma_semaphore, #tpu.memory_space<semaphore_mem>> -> memref<!tpu.dma_semaphore, #tpu.memory_space<semaphore_mem>>
      tpu.wait_indirect_dma semaphore(%dma_wait3A_105 : memref<!tpu.dma_semaphore, #tpu.memory_space<semaphore_mem>>) src(%dma_wait3A_103 : memref<10240x128xf32, #tpu.memory_space<hbm>>) dst(%dma_wait3A_97 : memref<64x128xf32, #tpu.memory_space<vmem>>)
      %dma_wait3A_106 = arith.constant 0 : i32
      %dma_wait3A_107 = arith.constant 0 : i32
      %dma_wait3A_108 = arith.constant 0 : i32
      %dma_wait3A_109 = arith.constant 0 : i32
      %dma_wait3A_110 = tpu.memref_slice %arg11[%dma_wait3A_107, %dma_wait3A_109] : memref<4x64xi32, #tpu.memory_space<vmem>> -> memref<1x64xi32, #tpu.memory_space<vmem>>
      %dma_wait3A_111 = tpu.memref_squeeze %dma_wait3A_110 : memref<1x64xi32, #tpu.memory_space<vmem>> -> memref<64xi32, #tpu.memory_space<vmem>>
      %dma_wait3A_112 = arith.constant 0 : i32
      %dma_wait3A_113 = tpu.memref_slice %arg5[%arg1, %dma_wait3A_106, %dma_wait3A_112] : memref<16x162x64xi32, #tpu.memory_space<hbm>> -> memref<1x1x64xi32, #tpu.memory_space<hbm>>
      %dma_wait3A_114 = tpu.memref_squeeze %dma_wait3A_113 : memref<1x1x64xi32, #tpu.memory_space<hbm>> -> memref<64xi32, #tpu.memory_space<hbm>>
      %dma_wait3A_115 = tpu.memref_slice %arg14[%dma_wait3A_108] : memref<4x!tpu.dma_semaphore, #tpu.memory_space<semaphore_mem>> -> memref<1x!tpu.dma_semaphore, #tpu.memory_space<semaphore_mem>>
      %dma_wait3A_116 = tpu.memref_squeeze %dma_wait3A_115 : memref<1x!tpu.dma_semaphore, #tpu.memory_space<semaphore_mem>> -> memref<!tpu.dma_semaphore, #tpu.memory_space<semaphore_mem>>
      %dma_wait3A_117 = arith.constant 0 : i32
      %dma_wait3A_118 = tpu.memref_slice %arg11[%dma_wait3A_107, %dma_wait3A_117] : memref<4x64xi32, #tpu.memory_space<vmem>> -> memref<1x64xi32, #tpu.memory_space<vmem>>
      %dma_wait3A_119 = tpu.memref_squeeze %dma_wait3A_118 : memref<1x64xi32, #tpu.memory_space<vmem>> -> memref<64xi32, #tpu.memory_space<vmem>>
      %dma_wait3A_120 = arith.constant 0 : i32
      %dma_wait3A_121 = tpu.memref_slice %arg5[%arg1, %dma_wait3A_106, %dma_wait3A_120] : memref<16x162x64xi32, #tpu.memory_space<hbm>> -> memref<1x1x64xi32, #tpu.memory_space<hbm>>
      %dma_wait3A_122 = tpu.memref_squeeze %dma_wait3A_121 : memref<1x1x64xi32, #tpu.memory_space<hbm>> -> memref<64xi32, #tpu.memory_space<hbm>>
      tpu.wait_dma2 semaphore(%dma_wait3A_116 : memref<!tpu.dma_semaphore, #tpu.memory_space<semaphore_mem>>) src(%dma_wait3A_122 : memref<64xi32, #tpu.memory_space<hbm>>) dst(%dma_wait3A_119 : memref<64xi32, #tpu.memory_space<vmem>>)
      %dma_start3A_123 = arith.constant 0 : i32
      %dma_start3A_124 = arith.constant 0 : i32
      %dma_start3A_125 = arith.constant 0 : i32
      %dma_start3A_126 = arith.constant 0 : i32
      %dma_start3A_127 = arith.constant 0 : i32
      %dma_start3A_128 = tpu.memref_slice %arg12[%dma_start3A_123, %dma_start3A_126, %dma_start3A_127] : memref<4x64x128xf32, #tpu.memory_space<vmem>> -> memref<1x64x128xf32, #tpu.memory_space<vmem>>
      %dma_start3A_129 = tpu.memref_squeeze %dma_start3A_128 : memref<1x64x128xf32, #tpu.memory_space<vmem>> -> memref<64x128xf32, #tpu.memory_space<vmem>>
      %dma_start3A_130 = arith.constant 0 : i32
      %dma_start3A_131 = tpu.memref_slice %arg11[%dma_start3A_124, %dma_start3A_130] : memref<4x64xi32, #tpu.memory_space<vmem>> -> memref<1x64xi32, #tpu.memory_space<vmem>>
      %dma_start3A_132 = tpu.memref_squeeze %dma_start3A_131 : memref<1x64xi32, #tpu.memory_space<vmem>> -> memref<64xi32, #tpu.memory_space<vmem>>
      %dma_start3A_133 = arith.constant 0 : i32
      %dma_start3A_134 = arith.constant 0 : i32
      %dma_start3A_135 = tpu.memref_slice %arg16[%dma_start3A_133, %dma_start3A_134] : memref<10240x128xf32, #tpu.memory_space<vmem_shared>> -> memref<10240x128xf32, #tpu.memory_space<vmem_shared>>
      %dma_start3A_136 = tpu.memref_slice %arg15[%dma_start3A_125] : memref<4x!tpu.dma_semaphore, #tpu.memory_space<semaphore_mem>> -> memref<1x!tpu.dma_semaphore, #tpu.memory_space<semaphore_mem>>
      %dma_start3A_137 = tpu.memref_squeeze %dma_start3A_136 : memref<1x!tpu.dma_semaphore, #tpu.memory_space<semaphore_mem>> -> memref<!tpu.dma_semaphore, #tpu.memory_space<semaphore_mem>>
      tpu.enqueue_indirect_dma source(%dma_start3A_129 : memref<64x128xf32, #tpu.memory_space<vmem>>) target(%dma_start3A_135 : memref<10240x128xf32, #tpu.memory_space<vmem_shared>>) offsets(%dma_start3A_132 : memref<64xi32, #tpu.memory_space<vmem>>) semaphore(%dma_start3A_137 : memref<!tpu.dma_semaphore, #tpu.memory_space<semaphore_mem>>) {add = true}
      %dma_start3A_138 = arith.constant 2 : i32
      %dma_start3A_139 = arith.constant 2 : i32
      %dma_start3A_140 = arith.constant 2 : i32
      %dma_start3A_141 = arith.constant 0 : i32
      %dma_start3A_142 = tpu.memref_slice %arg11[%dma_start3A_139, %dma_start3A_141] : memref<4x64xi32, #tpu.memory_space<vmem>> -> memref<1x64xi32, #tpu.memory_space<vmem>>
      %dma_start3A_143 = tpu.memref_squeeze %dma_start3A_142 : memref<1x64xi32, #tpu.memory_space<vmem>> -> memref<64xi32, #tpu.memory_space<vmem>>
      %dma_start3A_144 = arith.constant 0 : i32
      %dma_start3A_145 = tpu.memref_slice %arg5[%arg1, %dma_start3A_138, %dma_start3A_144] : memref<16x162x64xi32, #tpu.memory_space<hbm>> -> memref<1x1x64xi32, #tpu.memory_space<hbm>>
      %dma_start3A_146 = tpu.memref_squeeze %dma_start3A_145 : memref<1x1x64xi32, #tpu.memory_space<hbm>> -> memref<64xi32, #tpu.memory_space<hbm>>
      %dma_start3A_147 = tpu.memref_slice %arg14[%dma_start3A_140] : memref<4x!tpu.dma_semaphore, #tpu.memory_space<semaphore_mem>> -> memref<1x!tpu.dma_semaphore, #tpu.memory_space<semaphore_mem>>
      %dma_start3A_148 = tpu.memref_squeeze %dma_start3A_147 : memref<1x!tpu.dma_semaphore, #tpu.memory_space<semaphore_mem>> -> memref<!tpu.dma_semaphore, #tpu.memory_space<semaphore_mem>>
      %dma_start3A_149 = arith.constant 0 : i32
      %dma_start3A_150 = tpu.memref_slice %arg11[%dma_start3A_139, %dma_start3A_149] : memref<4x64xi32, #tpu.memory_space<vmem>> -> memref<1x64xi32, #tpu.memory_space<vmem>>
      %dma_start3A_151 = tpu.memref_squeeze %dma_start3A_150 : memref<1x64xi32, #tpu.memory_space<vmem>> -> memref<64xi32, #tpu.memory_space<vmem>>
      %dma_start3A_152 = arith.constant 0 : i32
      %dma_start3A_153 = tpu.memref_slice %arg5[%arg1, %dma_start3A_138, %dma_start3A_152] : memref<16x162x64xi32, #tpu.memory_space<hbm>> -> memref<1x1x64xi32, #tpu.memory_space<hbm>>
      %dma_start3A_154 = tpu.memref_squeeze %dma_start3A_153 : memref<1x1x64xi32, #tpu.memory_space<hbm>> -> memref<64xi32, #tpu.memory_space<hbm>>
      tpu.enqueue_dma source(%dma_start3A_154 : memref<64xi32, #tpu.memory_space<hbm>>) target(%dma_start3A_151 : memref<64xi32, #tpu.memory_space<vmem>>) target_semaphore(%dma_start3A_148 : memref<!tpu.dma_semaphore, #tpu.memory_space<semaphore_mem>>)
      %dma_start3A_155 = arith.constant 1 : i32
      %dma_start3A_156 = arith.constant 2 : i32
      %dma_start3A_157 = arith.constant 2 : i32
      %dma_start3A_158 = arith.constant 0 : i32
      %dma_start3A_159 = arith.constant 0 : i32
      %dma_start3A_160 = tpu.memref_slice %arg12[%dma_start3A_156, %dma_start3A_158, %dma_start3A_159] : memref<4x64x128xf32, #tpu.memory_space<vmem>> -> memref<1x64x128xf32, #tpu.memory_space<vmem>>
      %dma_start3A_161 = tpu.memref_squeeze %dma_start3A_160 : memref<1x64x128xf32, #tpu.memory_space<vmem>> -> memref<64x128xf32, #tpu.memory_space<vmem>>
      %dma_start3A_162 = arith.constant 0 : i32
      %dma_start3A_163 = tpu.memref_slice %arg10[%dma_start3A_155, %dma_start3A_162] : memref<81x128xi32, #tpu.memory_space<vmem>> -> memref<1x64xi32, #tpu.memory_space<vmem>>
      %dma_start3A_164 = tpu.memref_squeeze %dma_start3A_163 : memref<1x64xi32, #tpu.memory_space<vmem>> -> memref<64xi32, #tpu.memory_space<vmem>>
      %dma_start3A_165 = arith.constant 0 : i32
      %dma_start3A_166 = arith.constant 0 : i32
      %dma_start3A_167 = tpu.memref_slice %arg2[%dma_start3A_165, %dma_start3A_166] : memref<10240x128xf32, #tpu.memory_space<hbm>> -> memref<10240x128xf32, #tpu.memory_space<hbm>>
      %dma_start3A_168 = tpu.memref_slice %arg13[%dma_start3A_157] : memref<4x!tpu.dma_semaphore, #tpu.memory_space<semaphore_mem>> -> memref<1x!tpu.dma_semaphore, #tpu.memory_space<semaphore_mem>>
      %dma_start3A_169 = tpu.memref_squeeze %dma_start3A_168 : memref<1x!tpu.dma_semaphore, #tpu.memory_space<semaphore_mem>> -> memref<!tpu.dma_semaphore, #tpu.memory_space<semaphore_mem>>
      tpu.enqueue_indirect_dma source(%dma_start3A_167 : memref<10240x128xf32, #tpu.memory_space<hbm>>) target(%dma_start3A_161 : memref<64x128xf32, #tpu.memory_space<vmem>>) offsets(%dma_start3A_164 : memref<64xi32, #tpu.memory_space<vmem>>) semaphore(%dma_start3A_169 : memref<!tpu.dma_semaphore, #tpu.memory_space<semaphore_mem>>)
      %dma_wait3A_170 = arith.constant 0 : i32
      %dma_wait3A_171 = arith.constant 1 : i32
      %dma_wait3A_172 = arith.constant 1 : i32
      %dma_wait3A_173 = arith.constant 0 : i32
      %dma_wait3A_174 = arith.constant 0 : i32
      %dma_wait3A_175 = tpu.memref_slice %arg12[%dma_wait3A_171, %dma_wait3A_173, %dma_wait3A_174] : memref<4x64x128xf32, #tpu.memory_space<vmem>> -> memref<1x64x128xf32, #tpu.memory_space<vmem>>
      %dma_wait3A_176 = tpu.memref_squeeze %dma_wait3A_175 : memref<1x64x128xf32, #tpu.memory_space<vmem>> -> memref<64x128xf32, #tpu.memory_space<vmem>>
      %dma_wait3A_177 = arith.constant 64 : i32
      %dma_wait3A_178 = tpu.memref_slice %arg10[%dma_wait3A_170, %dma_wait3A_177] : memref<81x128xi32, #tpu.memory_space<vmem>> -> memref<1x64xi32, #tpu.memory_space<vmem>>
      %dma_wait3A_179 = tpu.memref_squeeze %dma_wait3A_178 : memref<1x64xi32, #tpu.memory_space<vmem>> -> memref<64xi32, #tpu.memory_space<vmem>>
      %dma_wait3A_180 = arith.constant 0 : i32
      %dma_wait3A_181 = arith.constant 0 : i32
      %dma_wait3A_182 = tpu.memref_slice %arg2[%dma_wait3A_180, %dma_wait3A_181] : memref<10240x128xf32, #tpu.memory_space<hbm>> -> memref<10240x128xf32, #tpu.memory_space<hbm>>
      %dma_wait3A_183 = tpu.memref_slice %arg13[%dma_wait3A_172] : memref<4x!tpu.dma_semaphore, #tpu.memory_space<semaphore_mem>> -> memref<1x!tpu.dma_semaphore, #tpu.memory_space<semaphore_mem>>
      %dma_wait3A_184 = tpu.memref_squeeze %dma_wait3A_183 : memref<1x!tpu.dma_semaphore, #tpu.memory_space<semaphore_mem>> -> memref<!tpu.dma_semaphore, #tpu.memory_space<semaphore_mem>>
      tpu.wait_indirect_dma semaphore(%dma_wait3A_184 : memref<!tpu.dma_semaphore, #tpu.memory_space<semaphore_mem>>) src(%dma_wait3A_182 : memref<10240x128xf32, #tpu.memory_space<hbm>>) dst(%dma_wait3A_176 : memref<64x128xf32, #tpu.memory_space<vmem>>)
      %dma_wait3A_185 = arith.constant 1 : i32
      %dma_wait3A_186 = arith.constant 1 : i32
      %dma_wait3A_187 = arith.constant 1 : i32
      %dma_wait3A_188 = arith.constant 0 : i32
      %dma_wait3A_189 = tpu.memref_slice %arg11[%dma_wait3A_186, %dma_wait3A_188] : memref<4x64xi32, #tpu.memory_space<vmem>> -> memref<1x64xi32, #tpu.memory_space<vmem>>
      %dma_wait3A_190 = tpu.memref_squeeze %dma_wait3A_189 : memref<1x64xi32, #tpu.memory_space<vmem>> -> memref<64xi32, #tpu.memory_space<vmem>>
      %dma_wait3A_191 = arith.constant 0 : i32
      %dma_wait3A_192 = tpu.memref_slice %arg5[%arg1, %dma_wait3A_185, %dma_wait3A_191] : memref<16x162x64xi32, #tpu.memory_space<hbm>> -> memref<1x1x64xi32, #tpu.memory_space<hbm>>
      %dma_wait3A_193 = tpu.memref_squeeze %dma_wait3A_192 : memref<1x1x64xi32, #tpu.memory_space<hbm>> -> memref<64xi32, #tpu.memory_space<hbm>>
      %dma_wait3A_194 = tpu.memref_slice %arg14[%dma_wait3A_187] : memref<4x!tpu.dma_semaphore, #tpu.memory_space<semaphore_mem>> -> memref<1x!tpu.dma_semaphore, #tpu.memory_space<semaphore_mem>>
      %dma_wait3A_195 = tpu.memref_squeeze %dma_wait3A_194 : memref<1x!tpu.dma_semaphore, #tpu.memory_space<semaphore_mem>> -> memref<!tpu.dma_semaphore, #tpu.memory_space<semaphore_mem>>
      %dma_wait3A_196 = arith.constant 0 : i32
      %dma_wait3A_197 = tpu.memref_slice %arg11[%dma_wait3A_186, %dma_wait3A_196] : memref<4x64xi32, #tpu.memory_space<vmem>> -> memref<1x64xi32, #tpu.memory_space<vmem>>
      %dma_wait3A_198 = tpu.memref_squeeze %dma_wait3A_197 : memref<1x64xi32, #tpu.memory_space<vmem>> -> memref<64xi32, #tpu.memory_space<vmem>>
      %dma_wait3A_199 = arith.constant 0 : i32
      %dma_wait3A_200 = tpu.memref_slice %arg5[%arg1, %dma_wait3A_185, %dma_wait3A_199] : memref<16x162x64xi32, #tpu.memory_space<hbm>> -> memref<1x1x64xi32, #tpu.memory_space<hbm>>
      %dma_wait3A_201 = tpu.memref_squeeze %dma_wait3A_200 : memref<1x1x64xi32, #tpu.memory_space<hbm>> -> memref<64xi32, #tpu.memory_space<hbm>>
      tpu.wait_dma2 semaphore(%dma_wait3A_195 : memref<!tpu.dma_semaphore, #tpu.memory_space<semaphore_mem>>) src(%dma_wait3A_201 : memref<64xi32, #tpu.memory_space<hbm>>) dst(%dma_wait3A_198 : memref<64xi32, #tpu.memory_space<vmem>>)
      %dma_start3A_202 = arith.constant 1 : i32
      %dma_start3A_203 = arith.constant 1 : i32
      %dma_start3A_204 = arith.constant 1 : i32
      %dma_start3A_205 = arith.constant 0 : i32
      %dma_start3A_206 = arith.constant 0 : i32
      %dma_start3A_207 = tpu.memref_slice %arg12[%dma_start3A_202, %dma_start3A_205, %dma_start3A_206] : memref<4x64x128xf32, #tpu.memory_space<vmem>> -> memref<1x64x128xf32, #tpu.memory_space<vmem>>
      %dma_start3A_208 = tpu.memref_squeeze %dma_start3A_207 : memref<1x64x128xf32, #tpu.memory_space<vmem>> -> memref<64x128xf32, #tpu.memory_space<vmem>>
      %dma_start3A_209 = arith.constant 0 : i32
      %dma_start3A_210 = tpu.memref_slice %arg11[%dma_start3A_203, %dma_start3A_209] : memref<4x64xi32, #tpu.memory_space<vmem>> -> memref<1x64xi32, #tpu.memory_space<vmem>>
      %dma_start3A_211 = tpu.memref_squeeze %dma_start3A_210 : memref<1x64xi32, #tpu.memory_space<vmem>> -> memref<64xi32, #tpu.memory_space<vmem>>
      %dma_start3A_212 = arith.constant 0 : i32
      %dma_start3A_213 = arith.constant 0 : i32
      %dma_start3A_214 = tpu.memref_slice %arg16[%dma_start3A_212, %dma_start3A_213] : memref<10240x128xf32, #tpu.memory_space<vmem_shared>> -> memref<10240x128xf32, #tpu.memory_space<vmem_shared>>
      %dma_start3A_215 = tpu.memref_slice %arg15[%dma_start3A_204] : memref<4x!tpu.dma_semaphore, #tpu.memory_space<semaphore_mem>> -> memref<1x!tpu.dma_semaphore, #tpu.memory_space<semaphore_mem>>
      %dma_start3A_216 = tpu.memref_squeeze %dma_start3A_215 : memref<1x!tpu.dma_semaphore, #tpu.memory_space<semaphore_mem>> -> memref<!tpu.dma_semaphore, #tpu.memory_space<semaphore_mem>>
      tpu.enqueue_indirect_dma source(%dma_start3A_208 : memref<64x128xf32, #tpu.memory_space<vmem>>) target(%dma_start3A_214 : memref<10240x128xf32, #tpu.memory_space<vmem_shared>>) offsets(%dma_start3A_211 : memref<64xi32, #tpu.memory_space<vmem>>) semaphore(%dma_start3A_216 : memref<!tpu.dma_semaphore, #tpu.memory_space<semaphore_mem>>) {add = true}
      %dma_start3A_217 = arith.constant 3 : i32
      %dma_start3A_218 = arith.constant 3 : i32
      %dma_start3A_219 = arith.constant 3 : i32
      %dma_start3A_220 = arith.constant 0 : i32
      %dma_start3A_221 = tpu.memref_slice %arg11[%dma_start3A_218, %dma_start3A_220] : memref<4x64xi32, #tpu.memory_space<vmem>> -> memref<1x64xi32, #tpu.memory_space<vmem>>
      %dma_start3A_222 = tpu.memref_squeeze %dma_start3A_221 : memref<1x64xi32, #tpu.memory_space<vmem>> -> memref<64xi32, #tpu.memory_space<vmem>>
      %dma_start3A_223 = arith.constant 0 : i32
      %dma_start3A_224 = tpu.memref_slice %arg5[%arg1, %dma_start3A_217, %dma_start3A_223] : memref<16x162x64xi32, #tpu.memory_space<hbm>> -> memref<1x1x64xi32, #tpu.memory_space<hbm>>
      %dma_start3A_225 = tpu.memref_squeeze %dma_start3A_224 : memref<1x1x64xi32, #tpu.memory_space<hbm>> -> memref<64xi32, #tpu.memory_space<hbm>>
      %dma_start3A_226 = tpu.memref_slice %arg14[%dma_start3A_219] : memref<4x!tpu.dma_semaphore, #tpu.memory_space<semaphore_mem>> -> memref<1x!tpu.dma_semaphore, #tpu.memory_space<semaphore_mem>>
      %dma_start3A_227 = tpu.memref_squeeze %dma_start3A_226 : memref<1x!tpu.dma_semaphore, #tpu.memory_space<semaphore_mem>> -> memref<!tpu.dma_semaphore, #tpu.memory_space<semaphore_mem>>
      %dma_start3A_228 = arith.constant 0 : i32
      %dma_start3A_229 = tpu.memref_slice %arg11[%dma_start3A_218, %dma_start3A_228] : memref<4x64xi32, #tpu.memory_space<vmem>> -> memref<1x64xi32, #tpu.memory_space<vmem>>
      %dma_start3A_230 = tpu.memref_squeeze %dma_start3A_229 : memref<1x64xi32, #tpu.memory_space<vmem>> -> memref<64xi32, #tpu.memory_space<vmem>>
      %dma_start3A_231 = arith.constant 0 : i32
      %dma_start3A_232 = tpu.memref_slice %arg5[%arg1, %dma_start3A_217, %dma_start3A_231] : memref<16x162x64xi32, #tpu.memory_space<hbm>> -> memref<1x1x64xi32, #tpu.memory_space<hbm>>
      %dma_start3A_233 = tpu.memref_squeeze %dma_start3A_232 : memref<1x1x64xi32, #tpu.memory_space<hbm>> -> memref<64xi32, #tpu.memory_space<hbm>>
      tpu.enqueue_dma source(%dma_start3A_233 : memref<64xi32, #tpu.memory_space<hbm>>) target(%dma_start3A_230 : memref<64xi32, #tpu.memory_space<vmem>>) target_semaphore(%dma_start3A_227 : memref<!tpu.dma_semaphore, #tpu.memory_space<semaphore_mem>>)
      %dma_start3A_234 = arith.constant 1 : i32
      %dma_start3A_235 = arith.constant 3 : i32
      %dma_start3A_236 = arith.constant 3 : i32
      %dma_start3A_237 = arith.constant 0 : i32
      %dma_start3A_238 = arith.constant 0 : i32
      %dma_start3A_239 = tpu.memref_slice %arg12[%dma_start3A_235, %dma_start3A_237, %dma_start3A_238] : memref<4x64x128xf32, #tpu.memory_space<vmem>> -> memref<1x64x128xf32, #tpu.memory_space<vmem>>
      %dma_start3A_240 = tpu.memref_squeeze %dma_start3A_239 : memref<1x64x128xf32, #tpu.memory_space<vmem>> -> memref<64x128xf32, #tpu.memory_space<vmem>>
      %dma_start3A_241 = arith.constant 64 : i32
      %dma_start3A_242 = tpu.memref_slice %arg10[%dma_start3A_234, %dma_start3A_241] : memref<81x128xi32, #tpu.memory_space<vmem>> -> memref<1x64xi32, #tpu.memory_space<vmem>>
      %dma_start3A_243 = tpu.memref_squeeze %dma_start3A_242 : memref<1x64xi32, #tpu.memory_space<vmem>> -> memref<64xi32, #tpu.memory_space<vmem>>
      %dma_start3A_244 = arith.constant 0 : i32
      %dma_start3A_245 = arith.constant 0 : i32
      %dma_start3A_246 = tpu.memref_slice %arg2[%dma_start3A_244, %dma_start3A_245] : memref<10240x128xf32, #tpu.memory_space<hbm>> -> memref<10240x128xf32, #tpu.memory_space<hbm>>
      %dma_start3A_247 = tpu.memref_slice %arg13[%dma_start3A_236] : memref<4x!tpu.dma_semaphore, #tpu.memory_space<semaphore_mem>> -> memref<1x!tpu.dma_semaphore, #tpu.memory_space<semaphore_mem>>
      %dma_start3A_248 = tpu.memref_squeeze %dma_start3A_247 : memref<1x!tpu.dma_semaphore, #tpu.memory_space<semaphore_mem>> -> memref<!tpu.dma_semaphore, #tpu.memory_space<semaphore_mem>>
      tpu.enqueue_indirect_dma source(%dma_start3A_246 : memref<10240x128xf32, #tpu.memory_space<hbm>>) target(%dma_start3A_240 : memref<64x128xf32, #tpu.memory_space<vmem>>) offsets(%dma_start3A_243 : memref<64xi32, #tpu.memory_space<vmem>>) semaphore(%dma_start3A_248 : memref<!tpu.dma_semaphore, #tpu.memory_space<semaphore_mem>>)
      %dma_wait3A_249 = arith.constant 1 : i32
      %dma_wait3A_250 = arith.constant 2 : i32
      %dma_wait3A_251 = arith.constant 2 : i32
      %dma_wait3A_252 = arith.constant 0 : i32
      %dma_wait3A_253 = arith.constant 0 : i32
      %dma_wait3A_254 = tpu.memref_slice %arg12[%dma_wait3A_250, %dma_wait3A_252, %dma_wait3A_253] : memref<4x64x128xf32, #tpu.memory_space<vmem>> -> memref<1x64x128xf32, #tpu.memory_space<vmem>>
      %dma_wait3A_255 = tpu.memref_squeeze %dma_wait3A_254 : memref<1x64x128xf32, #tpu.memory_space<vmem>> -> memref<64x128xf32, #tpu.memory_space<vmem>>
      %dma_wait3A_256 = arith.constant 0 : i32
      %dma_wait3A_257 = tpu.memref_slice %arg10[%dma_wait3A_249, %dma_wait3A_256] : memref<81x128xi32, #tpu.memory_space<vmem>> -> memref<1x64xi32, #tpu.memory_space<vmem>>
      %dma_wait3A_258 = tpu.memref_squeeze %dma_wait3A_257 : memref<1x64xi32, #tpu.memory_space<vmem>> -> memref<64xi32, #tpu.memory_space<vmem>>
      %dma_wait3A_259 = arith.constant 0 : i32
      %dma_wait3A_260 = arith.constant 0 : i32
      %dma_wait3A_261 = tpu.memref_slice %arg2[%dma_wait3A_259, %dma_wait3A_260] : memref<10240x128xf32, #tpu.memory_space<hbm>> -> memref<10240x128xf32, #tpu.memory_space<hbm>>
      %dma_wait3A_262 = tpu.memref_slice %arg13[%dma_wait3A_251] : memref<4x!tpu.dma_semaphore, #tpu.memory_space<semaphore_mem>> -> memref<1x!tpu.dma_semaphore, #tpu.memory_space<semaphore_mem>>
      %dma_wait3A_263 = tpu.memref_squeeze %dma_wait3A_262 : memref<1x!tpu.dma_semaphore, #tpu.memory_space<semaphore_mem>> -> memref<!tpu.dma_semaphore, #tpu.memory_space<semaphore_mem>>
      tpu.wait_indirect_dma semaphore(%dma_wait3A_263 : memref<!tpu.dma_semaphore, #tpu.memory_space<semaphore_mem>>) src(%dma_wait3A_261 : memref<10240x128xf32, #tpu.memory_space<hbm>>) dst(%dma_wait3A_255 : memref<64x128xf32, #tpu.memory_space<vmem>>)
      %dma_wait3A_264 = arith.constant 2 : i32
      %dma_wait3A_265 = arith.constant 2 : i32
      %dma_wait3A_266 = arith.constant 2 : i32
      %dma_wait3A_267 = arith.constant 0 : i32
      %dma_wait3A_268 = tpu.memref_slice %arg11[%dma_wait3A_265, %dma_wait3A_267] : memref<4x64xi32, #tpu.memory_space<vmem>> -> memref<1x64xi32, #tpu.memory_space<vmem>>
      %dma_wait3A_269 = tpu.memref_squeeze %dma_wait3A_268 : memref<1x64xi32, #tpu.memory_space<vmem>> -> memref<64xi32, #tpu.memory_space<vmem>>
      %dma_wait3A_270 = arith.constant 0 : i32
      %dma_wait3A_271 = tpu.memref_slice %arg5[%arg1, %dma_wait3A_264, %dma_wait3A_270] : memref<16x162x64xi32, #tpu.memory_space<hbm>> -> memref<1x1x64xi32, #tpu.memory_space<hbm>>
      %dma_wait3A_272 = tpu.memref_squeeze %dma_wait3A_271 : memref<1x1x64xi32, #tpu.memory_space<hbm>> -> memref<64xi32, #tpu.memory_space<hbm>>
      %dma_wait3A_273 = tpu.memref_slice %arg14[%dma_wait3A_266] : memref<4x!tpu.dma_semaphore, #tpu.memory_space<semaphore_mem>> -> memref<1x!tpu.dma_semaphore, #tpu.memory_space<semaphore_mem>>
      %dma_wait3A_274 = tpu.memref_squeeze %dma_wait3A_273 : memref<1x!tpu.dma_semaphore, #tpu.memory_space<semaphore_mem>> -> memref<!tpu.dma_semaphore, #tpu.memory_space<semaphore_mem>>
      %dma_wait3A_275 = arith.constant 0 : i32
      %dma_wait3A_276 = tpu.memref_slice %arg11[%dma_wait3A_265, %dma_wait3A_275] : memref<4x64xi32, #tpu.memory_space<vmem>> -> memref<1x64xi32, #tpu.memory_space<vmem>>
      %dma_wait3A_277 = tpu.memref_squeeze %dma_wait3A_276 : memref<1x64xi32, #tpu.memory_space<vmem>> -> memref<64xi32, #tpu.memory_space<vmem>>
      %dma_wait3A_278 = arith.constant 0 : i32
      %dma_wait3A_279 = tpu.memref_slice %arg5[%arg1, %dma_wait3A_264, %dma_wait3A_278] : memref<16x162x64xi32, #tpu.memory_space<hbm>> -> memref<1x1x64xi32, #tpu.memory_space<hbm>>
      %dma_wait3A_280 = tpu.memref_squeeze %dma_wait3A_279 : memref<1x1x64xi32, #tpu.memory_space<hbm>> -> memref<64xi32, #tpu.memory_space<hbm>>
      tpu.wait_dma2 semaphore(%dma_wait3A_274 : memref<!tpu.dma_semaphore, #tpu.memory_space<semaphore_mem>>) src(%dma_wait3A_280 : memref<64xi32, #tpu.memory_space<hbm>>) dst(%dma_wait3A_277 : memref<64xi32, #tpu.memory_space<vmem>>)
      %dma_start3A_281 = arith.constant 2 : i32
      %dma_start3A_282 = arith.constant 2 : i32
      %dma_start3A_283 = arith.constant 2 : i32
      %dma_start3A_284 = arith.constant 0 : i32
      %dma_start3A_285 = arith.constant 0 : i32
      %dma_start3A_286 = tpu.memref_slice %arg12[%dma_start3A_281, %dma_start3A_284, %dma_start3A_285] : memref<4x64x128xf32, #tpu.memory_space<vmem>> -> memref<1x64x128xf32, #tpu.memory_space<vmem>>
      %dma_start3A_287 = tpu.memref_squeeze %dma_start3A_286 : memref<1x64x128xf32, #tpu.memory_space<vmem>> -> memref<64x128xf32, #tpu.memory_space<vmem>>
      %dma_start3A_288 = arith.constant 0 : i32
      %dma_start3A_289 = tpu.memref_slice %arg11[%dma_start3A_282, %dma_start3A_288] : memref<4x64xi32, #tpu.memory_space<vmem>> -> memref<1x64xi32, #tpu.memory_space<vmem>>
      %dma_start3A_290 = tpu.memref_squeeze %dma_start3A_289 : memref<1x64xi32, #tpu.memory_space<vmem>> -> memref<64xi32, #tpu.memory_space<vmem>>
      %dma_start3A_291 = arith.constant 0 : i32
      %dma_start3A_292 = arith.constant 0 : i32
      %dma_start3A_293 = tpu.memref_slice %arg16[%dma_start3A_291, %dma_start3A_292] : memref<10240x128xf32, #tpu.memory_space<vmem_shared>> -> memref<10240x128xf32, #tpu.memory_space<vmem_shared>>
      %dma_start3A_294 = tpu.memref_slice %arg15[%dma_start3A_283] : memref<4x!tpu.dma_semaphore, #tpu.memory_space<semaphore_mem>> -> memref<1x!tpu.dma_semaphore, #tpu.memory_space<semaphore_mem>>
      %dma_start3A_295 = tpu.memref_squeeze %dma_start3A_294 : memref<1x!tpu.dma_semaphore, #tpu.memory_space<semaphore_mem>> -> memref<!tpu.dma_semaphore, #tpu.memory_space<semaphore_mem>>
      tpu.enqueue_indirect_dma source(%dma_start3A_287 : memref<64x128xf32, #tpu.memory_space<vmem>>) target(%dma_start3A_293 : memref<10240x128xf32, #tpu.memory_space<vmem_shared>>) offsets(%dma_start3A_290 : memref<64xi32, #tpu.memory_space<vmem>>) semaphore(%dma_start3A_295 : memref<!tpu.dma_semaphore, #tpu.memory_space<semaphore_mem>>) {add = true}
      %dma_wait3A_296 = arith.constant 0 : i32
      %dma_wait3A_297 = arith.constant 0 : i32
      %dma_wait3A_298 = arith.constant 0 : i32
      %dma_wait3A_299 = arith.constant 0 : i32
      %dma_wait3A_300 = arith.constant 0 : i32
      %dma_wait3A_301 = tpu.memref_slice %arg12[%dma_wait3A_296, %dma_wait3A_299, %dma_wait3A_300] : memref<4x64x128xf32, #tpu.memory_space<vmem>> -> memref<1x64x128xf32, #tpu.memory_space<vmem>>
      %dma_wait3A_302 = tpu.memref_squeeze %dma_wait3A_301 : memref<1x64x128xf32, #tpu.memory_space<vmem>> -> memref<64x128xf32, #tpu.memory_space<vmem>>
      %dma_wait3A_303 = arith.constant 0 : i32
      %dma_wait3A_304 = tpu.memref_slice %arg11[%dma_wait3A_297, %dma_wait3A_303] : memref<4x64xi32, #tpu.memory_space<vmem>> -> memref<1x64xi32, #tpu.memory_space<vmem>>
      %dma_wait3A_305 = tpu.memref_squeeze %dma_wait3A_304 : memref<1x64xi32, #tpu.memory_space<vmem>> -> memref<64xi32, #tpu.memory_space<vmem>>
      %dma_wait3A_306 = arith.constant 0 : i32
      %dma_wait3A_307 = arith.constant 0 : i32
      %dma_wait3A_308 = tpu.memref_slice %arg16[%dma_wait3A_306, %dma_wait3A_307] : memref<10240x128xf32, #tpu.memory_space<vmem_shared>> -> memref<10240x128xf32, #tpu.memory_space<vmem_shared>>
      %dma_wait3A_309 = tpu.memref_slice %arg15[%dma_wait3A_298] : memref<4x!tpu.dma_semaphore, #tpu.memory_space<semaphore_mem>> -> memref<1x!tpu.dma_semaphore, #tpu.memory_space<semaphore_mem>>
      %dma_wait3A_310 = tpu.memref_squeeze %dma_wait3A_309 : memref<1x!tpu.dma_semaphore, #tpu.memory_space<semaphore_mem>> -> memref<!tpu.dma_semaphore, #tpu.memory_space<semaphore_mem>>
      tpu.wait_indirect_dma semaphore(%dma_wait3A_310 : memref<!tpu.dma_semaphore, #tpu.memory_space<semaphore_mem>>) src(%dma_wait3A_302 : memref<64x128xf32, #tpu.memory_space<vmem>>) dst(%dma_wait3A_308 : memref<10240x128xf32, #tpu.memory_space<vmem_shared>>)
      %dma_start3A_311 = arith.constant 4 : i32
      %dma_start3A_312 = arith.constant 0 : i32
      %dma_start3A_313 = arith.constant 0 : i32
      %dma_start3A_314 = arith.constant 0 : i32
      %dma_start3A_315 = tpu.memref_slice %arg11[%dma_start3A_312, %dma_start3A_314] : memref<4x64xi32, #tpu.memory_space<vmem>> -> memref<1x64xi32, #tpu.memory_space<vmem>>
      %dma_start3A_316 = tpu.memref_squeeze %dma_start3A_315 : memref<1x64xi32, #tpu.memory_space<vmem>> -> memref<64xi32, #tpu.memory_space<vmem>>
      %dma_start3A_317 = arith.constant 0 : i32
      %dma_start3A_318 = tpu.memref_slice %arg5[%arg1, %dma_start3A_311, %dma_start3A_317] : memref<16x162x64xi32, #tpu.memory_space<hbm>> -> memref<1x1x64xi32, #tpu.memory_space<hbm>>
      %dma_start3A_319 = tpu.memref_squeeze %dma_start3A_318 : memref<1x1x64xi32, #tpu.memory_space<hbm>> -> memref<64xi32, #tpu.memory_space<hbm>>
      %dma_start3A_320 = tpu.memref_slice %arg14[%dma_start3A_313] : memref<4x!tpu.dma_semaphore, #tpu.memory_space<semaphore_mem>> -> memref<1x!tpu.dma_semaphore, #tpu.memory_space<semaphore_mem>>
      %dma_start3A_321 = tpu.memref_squeeze %dma_start3A_320 : memref<1x!tpu.dma_semaphore, #tpu.memory_space<semaphore_mem>> -> memref<!tpu.dma_semaphore, #tpu.memory_space<semaphore_mem>>
      %dma_start3A_322 = arith.constant 0 : i32
      %dma_start3A_323 = tpu.memref_slice %arg11[%dma_start3A_312, %dma_start3A_322] : memref<4x64xi32, #tpu.memory_space<vmem>> -> memref<1x64xi32, #tpu.memory_space<vmem>>
      %dma_start3A_324 = tpu.memref_squeeze %dma_start3A_323 : memref<1x64xi32, #tpu.memory_space<vmem>> -> memref<64xi32, #tpu.memory_space<vmem>>
      %dma_start3A_325 = arith.constant 0 : i32
      %dma_start3A_326 = tpu.memref_slice %arg5[%arg1, %dma_start3A_311, %dma_start3A_325] : memref<16x162x64xi32, #tpu.memory_space<hbm>> -> memref<1x1x64xi32, #tpu.memory_space<hbm>>
      %dma_start3A_327 = tpu.memref_squeeze %dma_start3A_326 : memref<1x1x64xi32, #tpu.memory_space<hbm>> -> memref<64xi32, #tpu.memory_space<hbm>>
      tpu.enqueue_dma source(%dma_start3A_327 : memref<64xi32, #tpu.memory_space<hbm>>) target(%dma_start3A_324 : memref<64xi32, #tpu.memory_space<vmem>>) target_semaphore(%dma_start3A_321 : memref<!tpu.dma_semaphore, #tpu.memory_space<semaphore_mem>>)
      %dma_start3A_328 = arith.constant 2 : i32
      %dma_start3A_329 = arith.constant 0 : i32
      %dma_start3A_330 = arith.constant 0 : i32
      %dma_start3A_331 = arith.constant 0 : i32
      %dma_start3A_332 = arith.constant 0 : i32
      %dma_start3A_333 = tpu.memref_slice %arg12[%dma_start3A_329, %dma_start3A_331, %dma_start3A_332] : memref<4x64x128xf32, #tpu.memory_space<vmem>> -> memref<1x64x128xf32, #tpu.memory_space<vmem>>
      %dma_start3A_334 = tpu.memref_squeeze %dma_start3A_333 : memref<1x64x128xf32, #tpu.memory_space<vmem>> -> memref<64x128xf32, #tpu.memory_space<vmem>>
      %dma_start3A_335 = arith.constant 0 : i32
      %dma_start3A_336 = tpu.memref_slice %arg10[%dma_start3A_328, %dma_start3A_335] : memref<81x128xi32, #tpu.memory_space<vmem>> -> memref<1x64xi32, #tpu.memory_space<vmem>>
      %dma_start3A_337 = tpu.memref_squeeze %dma_start3A_336 : memref<1x64xi32, #tpu.memory_space<vmem>> -> memref<64xi32, #tpu.memory_space<vmem>>
      %dma_start3A_338 = arith.constant 0 : i32
      %dma_start3A_339 = arith.constant 0 : i32
      %dma_start3A_340 = tpu.memref_slice %arg2[%dma_start3A_338, %dma_start3A_339] : memref<10240x128xf32, #tpu.memory_space<hbm>> -> memref<10240x128xf32, #tpu.memory_space<hbm>>
      %dma_start3A_341 = tpu.memref_slice %arg13[%dma_start3A_330] : memref<4x!tpu.dma_semaphore, #tpu.memory_space<semaphore_mem>> -> memref<1x!tpu.dma_semaphore, #tpu.memory_space<semaphore_mem>>
      %dma_start3A_342 = tpu.memref_squeeze %dma_start3A_341 : memref<1x!tpu.dma_semaphore, #tpu.memory_space<semaphore_mem>> -> memref<!tpu.dma_semaphore, #tpu.memory_space<semaphore_mem>>
      tpu.enqueue_indirect_dma source(%dma_start3A_340 : memref<10240x128xf32, #tpu.memory_space<hbm>>) target(%dma_start3A_334 : memref<64x128xf32, #tpu.memory_space<vmem>>) offsets(%dma_start3A_337 : memref<64xi32, #tpu.memory_space<vmem>>) semaphore(%dma_start3A_342 : memref<!tpu.dma_semaphore, #tpu.memory_space<semaphore_mem>>)
      %dma_wait3A_343 = arith.constant 1 : i32
      %dma_wait3A_344 = arith.constant 3 : i32
      %dma_wait3A_345 = arith.constant 3 : i32
      %dma_wait3A_346 = arith.constant 0 : i32
      %dma_wait3A_347 = arith.constant 0 : i32
      %dma_wait3A_348 = tpu.memref_slice %arg12[%dma_wait3A_344, %dma_wait3A_346, %dma_wait3A_347] : memref<4x64x128xf32, #tpu.memory_space<vmem>> -> memref<1x64x128xf32, #tpu.memory_space<vmem>>
      %dma_wait3A_349 = tpu.memref_squeeze %dma_wait3A_348 : memref<1x64x128xf32, #tpu.memory_space<vmem>> -> memref<64x128xf32, #tpu.memory_space<vmem>>
      %dma_wait3A_350 = arith.constant 64 : i32
      %dma_wait3A_351 = tpu.memref_slice %arg10[%dma_wait3A_343, %dma_wait3A_350] : memref<81x128xi32, #tpu.memory_space<vmem>> -> memref<1x64xi32, #tpu.memory_space<vmem>>
      %dma_wait3A_352 = tpu.memref_squeeze %dma_wait3A_351 : memref<1x64xi32, #tpu.memory_space<vmem>> -> memref<64xi32, #tpu.memory_space<vmem>>
      %dma_wait3A_353 = arith.constant 0 : i32
      %dma_wait3A_354 = arith.constant 0 : i32
      %dma_wait3A_355 = tpu.memref_slice %arg2[%dma_wait3A_353, %dma_wait3A_354] : memref<10240x128xf32, #tpu.memory_space<hbm>> -> memref<10240x128xf32, #tpu.memory_space<hbm>>
      %dma_wait3A_356 = tpu.memref_slice %arg13[%dma_wait3A_345] : memref<4x!tpu.dma_semaphore, #tpu.memory_space<semaphore_mem>> -> memref<1x!tpu.dma_semaphore, #tpu.memory_space<semaphore_mem>>
      %dma_wait3A_357 = tpu.memref_squeeze %dma_wait3A_356 : memref<1x!tpu.dma_semaphore, #tpu.memory_space<semaphore_mem>> -> memref<!tpu.dma_semaphore, #tpu.memory_space<semaphore_mem>>
      tpu.wait_indirect_dma semaphore(%dma_wait3A_357 : memref<!tpu.dma_semaphore, #tpu.memory_space<semaphore_mem>>) src(%dma_wait3A_355 : memref<10240x128xf32, #tpu.memory_space<hbm>>) dst(%dma_wait3A_349 : memref<64x128xf32, #tpu.memory_space<vmem>>)
      %dma_wait3A_358 = arith.constant 3 : i32
      %dma_wait3A_359 = arith.constant 3 : i32
      %dma_wait3A_360 = arith.constant 3 : i32
      %dma_wait3A_361 = arith.constant 0 : i32
      %dma_wait3A_362 = tpu.memref_slice %arg11[%dma_wait3A_359, %dma_wait3A_361] : memref<4x64xi32, #tpu.memory_space<vmem>> -> memref<1x64xi32, #tpu.memory_space<vmem>>
      %dma_wait3A_363 = tpu.memref_squeeze %dma_wait3A_362 : memref<1x64xi32, #tpu.memory_space<vmem>> -> memref<64xi32, #tpu.memory_space<vmem>>
      %dma_wait3A_364 = arith.constant 0 : i32
      %dma_wait3A_365 = tpu.memref_slice %arg5[%arg1, %dma_wait3A_358, %dma_wait3A_364] : memref<16x162x64xi32, #tpu.memory_space<hbm>> -> memref<1x1x64xi32, #tpu.memory_space<hbm>>
      %dma_wait3A_366 = tpu.memref_squeeze %dma_wait3A_365 : memref<1x1x64xi32, #tpu.memory_space<hbm>> -> memref<64xi32, #tpu.memory_space<hbm>>
      %dma_wait3A_367 = tpu.memref_slice %arg14[%dma_wait3A_360] : memref<4x!tpu.dma_semaphore, #tpu.memory_space<semaphore_mem>> -> memref<1x!tpu.dma_semaphore, #tpu.memory_space<semaphore_mem>>
      %dma_wait3A_368 = tpu.memref_squeeze %dma_wait3A_367 : memref<1x!tpu.dma_semaphore, #tpu.memory_space<semaphore_mem>> -> memref<!tpu.dma_semaphore, #tpu.memory_space<semaphore_mem>>
      %dma_wait3A_369 = arith.constant 0 : i32
      %dma_wait3A_370 = tpu.memref_slice %arg11[%dma_wait3A_359, %dma_wait3A_369] : memref<4x64xi32, #tpu.memory_space<vmem>> -> memref<1x64xi32, #tpu.memory_space<vmem>>
      %dma_wait3A_371 = tpu.memref_squeeze %dma_wait3A_370 : memref<1x64xi32, #tpu.memory_space<vmem>> -> memref<64xi32, #tpu.memory_space<vmem>>
      %dma_wait3A_372 = arith.constant 0 : i32
      %dma_wait3A_373 = tpu.memref_slice %arg5[%arg1, %dma_wait3A_358, %dma_wait3A_372] : memref<16x162x64xi32, #tpu.memory_space<hbm>> -> memref<1x1x64xi32, #tpu.memory_space<hbm>>
      %dma_wait3A_374 = tpu.memref_squeeze %dma_wait3A_373 : memref<1x1x64xi32, #tpu.memory_space<hbm>> -> memref<64xi32, #tpu.memory_space<hbm>>
      tpu.wait_dma2 semaphore(%dma_wait3A_368 : memref<!tpu.dma_semaphore, #tpu.memory_space<semaphore_mem>>) src(%dma_wait3A_374 : memref<64xi32, #tpu.memory_space<hbm>>) dst(%dma_wait3A_371 : memref<64xi32, #tpu.memory_space<vmem>>)
      %dma_start3A_375 = arith.constant 3 : i32
      %dma_start3A_376 = arith.constant 3 : i32
      %dma_start3A_377 = arith.constant 3 : i32
      %dma_start3A_378 = arith.constant 0 : i32
      %dma_start3A_379 = arith.constant 0 : i32
      %dma_start3A_380 = tpu.memref_slice %arg12[%dma_start3A_375, %dma_start3A_378, %dma_start3A_379] : memref<4x64x128xf32, #tpu.memory_space<vmem>> -> memref<1x64x128xf32, #tpu.memory_space<vmem>>
      %dma_start3A_381 = tpu.memref_squeeze %dma_start3A_380 : memref<1x64x128xf32, #tpu.memory_space<vmem>> -> memref<64x128xf32, #tpu.memory_space<vmem>>
      %dma_start3A_382 = arith.constant 0 : i32
      %dma_start3A_383 = tpu.memref_slice %arg11[%dma_start3A_376, %dma_start3A_382] : memref<4x64xi32, #tpu.memory_space<vmem>> -> memref<1x64xi32, #tpu.memory_space<vmem>>
      %dma_start3A_384 = tpu.memref_squeeze %dma_start3A_383 : memref<1x64xi32, #tpu.memory_space<vmem>> -> memref<64xi32, #tpu.memory_space<vmem>>
      %dma_start3A_385 = arith.constant 0 : i32
      %dma_start3A_386 = arith.constant 0 : i32
      %dma_start3A_387 = tpu.memref_slice %arg16[%dma_start3A_385, %dma_start3A_386] : memref<10240x128xf32, #tpu.memory_space<vmem_shared>> -> memref<10240x128xf32, #tpu.memory_space<vmem_shared>>
      %dma_start3A_388 = tpu.memref_slice %arg15[%dma_start3A_377] : memref<4x!tpu.dma_semaphore, #tpu.memory_space<semaphore_mem>> -> memref<1x!tpu.dma_semaphore, #tpu.memory_space<semaphore_mem>>
      %dma_start3A_389 = tpu.memref_squeeze %dma_start3A_388 : memref<1x!tpu.dma_semaphore, #tpu.memory_space<semaphore_mem>> -> memref<!tpu.dma_semaphore, #tpu.memory_space<semaphore_mem>>
      tpu.enqueue_indirect_dma source(%dma_start3A_381 : memref<64x128xf32, #tpu.memory_space<vmem>>) target(%dma_start3A_387 : memref<10240x128xf32, #tpu.memory_space<vmem_shared>>) offsets(%dma_start3A_384 : memref<64xi32, #tpu.memory_space<vmem>>) semaphore(%dma_start3A_389 : memref<!tpu.dma_semaphore, #tpu.memory_space<semaphore_mem>>) {add = true}
      %dma_wait3A_390 = arith.constant 1 : i32
      %dma_wait3A_391 = arith.constant 1 : i32
      %dma_wait3A_392 = arith.constant 1 : i32
      %dma_wait3A_393 = arith.constant 0 : i32
      %dma_wait3A_394 = arith.constant 0 : i32
      %dma_wait3A_395 = tpu.memref_slice %arg12[%dma_wait3A_390, %dma_wait3A_393, %dma_wait3A_394] : memref<4x64x128xf32, #tpu.memory_space<vmem>> -> memref<1x64x128xf32, #tpu.memory_space<vmem>>
      %dma_wait3A_396 = tpu.memref_squeeze %dma_wait3A_395 : memref<1x64x128xf32, #tpu.memory_space<vmem>> -> memref<64x128xf32, #tpu.memory_space<vmem>>
      %dma_wait3A_397 = arith.constant 0 : i32
      %dma_wait3A_398 = tpu.memref_slice %arg11[%dma_wait3A_391, %dma_wait3A_397] : memref<4x64xi32, #tpu.memory_space<vmem>> -> memref<1x64xi32, #tpu.memory_space<vmem>>
      %dma_wait3A_399 = tpu.memref_squeeze %dma_wait3A_398 : memref<1x64xi32, #tpu.memory_space<vmem>> -> memref<64xi32, #tpu.memory_space<vmem>>
      %dma_wait3A_400 = arith.constant 0 : i32
      %dma_wait3A_401 = arith.constant 0 : i32
      %dma_wait3A_402 = tpu.memref_slice %arg16[%dma_wait3A_400, %dma_wait3A_401] : memref<10240x128xf32, #tpu.memory_space<vmem_shared>> -> memref<10240x128xf32, #tpu.memory_space<vmem_shared>>
      %dma_wait3A_403 = tpu.memref_slice %arg15[%dma_wait3A_392] : memref<4x!tpu.dma_semaphore, #tpu.memory_space<semaphore_mem>> -> memref<1x!tpu.dma_semaphore, #tpu.memory_space<semaphore_mem>>
      %dma_wait3A_404 = tpu.memref_squeeze %dma_wait3A_403 : memref<1x!tpu.dma_semaphore, #tpu.memory_space<semaphore_mem>> -> memref<!tpu.dma_semaphore, #tpu.memory_space<semaphore_mem>>
      tpu.wait_indirect_dma semaphore(%dma_wait3A_404 : memref<!tpu.dma_semaphore, #tpu.memory_space<semaphore_mem>>) src(%dma_wait3A_396 : memref<64x128xf32, #tpu.memory_space<vmem>>) dst(%dma_wait3A_402 : memref<10240x128xf32, #tpu.memory_space<vmem_shared>>)
      %dma_start3A_405 = arith.constant 5 : i32
      %dma_start3A_406 = arith.constant 1 : i32
      %dma_start3A_407 = arith.constant 1 : i32
      %dma_start3A_408 = arith.constant 0 : i32
      %dma_start3A_409 = tpu.memref_slice %arg11[%dma_start3A_406, %dma_start3A_408] : memref<4x64xi32, #tpu.memory_space<vmem>> -> memref<1x64xi32, #tpu.memory_space<vmem>>
      %dma_start3A_410 = tpu.memref_squeeze %dma_start3A_409 : memref<1x64xi32, #tpu.memory_space<vmem>> -> memref<64xi32, #tpu.memory_space<vmem>>
      %dma_start3A_411 = arith.constant 0 : i32
      %dma_start3A_412 = tpu.memref_slice %arg5[%arg1, %dma_start3A_405, %dma_start3A_411] : memref<16x162x64xi32, #tpu.memory_space<hbm>> -> memref<1x1x64xi32, #tpu.memory_space<hbm>>
      %dma_start3A_413 = tpu.memref_squeeze %dma_start3A_412 : memref<1x1x64xi32, #tpu.memory_space<hbm>> -> memref<64xi32, #tpu.memory_space<hbm>>
      %dma_start3A_414 = tpu.memref_slice %arg14[%dma_start3A_407] : memref<4x!tpu.dma_semaphore, #tpu.memory_space<semaphore_mem>> -> memref<1x!tpu.dma_semaphore, #tpu.memory_space<semaphore_mem>>
      %dma_start3A_415 = tpu.memref_squeeze %dma_start3A_414 : memref<1x!tpu.dma_semaphore, #tpu.memory_space<semaphore_mem>> -> memref<!tpu.dma_semaphore, #tpu.memory_space<semaphore_mem>>
      %dma_start3A_416 = arith.constant 0 : i32
      %dma_start3A_417 = tpu.memref_slice %arg11[%dma_start3A_406, %dma_start3A_416] : memref<4x64xi32, #tpu.memory_space<vmem>> -> memref<1x64xi32, #tpu.memory_space<vmem>>
      %dma_start3A_418 = tpu.memref_squeeze %dma_start3A_417 : memref<1x64xi32, #tpu.memory_space<vmem>> -> memref<64xi32, #tpu.memory_space<vmem>>
      %dma_start3A_419 = arith.constant 0 : i32
      %dma_start3A_420 = tpu.memref_slice %arg5[%arg1, %dma_start3A_405, %dma_start3A_419] : memref<16x162x64xi32, #tpu.memory_space<hbm>> -> memref<1x1x64xi32, #tpu.memory_space<hbm>>
      %dma_start3A_421 = tpu.memref_squeeze %dma_start3A_420 : memref<1x1x64xi32, #tpu.memory_space<hbm>> -> memref<64xi32, #tpu.memory_space<hbm>>
      tpu.enqueue_dma source(%dma_start3A_421 : memref<64xi32, #tpu.memory_space<hbm>>) target(%dma_start3A_418 : memref<64xi32, #tpu.memory_space<vmem>>) target_semaphore(%dma_start3A_415 : memref<!tpu.dma_semaphore, #tpu.memory_space<semaphore_mem>>)
      %dma_start3A_422 = arith.constant 2 : i32
      %dma_start3A_423 = arith.constant 1 : i32
      %dma_start3A_424 = arith.constant 1 : i32
      %dma_start3A_425 = arith.constant 0 : i32
      %dma_start3A_426 = arith.constant 0 : i32
      %dma_start3A_427 = tpu.memref_slice %arg12[%dma_start3A_423, %dma_start3A_425, %dma_start3A_426] : memref<4x64x128xf32, #tpu.memory_space<vmem>> -> memref<1x64x128xf32, #tpu.memory_space<vmem>>
      %dma_start3A_428 = tpu.memref_squeeze %dma_start3A_427 : memref<1x64x128xf32, #tpu.memory_space<vmem>> -> memref<64x128xf32, #tpu.memory_space<vmem>>
      %dma_start3A_429 = arith.constant 64 : i32
      %dma_start3A_430 = tpu.memref_slice %arg10[%dma_start3A_422, %dma_start3A_429] : memref<81x128xi32, #tpu.memory_space<vmem>> -> memref<1x64xi32, #tpu.memory_space<vmem>>
      %dma_start3A_431 = tpu.memref_squeeze %dma_start3A_430 : memref<1x64xi32, #tpu.memory_space<vmem>> -> memref<64xi32, #tpu.memory_space<vmem>>
      %dma_start3A_432 = arith.constant 0 : i32
      %dma_start3A_433 = arith.constant 0 : i32
      %dma_start3A_434 = tpu.memref_slice %arg2[%dma_start3A_432, %dma_start3A_433] : memref<10240x128xf32, #tpu.memory_space<hbm>> -> memref<10240x128xf32, #tpu.memory_space<hbm>>
      %dma_start3A_435 = tpu.memref_slice %arg13[%dma_start3A_424] : memref<4x!tpu.dma_semaphore, #tpu.memory_space<semaphore_mem>> -> memref<1x!tpu.dma_semaphore, #tpu.memory_space<semaphore_mem>>
      %dma_start3A_436 = tpu.memref_squeeze %dma_start3A_435 : memref<1x!tpu.dma_semaphore, #tpu.memory_space<semaphore_mem>> -> memref<!tpu.dma_semaphore, #tpu.memory_space<semaphore_mem>>
      tpu.enqueue_indirect_dma source(%dma_start3A_434 : memref<10240x128xf32, #tpu.memory_space<hbm>>) target(%dma_start3A_428 : memref<64x128xf32, #tpu.memory_space<vmem>>) offsets(%dma_start3A_431 : memref<64xi32, #tpu.memory_space<vmem>>) semaphore(%dma_start3A_436 : memref<!tpu.dma_semaphore, #tpu.memory_space<semaphore_mem>>)
      %scan3A = arith.constant 0 : i32
      %scan3A_437 = arith.constant 1 : i32
      %scan3A_438 = arith.constant 39 : i32
      %scan3A_439 = arith.addi %scan3A_437, %scan3A_438 : i32
      %scan3A_440 = arith.constant 1 : i32
      scf.for %scan3A_536 = %scan3A_437 to %scan3A_439 step %scan3A_440  : i32 {
        %mul3A_537 = arith.constant 4 : i32
        %mul3A_538 = arith.muli %scan3A_536, %mul3A_537 : i32
        %add3A = arith.constant 0 : i32
        %add3A_539 = arith.addi %mul3A_538, %add3A : i32
        %jit3A = arith.constant 2 : i32
        %div3A = arith.divsi %add3A_539, %jit3A : i32
        %sign3A = arith.constant 0 : i32
        %sign3A_540 = arith.cmpi sgt, %add3A_539, %sign3A : i32
        %sign3A_541 = arith.extui %sign3A_540 : i1 to i32
        %sign3A_542 = arith.constant 0 : i32
        %sign3A_543 = arith.cmpi slt, %add3A_539, %sign3A_542 : i32
        %sign3A_544 = arith.extui %sign3A_543 : i1 to i32
        %sign3A_545 = arith.subi %sign3A_541, %sign3A_544 : i32
        %sign3A_546 = arith.constant 0 : i32
        %sign3A_547 = arith.cmpi sgt, %jit3A, %sign3A_546 : i32
        %sign3A_548 = arith.extui %sign3A_547 : i1 to i32
        %sign3A_549 = arith.constant 0 : i32
        %sign3A_550 = arith.cmpi slt, %jit3A, %sign3A_549 : i32
        %sign3A_551 = arith.extui %sign3A_550 : i1 to i32
        %sign3A_552 = arith.subi %sign3A_548, %sign3A_551 : i32
        %ne3A = arith.cmpi ne, %sign3A_545, %sign3A_552 : i32
        %rem3A = arith.remsi %add3A_539, %jit3A : i32
        %ne3A_553 = arith.constant 0 : i32
        %ne3A_554 = arith.cmpi ne, %rem3A, %ne3A_553 : i32
        %and3A = arith.andi %ne3A, %ne3A_554 : i1
        %sub3A = arith.constant 1 : i32
        %sub3A_555 = arith.subi %div3A, %sub3A : i32
        %select_n3A = arith.select %and3A, %sub3A_555, %div3A : i32
        %jit3A_556 = arith.constant 2 : i32
        %eq3A_557 = arith.constant 0 : i32
        %eq3A_558 = arith.cmpi eq, %jit3A_556, %eq3A_557 : i32
        %jit3A_559 = arith.constant 1 : i32
        %select_n3A_560 = arith.select %eq3A_558, %jit3A_559, %jit3A_556 : i32
        %rem3A_561 = arith.remsi %add3A_539, %select_n3A_560 : i32
        %ne3A_562 = arith.constant 0 : i32
        %ne3A_563 = arith.cmpi ne, %rem3A_561, %ne3A_562 : i32
        %lt3A = arith.constant 0 : i32
        %lt3A_564 = arith.cmpi slt, %rem3A_561, %lt3A : i32
        %lt3A_565 = arith.constant 0 : i32
        %lt3A_566 = arith.cmpi slt, %select_n3A_560, %lt3A_565 : i32
        %ne3A_567 = arith.xori %lt3A_564, %lt3A_566 : i1
        %and3A_568 = arith.andi %ne3A_567, %ne3A_563 : i1
        %add3A_569 = arith.addi %rem3A_561, %select_n3A_560 : i32
        %select_n3A_570 = arith.select %and3A_568, %add3A_569, %rem3A_561 : i32
        %mul3A_571 = arith.constant 64 : i32
        %mul3A_572 = arith.muli %select_n3A_570, %mul3A_571 : i32
        %dma_wait3A_573 = arith.constant 0 : i32
        %dma_wait3A_574 = arith.constant 0 : i32
        %dma_wait3A_575 = arith.constant 0 : i32
        %dma_wait3A_576 = arith.constant 0 : i32
        %dma_wait3A_577 = tpu.memref_slice %arg12[%dma_wait3A_573, %dma_wait3A_575, %dma_wait3A_576] : memref<4x64x128xf32, #tpu.memory_space<vmem>> -> memref<1x64x128xf32, #tpu.memory_space<vmem>>
        %dma_wait3A_578 = tpu.memref_squeeze %dma_wait3A_577 : memref<1x64x128xf32, #tpu.memory_space<vmem>> -> memref<64x128xf32, #tpu.memory_space<vmem>>
        %dma_wait3A_579 = tpu.memref_slice %arg10[%select_n3A, %mul3A_572] : memref<81x128xi32, #tpu.memory_space<vmem>> -> memref<1x64xi32, #tpu.memory_space<vmem>>
        %dma_wait3A_580 = tpu.memref_squeeze %dma_wait3A_579 : memref<1x64xi32, #tpu.memory_space<vmem>> -> memref<64xi32, #tpu.memory_space<vmem>>
        %dma_wait3A_581 = arith.constant 0 : i32
        %dma_wait3A_582 = arith.constant 0 : i32
        %dma_wait3A_583 = tpu.memref_slice %arg2[%dma_wait3A_581, %dma_wait3A_582] : memref<10240x128xf32, #tpu.memory_space<hbm>> -> memref<10240x128xf32, #tpu.memory_space<hbm>>
        %dma_wait3A_584 = tpu.memref_slice %arg13[%dma_wait3A_574] : memref<4x!tpu.dma_semaphore, #tpu.memory_space<semaphore_mem>> -> memref<1x!tpu.dma_semaphore, #tpu.memory_space<semaphore_mem>>
        %dma_wait3A_585 = tpu.memref_squeeze %dma_wait3A_584 : memref<1x!tpu.dma_semaphore, #tpu.memory_space<semaphore_mem>> -> memref<!tpu.dma_semaphore, #tpu.memory_space<semaphore_mem>>
        tpu.wait_indirect_dma semaphore(%dma_wait3A_585 : memref<!tpu.dma_semaphore, #tpu.memory_space<semaphore_mem>>) src(%dma_wait3A_583 : memref<10240x128xf32, #tpu.memory_space<hbm>>) dst(%dma_wait3A_578 : memref<64x128xf32, #tpu.memory_space<vmem>>)
        %dma_wait3A_586 = arith.constant 0 : i32
        %dma_wait3A_587 = arith.constant 0 : i32
        %dma_wait3A_588 = arith.constant 0 : i32
        %dma_wait3A_589 = tpu.memref_slice %arg11[%dma_wait3A_586, %dma_wait3A_588] : memref<4x64xi32, #tpu.memory_space<vmem>> -> memref<1x64xi32, #tpu.memory_space<vmem>>
        %dma_wait3A_590 = tpu.memref_squeeze %dma_wait3A_589 : memref<1x64xi32, #tpu.memory_space<vmem>> -> memref<64xi32, #tpu.memory_space<vmem>>
        %dma_wait3A_591 = arith.constant 0 : i32
        %dma_wait3A_592 = tpu.memref_slice %arg5[%arg1, %add3A_539, %dma_wait3A_591] : memref<16x162x64xi32, #tpu.memory_space<hbm>> -> memref<1x1x64xi32, #tpu.memory_space<hbm>>
        %dma_wait3A_593 = tpu.memref_squeeze %dma_wait3A_592 : memref<1x1x64xi32, #tpu.memory_space<hbm>> -> memref<64xi32, #tpu.memory_space<hbm>>
        %dma_wait3A_594 = tpu.memref_slice %arg14[%dma_wait3A_587] : memref<4x!tpu.dma_semaphore, #tpu.memory_space<semaphore_mem>> -> memref<1x!tpu.dma_semaphore, #tpu.memory_space<semaphore_mem>>
        %dma_wait3A_595 = tpu.memref_squeeze %dma_wait3A_594 : memref<1x!tpu.dma_semaphore, #tpu.memory_space<semaphore_mem>> -> memref<!tpu.dma_semaphore, #tpu.memory_space<semaphore_mem>>
        %dma_wait3A_596 = arith.constant 0 : i32
        %dma_wait3A_597 = tpu.memref_slice %arg11[%dma_wait3A_586, %dma_wait3A_596] : memref<4x64xi32, #tpu.memory_space<vmem>> -> memref<1x64xi32, #tpu.memory_space<vmem>>
        %dma_wait3A_598 = tpu.memref_squeeze %dma_wait3A_597 : memref<1x64xi32, #tpu.memory_space<vmem>> -> memref<64xi32, #tpu.memory_space<vmem>>
        %dma_wait3A_599 = arith.constant 0 : i32
        %dma_wait3A_600 = tpu.memref_slice %arg5[%arg1, %add3A_539, %dma_wait3A_599] : memref<16x162x64xi32, #tpu.memory_space<hbm>> -> memref<1x1x64xi32, #tpu.memory_space<hbm>>
        %dma_wait3A_601 = tpu.memref_squeeze %dma_wait3A_600 : memref<1x1x64xi32, #tpu.memory_space<hbm>> -> memref<64xi32, #tpu.memory_space<hbm>>
        tpu.wait_dma2 semaphore(%dma_wait3A_595 : memref<!tpu.dma_semaphore, #tpu.memory_space<semaphore_mem>>) src(%dma_wait3A_601 : memref<64xi32, #tpu.memory_space<hbm>>) dst(%dma_wait3A_598 : memref<64xi32, #tpu.memory_space<vmem>>)
        %dma_start3A_602 = arith.constant 0 : i32
        %dma_start3A_603 = arith.constant 0 : i32
        %dma_start3A_604 = arith.constant 0 : i32
        %dma_start3A_605 = arith.constant 0 : i32
        %dma_start3A_606 = arith.constant 0 : i32
        %dma_start3A_607 = tpu.memref_slice %arg12[%dma_start3A_602, %dma_start3A_605, %dma_start3A_606] : memref<4x64x128xf32, #tpu.memory_space<vmem>> -> memref<1x64x128xf32, #tpu.memory_space<vmem>>
        %dma_start3A_608 = tpu.memref_squeeze %dma_start3A_607 : memref<1x64x128xf32, #tpu.memory_space<vmem>> -> memref<64x128xf32, #tpu.memory_space<vmem>>
        %dma_start3A_609 = arith.constant 0 : i32
        %dma_start3A_610 = tpu.memref_slice %arg11[%dma_start3A_603, %dma_start3A_609] : memref<4x64xi32, #tpu.memory_space<vmem>> -> memref<1x64xi32, #tpu.memory_space<vmem>>
        %dma_start3A_611 = tpu.memref_squeeze %dma_start3A_610 : memref<1x64xi32, #tpu.memory_space<vmem>> -> memref<64xi32, #tpu.memory_space<vmem>>
        %dma_start3A_612 = arith.constant 0 : i32
        %dma_start3A_613 = arith.constant 0 : i32
        %dma_start3A_614 = tpu.memref_slice %arg16[%dma_start3A_612, %dma_start3A_613] : memref<10240x128xf32, #tpu.memory_space<vmem_shared>> -> memref<10240x128xf32, #tpu.memory_space<vmem_shared>>
        %dma_start3A_615 = tpu.memref_slice %arg15[%dma_start3A_604] : memref<4x!tpu.dma_semaphore, #tpu.memory_space<semaphore_mem>> -> memref<1x!tpu.dma_semaphore, #tpu.memory_space<semaphore_mem>>
        %dma_start3A_616 = tpu.memref_squeeze %dma_start3A_615 : memref<1x!tpu.dma_semaphore, #tpu.memory_space<semaphore_mem>> -> memref<!tpu.dma_semaphore, #tpu.memory_space<semaphore_mem>>
        tpu.enqueue_indirect_dma source(%dma_start3A_608 : memref<64x128xf32, #tpu.memory_space<vmem>>) target(%dma_start3A_614 : memref<10240x128xf32, #tpu.memory_space<vmem_shared>>) offsets(%dma_start3A_611 : memref<64xi32, #tpu.memory_space<vmem>>) semaphore(%dma_start3A_616 : memref<!tpu.dma_semaphore, #tpu.memory_space<semaphore_mem>>) {add = true}
        %dma_wait3A_617 = arith.constant 2 : i32
        %dma_wait3A_618 = arith.constant 2 : i32
        %dma_wait3A_619 = arith.constant 2 : i32
        %dma_wait3A_620 = arith.constant 0 : i32
        %dma_wait3A_621 = arith.constant 0 : i32
        %dma_wait3A_622 = tpu.memref_slice %arg12[%dma_wait3A_617, %dma_wait3A_620, %dma_wait3A_621] : memref<4x64x128xf32, #tpu.memory_space<vmem>> -> memref<1x64x128xf32, #tpu.memory_space<vmem>>
        %dma_wait3A_623 = tpu.memref_squeeze %dma_wait3A_622 : memref<1x64x128xf32, #tpu.memory_space<vmem>> -> memref<64x128xf32, #tpu.memory_space<vmem>>
        %dma_wait3A_624 = arith.constant 0 : i32
        %dma_wait3A_625 = tpu.memref_slice %arg11[%dma_wait3A_618, %dma_wait3A_624] : memref<4x64xi32, #tpu.memory_space<vmem>> -> memref<1x64xi32, #tpu.memory_space<vmem>>
        %dma_wait3A_626 = tpu.memref_squeeze %dma_wait3A_625 : memref<1x64xi32, #tpu.memory_space<vmem>> -> memref<64xi32, #tpu.memory_space<vmem>>
        %dma_wait3A_627 = arith.constant 0 : i32
        %dma_wait3A_628 = arith.constant 0 : i32
        %dma_wait3A_629 = tpu.memref_slice %arg16[%dma_wait3A_627, %dma_wait3A_628] : memref<10240x128xf32, #tpu.memory_space<vmem_shared>> -> memref<10240x128xf32, #tpu.memory_space<vmem_shared>>
        %dma_wait3A_630 = tpu.memref_slice %arg15[%dma_wait3A_619] : memref<4x!tpu.dma_semaphore, #tpu.memory_space<semaphore_mem>> -> memref<1x!tpu.dma_semaphore, #tpu.memory_space<semaphore_mem>>
        %dma_wait3A_631 = tpu.memref_squeeze %dma_wait3A_630 : memref<1x!tpu.dma_semaphore, #tpu.memory_space<semaphore_mem>> -> memref<!tpu.dma_semaphore, #tpu.memory_space<semaphore_mem>>
        tpu.wait_indirect_dma semaphore(%dma_wait3A_631 : memref<!tpu.dma_semaphore, #tpu.memory_space<semaphore_mem>>) src(%dma_wait3A_623 : memref<64x128xf32, #tpu.memory_space<vmem>>) dst(%dma_wait3A_629 : memref<10240x128xf32, #tpu.memory_space<vmem_shared>>)
        %add3A_632 = arith.constant 2 : i32
        %add3A_633 = arith.addi %add3A_539, %add3A_632 : i32
        %dma_start3A_634 = arith.constant 2 : i32
        %dma_start3A_635 = arith.constant 2 : i32
        %dma_start3A_636 = arith.constant 0 : i32
        %dma_start3A_637 = tpu.memref_slice %arg11[%dma_start3A_634, %dma_start3A_636] : memref<4x64xi32, #tpu.memory_space<vmem>> -> memref<1x64xi32, #tpu.memory_space<vmem>>
        %dma_start3A_638 = tpu.memref_squeeze %dma_start3A_637 : memref<1x64xi32, #tpu.memory_space<vmem>> -> memref<64xi32, #tpu.memory_space<vmem>>
        %dma_start3A_639 = arith.constant 0 : i32
        %dma_start3A_640 = tpu.memref_slice %arg5[%arg1, %add3A_633, %dma_start3A_639] : memref<16x162x64xi32, #tpu.memory_space<hbm>> -> memref<1x1x64xi32, #tpu.memory_space<hbm>>
        %dma_start3A_641 = tpu.memref_squeeze %dma_start3A_640 : memref<1x1x64xi32, #tpu.memory_space<hbm>> -> memref<64xi32, #tpu.memory_space<hbm>>
        %dma_start3A_642 = tpu.memref_slice %arg14[%dma_start3A_635] : memref<4x!tpu.dma_semaphore, #tpu.memory_space<semaphore_mem>> -> memref<1x!tpu.dma_semaphore, #tpu.memory_space<semaphore_mem>>
        %dma_start3A_643 = tpu.memref_squeeze %dma_start3A_642 : memref<1x!tpu.dma_semaphore, #tpu.memory_space<semaphore_mem>> -> memref<!tpu.dma_semaphore, #tpu.memory_space<semaphore_mem>>
        %dma_start3A_644 = arith.constant 0 : i32
        %dma_start3A_645 = tpu.memref_slice %arg11[%dma_start3A_634, %dma_start3A_644] : memref<4x64xi32, #tpu.memory_space<vmem>> -> memref<1x64xi32, #tpu.memory_space<vmem>>
        %dma_start3A_646 = tpu.memref_squeeze %dma_start3A_645 : memref<1x64xi32, #tpu.memory_space<vmem>> -> memref<64xi32, #tpu.memory_space<vmem>>
        %dma_start3A_647 = arith.constant 0 : i32
        %dma_start3A_648 = tpu.memref_slice %arg5[%arg1, %add3A_633, %dma_start3A_647] : memref<16x162x64xi32, #tpu.memory_space<hbm>> -> memref<1x1x64xi32, #tpu.memory_space<hbm>>
        %dma_start3A_649 = tpu.memref_squeeze %dma_start3A_648 : memref<1x1x64xi32, #tpu.memory_space<hbm>> -> memref<64xi32, #tpu.memory_space<hbm>>
        tpu.enqueue_dma source(%dma_start3A_649 : memref<64xi32, #tpu.memory_space<hbm>>) target(%dma_start3A_646 : memref<64xi32, #tpu.memory_space<vmem>>) target_semaphore(%dma_start3A_643 : memref<!tpu.dma_semaphore, #tpu.memory_space<semaphore_mem>>)
        %jit3A_650 = arith.constant 2 : i32
        %div3A_651 = arith.divsi %add3A_633, %jit3A_650 : i32
        %sign3A_652 = arith.constant 0 : i32
        %sign3A_653 = arith.cmpi sgt, %add3A_633, %sign3A_652 : i32
        %sign3A_654 = arith.extui %sign3A_653 : i1 to i32
        %sign3A_655 = arith.constant 0 : i32
        %sign3A_656 = arith.cmpi slt, %add3A_633, %sign3A_655 : i32
        %sign3A_657 = arith.extui %sign3A_656 : i1 to i32
        %sign3A_658 = arith.subi %sign3A_654, %sign3A_657 : i32
        %sign3A_659 = arith.constant 0 : i32
        %sign3A_660 = arith.cmpi sgt, %jit3A_650, %sign3A_659 : i32
        %sign3A_661 = arith.extui %sign3A_660 : i1 to i32
        %sign3A_662 = arith.constant 0 : i32
        %sign3A_663 = arith.cmpi slt, %jit3A_650, %sign3A_662 : i32
        %sign3A_664 = arith.extui %sign3A_663 : i1 to i32
        %sign3A_665 = arith.subi %sign3A_661, %sign3A_664 : i32
        %ne3A_666 = arith.cmpi ne, %sign3A_658, %sign3A_665 : i32
        %rem3A_667 = arith.remsi %add3A_633, %jit3A_650 : i32
        %ne3A_668 = arith.constant 0 : i32
        %ne3A_669 = arith.cmpi ne, %rem3A_667, %ne3A_668 : i32
        %and3A_670 = arith.andi %ne3A_666, %ne3A_669 : i1
        %sub3A_671 = arith.constant 1 : i32
        %sub3A_672 = arith.subi %div3A_651, %sub3A_671 : i32
        %select_n3A_673 = arith.select %and3A_670, %sub3A_672, %div3A_651 : i32
        %jit3A_674 = arith.constant 2 : i32
        %eq3A_675 = arith.constant 0 : i32
        %eq3A_676 = arith.cmpi eq, %jit3A_674, %eq3A_675 : i32
        %jit3A_677 = arith.constant 1 : i32
        %select_n3A_678 = arith.select %eq3A_676, %jit3A_677, %jit3A_674 : i32
        %rem3A_679 = arith.remsi %add3A_633, %select_n3A_678 : i32
        %ne3A_680 = arith.constant 0 : i32
        %ne3A_681 = arith.cmpi ne, %rem3A_679, %ne3A_680 : i32
        %lt3A_682 = arith.constant 0 : i32
        %lt3A_683 = arith.cmpi slt, %rem3A_679, %lt3A_682 : i32
        %lt3A_684 = arith.constant 0 : i32
        %lt3A_685 = arith.cmpi slt, %select_n3A_678, %lt3A_684 : i32
        %ne3A_686 = arith.xori %lt3A_683, %lt3A_685 : i1
        %and3A_687 = arith.andi %ne3A_686, %ne3A_681 : i1
        %add3A_688 = arith.addi %rem3A_679, %select_n3A_678 : i32
        %select_n3A_689 = arith.select %and3A_687, %add3A_688, %rem3A_679 : i32
        %mul3A_690 = arith.constant 64 : i32
        %mul3A_691 = arith.muli %select_n3A_689, %mul3A_690 : i32
        %dma_start3A_692 = arith.constant 2 : i32
        %dma_start3A_693 = arith.constant 2 : i32
        %dma_start3A_694 = arith.constant 0 : i32
        %dma_start3A_695 = arith.constant 0 : i32
        %dma_start3A_696 = tpu.memref_slice %arg12[%dma_start3A_692, %dma_start3A_694, %dma_start3A_695] : memref<4x64x128xf32, #tpu.memory_space<vmem>> -> memref<1x64x128xf32, #tpu.memory_space<vmem>>
        %dma_start3A_697 = tpu.memref_squeeze %dma_start3A_696 : memref<1x64x128xf32, #tpu.memory_space<vmem>> -> memref<64x128xf32, #tpu.memory_space<vmem>>
        %dma_start3A_698 = tpu.memref_slice %arg10[%select_n3A_673, %mul3A_691] : memref<81x128xi32, #tpu.memory_space<vmem>> -> memref<1x64xi32, #tpu.memory_space<vmem>>
        %dma_start3A_699 = tpu.memref_squeeze %dma_start3A_698 : memref<1x64xi32, #tpu.memory_space<vmem>> -> memref<64xi32, #tpu.memory_space<vmem>>
        %dma_start3A_700 = arith.constant 0 : i32
        %dma_start3A_701 = arith.constant 0 : i32
        %dma_start3A_702 = tpu.memref_slice %arg2[%dma_start3A_700, %dma_start3A_701] : memref<10240x128xf32, #tpu.memory_space<hbm>> -> memref<10240x128xf32, #tpu.memory_space<hbm>>
        %dma_start3A_703 = tpu.memref_slice %arg13[%dma_start3A_693] : memref<4x!tpu.dma_semaphore, #tpu.memory_space<semaphore_mem>> -> memref<1x!tpu.dma_semaphore, #tpu.memory_space<semaphore_mem>>
        %dma_start3A_704 = tpu.memref_squeeze %dma_start3A_703 : memref<1x!tpu.dma_semaphore, #tpu.memory_space<semaphore_mem>> -> memref<!tpu.dma_semaphore, #tpu.memory_space<semaphore_mem>>
        tpu.enqueue_indirect_dma source(%dma_start3A_702 : memref<10240x128xf32, #tpu.memory_space<hbm>>) target(%dma_start3A_697 : memref<64x128xf32, #tpu.memory_space<vmem>>) offsets(%dma_start3A_699 : memref<64xi32, #tpu.memory_space<vmem>>) semaphore(%dma_start3A_704 : memref<!tpu.dma_semaphore, #tpu.memory_space<semaphore_mem>>)
        %add3A_705 = arith.constant 1 : i32
        %add3A_706 = arith.addi %mul3A_538, %add3A_705 : i32
        %jit3A_707 = arith.constant 2 : i32
        %div3A_708 = arith.divsi %add3A_706, %jit3A_707 : i32
        %sign3A_709 = arith.constant 0 : i32
        %sign3A_710 = arith.cmpi sgt, %add3A_706, %sign3A_709 : i32
        %sign3A_711 = arith.extui %sign3A_710 : i1 to i32
        %sign3A_712 = arith.constant 0 : i32
        %sign3A_713 = arith.cmpi slt, %add3A_706, %sign3A_712 : i32
        %sign3A_714 = arith.extui %sign3A_713 : i1 to i32
        %sign3A_715 = arith.subi %sign3A_711, %sign3A_714 : i32
        %sign3A_716 = arith.constant 0 : i32
        %sign3A_717 = arith.cmpi sgt, %jit3A_707, %sign3A_716 : i32
        %sign3A_718 = arith.extui %sign3A_717 : i1 to i32
        %sign3A_719 = arith.constant 0 : i32
        %sign3A_720 = arith.cmpi slt, %jit3A_707, %sign3A_719 : i32
        %sign3A_721 = arith.extui %sign3A_720 : i1 to i32
        %sign3A_722 = arith.subi %sign3A_718, %sign3A_721 : i32
        %ne3A_723 = arith.cmpi ne, %sign3A_715, %sign3A_722 : i32
        %rem3A_724 = arith.remsi %add3A_706, %jit3A_707 : i32
        %ne3A_725 = arith.constant 0 : i32
        %ne3A_726 = arith.cmpi ne, %rem3A_724, %ne3A_725 : i32
        %and3A_727 = arith.andi %ne3A_723, %ne3A_726 : i1
        %sub3A_728 = arith.constant 1 : i32
        %sub3A_729 = arith.subi %div3A_708, %sub3A_728 : i32
        %select_n3A_730 = arith.select %and3A_727, %sub3A_729, %div3A_708 : i32
        %jit3A_731 = arith.constant 2 : i32
        %eq3A_732 = arith.constant 0 : i32
        %eq3A_733 = arith.cmpi eq, %jit3A_731, %eq3A_732 : i32
        %jit3A_734 = arith.constant 1 : i32
        %select_n3A_735 = arith.select %eq3A_733, %jit3A_734, %jit3A_731 : i32
        %rem3A_736 = arith.remsi %add3A_706, %select_n3A_735 : i32
        %ne3A_737 = arith.constant 0 : i32
        %ne3A_738 = arith.cmpi ne, %rem3A_736, %ne3A_737 : i32
        %lt3A_739 = arith.constant 0 : i32
        %lt3A_740 = arith.cmpi slt, %rem3A_736, %lt3A_739 : i32
        %lt3A_741 = arith.constant 0 : i32
        %lt3A_742 = arith.cmpi slt, %select_n3A_735, %lt3A_741 : i32
        %ne3A_743 = arith.xori %lt3A_740, %lt3A_742 : i1
        %and3A_744 = arith.andi %ne3A_743, %ne3A_738 : i1
        %add3A_745 = arith.addi %rem3A_736, %select_n3A_735 : i32
        %select_n3A_746 = arith.select %and3A_744, %add3A_745, %rem3A_736 : i32
        %mul3A_747 = arith.constant 64 : i32
        %mul3A_748 = arith.muli %select_n3A_746, %mul3A_747 : i32
        %dma_wait3A_749 = arith.constant 1 : i32
        %dma_wait3A_750 = arith.constant 1 : i32
        %dma_wait3A_751 = arith.constant 0 : i32
        %dma_wait3A_752 = arith.constant 0 : i32
        %dma_wait3A_753 = tpu.memref_slice %arg12[%dma_wait3A_749, %dma_wait3A_751, %dma_wait3A_752] : memref<4x64x128xf32, #tpu.memory_space<vmem>> -> memref<1x64x128xf32, #tpu.memory_space<vmem>>
        %dma_wait3A_754 = tpu.memref_squeeze %dma_wait3A_753 : memref<1x64x128xf32, #tpu.memory_space<vmem>> -> memref<64x128xf32, #tpu.memory_space<vmem>>
        %dma_wait3A_755 = tpu.memref_slice %arg10[%select_n3A_730, %mul3A_748] : memref<81x128xi32, #tpu.memory_space<vmem>> -> memref<1x64xi32, #tpu.memory_space<vmem>>
        %dma_wait3A_756 = tpu.memref_squeeze %dma_wait3A_755 : memref<1x64xi32, #tpu.memory_space<vmem>> -> memref<64xi32, #tpu.memory_space<vmem>>
        %dma_wait3A_757 = arith.constant 0 : i32
        %dma_wait3A_758 = arith.constant 0 : i32
        %dma_wait3A_759 = tpu.memref_slice %arg2[%dma_wait3A_757, %dma_wait3A_758] : memref<10240x128xf32, #tpu.memory_space<hbm>> -> memref<10240x128xf32, #tpu.memory_space<hbm>>
        %dma_wait3A_760 = tpu.memref_slice %arg13[%dma_wait3A_750] : memref<4x!tpu.dma_semaphore, #tpu.memory_space<semaphore_mem>> -> memref<1x!tpu.dma_semaphore, #tpu.memory_space<semaphore_mem>>
        %dma_wait3A_761 = tpu.memref_squeeze %dma_wait3A_760 : memref<1x!tpu.dma_semaphore, #tpu.memory_space<semaphore_mem>> -> memref<!tpu.dma_semaphore, #tpu.memory_space<semaphore_mem>>
        tpu.wait_indirect_dma semaphore(%dma_wait3A_761 : memref<!tpu.dma_semaphore, #tpu.memory_space<semaphore_mem>>) src(%dma_wait3A_759 : memref<10240x128xf32, #tpu.memory_space<hbm>>) dst(%dma_wait3A_754 : memref<64x128xf32, #tpu.memory_space<vmem>>)
        %dma_wait3A_762 = arith.constant 1 : i32
        %dma_wait3A_763 = arith.constant 1 : i32
        %dma_wait3A_764 = arith.constant 0 : i32
        %dma_wait3A_765 = tpu.memref_slice %arg11[%dma_wait3A_762, %dma_wait3A_764] : memref<4x64xi32, #tpu.memory_space<vmem>> -> memref<1x64xi32, #tpu.memory_space<vmem>>
        %dma_wait3A_766 = tpu.memref_squeeze %dma_wait3A_765 : memref<1x64xi32, #tpu.memory_space<vmem>> -> memref<64xi32, #tpu.memory_space<vmem>>
        %dma_wait3A_767 = arith.constant 0 : i32
        %dma_wait3A_768 = tpu.memref_slice %arg5[%arg1, %add3A_706, %dma_wait3A_767] : memref<16x162x64xi32, #tpu.memory_space<hbm>> -> memref<1x1x64xi32, #tpu.memory_space<hbm>>
        %dma_wait3A_769 = tpu.memref_squeeze %dma_wait3A_768 : memref<1x1x64xi32, #tpu.memory_space<hbm>> -> memref<64xi32, #tpu.memory_space<hbm>>
        %dma_wait3A_770 = tpu.memref_slice %arg14[%dma_wait3A_763] : memref<4x!tpu.dma_semaphore, #tpu.memory_space<semaphore_mem>> -> memref<1x!tpu.dma_semaphore, #tpu.memory_space<semaphore_mem>>
        %dma_wait3A_771 = tpu.memref_squeeze %dma_wait3A_770 : memref<1x!tpu.dma_semaphore, #tpu.memory_space<semaphore_mem>> -> memref<!tpu.dma_semaphore, #tpu.memory_space<semaphore_mem>>
        %dma_wait3A_772 = arith.constant 0 : i32
        %dma_wait3A_773 = tpu.memref_slice %arg11[%dma_wait3A_762, %dma_wait3A_772] : memref<4x64xi32, #tpu.memory_space<vmem>> -> memref<1x64xi32, #tpu.memory_space<vmem>>
        %dma_wait3A_774 = tpu.memref_squeeze %dma_wait3A_773 : memref<1x64xi32, #tpu.memory_space<vmem>> -> memref<64xi32, #tpu.memory_space<vmem>>
        %dma_wait3A_775 = arith.constant 0 : i32
        %dma_wait3A_776 = tpu.memref_slice %arg5[%arg1, %add3A_706, %dma_wait3A_775] : memref<16x162x64xi32, #tpu.memory_space<hbm>> -> memref<1x1x64xi32, #tpu.memory_space<hbm>>
        %dma_wait3A_777 = tpu.memref_squeeze %dma_wait3A_776 : memref<1x1x64xi32, #tpu.memory_space<hbm>> -> memref<64xi32, #tpu.memory_space<hbm>>
        tpu.wait_dma2 semaphore(%dma_wait3A_771 : memref<!tpu.dma_semaphore, #tpu.memory_space<semaphore_mem>>) src(%dma_wait3A_777 : memref<64xi32, #tpu.memory_space<hbm>>) dst(%dma_wait3A_774 : memref<64xi32, #tpu.memory_space<vmem>>)
        %dma_start3A_778 = arith.constant 1 : i32
        %dma_start3A_779 = arith.constant 1 : i32
        %dma_start3A_780 = arith.constant 1 : i32
        %dma_start3A_781 = arith.constant 0 : i32
        %dma_start3A_782 = arith.constant 0 : i32
        %dma_start3A_783 = tpu.memref_slice %arg12[%dma_start3A_778, %dma_start3A_781, %dma_start3A_782] : memref<4x64x128xf32, #tpu.memory_space<vmem>> -> memref<1x64x128xf32, #tpu.memory_space<vmem>>
        %dma_start3A_784 = tpu.memref_squeeze %dma_start3A_783 : memref<1x64x128xf32, #tpu.memory_space<vmem>> -> memref<64x128xf32, #tpu.memory_space<vmem>>
        %dma_start3A_785 = arith.constant 0 : i32
        %dma_start3A_786 = tpu.memref_slice %arg11[%dma_start3A_779, %dma_start3A_785] : memref<4x64xi32, #tpu.memory_space<vmem>> -> memref<1x64xi32, #tpu.memory_space<vmem>>
        %dma_start3A_787 = tpu.memref_squeeze %dma_start3A_786 : memref<1x64xi32, #tpu.memory_space<vmem>> -> memref<64xi32, #tpu.memory_space<vmem>>
        %dma_start3A_788 = arith.constant 0 : i32
        %dma_start3A_789 = arith.constant 0 : i32
        %dma_start3A_790 = tpu.memref_slice %arg16[%dma_start3A_788, %dma_start3A_789] : memref<10240x128xf32, #tpu.memory_space<vmem_shared>> -> memref<10240x128xf32, #tpu.memory_space<vmem_shared>>
        %dma_start3A_791 = tpu.memref_slice %arg15[%dma_start3A_780] : memref<4x!tpu.dma_semaphore, #tpu.memory_space<semaphore_mem>> -> memref<1x!tpu.dma_semaphore, #tpu.memory_space<semaphore_mem>>
        %dma_start3A_792 = tpu.memref_squeeze %dma_start3A_791 : memref<1x!tpu.dma_semaphore, #tpu.memory_space<semaphore_mem>> -> memref<!tpu.dma_semaphore, #tpu.memory_space<semaphore_mem>>
        tpu.enqueue_indirect_dma source(%dma_start3A_784 : memref<64x128xf32, #tpu.memory_space<vmem>>) target(%dma_start3A_790 : memref<10240x128xf32, #tpu.memory_space<vmem_shared>>) offsets(%dma_start3A_787 : memref<64xi32, #tpu.memory_space<vmem>>) semaphore(%dma_start3A_792 : memref<!tpu.dma_semaphore, #tpu.memory_space<semaphore_mem>>) {add = true}
        %dma_wait3A_793 = arith.constant 3 : i32
        %dma_wait3A_794 = arith.constant 3 : i32
        %dma_wait3A_795 = arith.constant 3 : i32
        %dma_wait3A_796 = arith.constant 0 : i32
        %dma_wait3A_797 = arith.constant 0 : i32
        %dma_wait3A_798 = tpu.memref_slice %arg12[%dma_wait3A_793, %dma_wait3A_796, %dma_wait3A_797] : memref<4x64x128xf32, #tpu.memory_space<vmem>> -> memref<1x64x128xf32, #tpu.memory_space<vmem>>
        %dma_wait3A_799 = tpu.memref_squeeze %dma_wait3A_798 : memref<1x64x128xf32, #tpu.memory_space<vmem>> -> memref<64x128xf32, #tpu.memory_space<vmem>>
        %dma_wait3A_800 = arith.constant 0 : i32
        %dma_wait3A_801 = tpu.memref_slice %arg11[%dma_wait3A_794, %dma_wait3A_800] : memref<4x64xi32, #tpu.memory_space<vmem>> -> memref<1x64xi32, #tpu.memory_space<vmem>>
        %dma_wait3A_802 = tpu.memref_squeeze %dma_wait3A_801 : memref<1x64xi32, #tpu.memory_space<vmem>> -> memref<64xi32, #tpu.memory_space<vmem>>
        %dma_wait3A_803 = arith.constant 0 : i32
        %dma_wait3A_804 = arith.constant 0 : i32
        %dma_wait3A_805 = tpu.memref_slice %arg16[%dma_wait3A_803, %dma_wait3A_804] : memref<10240x128xf32, #tpu.memory_space<vmem_shared>> -> memref<10240x128xf32, #tpu.memory_space<vmem_shared>>
        %dma_wait3A_806 = tpu.memref_slice %arg15[%dma_wait3A_795] : memref<4x!tpu.dma_semaphore, #tpu.memory_space<semaphore_mem>> -> memref<1x!tpu.dma_semaphore, #tpu.memory_space<semaphore_mem>>
        %dma_wait3A_807 = tpu.memref_squeeze %dma_wait3A_806 : memref<1x!tpu.dma_semaphore, #tpu.memory_space<semaphore_mem>> -> memref<!tpu.dma_semaphore, #tpu.memory_space<semaphore_mem>>
        tpu.wait_indirect_dma semaphore(%dma_wait3A_807 : memref<!tpu.dma_semaphore, #tpu.memory_space<semaphore_mem>>) src(%dma_wait3A_799 : memref<64x128xf32, #tpu.memory_space<vmem>>) dst(%dma_wait3A_805 : memref<10240x128xf32, #tpu.memory_space<vmem_shared>>)
        %add3A_808 = arith.constant 2 : i32
        %add3A_809 = arith.addi %add3A_706, %add3A_808 : i32
        %dma_start3A_810 = arith.constant 3 : i32
        %dma_start3A_811 = arith.constant 3 : i32
        %dma_start3A_812 = arith.constant 0 : i32
        %dma_start3A_813 = tpu.memref_slice %arg11[%dma_start3A_810, %dma_start3A_812] : memref<4x64xi32, #tpu.memory_space<vmem>> -> memref<1x64xi32, #tpu.memory_space<vmem>>
        %dma_start3A_814 = tpu.memref_squeeze %dma_start3A_813 : memref<1x64xi32, #tpu.memory_space<vmem>> -> memref<64xi32, #tpu.memory_space<vmem>>
        %dma_start3A_815 = arith.constant 0 : i32
        %dma_start3A_816 = tpu.memref_slice %arg5[%arg1, %add3A_809, %dma_start3A_815] : memref<16x162x64xi32, #tpu.memory_space<hbm>> -> memref<1x1x64xi32, #tpu.memory_space<hbm>>
        %dma_start3A_817 = tpu.memref_squeeze %dma_start3A_816 : memref<1x1x64xi32, #tpu.memory_space<hbm>> -> memref<64xi32, #tpu.memory_space<hbm>>
        %dma_start3A_818 = tpu.memref_slice %arg14[%dma_start3A_811] : memref<4x!tpu.dma_semaphore, #tpu.memory_space<semaphore_mem>> -> memref<1x!tpu.dma_semaphore, #tpu.memory_space<semaphore_mem>>
        %dma_start3A_819 = tpu.memref_squeeze %dma_start3A_818 : memref<1x!tpu.dma_semaphore, #tpu.memory_space<semaphore_mem>> -> memref<!tpu.dma_semaphore, #tpu.memory_space<semaphore_mem>>
        %dma_start3A_820 = arith.constant 0 : i32
        %dma_start3A_821 = tpu.memref_slice %arg11[%dma_start3A_810, %dma_start3A_820] : memref<4x64xi32, #tpu.memory_space<vmem>> -> memref<1x64xi32, #tpu.memory_space<vmem>>
        %dma_start3A_822 = tpu.memref_squeeze %dma_start3A_821 : memref<1x64xi32, #tpu.memory_space<vmem>> -> memref<64xi32, #tpu.memory_space<vmem>>
        %dma_start3A_823 = arith.constant 0 : i32
        %dma_start3A_824 = tpu.memref_slice %arg5[%arg1, %add3A_809, %dma_start3A_823] : memref<16x162x64xi32, #tpu.memory_space<hbm>> -> memref<1x1x64xi32, #tpu.memory_space<hbm>>
        %dma_start3A_825 = tpu.memref_squeeze %dma_start3A_824 : memref<1x1x64xi32, #tpu.memory_space<hbm>> -> memref<64xi32, #tpu.memory_space<hbm>>
        tpu.enqueue_dma source(%dma_start3A_825 : memref<64xi32, #tpu.memory_space<hbm>>) target(%dma_start3A_822 : memref<64xi32, #tpu.memory_space<vmem>>) target_semaphore(%dma_start3A_819 : memref<!tpu.dma_semaphore, #tpu.memory_space<semaphore_mem>>)
        %jit3A_826 = arith.constant 2 : i32
        %div3A_827 = arith.divsi %add3A_809, %jit3A_826 : i32
        %sign3A_828 = arith.constant 0 : i32
        %sign3A_829 = arith.cmpi sgt, %add3A_809, %sign3A_828 : i32
        %sign3A_830 = arith.extui %sign3A_829 : i1 to i32
        %sign3A_831 = arith.constant 0 : i32
        %sign3A_832 = arith.cmpi slt, %add3A_809, %sign3A_831 : i32
        %sign3A_833 = arith.extui %sign3A_832 : i1 to i32
        %sign3A_834 = arith.subi %sign3A_830, %sign3A_833 : i32
        %sign3A_835 = arith.constant 0 : i32
        %sign3A_836 = arith.cmpi sgt, %jit3A_826, %sign3A_835 : i32
        %sign3A_837 = arith.extui %sign3A_836 : i1 to i32
        %sign3A_838 = arith.constant 0 : i32
        %sign3A_839 = arith.cmpi slt, %jit3A_826, %sign3A_838 : i32
        %sign3A_840 = arith.extui %sign3A_839 : i1 to i32
        %sign3A_841 = arith.subi %sign3A_837, %sign3A_840 : i32
        %ne3A_842 = arith.cmpi ne, %sign3A_834, %sign3A_841 : i32
        %rem3A_843 = arith.remsi %add3A_809, %jit3A_826 : i32
        %ne3A_844 = arith.constant 0 : i32
        %ne3A_845 = arith.cmpi ne, %rem3A_843, %ne3A_844 : i32
        %and3A_846 = arith.andi %ne3A_842, %ne3A_845 : i1
        %sub3A_847 = arith.constant 1 : i32
        %sub3A_848 = arith.subi %div3A_827, %sub3A_847 : i32
        %select_n3A_849 = arith.select %and3A_846, %sub3A_848, %div3A_827 : i32
        %jit3A_850 = arith.constant 2 : i32
        %eq3A_851 = arith.constant 0 : i32
        %eq3A_852 = arith.cmpi eq, %jit3A_850, %eq3A_851 : i32
        %jit3A_853 = arith.constant 1 : i32
        %select_n3A_854 = arith.select %eq3A_852, %jit3A_853, %jit3A_850 : i32
        %rem3A_855 = arith.remsi %add3A_809, %select_n3A_854 : i32
        %ne3A_856 = arith.constant 0 : i32
        %ne3A_857 = arith.cmpi ne, %rem3A_855, %ne3A_856 : i32
        %lt3A_858 = arith.constant 0 : i32
        %lt3A_859 = arith.cmpi slt, %rem3A_855, %lt3A_858 : i32
        %lt3A_860 = arith.constant 0 : i32
        %lt3A_861 = arith.cmpi slt, %select_n3A_854, %lt3A_860 : i32
        %ne3A_862 = arith.xori %lt3A_859, %lt3A_861 : i1
        %and3A_863 = arith.andi %ne3A_862, %ne3A_857 : i1
        %add3A_864 = arith.addi %rem3A_855, %select_n3A_854 : i32
        %select_n3A_865 = arith.select %and3A_863, %add3A_864, %rem3A_855 : i32
        %mul3A_866 = arith.constant 64 : i32
        %mul3A_867 = arith.muli %select_n3A_865, %mul3A_866 : i32
        %dma_start3A_868 = arith.constant 3 : i32
        %dma_start3A_869 = arith.constant 3 : i32
        %dma_start3A_870 = arith.constant 0 : i32
        %dma_start3A_871 = arith.constant 0 : i32
        %dma_start3A_872 = tpu.memref_slice %arg12[%dma_start3A_868, %dma_start3A_870, %dma_start3A_871] : memref<4x64x128xf32, #tpu.memory_space<vmem>> -> memref<1x64x128xf32, #tpu.memory_space<vmem>>
        %dma_start3A_873 = tpu.memref_squeeze %dma_start3A_872 : memref<1x64x128xf32, #tpu.memory_space<vmem>> -> memref<64x128xf32, #tpu.memory_space<vmem>>
        %dma_start3A_874 = tpu.memref_slice %arg10[%select_n3A_849, %mul3A_867] : memref<81x128xi32, #tpu.memory_space<vmem>> -> memref<1x64xi32, #tpu.memory_space<vmem>>
        %dma_start3A_875 = tpu.memref_squeeze %dma_start3A_874 : memref<1x64xi32, #tpu.memory_space<vmem>> -> memref<64xi32, #tpu.memory_space<vmem>>
        %dma_start3A_876 = arith.constant 0 : i32
        %dma_start3A_877 = arith.constant 0 : i32
        %dma_start3A_878 = tpu.memref_slice %arg2[%dma_start3A_876, %dma_start3A_877] : memref<10240x128xf32, #tpu.memory_space<hbm>> -> memref<10240x128xf32, #tpu.memory_space<hbm>>
        %dma_start3A_879 = tpu.memref_slice %arg13[%dma_start3A_869] : memref<4x!tpu.dma_semaphore, #tpu.memory_space<semaphore_mem>> -> memref<1x!tpu.dma_semaphore, #tpu.memory_space<semaphore_mem>>
        %dma_start3A_880 = tpu.memref_squeeze %dma_start3A_879 : memref<1x!tpu.dma_semaphore, #tpu.memory_space<semaphore_mem>> -> memref<!tpu.dma_semaphore, #tpu.memory_space<semaphore_mem>>
        tpu.enqueue_indirect_dma source(%dma_start3A_878 : memref<10240x128xf32, #tpu.memory_space<hbm>>) target(%dma_start3A_873 : memref<64x128xf32, #tpu.memory_space<vmem>>) offsets(%dma_start3A_875 : memref<64xi32, #tpu.memory_space<vmem>>) semaphore(%dma_start3A_880 : memref<!tpu.dma_semaphore, #tpu.memory_space<semaphore_mem>>)
        %add3A_881 = arith.constant 2 : i32
        %add3A_882 = arith.addi %mul3A_538, %add3A_881 : i32
        %jit3A_883 = arith.constant 2 : i32
        %div3A_884 = arith.divsi %add3A_882, %jit3A_883 : i32
        %sign3A_885 = arith.constant 0 : i32
        %sign3A_886 = arith.cmpi sgt, %add3A_882, %sign3A_885 : i32
        %sign3A_887 = arith.extui %sign3A_886 : i1 to i32
        %sign3A_888 = arith.constant 0 : i32
        %sign3A_889 = arith.cmpi slt, %add3A_882, %sign3A_888 : i32
        %sign3A_890 = arith.extui %sign3A_889 : i1 to i32
        %sign3A_891 = arith.subi %sign3A_887, %sign3A_890 : i32
        %sign3A_892 = arith.constant 0 : i32
        %sign3A_893 = arith.cmpi sgt, %jit3A_883, %sign3A_892 : i32
        %sign3A_894 = arith.extui %sign3A_893 : i1 to i32
        %sign3A_895 = arith.constant 0 : i32
        %sign3A_896 = arith.cmpi slt, %jit3A_883, %sign3A_895 : i32
        %sign3A_897 = arith.extui %sign3A_896 : i1 to i32
        %sign3A_898 = arith.subi %sign3A_894, %sign3A_897 : i32
        %ne3A_899 = arith.cmpi ne, %sign3A_891, %sign3A_898 : i32
        %rem3A_900 = arith.remsi %add3A_882, %jit3A_883 : i32
        %ne3A_901 = arith.constant 0 : i32
        %ne3A_902 = arith.cmpi ne, %rem3A_900, %ne3A_901 : i32
        %and3A_903 = arith.andi %ne3A_899, %ne3A_902 : i1
        %sub3A_904 = arith.constant 1 : i32
        %sub3A_905 = arith.subi %div3A_884, %sub3A_904 : i32
        %select_n3A_906 = arith.select %and3A_903, %sub3A_905, %div3A_884 : i32
        %jit3A_907 = arith.constant 2 : i32
        %eq3A_908 = arith.constant 0 : i32
        %eq3A_909 = arith.cmpi eq, %jit3A_907, %eq3A_908 : i32
        %jit3A_910 = arith.constant 1 : i32
        %select_n3A_911 = arith.select %eq3A_909, %jit3A_910, %jit3A_907 : i32
        %rem3A_912 = arith.remsi %add3A_882, %select_n3A_911 : i32
        %ne3A_913 = arith.constant 0 : i32
        %ne3A_914 = arith.cmpi ne, %rem3A_912, %ne3A_913 : i32
        %lt3A_915 = arith.constant 0 : i32
        %lt3A_916 = arith.cmpi slt, %rem3A_912, %lt3A_915 : i32
        %lt3A_917 = arith.constant 0 : i32
        %lt3A_918 = arith.cmpi slt, %select_n3A_911, %lt3A_917 : i32
        %ne3A_919 = arith.xori %lt3A_916, %lt3A_918 : i1
        %and3A_920 = arith.andi %ne3A_919, %ne3A_914 : i1
        %add3A_921 = arith.addi %rem3A_912, %select_n3A_911 : i32
        %select_n3A_922 = arith.select %and3A_920, %add3A_921, %rem3A_912 : i32
        %mul3A_923 = arith.constant 64 : i32
        %mul3A_924 = arith.muli %select_n3A_922, %mul3A_923 : i32
        %dma_wait3A_925 = arith.constant 2 : i32
        %dma_wait3A_926 = arith.constant 2 : i32
        %dma_wait3A_927 = arith.constant 0 : i32
        %dma_wait3A_928 = arith.constant 0 : i32
        %dma_wait3A_929 = tpu.memref_slice %arg12[%dma_wait3A_925, %dma_wait3A_927, %dma_wait3A_928] : memref<4x64x128xf32, #tpu.memory_space<vmem>> -> memref<1x64x128xf32, #tpu.memory_space<vmem>>
        %dma_wait3A_930 = tpu.memref_squeeze %dma_wait3A_929 : memref<1x64x128xf32, #tpu.memory_space<vmem>> -> memref<64x128xf32, #tpu.memory_space<vmem>>
        %dma_wait3A_931 = tpu.memref_slice %arg10[%select_n3A_906, %mul3A_924] : memref<81x128xi32, #tpu.memory_space<vmem>> -> memref<1x64xi32, #tpu.memory_space<vmem>>
        %dma_wait3A_932 = tpu.memref_squeeze %dma_wait3A_931 : memref<1x64xi32, #tpu.memory_space<vmem>> -> memref<64xi32, #tpu.memory_space<vmem>>
        %dma_wait3A_933 = arith.constant 0 : i32
        %dma_wait3A_934 = arith.constant 0 : i32
        %dma_wait3A_935 = tpu.memref_slice %arg2[%dma_wait3A_933, %dma_wait3A_934] : memref<10240x128xf32, #tpu.memory_space<hbm>> -> memref<10240x128xf32, #tpu.memory_space<hbm>>
        %dma_wait3A_936 = tpu.memref_slice %arg13[%dma_wait3A_926] : memref<4x!tpu.dma_semaphore, #tpu.memory_space<semaphore_mem>> -> memref<1x!tpu.dma_semaphore, #tpu.memory_space<semaphore_mem>>
        %dma_wait3A_937 = tpu.memref_squeeze %dma_wait3A_936 : memref<1x!tpu.dma_semaphore, #tpu.memory_space<semaphore_mem>> -> memref<!tpu.dma_semaphore, #tpu.memory_space<semaphore_mem>>
        tpu.wait_indirect_dma semaphore(%dma_wait3A_937 : memref<!tpu.dma_semaphore, #tpu.memory_space<semaphore_mem>>) src(%dma_wait3A_935 : memref<10240x128xf32, #tpu.memory_space<hbm>>) dst(%dma_wait3A_930 : memref<64x128xf32, #tpu.memory_space<vmem>>)
        %dma_wait3A_938 = arith.constant 2 : i32
        %dma_wait3A_939 = arith.constant 2 : i32
        %dma_wait3A_940 = arith.constant 0 : i32
        %dma_wait3A_941 = tpu.memref_slice %arg11[%dma_wait3A_938, %dma_wait3A_940] : memref<4x64xi32, #tpu.memory_space<vmem>> -> memref<1x64xi32, #tpu.memory_space<vmem>>
        %dma_wait3A_942 = tpu.memref_squeeze %dma_wait3A_941 : memref<1x64xi32, #tpu.memory_space<vmem>> -> memref<64xi32, #tpu.memory_space<vmem>>
        %dma_wait3A_943 = arith.constant 0 : i32
        %dma_wait3A_944 = tpu.memref_slice %arg5[%arg1, %add3A_882, %dma_wait3A_943] : memref<16x162x64xi32, #tpu.memory_space<hbm>> -> memref<1x1x64xi32, #tpu.memory_space<hbm>>
        %dma_wait3A_945 = tpu.memref_squeeze %dma_wait3A_944 : memref<1x1x64xi32, #tpu.memory_space<hbm>> -> memref<64xi32, #tpu.memory_space<hbm>>
        %dma_wait3A_946 = tpu.memref_slice %arg14[%dma_wait3A_939] : memref<4x!tpu.dma_semaphore, #tpu.memory_space<semaphore_mem>> -> memref<1x!tpu.dma_semaphore, #tpu.memory_space<semaphore_mem>>
        %dma_wait3A_947 = tpu.memref_squeeze %dma_wait3A_946 : memref<1x!tpu.dma_semaphore, #tpu.memory_space<semaphore_mem>> -> memref<!tpu.dma_semaphore, #tpu.memory_space<semaphore_mem>>
        %dma_wait3A_948 = arith.constant 0 : i32
        %dma_wait3A_949 = tpu.memref_slice %arg11[%dma_wait3A_938, %dma_wait3A_948] : memref<4x64xi32, #tpu.memory_space<vmem>> -> memref<1x64xi32, #tpu.memory_space<vmem>>
        %dma_wait3A_950 = tpu.memref_squeeze %dma_wait3A_949 : memref<1x64xi32, #tpu.memory_space<vmem>> -> memref<64xi32, #tpu.memory_space<vmem>>
        %dma_wait3A_951 = arith.constant 0 : i32
        %dma_wait3A_952 = tpu.memref_slice %arg5[%arg1, %add3A_882, %dma_wait3A_951] : memref<16x162x64xi32, #tpu.memory_space<hbm>> -> memref<1x1x64xi32, #tpu.memory_space<hbm>>
        %dma_wait3A_953 = tpu.memref_squeeze %dma_wait3A_952 : memref<1x1x64xi32, #tpu.memory_space<hbm>> -> memref<64xi32, #tpu.memory_space<hbm>>
        tpu.wait_dma2 semaphore(%dma_wait3A_947 : memref<!tpu.dma_semaphore, #tpu.memory_space<semaphore_mem>>) src(%dma_wait3A_953 : memref<64xi32, #tpu.memory_space<hbm>>) dst(%dma_wait3A_950 : memref<64xi32, #tpu.memory_space<vmem>>)
        %dma_start3A_954 = arith.constant 2 : i32
        %dma_start3A_955 = arith.constant 2 : i32
        %dma_start3A_956 = arith.constant 2 : i32
        %dma_start3A_957 = arith.constant 0 : i32
        %dma_start3A_958 = arith.constant 0 : i32
        %dma_start3A_959 = tpu.memref_slice %arg12[%dma_start3A_954, %dma_start3A_957, %dma_start3A_958] : memref<4x64x128xf32, #tpu.memory_space<vmem>> -> memref<1x64x128xf32, #tpu.memory_space<vmem>>
        %dma_start3A_960 = tpu.memref_squeeze %dma_start3A_959 : memref<1x64x128xf32, #tpu.memory_space<vmem>> -> memref<64x128xf32, #tpu.memory_space<vmem>>
        %dma_start3A_961 = arith.constant 0 : i32
        %dma_start3A_962 = tpu.memref_slice %arg11[%dma_start3A_955, %dma_start3A_961] : memref<4x64xi32, #tpu.memory_space<vmem>> -> memref<1x64xi32, #tpu.memory_space<vmem>>
        %dma_start3A_963 = tpu.memref_squeeze %dma_start3A_962 : memref<1x64xi32, #tpu.memory_space<vmem>> -> memref<64xi32, #tpu.memory_space<vmem>>
        %dma_start3A_964 = arith.constant 0 : i32
        %dma_start3A_965 = arith.constant 0 : i32
        %dma_start3A_966 = tpu.memref_slice %arg16[%dma_start3A_964, %dma_start3A_965] : memref<10240x128xf32, #tpu.memory_space<vmem_shared>> -> memref<10240x128xf32, #tpu.memory_space<vmem_shared>>
        %dma_start3A_967 = tpu.memref_slice %arg15[%dma_start3A_956] : memref<4x!tpu.dma_semaphore, #tpu.memory_space<semaphore_mem>> -> memref<1x!tpu.dma_semaphore, #tpu.memory_space<semaphore_mem>>
        %dma_start3A_968 = tpu.memref_squeeze %dma_start3A_967 : memref<1x!tpu.dma_semaphore, #tpu.memory_space<semaphore_mem>> -> memref<!tpu.dma_semaphore, #tpu.memory_space<semaphore_mem>>
        tpu.enqueue_indirect_dma source(%dma_start3A_960 : memref<64x128xf32, #tpu.memory_space<vmem>>) target(%dma_start3A_966 : memref<10240x128xf32, #tpu.memory_space<vmem_shared>>) offsets(%dma_start3A_963 : memref<64xi32, #tpu.memory_space<vmem>>) semaphore(%dma_start3A_968 : memref<!tpu.dma_semaphore, #tpu.memory_space<semaphore_mem>>) {add = true}
        %dma_wait3A_969 = arith.constant 0 : i32
        %dma_wait3A_970 = arith.constant 0 : i32
        %dma_wait3A_971 = arith.constant 0 : i32
        %dma_wait3A_972 = arith.constant 0 : i32
        %dma_wait3A_973 = arith.constant 0 : i32
        %dma_wait3A_974 = tpu.memref_slice %arg12[%dma_wait3A_969, %dma_wait3A_972, %dma_wait3A_973] : memref<4x64x128xf32, #tpu.memory_space<vmem>> -> memref<1x64x128xf32, #tpu.memory_space<vmem>>
        %dma_wait3A_975 = tpu.memref_squeeze %dma_wait3A_974 : memref<1x64x128xf32, #tpu.memory_space<vmem>> -> memref<64x128xf32, #tpu.memory_space<vmem>>
        %dma_wait3A_976 = arith.constant 0 : i32
        %dma_wait3A_977 = tpu.memref_slice %arg11[%dma_wait3A_970, %dma_wait3A_976] : memref<4x64xi32, #tpu.memory_space<vmem>> -> memref<1x64xi32, #tpu.memory_space<vmem>>
        %dma_wait3A_978 = tpu.memref_squeeze %dma_wait3A_977 : memref<1x64xi32, #tpu.memory_space<vmem>> -> memref<64xi32, #tpu.memory_space<vmem>>
        %dma_wait3A_979 = arith.constant 0 : i32
        %dma_wait3A_980 = arith.constant 0 : i32
        %dma_wait3A_981 = tpu.memref_slice %arg16[%dma_wait3A_979, %dma_wait3A_980] : memref<10240x128xf32, #tpu.memory_space<vmem_shared>> -> memref<10240x128xf32, #tpu.memory_space<vmem_shared>>
        %dma_wait3A_982 = tpu.memref_slice %arg15[%dma_wait3A_971] : memref<4x!tpu.dma_semaphore, #tpu.memory_space<semaphore_mem>> -> memref<1x!tpu.dma_semaphore, #tpu.memory_space<semaphore_mem>>
        %dma_wait3A_983 = tpu.memref_squeeze %dma_wait3A_982 : memref<1x!tpu.dma_semaphore, #tpu.memory_space<semaphore_mem>> -> memref<!tpu.dma_semaphore, #tpu.memory_space<semaphore_mem>>
        tpu.wait_indirect_dma semaphore(%dma_wait3A_983 : memref<!tpu.dma_semaphore, #tpu.memory_space<semaphore_mem>>) src(%dma_wait3A_975 : memref<64x128xf32, #tpu.memory_space<vmem>>) dst(%dma_wait3A_981 : memref<10240x128xf32, #tpu.memory_space<vmem_shared>>)
        %add3A_984 = arith.constant 2 : i32
        %add3A_985 = arith.addi %add3A_882, %add3A_984 : i32
        %dma_start3A_986 = arith.constant 0 : i32
        %dma_start3A_987 = arith.constant 0 : i32
        %dma_start3A_988 = arith.constant 0 : i32
        %dma_start3A_989 = tpu.memref_slice %arg11[%dma_start3A_986, %dma_start3A_988] : memref<4x64xi32, #tpu.memory_space<vmem>> -> memref<1x64xi32, #tpu.memory_space<vmem>>
        %dma_start3A_990 = tpu.memref_squeeze %dma_start3A_989 : memref<1x64xi32, #tpu.memory_space<vmem>> -> memref<64xi32, #tpu.memory_space<vmem>>
        %dma_start3A_991 = arith.constant 0 : i32
        %dma_start3A_992 = tpu.memref_slice %arg5[%arg1, %add3A_985, %dma_start3A_991] : memref<16x162x64xi32, #tpu.memory_space<hbm>> -> memref<1x1x64xi32, #tpu.memory_space<hbm>>
        %dma_start3A_993 = tpu.memref_squeeze %dma_start3A_992 : memref<1x1x64xi32, #tpu.memory_space<hbm>> -> memref<64xi32, #tpu.memory_space<hbm>>
        %dma_start3A_994 = tpu.memref_slice %arg14[%dma_start3A_987] : memref<4x!tpu.dma_semaphore, #tpu.memory_space<semaphore_mem>> -> memref<1x!tpu.dma_semaphore, #tpu.memory_space<semaphore_mem>>
        %dma_start3A_995 = tpu.memref_squeeze %dma_start3A_994 : memref<1x!tpu.dma_semaphore, #tpu.memory_space<semaphore_mem>> -> memref<!tpu.dma_semaphore, #tpu.memory_space<semaphore_mem>>
        %dma_start3A_996 = arith.constant 0 : i32
        %dma_start3A_997 = tpu.memref_slice %arg11[%dma_start3A_986, %dma_start3A_996] : memref<4x64xi32, #tpu.memory_space<vmem>> -> memref<1x64xi32, #tpu.memory_space<vmem>>
        %dma_start3A_998 = tpu.memref_squeeze %dma_start3A_997 : memref<1x64xi32, #tpu.memory_space<vmem>> -> memref<64xi32, #tpu.memory_space<vmem>>
        %dma_start3A_999 = arith.constant 0 : i32
        %dma_start3A_1000 = tpu.memref_slice %arg5[%arg1, %add3A_985, %dma_start3A_999] : memref<16x162x64xi32, #tpu.memory_space<hbm>> -> memref<1x1x64xi32, #tpu.memory_space<hbm>>
        %dma_start3A_1001 = tpu.memref_squeeze %dma_start3A_1000 : memref<1x1x64xi32, #tpu.memory_space<hbm>> -> memref<64xi32, #tpu.memory_space<hbm>>
        tpu.enqueue_dma source(%dma_start3A_1001 : memref<64xi32, #tpu.memory_space<hbm>>) target(%dma_start3A_998 : memref<64xi32, #tpu.memory_space<vmem>>) target_semaphore(%dma_start3A_995 : memref<!tpu.dma_semaphore, #tpu.memory_space<semaphore_mem>>)
        %jit3A_1002 = arith.constant 2 : i32
        %div3A_1003 = arith.divsi %add3A_985, %jit3A_1002 : i32
        %sign3A_1004 = arith.constant 0 : i32
        %sign3A_1005 = arith.cmpi sgt, %add3A_985, %sign3A_1004 : i32
        %sign3A_1006 = arith.extui %sign3A_1005 : i1 to i32
        %sign3A_1007 = arith.constant 0 : i32
        %sign3A_1008 = arith.cmpi slt, %add3A_985, %sign3A_1007 : i32
        %sign3A_1009 = arith.extui %sign3A_1008 : i1 to i32
        %sign3A_1010 = arith.subi %sign3A_1006, %sign3A_1009 : i32
        %sign3A_1011 = arith.constant 0 : i32
        %sign3A_1012 = arith.cmpi sgt, %jit3A_1002, %sign3A_1011 : i32
        %sign3A_1013 = arith.extui %sign3A_1012 : i1 to i32
        %sign3A_1014 = arith.constant 0 : i32
        %sign3A_1015 = arith.cmpi slt, %jit3A_1002, %sign3A_1014 : i32
        %sign3A_1016 = arith.extui %sign3A_1015 : i1 to i32
        %sign3A_1017 = arith.subi %sign3A_1013, %sign3A_1016 : i32
        %ne3A_1018 = arith.cmpi ne, %sign3A_1010, %sign3A_1017 : i32
        %rem3A_1019 = arith.remsi %add3A_985, %jit3A_1002 : i32
        %ne3A_1020 = arith.constant 0 : i32
        %ne3A_1021 = arith.cmpi ne, %rem3A_1019, %ne3A_1020 : i32
        %and3A_1022 = arith.andi %ne3A_1018, %ne3A_1021 : i1
        %sub3A_1023 = arith.constant 1 : i32
        %sub3A_1024 = arith.subi %div3A_1003, %sub3A_1023 : i32
        %select_n3A_1025 = arith.select %and3A_1022, %sub3A_1024, %div3A_1003 : i32
        %jit3A_1026 = arith.constant 2 : i32
        %eq3A_1027 = arith.constant 0 : i32
        %eq3A_1028 = arith.cmpi eq, %jit3A_1026, %eq3A_1027 : i32
        %jit3A_1029 = arith.constant 1 : i32
        %select_n3A_1030 = arith.select %eq3A_1028, %jit3A_1029, %jit3A_1026 : i32
        %rem3A_1031 = arith.remsi %add3A_985, %select_n3A_1030 : i32
        %ne3A_1032 = arith.constant 0 : i32
        %ne3A_1033 = arith.cmpi ne, %rem3A_1031, %ne3A_1032 : i32
        %lt3A_1034 = arith.constant 0 : i32
        %lt3A_1035 = arith.cmpi slt, %rem3A_1031, %lt3A_1034 : i32
        %lt3A_1036 = arith.constant 0 : i32
        %lt3A_1037 = arith.cmpi slt, %select_n3A_1030, %lt3A_1036 : i32
        %ne3A_1038 = arith.xori %lt3A_1035, %lt3A_1037 : i1
        %and3A_1039 = arith.andi %ne3A_1038, %ne3A_1033 : i1
        %add3A_1040 = arith.addi %rem3A_1031, %select_n3A_1030 : i32
        %select_n3A_1041 = arith.select %and3A_1039, %add3A_1040, %rem3A_1031 : i32
        %mul3A_1042 = arith.constant 64 : i32
        %mul3A_1043 = arith.muli %select_n3A_1041, %mul3A_1042 : i32
        %dma_start3A_1044 = arith.constant 0 : i32
        %dma_start3A_1045 = arith.constant 0 : i32
        %dma_start3A_1046 = arith.constant 0 : i32
        %dma_start3A_1047 = arith.constant 0 : i32
        %dma_start3A_1048 = tpu.memref_slice %arg12[%dma_start3A_1044, %dma_start3A_1046, %dma_start3A_1047] : memref<4x64x128xf32, #tpu.memory_space<vmem>> -> memref<1x64x128xf32, #tpu.memory_space<vmem>>
        %dma_start3A_1049 = tpu.memref_squeeze %dma_start3A_1048 : memref<1x64x128xf32, #tpu.memory_space<vmem>> -> memref<64x128xf32, #tpu.memory_space<vmem>>
        %dma_start3A_1050 = tpu.memref_slice %arg10[%select_n3A_1025, %mul3A_1043] : memref<81x128xi32, #tpu.memory_space<vmem>> -> memref<1x64xi32, #tpu.memory_space<vmem>>
        %dma_start3A_1051 = tpu.memref_squeeze %dma_start3A_1050 : memref<1x64xi32, #tpu.memory_space<vmem>> -> memref<64xi32, #tpu.memory_space<vmem>>
        %dma_start3A_1052 = arith.constant 0 : i32
        %dma_start3A_1053 = arith.constant 0 : i32
        %dma_start3A_1054 = tpu.memref_slice %arg2[%dma_start3A_1052, %dma_start3A_1053] : memref<10240x128xf32, #tpu.memory_space<hbm>> -> memref<10240x128xf32, #tpu.memory_space<hbm>>
        %dma_start3A_1055 = tpu.memref_slice %arg13[%dma_start3A_1045] : memref<4x!tpu.dma_semaphore, #tpu.memory_space<semaphore_mem>> -> memref<1x!tpu.dma_semaphore, #tpu.memory_space<semaphore_mem>>
        %dma_start3A_1056 = tpu.memref_squeeze %dma_start3A_1055 : memref<1x!tpu.dma_semaphore, #tpu.memory_space<semaphore_mem>> -> memref<!tpu.dma_semaphore, #tpu.memory_space<semaphore_mem>>
        tpu.enqueue_indirect_dma source(%dma_start3A_1054 : memref<10240x128xf32, #tpu.memory_space<hbm>>) target(%dma_start3A_1049 : memref<64x128xf32, #tpu.memory_space<vmem>>) offsets(%dma_start3A_1051 : memref<64xi32, #tpu.memory_space<vmem>>) semaphore(%dma_start3A_1056 : memref<!tpu.dma_semaphore, #tpu.memory_space<semaphore_mem>>)
        %add3A_1057 = arith.constant 3 : i32
        %add3A_1058 = arith.addi %mul3A_538, %add3A_1057 : i32
        %jit3A_1059 = arith.constant 2 : i32
        %div3A_1060 = arith.divsi %add3A_1058, %jit3A_1059 : i32
        %sign3A_1061 = arith.constant 0 : i32
        %sign3A_1062 = arith.cmpi sgt, %add3A_1058, %sign3A_1061 : i32
        %sign3A_1063 = arith.extui %sign3A_1062 : i1 to i32
        %sign3A_1064 = arith.constant 0 : i32
        %sign3A_1065 = arith.cmpi slt, %add3A_1058, %sign3A_1064 : i32
        %sign3A_1066 = arith.extui %sign3A_1065 : i1 to i32
        %sign3A_1067 = arith.subi %sign3A_1063, %sign3A_1066 : i32
        %sign3A_1068 = arith.constant 0 : i32
        %sign3A_1069 = arith.cmpi sgt, %jit3A_1059, %sign3A_1068 : i32
        %sign3A_1070 = arith.extui %sign3A_1069 : i1 to i32
        %sign3A_1071 = arith.constant 0 : i32
        %sign3A_1072 = arith.cmpi slt, %jit3A_1059, %sign3A_1071 : i32
        %sign3A_1073 = arith.extui %sign3A_1072 : i1 to i32
        %sign3A_1074 = arith.subi %sign3A_1070, %sign3A_1073 : i32
        %ne3A_1075 = arith.cmpi ne, %sign3A_1067, %sign3A_1074 : i32
        %rem3A_1076 = arith.remsi %add3A_1058, %jit3A_1059 : i32
        %ne3A_1077 = arith.constant 0 : i32
        %ne3A_1078 = arith.cmpi ne, %rem3A_1076, %ne3A_1077 : i32
        %and3A_1079 = arith.andi %ne3A_1075, %ne3A_1078 : i1
        %sub3A_1080 = arith.constant 1 : i32
        %sub3A_1081 = arith.subi %div3A_1060, %sub3A_1080 : i32
        %select_n3A_1082 = arith.select %and3A_1079, %sub3A_1081, %div3A_1060 : i32
        %jit3A_1083 = arith.constant 2 : i32
        %eq3A_1084 = arith.constant 0 : i32
        %eq3A_1085 = arith.cmpi eq, %jit3A_1083, %eq3A_1084 : i32
        %jit3A_1086 = arith.constant 1 : i32
        %select_n3A_1087 = arith.select %eq3A_1085, %jit3A_1086, %jit3A_1083 : i32
        %rem3A_1088 = arith.remsi %add3A_1058, %select_n3A_1087 : i32
        %ne3A_1089 = arith.constant 0 : i32
        %ne3A_1090 = arith.cmpi ne, %rem3A_1088, %ne3A_1089 : i32
        %lt3A_1091 = arith.constant 0 : i32
        %lt3A_1092 = arith.cmpi slt, %rem3A_1088, %lt3A_1091 : i32
        %lt3A_1093 = arith.constant 0 : i32
        %lt3A_1094 = arith.cmpi slt, %select_n3A_1087, %lt3A_1093 : i32
        %ne3A_1095 = arith.xori %lt3A_1092, %lt3A_1094 : i1
        %and3A_1096 = arith.andi %ne3A_1095, %ne3A_1090 : i1
        %add3A_1097 = arith.addi %rem3A_1088, %select_n3A_1087 : i32
        %select_n3A_1098 = arith.select %and3A_1096, %add3A_1097, %rem3A_1088 : i32
        %mul3A_1099 = arith.constant 64 : i32
        %mul3A_1100 = arith.muli %select_n3A_1098, %mul3A_1099 : i32
        %dma_wait3A_1101 = arith.constant 3 : i32
        %dma_wait3A_1102 = arith.constant 3 : i32
        %dma_wait3A_1103 = arith.constant 0 : i32
        %dma_wait3A_1104 = arith.constant 0 : i32
        %dma_wait3A_1105 = tpu.memref_slice %arg12[%dma_wait3A_1101, %dma_wait3A_1103, %dma_wait3A_1104] : memref<4x64x128xf32, #tpu.memory_space<vmem>> -> memref<1x64x128xf32, #tpu.memory_space<vmem>>
        %dma_wait3A_1106 = tpu.memref_squeeze %dma_wait3A_1105 : memref<1x64x128xf32, #tpu.memory_space<vmem>> -> memref<64x128xf32, #tpu.memory_space<vmem>>
        %dma_wait3A_1107 = tpu.memref_slice %arg10[%select_n3A_1082, %mul3A_1100] : memref<81x128xi32, #tpu.memory_space<vmem>> -> memref<1x64xi32, #tpu.memory_space<vmem>>
        %dma_wait3A_1108 = tpu.memref_squeeze %dma_wait3A_1107 : memref<1x64xi32, #tpu.memory_space<vmem>> -> memref<64xi32, #tpu.memory_space<vmem>>
        %dma_wait3A_1109 = arith.constant 0 : i32
        %dma_wait3A_1110 = arith.constant 0 : i32
        %dma_wait3A_1111 = tpu.memref_slice %arg2[%dma_wait3A_1109, %dma_wait3A_1110] : memref<10240x128xf32, #tpu.memory_space<hbm>> -> memref<10240x128xf32, #tpu.memory_space<hbm>>
        %dma_wait3A_1112 = tpu.memref_slice %arg13[%dma_wait3A_1102] : memref<4x!tpu.dma_semaphore, #tpu.memory_space<semaphore_mem>> -> memref<1x!tpu.dma_semaphore, #tpu.memory_space<semaphore_mem>>
        %dma_wait3A_1113 = tpu.memref_squeeze %dma_wait3A_1112 : memref<1x!tpu.dma_semaphore, #tpu.memory_space<semaphore_mem>> -> memref<!tpu.dma_semaphore, #tpu.memory_space<semaphore_mem>>
        tpu.wait_indirect_dma semaphore(%dma_wait3A_1113 : memref<!tpu.dma_semaphore, #tpu.memory_space<semaphore_mem>>) src(%dma_wait3A_1111 : memref<10240x128xf32, #tpu.memory_space<hbm>>) dst(%dma_wait3A_1106 : memref<64x128xf32, #tpu.memory_space<vmem>>)
        %dma_wait3A_1114 = arith.constant 3 : i32
        %dma_wait3A_1115 = arith.constant 3 : i32
        %dma_wait3A_1116 = arith.constant 0 : i32
        %dma_wait3A_1117 = tpu.memref_slice %arg11[%dma_wait3A_1114, %dma_wait3A_1116] : memref<4x64xi32, #tpu.memory_space<vmem>> -> memref<1x64xi32, #tpu.memory_space<vmem>>
        %dma_wait3A_1118 = tpu.memref_squeeze %dma_wait3A_1117 : memref<1x64xi32, #tpu.memory_space<vmem>> -> memref<64xi32, #tpu.memory_space<vmem>>
        %dma_wait3A_1119 = arith.constant 0 : i32
        %dma_wait3A_1120 = tpu.memref_slice %arg5[%arg1, %add3A_1058, %dma_wait3A_1119] : memref<16x162x64xi32, #tpu.memory_space<hbm>> -> memref<1x1x64xi32, #tpu.memory_space<hbm>>
        %dma_wait3A_1121 = tpu.memref_squeeze %dma_wait3A_1120 : memref<1x1x64xi32, #tpu.memory_space<hbm>> -> memref<64xi32, #tpu.memory_space<hbm>>
        %dma_wait3A_1122 = tpu.memref_slice %arg14[%dma_wait3A_1115] : memref<4x!tpu.dma_semaphore, #tpu.memory_space<semaphore_mem>> -> memref<1x!tpu.dma_semaphore, #tpu.memory_space<semaphore_mem>>
        %dma_wait3A_1123 = tpu.memref_squeeze %dma_wait3A_1122 : memref<1x!tpu.dma_semaphore, #tpu.memory_space<semaphore_mem>> -> memref<!tpu.dma_semaphore, #tpu.memory_space<semaphore_mem>>
        %dma_wait3A_1124 = arith.constant 0 : i32
        %dma_wait3A_1125 = tpu.memref_slice %arg11[%dma_wait3A_1114, %dma_wait3A_1124] : memref<4x64xi32, #tpu.memory_space<vmem>> -> memref<1x64xi32, #tpu.memory_space<vmem>>
        %dma_wait3A_1126 = tpu.memref_squeeze %dma_wait3A_1125 : memref<1x64xi32, #tpu.memory_space<vmem>> -> memref<64xi32, #tpu.memory_space<vmem>>
        %dma_wait3A_1127 = arith.constant 0 : i32
        %dma_wait3A_1128 = tpu.memref_slice %arg5[%arg1, %add3A_1058, %dma_wait3A_1127] : memref<16x162x64xi32, #tpu.memory_space<hbm>> -> memref<1x1x64xi32, #tpu.memory_space<hbm>>
        %dma_wait3A_1129 = tpu.memref_squeeze %dma_wait3A_1128 : memref<1x1x64xi32, #tpu.memory_space<hbm>> -> memref<64xi32, #tpu.memory_space<hbm>>
        tpu.wait_dma2 semaphore(%dma_wait3A_1123 : memref<!tpu.dma_semaphore, #tpu.memory_space<semaphore_mem>>) src(%dma_wait3A_1129 : memref<64xi32, #tpu.memory_space<hbm>>) dst(%dma_wait3A_1126 : memref<64xi32, #tpu.memory_space<vmem>>)
        %dma_start3A_1130 = arith.constant 3 : i32
        %dma_start3A_1131 = arith.constant 3 : i32
        %dma_start3A_1132 = arith.constant 3 : i32
        %dma_start3A_1133 = arith.constant 0 : i32
        %dma_start3A_1134 = arith.constant 0 : i32
        %dma_start3A_1135 = tpu.memref_slice %arg12[%dma_start3A_1130, %dma_start3A_1133, %dma_start3A_1134] : memref<4x64x128xf32, #tpu.memory_space<vmem>> -> memref<1x64x128xf32, #tpu.memory_space<vmem>>
        %dma_start3A_1136 = tpu.memref_squeeze %dma_start3A_1135 : memref<1x64x128xf32, #tpu.memory_space<vmem>> -> memref<64x128xf32, #tpu.memory_space<vmem>>
        %dma_start3A_1137 = arith.constant 0 : i32
        %dma_start3A_1138 = tpu.memref_slice %arg11[%dma_start3A_1131, %dma_start3A_1137] : memref<4x64xi32, #tpu.memory_space<vmem>> -> memref<1x64xi32, #tpu.memory_space<vmem>>
        %dma_start3A_1139 = tpu.memref_squeeze %dma_start3A_1138 : memref<1x64xi32, #tpu.memory_space<vmem>> -> memref<64xi32, #tpu.memory_space<vmem>>
        %dma_start3A_1140 = arith.constant 0 : i32
        %dma_start3A_1141 = arith.constant 0 : i32
        %dma_start3A_1142 = tpu.memref_slice %arg16[%dma_start3A_1140, %dma_start3A_1141] : memref<10240x128xf32, #tpu.memory_space<vmem_shared>> -> memref<10240x128xf32, #tpu.memory_space<vmem_shared>>
        %dma_start3A_1143 = tpu.memref_slice %arg15[%dma_start3A_1132] : memref<4x!tpu.dma_semaphore, #tpu.memory_space<semaphore_mem>> -> memref<1x!tpu.dma_semaphore, #tpu.memory_space<semaphore_mem>>
        %dma_start3A_1144 = tpu.memref_squeeze %dma_start3A_1143 : memref<1x!tpu.dma_semaphore, #tpu.memory_space<semaphore_mem>> -> memref<!tpu.dma_semaphore, #tpu.memory_space<semaphore_mem>>
        tpu.enqueue_indirect_dma source(%dma_start3A_1136 : memref<64x128xf32, #tpu.memory_space<vmem>>) target(%dma_start3A_1142 : memref<10240x128xf32, #tpu.memory_space<vmem_shared>>) offsets(%dma_start3A_1139 : memref<64xi32, #tpu.memory_space<vmem>>) semaphore(%dma_start3A_1144 : memref<!tpu.dma_semaphore, #tpu.memory_space<semaphore_mem>>) {add = true}
        %dma_wait3A_1145 = arith.constant 1 : i32
        %dma_wait3A_1146 = arith.constant 1 : i32
        %dma_wait3A_1147 = arith.constant 1 : i32
        %dma_wait3A_1148 = arith.constant 0 : i32
        %dma_wait3A_1149 = arith.constant 0 : i32
        %dma_wait3A_1150 = tpu.memref_slice %arg12[%dma_wait3A_1145, %dma_wait3A_1148, %dma_wait3A_1149] : memref<4x64x128xf32, #tpu.memory_space<vmem>> -> memref<1x64x128xf32, #tpu.memory_space<vmem>>
        %dma_wait3A_1151 = tpu.memref_squeeze %dma_wait3A_1150 : memref<1x64x128xf32, #tpu.memory_space<vmem>> -> memref<64x128xf32, #tpu.memory_space<vmem>>
        %dma_wait3A_1152 = arith.constant 0 : i32
        %dma_wait3A_1153 = tpu.memref_slice %arg11[%dma_wait3A_1146, %dma_wait3A_1152] : memref<4x64xi32, #tpu.memory_space<vmem>> -> memref<1x64xi32, #tpu.memory_space<vmem>>
        %dma_wait3A_1154 = tpu.memref_squeeze %dma_wait3A_1153 : memref<1x64xi32, #tpu.memory_space<vmem>> -> memref<64xi32, #tpu.memory_space<vmem>>
        %dma_wait3A_1155 = arith.constant 0 : i32
        %dma_wait3A_1156 = arith.constant 0 : i32
        %dma_wait3A_1157 = tpu.memref_slice %arg16[%dma_wait3A_1155, %dma_wait3A_1156] : memref<10240x128xf32, #tpu.memory_space<vmem_shared>> -> memref<10240x128xf32, #tpu.memory_space<vmem_shared>>
        %dma_wait3A_1158 = tpu.memref_slice %arg15[%dma_wait3A_1147] : memref<4x!tpu.dma_semaphore, #tpu.memory_space<semaphore_mem>> -> memref<1x!tpu.dma_semaphore, #tpu.memory_space<semaphore_mem>>
        %dma_wait3A_1159 = tpu.memref_squeeze %dma_wait3A_1158 : memref<1x!tpu.dma_semaphore, #tpu.memory_space<semaphore_mem>> -> memref<!tpu.dma_semaphore, #tpu.memory_space<semaphore_mem>>
        tpu.wait_indirect_dma semaphore(%dma_wait3A_1159 : memref<!tpu.dma_semaphore, #tpu.memory_space<semaphore_mem>>) src(%dma_wait3A_1151 : memref<64x128xf32, #tpu.memory_space<vmem>>) dst(%dma_wait3A_1157 : memref<10240x128xf32, #tpu.memory_space<vmem_shared>>)
        %add3A_1160 = arith.constant 2 : i32
        %add3A_1161 = arith.addi %add3A_1058, %add3A_1160 : i32
        %dma_start3A_1162 = arith.constant 1 : i32
        %dma_start3A_1163 = arith.constant 1 : i32
        %dma_start3A_1164 = arith.constant 0 : i32
        %dma_start3A_1165 = tpu.memref_slice %arg11[%dma_start3A_1162, %dma_start3A_1164] : memref<4x64xi32, #tpu.memory_space<vmem>> -> memref<1x64xi32, #tpu.memory_space<vmem>>
        %dma_start3A_1166 = tpu.memref_squeeze %dma_start3A_1165 : memref<1x64xi32, #tpu.memory_space<vmem>> -> memref<64xi32, #tpu.memory_space<vmem>>
        %dma_start3A_1167 = arith.constant 0 : i32
        %dma_start3A_1168 = tpu.memref_slice %arg5[%arg1, %add3A_1161, %dma_start3A_1167] : memref<16x162x64xi32, #tpu.memory_space<hbm>> -> memref<1x1x64xi32, #tpu.memory_space<hbm>>
        %dma_start3A_1169 = tpu.memref_squeeze %dma_start3A_1168 : memref<1x1x64xi32, #tpu.memory_space<hbm>> -> memref<64xi32, #tpu.memory_space<hbm>>
        %dma_start3A_1170 = tpu.memref_slice %arg14[%dma_start3A_1163] : memref<4x!tpu.dma_semaphore, #tpu.memory_space<semaphore_mem>> -> memref<1x!tpu.dma_semaphore, #tpu.memory_space<semaphore_mem>>
        %dma_start3A_1171 = tpu.memref_squeeze %dma_start3A_1170 : memref<1x!tpu.dma_semaphore, #tpu.memory_space<semaphore_mem>> -> memref<!tpu.dma_semaphore, #tpu.memory_space<semaphore_mem>>
        %dma_start3A_1172 = arith.constant 0 : i32
        %dma_start3A_1173 = tpu.memref_slice %arg11[%dma_start3A_1162, %dma_start3A_1172] : memref<4x64xi32, #tpu.memory_space<vmem>> -> memref<1x64xi32, #tpu.memory_space<vmem>>
        %dma_start3A_1174 = tpu.memref_squeeze %dma_start3A_1173 : memref<1x64xi32, #tpu.memory_space<vmem>> -> memref<64xi32, #tpu.memory_space<vmem>>
        %dma_start3A_1175 = arith.constant 0 : i32
        %dma_start3A_1176 = tpu.memref_slice %arg5[%arg1, %add3A_1161, %dma_start3A_1175] : memref<16x162x64xi32, #tpu.memory_space<hbm>> -> memref<1x1x64xi32, #tpu.memory_space<hbm>>
        %dma_start3A_1177 = tpu.memref_squeeze %dma_start3A_1176 : memref<1x1x64xi32, #tpu.memory_space<hbm>> -> memref<64xi32, #tpu.memory_space<hbm>>
        tpu.enqueue_dma source(%dma_start3A_1177 : memref<64xi32, #tpu.memory_space<hbm>>) target(%dma_start3A_1174 : memref<64xi32, #tpu.memory_space<vmem>>) target_semaphore(%dma_start3A_1171 : memref<!tpu.dma_semaphore, #tpu.memory_space<semaphore_mem>>)
        %jit3A_1178 = arith.constant 2 : i32
        %div3A_1179 = arith.divsi %add3A_1161, %jit3A_1178 : i32
        %sign3A_1180 = arith.constant 0 : i32
        %sign3A_1181 = arith.cmpi sgt, %add3A_1161, %sign3A_1180 : i32
        %sign3A_1182 = arith.extui %sign3A_1181 : i1 to i32
        %sign3A_1183 = arith.constant 0 : i32
        %sign3A_1184 = arith.cmpi slt, %add3A_1161, %sign3A_1183 : i32
        %sign3A_1185 = arith.extui %sign3A_1184 : i1 to i32
        %sign3A_1186 = arith.subi %sign3A_1182, %sign3A_1185 : i32
        %sign3A_1187 = arith.constant 0 : i32
        %sign3A_1188 = arith.cmpi sgt, %jit3A_1178, %sign3A_1187 : i32
        %sign3A_1189 = arith.extui %sign3A_1188 : i1 to i32
        %sign3A_1190 = arith.constant 0 : i32
        %sign3A_1191 = arith.cmpi slt, %jit3A_1178, %sign3A_1190 : i32
        %sign3A_1192 = arith.extui %sign3A_1191 : i1 to i32
        %sign3A_1193 = arith.subi %sign3A_1189, %sign3A_1192 : i32
        %ne3A_1194 = arith.cmpi ne, %sign3A_1186, %sign3A_1193 : i32
        %rem3A_1195 = arith.remsi %add3A_1161, %jit3A_1178 : i32
        %ne3A_1196 = arith.constant 0 : i32
        %ne3A_1197 = arith.cmpi ne, %rem3A_1195, %ne3A_1196 : i32
        %and3A_1198 = arith.andi %ne3A_1194, %ne3A_1197 : i1
        %sub3A_1199 = arith.constant 1 : i32
        %sub3A_1200 = arith.subi %div3A_1179, %sub3A_1199 : i32
        %select_n3A_1201 = arith.select %and3A_1198, %sub3A_1200, %div3A_1179 : i32
        %jit3A_1202 = arith.constant 2 : i32
        %eq3A_1203 = arith.constant 0 : i32
        %eq3A_1204 = arith.cmpi eq, %jit3A_1202, %eq3A_1203 : i32
        %jit3A_1205 = arith.constant 1 : i32
        %select_n3A_1206 = arith.select %eq3A_1204, %jit3A_1205, %jit3A_1202 : i32
        %rem3A_1207 = arith.remsi %add3A_1161, %select_n3A_1206 : i32
        %ne3A_1208 = arith.constant 0 : i32
        %ne3A_1209 = arith.cmpi ne, %rem3A_1207, %ne3A_1208 : i32
        %lt3A_1210 = arith.constant 0 : i32
        %lt3A_1211 = arith.cmpi slt, %rem3A_1207, %lt3A_1210 : i32
        %lt3A_1212 = arith.constant 0 : i32
        %lt3A_1213 = arith.cmpi slt, %select_n3A_1206, %lt3A_1212 : i32
        %ne3A_1214 = arith.xori %lt3A_1211, %lt3A_1213 : i1
        %and3A_1215 = arith.andi %ne3A_1214, %ne3A_1209 : i1
        %add3A_1216 = arith.addi %rem3A_1207, %select_n3A_1206 : i32
        %select_n3A_1217 = arith.select %and3A_1215, %add3A_1216, %rem3A_1207 : i32
        %mul3A_1218 = arith.constant 64 : i32
        %mul3A_1219 = arith.muli %select_n3A_1217, %mul3A_1218 : i32
        %dma_start3A_1220 = arith.constant 1 : i32
        %dma_start3A_1221 = arith.constant 1 : i32
        %dma_start3A_1222 = arith.constant 0 : i32
        %dma_start3A_1223 = arith.constant 0 : i32
        %dma_start3A_1224 = tpu.memref_slice %arg12[%dma_start3A_1220, %dma_start3A_1222, %dma_start3A_1223] : memref<4x64x128xf32, #tpu.memory_space<vmem>> -> memref<1x64x128xf32, #tpu.memory_space<vmem>>
        %dma_start3A_1225 = tpu.memref_squeeze %dma_start3A_1224 : memref<1x64x128xf32, #tpu.memory_space<vmem>> -> memref<64x128xf32, #tpu.memory_space<vmem>>
        %dma_start3A_1226 = tpu.memref_slice %arg10[%select_n3A_1201, %mul3A_1219] : memref<81x128xi32, #tpu.memory_space<vmem>> -> memref<1x64xi32, #tpu.memory_space<vmem>>
        %dma_start3A_1227 = tpu.memref_squeeze %dma_start3A_1226 : memref<1x64xi32, #tpu.memory_space<vmem>> -> memref<64xi32, #tpu.memory_space<vmem>>
        %dma_start3A_1228 = arith.constant 0 : i32
        %dma_start3A_1229 = arith.constant 0 : i32
        %dma_start3A_1230 = tpu.memref_slice %arg2[%dma_start3A_1228, %dma_start3A_1229] : memref<10240x128xf32, #tpu.memory_space<hbm>> -> memref<10240x128xf32, #tpu.memory_space<hbm>>
        %dma_start3A_1231 = tpu.memref_slice %arg13[%dma_start3A_1221] : memref<4x!tpu.dma_semaphore, #tpu.memory_space<semaphore_mem>> -> memref<1x!tpu.dma_semaphore, #tpu.memory_space<semaphore_mem>>
        %dma_start3A_1232 = tpu.memref_squeeze %dma_start3A_1231 : memref<1x!tpu.dma_semaphore, #tpu.memory_space<semaphore_mem>> -> memref<!tpu.dma_semaphore, #tpu.memory_space<semaphore_mem>>
        tpu.enqueue_indirect_dma source(%dma_start3A_1230 : memref<10240x128xf32, #tpu.memory_space<hbm>>) target(%dma_start3A_1225 : memref<64x128xf32, #tpu.memory_space<vmem>>) offsets(%dma_start3A_1227 : memref<64xi32, #tpu.memory_space<vmem>>) semaphore(%dma_start3A_1232 : memref<!tpu.dma_semaphore, #tpu.memory_space<semaphore_mem>>)
      }
      %scan3A_441 = arith.constant 39 : i32
      %dma_wait3A_442 = arith.constant 2 : i32
      %dma_wait3A_443 = arith.constant 2 : i32
      %dma_wait3A_444 = arith.constant 2 : i32
      %dma_wait3A_445 = arith.constant 0 : i32
      %dma_wait3A_446 = arith.constant 0 : i32
      %dma_wait3A_447 = tpu.memref_slice %arg12[%dma_wait3A_442, %dma_wait3A_445, %dma_wait3A_446] : memref<4x64x128xf32, #tpu.memory_space<vmem>> -> memref<1x64x128xf32, #tpu.memory_space<vmem>>
      %dma_wait3A_448 = tpu.memref_squeeze %dma_wait3A_447 : memref<1x64x128xf32, #tpu.memory_space<vmem>> -> memref<64x128xf32, #tpu.memory_space<vmem>>
      %dma_wait3A_449 = arith.constant 0 : i32
      %dma_wait3A_450 = tpu.memref_slice %arg11[%dma_wait3A_443, %dma_wait3A_449] : memref<4x64xi32, #tpu.memory_space<vmem>> -> memref<1x64xi32, #tpu.memory_space<vmem>>
      %dma_wait3A_451 = tpu.memref_squeeze %dma_wait3A_450 : memref<1x64xi32, #tpu.memory_space<vmem>> -> memref<64xi32, #tpu.memory_space<vmem>>
      %dma_wait3A_452 = arith.constant 0 : i32
      %dma_wait3A_453 = arith.constant 0 : i32
      %dma_wait3A_454 = tpu.memref_slice %arg16[%dma_wait3A_452, %dma_wait3A_453] : memref<10240x128xf32, #tpu.memory_space<vmem_shared>> -> memref<10240x128xf32, #tpu.memory_space<vmem_shared>>
      %dma_wait3A_455 = tpu.memref_slice %arg15[%dma_wait3A_444] : memref<4x!tpu.dma_semaphore, #tpu.memory_space<semaphore_mem>> -> memref<1x!tpu.dma_semaphore, #tpu.memory_space<semaphore_mem>>
      %dma_wait3A_456 = tpu.memref_squeeze %dma_wait3A_455 : memref<1x!tpu.dma_semaphore, #tpu.memory_space<semaphore_mem>> -> memref<!tpu.dma_semaphore, #tpu.memory_space<semaphore_mem>>
      tpu.wait_indirect_dma semaphore(%dma_wait3A_456 : memref<!tpu.dma_semaphore, #tpu.memory_space<semaphore_mem>>) src(%dma_wait3A_448 : memref<64x128xf32, #tpu.memory_space<vmem>>) dst(%dma_wait3A_454 : memref<10240x128xf32, #tpu.memory_space<vmem_shared>>)
      %dma_wait3A_457 = arith.constant 3 : i32
      %dma_wait3A_458 = arith.constant 3 : i32
      %dma_wait3A_459 = arith.constant 3 : i32
      %dma_wait3A_460 = arith.constant 0 : i32
      %dma_wait3A_461 = arith.constant 0 : i32
      %dma_wait3A_462 = tpu.memref_slice %arg12[%dma_wait3A_457, %dma_wait3A_460, %dma_wait3A_461] : memref<4x64x128xf32, #tpu.memory_space<vmem>> -> memref<1x64x128xf32, #tpu.memory_space<vmem>>
      %dma_wait3A_463 = tpu.memref_squeeze %dma_wait3A_462 : memref<1x64x128xf32, #tpu.memory_space<vmem>> -> memref<64x128xf32, #tpu.memory_space<vmem>>
      %dma_wait3A_464 = arith.constant 0 : i32
      %dma_wait3A_465 = tpu.memref_slice %arg11[%dma_wait3A_458, %dma_wait3A_464] : memref<4x64xi32, #tpu.memory_space<vmem>> -> memref<1x64xi32, #tpu.memory_space<vmem>>
      %dma_wait3A_466 = tpu.memref_squeeze %dma_wait3A_465 : memref<1x64xi32, #tpu.memory_space<vmem>> -> memref<64xi32, #tpu.memory_space<vmem>>
      %dma_wait3A_467 = arith.constant 0 : i32
      %dma_wait3A_468 = arith.constant 0 : i32
      %dma_wait3A_469 = tpu.memref_slice %arg16[%dma_wait3A_467, %dma_wait3A_468] : memref<10240x128xf32, #tpu.memory_space<vmem_shared>> -> memref<10240x128xf32, #tpu.memory_space<vmem_shared>>
      %dma_wait3A_470 = tpu.memref_slice %arg15[%dma_wait3A_459] : memref<4x!tpu.dma_semaphore, #tpu.memory_space<semaphore_mem>> -> memref<1x!tpu.dma_semaphore, #tpu.memory_space<semaphore_mem>>
      %dma_wait3A_471 = tpu.memref_squeeze %dma_wait3A_470 : memref<1x!tpu.dma_semaphore, #tpu.memory_space<semaphore_mem>> -> memref<!tpu.dma_semaphore, #tpu.memory_space<semaphore_mem>>
      tpu.wait_indirect_dma semaphore(%dma_wait3A_471 : memref<!tpu.dma_semaphore, #tpu.memory_space<semaphore_mem>>) src(%dma_wait3A_463 : memref<64x128xf32, #tpu.memory_space<vmem>>) dst(%dma_wait3A_469 : memref<10240x128xf32, #tpu.memory_space<vmem_shared>>)
      %dma_wait3A_472 = arith.constant 80 : i32
      %dma_wait3A_473 = arith.constant 0 : i32
      %dma_wait3A_474 = arith.constant 0 : i32
      %dma_wait3A_475 = arith.constant 0 : i32
      %dma_wait3A_476 = arith.constant 0 : i32
      %dma_wait3A_477 = tpu.memref_slice %arg12[%dma_wait3A_473, %dma_wait3A_475, %dma_wait3A_476] : memref<4x64x128xf32, #tpu.memory_space<vmem>> -> memref<1x64x128xf32, #tpu.memory_space<vmem>>
      %dma_wait3A_478 = tpu.memref_squeeze %dma_wait3A_477 : memref<1x64x128xf32, #tpu.memory_space<vmem>> -> memref<64x128xf32, #tpu.memory_space<vmem>>
      %dma_wait3A_479 = arith.constant 0 : i32
      %dma_wait3A_480 = tpu.memref_slice %arg10[%dma_wait3A_472, %dma_wait3A_479] : memref<81x128xi32, #tpu.memory_space<vmem>> -> memref<1x64xi32, #tpu.memory_space<vmem>>
      %dma_wait3A_481 = tpu.memref_squeeze %dma_wait3A_480 : memref<1x64xi32, #tpu.memory_space<vmem>> -> memref<64xi32, #tpu.memory_space<vmem>>
      %dma_wait3A_482 = arith.constant 0 : i32
      %dma_wait3A_483 = arith.constant 0 : i32
      %dma_wait3A_484 = tpu.memref_slice %arg2[%dma_wait3A_482, %dma_wait3A_483] : memref<10240x128xf32, #tpu.memory_space<hbm>> -> memref<10240x128xf32, #tpu.memory_space<hbm>>
      %dma_wait3A_485 = tpu.memref_slice %arg13[%dma_wait3A_474] : memref<4x!tpu.dma_semaphore, #tpu.memory_space<semaphore_mem>> -> memref<1x!tpu.dma_semaphore, #tpu.memory_space<semaphore_mem>>
      %dma_wait3A_486 = tpu.memref_squeeze %dma_wait3A_485 : memref<1x!tpu.dma_semaphore, #tpu.memory_space<semaphore_mem>> -> memref<!tpu.dma_semaphore, #tpu.memory_space<semaphore_mem>>
      tpu.wait_indirect_dma semaphore(%dma_wait3A_486 : memref<!tpu.dma_semaphore, #tpu.memory_space<semaphore_mem>>) src(%dma_wait3A_484 : memref<10240x128xf32, #tpu.memory_space<hbm>>) dst(%dma_wait3A_478 : memref<64x128xf32, #tpu.memory_space<vmem>>)
      %dma_wait3A_487 = arith.constant 160 : i32
      %dma_wait3A_488 = arith.constant 0 : i32
      %dma_wait3A_489 = arith.constant 0 : i32
      %dma_wait3A_490 = arith.constant 0 : i32
      %dma_wait3A_491 = tpu.memref_slice %arg11[%dma_wait3A_488, %dma_wait3A_490] : memref<4x64xi32, #tpu.memory_space<vmem>> -> memref<1x64xi32, #tpu.memory_space<vmem>>
      %dma_wait3A_492 = tpu.memref_squeeze %dma_wait3A_491 : memref<1x64xi32, #tpu.memory_space<vmem>> -> memref<64xi32, #tpu.memory_space<vmem>>
      %dma_wait3A_493 = arith.constant 0 : i32
      %dma_wait3A_494 = tpu.memref_slice %arg5[%arg1, %dma_wait3A_487, %dma_wait3A_493] : memref<16x162x64xi32, #tpu.memory_space<hbm>> -> memref<1x1x64xi32, #tpu.memory_space<hbm>>
      %dma_wait3A_495 = tpu.memref_squeeze %dma_wait3A_494 : memref<1x1x64xi32, #tpu.memory_space<hbm>> -> memref<64xi32, #tpu.memory_space<hbm>>
      %dma_wait3A_496 = tpu.memref_slice %arg14[%dma_wait3A_489] : memref<4x!tpu.dma_semaphore, #tpu.memory_space<semaphore_mem>> -> memref<1x!tpu.dma_semaphore, #tpu.memory_space<semaphore_mem>>
      %dma_wait3A_497 = tpu.memref_squeeze %dma_wait3A_496 : memref<1x!tpu.dma_semaphore, #tpu.memory_space<semaphore_mem>> -> memref<!tpu.dma_semaphore, #tpu.memory_space<semaphore_mem>>
      %dma_wait3A_498 = arith.constant 0 : i32
      %dma_wait3A_499 = tpu.memref_slice %arg11[%dma_wait3A_488, %dma_wait3A_498] : memref<4x64xi32, #tpu.memory_space<vmem>> -> memref<1x64xi32, #tpu.memory_space<vmem>>
      %dma_wait3A_500 = tpu.memref_squeeze %dma_wait3A_499 : memref<1x64xi32, #tpu.memory_space<vmem>> -> memref<64xi32, #tpu.memory_space<vmem>>
      %dma_wait3A_501 = arith.constant 0 : i32
      %dma_wait3A_502 = tpu.memref_slice %arg5[%arg1, %dma_wait3A_487, %dma_wait3A_501] : memref<16x162x64xi32, #tpu.memory_space<hbm>> -> memref<1x1x64xi32, #tpu.memory_space<hbm>>
      %dma_wait3A_503 = tpu.memref_squeeze %dma_wait3A_502 : memref<1x1x64xi32, #tpu.memory_space<hbm>> -> memref<64xi32, #tpu.memory_space<hbm>>
      tpu.wait_dma2 semaphore(%dma_wait3A_497 : memref<!tpu.dma_semaphore, #tpu.memory_space<semaphore_mem>>) src(%dma_wait3A_503 : memref<64xi32, #tpu.memory_space<hbm>>) dst(%dma_wait3A_500 : memref<64xi32, #tpu.memory_space<vmem>>)
      %dma_wait3A_504 = arith.constant 80 : i32
      %dma_wait3A_505 = arith.constant 1 : i32
      %dma_wait3A_506 = arith.constant 1 : i32
      %dma_wait3A_507 = arith.constant 0 : i32
      %dma_wait3A_508 = arith.constant 0 : i32
      %dma_wait3A_509 = tpu.memref_slice %arg12[%dma_wait3A_505, %dma_wait3A_507, %dma_wait3A_508] : memref<4x64x128xf32, #tpu.memory_space<vmem>> -> memref<1x64x128xf32, #tpu.memory_space<vmem>>
      %dma_wait3A_510 = tpu.memref_squeeze %dma_wait3A_509 : memref<1x64x128xf32, #tpu.memory_space<vmem>> -> memref<64x128xf32, #tpu.memory_space<vmem>>
      %dma_wait3A_511 = arith.constant 64 : i32
      %dma_wait3A_512 = tpu.memref_slice %arg10[%dma_wait3A_504, %dma_wait3A_511] : memref<81x128xi32, #tpu.memory_space<vmem>> -> memref<1x64xi32, #tpu.memory_space<vmem>>
      %dma_wait3A_513 = tpu.memref_squeeze %dma_wait3A_512 : memref<1x64xi32, #tpu.memory_space<vmem>> -> memref<64xi32, #tpu.memory_space<vmem>>
      %dma_wait3A_514 = arith.constant 0 : i32
      %dma_wait3A_515 = arith.constant 0 : i32
      %dma_wait3A_516 = tpu.memref_slice %arg2[%dma_wait3A_514, %dma_wait3A_515] : memref<10240x128xf32, #tpu.memory_space<hbm>> -> memref<10240x128xf32, #tpu.memory_space<hbm>>
      %dma_wait3A_517 = tpu.memref_slice %arg13[%dma_wait3A_506] : memref<4x!tpu.dma_semaphore, #tpu.memory_space<semaphore_mem>> -> memref<1x!tpu.dma_semaphore, #tpu.memory_space<semaphore_mem>>
      %dma_wait3A_518 = tpu.memref_squeeze %dma_wait3A_517 : memref<1x!tpu.dma_semaphore, #tpu.memory_space<semaphore_mem>> -> memref<!tpu.dma_semaphore, #tpu.memory_space<semaphore_mem>>
      tpu.wait_indirect_dma semaphore(%dma_wait3A_518 : memref<!tpu.dma_semaphore, #tpu.memory_space<semaphore_mem>>) src(%dma_wait3A_516 : memref<10240x128xf32, #tpu.memory_space<hbm>>) dst(%dma_wait3A_510 : memref<64x128xf32, #tpu.memory_space<vmem>>)
      %dma_wait3A_519 = arith.constant 161 : i32
      %dma_wait3A_520 = arith.constant 1 : i32
      %dma_wait3A_521 = arith.constant 1 : i32
      %dma_wait3A_522 = arith.constant 0 : i32
      %dma_wait3A_523 = tpu.memref_slice %arg11[%dma_wait3A_520, %dma_wait3A_522] : memref<4x64xi32, #tpu.memory_space<vmem>> -> memref<1x64xi32, #tpu.memory_space<vmem>>
      %dma_wait3A_524 = tpu.memref_squeeze %dma_wait3A_523 : memref<1x64xi32, #tpu.memory_space<vmem>> -> memref<64xi32, #tpu.memory_space<vmem>>
      %dma_wait3A_525 = arith.constant 0 : i32
      %dma_wait3A_526 = tpu.memref_slice %arg5[%arg1, %dma_wait3A_519, %dma_wait3A_525] : memref<16x162x64xi32, #tpu.memory_space<hbm>> -> memref<1x1x64xi32, #tpu.memory_space<hbm>>
      %dma_wait3A_527 = tpu.memref_squeeze %dma_wait3A_526 : memref<1x1x64xi32, #tpu.memory_space<hbm>> -> memref<64xi32, #tpu.memory_space<hbm>>
      %dma_wait3A_528 = tpu.memref_slice %arg14[%dma_wait3A_521] : memref<4x!tpu.dma_semaphore, #tpu.memory_space<semaphore_mem>> -> memref<1x!tpu.dma_semaphore, #tpu.memory_space<semaphore_mem>>
      %dma_wait3A_529 = tpu.memref_squeeze %dma_wait3A_528 : memref<1x!tpu.dma_semaphore, #tpu.memory_space<semaphore_mem>> -> memref<!tpu.dma_semaphore, #tpu.memory_space<semaphore_mem>>
      %dma_wait3A_530 = arith.constant 0 : i32
      %dma_wait3A_531 = tpu.memref_slice %arg11[%dma_wait3A_520, %dma_wait3A_530] : memref<4x64xi32, #tpu.memory_space<vmem>> -> memref<1x64xi32, #tpu.memory_space<vmem>>
      %dma_wait3A_532 = tpu.memref_squeeze %dma_wait3A_531 : memref<1x64xi32, #tpu.memory_space<vmem>> -> memref<64xi32, #tpu.memory_space<vmem>>
      %dma_wait3A_533 = arith.constant 0 : i32
      %dma_wait3A_534 = tpu.memref_slice %arg5[%arg1, %dma_wait3A_519, %dma_wait3A_533] : memref<16x162x64xi32, #tpu.memory_space<hbm>> -> memref<1x1x64xi32, #tpu.memory_space<hbm>>
      %dma_wait3A_535 = tpu.memref_squeeze %dma_wait3A_534 : memref<1x1x64xi32, #tpu.memory_space<hbm>> -> memref<64xi32, #tpu.memory_space<hbm>>
      tpu.wait_dma2 semaphore(%dma_wait3A_529 : memref<!tpu.dma_semaphore, #tpu.memory_space<semaphore_mem>>) src(%dma_wait3A_535 : memref<64xi32, #tpu.memory_space<hbm>>) dst(%dma_wait3A_532 : memref<64xi32, #tpu.memory_space<vmem>>)
    } else {
    }
    %eq3A_13 = arith.constant 1 : i32
    %eq3A_14 = arith.cmpi eq, %arg0, %eq3A_13 : i32
    %convert_element_type3A_15 = arith.extui %eq3A_14 : i1 to i32
    %cond3A_16 = arith.constant 0 : i32
    %cond3A_17 = arith.cmpi ne, %convert_element_type3A_15, %cond3A_16 : i32
    scf.if %cond3A_17 {
      %dma_start3A = arith.constant 0 : i32
      %dma_start3A_29 = arith.constant 0 : i32
      %dma_start3A_30 = arith.constant 0 : i32
      %dma_start3A_31 = arith.constant 0 : i32
      %dma_start3A_32 = tpu.memref_slice %arg11[%dma_start3A_29, %dma_start3A_31] : memref<4x64xi32, #tpu.memory_space<vmem>> -> memref<1x64xi32, #tpu.memory_space<vmem>>
      %dma_start3A_33 = tpu.memref_squeeze %dma_start3A_32 : memref<1x64xi32, #tpu.memory_space<vmem>> -> memref<64xi32, #tpu.memory_space<vmem>>
      %dma_start3A_34 = arith.constant 0 : i32
      %dma_start3A_35 = tpu.memref_slice %arg5[%arg1, %dma_start3A, %dma_start3A_34] : memref<16x162x64xi32, #tpu.memory_space<hbm>> -> memref<1x1x64xi32, #tpu.memory_space<hbm>>
      %dma_start3A_36 = tpu.memref_squeeze %dma_start3A_35 : memref<1x1x64xi32, #tpu.memory_space<hbm>> -> memref<64xi32, #tpu.memory_space<hbm>>
      %dma_start3A_37 = tpu.memref_slice %arg14[%dma_start3A_30] : memref<4x!tpu.dma_semaphore, #tpu.memory_space<semaphore_mem>> -> memref<1x!tpu.dma_semaphore, #tpu.memory_space<semaphore_mem>>
      %dma_start3A_38 = tpu.memref_squeeze %dma_start3A_37 : memref<1x!tpu.dma_semaphore, #tpu.memory_space<semaphore_mem>> -> memref<!tpu.dma_semaphore, #tpu.memory_space<semaphore_mem>>
      %dma_start3A_39 = arith.constant 0 : i32
      %dma_start3A_40 = tpu.memref_slice %arg11[%dma_start3A_29, %dma_start3A_39] : memref<4x64xi32, #tpu.memory_space<vmem>> -> memref<1x64xi32, #tpu.memory_space<vmem>>
      %dma_start3A_41 = tpu.memref_squeeze %dma_start3A_40 : memref<1x64xi32, #tpu.memory_space<vmem>> -> memref<64xi32, #tpu.memory_space<vmem>>
      %dma_start3A_42 = arith.constant 0 : i32
      %dma_start3A_43 = tpu.memref_slice %arg5[%arg1, %dma_start3A, %dma_start3A_42] : memref<16x162x64xi32, #tpu.memory_space<hbm>> -> memref<1x1x64xi32, #tpu.memory_space<hbm>>
      %dma_start3A_44 = tpu.memref_squeeze %dma_start3A_43 : memref<1x1x64xi32, #tpu.memory_space<hbm>> -> memref<64xi32, #tpu.memory_space<hbm>>
      tpu.enqueue_dma source(%dma_start3A_44 : memref<64xi32, #tpu.memory_space<hbm>>) target(%dma_start3A_41 : memref<64xi32, #tpu.memory_space<vmem>>) target_semaphore(%dma_start3A_38 : memref<!tpu.dma_semaphore, #tpu.memory_space<semaphore_mem>>)
      %dma_start3A_45 = arith.constant 0 : i32
      %dma_start3A_46 = arith.constant 0 : i32
      %dma_start3A_47 = arith.constant 0 : i32
      %dma_start3A_48 = arith.constant 0 : i32
      %dma_start3A_49 = arith.constant 0 : i32
      %dma_start3A_50 = tpu.memref_slice %arg12[%dma_start3A_46, %dma_start3A_48, %dma_start3A_49] : memref<4x64x128xf32, #tpu.memory_space<vmem>> -> memref<1x64x128xf32, #tpu.memory_space<vmem>>
      %dma_start3A_51 = tpu.memref_squeeze %dma_start3A_50 : memref<1x64x128xf32, #tpu.memory_space<vmem>> -> memref<64x128xf32, #tpu.memory_space<vmem>>
      %dma_start3A_52 = arith.constant 0 : i32
      %dma_start3A_53 = tpu.memref_slice %arg10[%dma_start3A_45, %dma_start3A_52] : memref<81x128xi32, #tpu.memory_space<vmem>> -> memref<1x64xi32, #tpu.memory_space<vmem>>
      %dma_start3A_54 = tpu.memref_squeeze %dma_start3A_53 : memref<1x64xi32, #tpu.memory_space<vmem>> -> memref<64xi32, #tpu.memory_space<vmem>>
      %dma_start3A_55 = arith.constant 0 : i32
      %dma_start3A_56 = arith.constant 0 : i32
      %dma_start3A_57 = tpu.memref_slice %arg3[%dma_start3A_55, %dma_start3A_56] : memref<10240x128xf32, #tpu.memory_space<hbm>> -> memref<10240x128xf32, #tpu.memory_space<hbm>>
      %dma_start3A_58 = tpu.memref_slice %arg13[%dma_start3A_47] : memref<4x!tpu.dma_semaphore, #tpu.memory_space<semaphore_mem>> -> memref<1x!tpu.dma_semaphore, #tpu.memory_space<semaphore_mem>>
      %dma_start3A_59 = tpu.memref_squeeze %dma_start3A_58 : memref<1x!tpu.dma_semaphore, #tpu.memory_space<semaphore_mem>> -> memref<!tpu.dma_semaphore, #tpu.memory_space<semaphore_mem>>
      tpu.enqueue_indirect_dma source(%dma_start3A_57 : memref<10240x128xf32, #tpu.memory_space<hbm>>) target(%dma_start3A_51 : memref<64x128xf32, #tpu.memory_space<vmem>>) offsets(%dma_start3A_54 : memref<64xi32, #tpu.memory_space<vmem>>) semaphore(%dma_start3A_59 : memref<!tpu.dma_semaphore, #tpu.memory_space<semaphore_mem>>)
      %dma_start3A_60 = arith.constant 1 : i32
      %dma_start3A_61 = arith.constant 1 : i32
      %dma_start3A_62 = arith.constant 1 : i32
      %dma_start3A_63 = arith.constant 0 : i32
      %dma_start3A_64 = tpu.memref_slice %arg11[%dma_start3A_61, %dma_start3A_63] : memref<4x64xi32, #tpu.memory_space<vmem>> -> memref<1x64xi32, #tpu.memory_space<vmem>>
      %dma_start3A_65 = tpu.memref_squeeze %dma_start3A_64 : memref<1x64xi32, #tpu.memory_space<vmem>> -> memref<64xi32, #tpu.memory_space<vmem>>
      %dma_start3A_66 = arith.constant 0 : i32
      %dma_start3A_67 = tpu.memref_slice %arg5[%arg1, %dma_start3A_60, %dma_start3A_66] : memref<16x162x64xi32, #tpu.memory_space<hbm>> -> memref<1x1x64xi32, #tpu.memory_space<hbm>>
      %dma_start3A_68 = tpu.memref_squeeze %dma_start3A_67 : memref<1x1x64xi32, #tpu.memory_space<hbm>> -> memref<64xi32, #tpu.memory_space<hbm>>
      %dma_start3A_69 = tpu.memref_slice %arg14[%dma_start3A_62] : memref<4x!tpu.dma_semaphore, #tpu.memory_space<semaphore_mem>> -> memref<1x!tpu.dma_semaphore, #tpu.memory_space<semaphore_mem>>
      %dma_start3A_70 = tpu.memref_squeeze %dma_start3A_69 : memref<1x!tpu.dma_semaphore, #tpu.memory_space<semaphore_mem>> -> memref<!tpu.dma_semaphore, #tpu.memory_space<semaphore_mem>>
      %dma_start3A_71 = arith.constant 0 : i32
      %dma_start3A_72 = tpu.memref_slice %arg11[%dma_start3A_61, %dma_start3A_71] : memref<4x64xi32, #tpu.memory_space<vmem>> -> memref<1x64xi32, #tpu.memory_space<vmem>>
      %dma_start3A_73 = tpu.memref_squeeze %dma_start3A_72 : memref<1x64xi32, #tpu.memory_space<vmem>> -> memref<64xi32, #tpu.memory_space<vmem>>
      %dma_start3A_74 = arith.constant 0 : i32
      %dma_start3A_75 = tpu.memref_slice %arg5[%arg1, %dma_start3A_60, %dma_start3A_74] : memref<16x162x64xi32, #tpu.memory_space<hbm>> -> memref<1x1x64xi32, #tpu.memory_space<hbm>>
      %dma_start3A_76 = tpu.memref_squeeze %dma_start3A_75 : memref<1x1x64xi32, #tpu.memory_space<hbm>> -> memref<64xi32, #tpu.memory_space<hbm>>
      tpu.enqueue_dma source(%dma_start3A_76 : memref<64xi32, #tpu.memory_space<hbm>>) target(%dma_start3A_73 : memref<64xi32, #tpu.memory_space<vmem>>) target_semaphore(%dma_start3A_70 : memref<!tpu.dma_semaphore, #tpu.memory_space<semaphore_mem>>)
      %dma_start3A_77 = arith.constant 0 : i32
      %dma_start3A_78 = arith.constant 1 : i32
      %dma_start3A_79 = arith.constant 1 : i32
      %dma_start3A_80 = arith.constant 0 : i32
      %dma_start3A_81 = arith.constant 0 : i32
      %dma_start3A_82 = tpu.memref_slice %arg12[%dma_start3A_78, %dma_start3A_80, %dma_start3A_81] : memref<4x64x128xf32, #tpu.memory_space<vmem>> -> memref<1x64x128xf32, #tpu.memory_space<vmem>>
      %dma_start3A_83 = tpu.memref_squeeze %dma_start3A_82 : memref<1x64x128xf32, #tpu.memory_space<vmem>> -> memref<64x128xf32, #tpu.memory_space<vmem>>
      %dma_start3A_84 = arith.constant 64 : i32
      %dma_start3A_85 = tpu.memref_slice %arg10[%dma_start3A_77, %dma_start3A_84] : memref<81x128xi32, #tpu.memory_space<vmem>> -> memref<1x64xi32, #tpu.memory_space<vmem>>
      %dma_start3A_86 = tpu.memref_squeeze %dma_start3A_85 : memref<1x64xi32, #tpu.memory_space<vmem>> -> memref<64xi32, #tpu.memory_space<vmem>>
      %dma_start3A_87 = arith.constant 0 : i32
      %dma_start3A_88 = arith.constant 0 : i32
      %dma_start3A_89 = tpu.memref_slice %arg3[%dma_start3A_87, %dma_start3A_88] : memref<10240x128xf32, #tpu.memory_space<hbm>> -> memref<10240x128xf32, #tpu.memory_space<hbm>>
      %dma_start3A_90 = tpu.memref_slice %arg13[%dma_start3A_79] : memref<4x!tpu.dma_semaphore, #tpu.memory_space<semaphore_mem>> -> memref<1x!tpu.dma_semaphore, #tpu.memory_space<semaphore_mem>>
      %dma_start3A_91 = tpu.memref_squeeze %dma_start3A_90 : memref<1x!tpu.dma_semaphore, #tpu.memory_space<semaphore_mem>> -> memref<!tpu.dma_semaphore, #tpu.memory_space<semaphore_mem>>
      tpu.enqueue_indirect_dma source(%dma_start3A_89 : memref<10240x128xf32, #tpu.memory_space<hbm>>) target(%dma_start3A_83 : memref<64x128xf32, #tpu.memory_space<vmem>>) offsets(%dma_start3A_86 : memref<64xi32, #tpu.memory_space<vmem>>) semaphore(%dma_start3A_91 : memref<!tpu.dma_semaphore, #tpu.memory_space<semaphore_mem>>)
      %dma_wait3A = arith.constant 0 : i32
      %dma_wait3A_92 = arith.constant 0 : i32
      %dma_wait3A_93 = arith.constant 0 : i32
      %dma_wait3A_94 = arith.constant 0 : i32
      %dma_wait3A_95 = arith.constant 0 : i32
      %dma_wait3A_96 = tpu.memref_slice %arg12[%dma_wait3A_92, %dma_wait3A_94, %dma_wait3A_95] : memref<4x64x128xf32, #tpu.memory_space<vmem>> -> memref<1x64x128xf32, #tpu.memory_space<vmem>>
      %dma_wait3A_97 = tpu.memref_squeeze %dma_wait3A_96 : memref<1x64x128xf32, #tpu.memory_space<vmem>> -> memref<64x128xf32, #tpu.memory_space<vmem>>
      %dma_wait3A_98 = arith.constant 0 : i32
      %dma_wait3A_99 = tpu.memref_slice %arg10[%dma_wait3A, %dma_wait3A_98] : memref<81x128xi32, #tpu.memory_space<vmem>> -> memref<1x64xi32, #tpu.memory_space<vmem>>
      %dma_wait3A_100 = tpu.memref_squeeze %dma_wait3A_99 : memref<1x64xi32, #tpu.memory_space<vmem>> -> memref<64xi32, #tpu.memory_space<vmem>>
      %dma_wait3A_101 = arith.constant 0 : i32
      %dma_wait3A_102 = arith.constant 0 : i32
      %dma_wait3A_103 = tpu.memref_slice %arg3[%dma_wait3A_101, %dma_wait3A_102] : memref<10240x128xf32, #tpu.memory_space<hbm>> -> memref<10240x128xf32, #tpu.memory_space<hbm>>
      %dma_wait3A_104 = tpu.memref_slice %arg13[%dma_wait3A_93] : memref<4x!tpu.dma_semaphore, #tpu.memory_space<semaphore_mem>> -> memref<1x!tpu.dma_semaphore, #tpu.memory_space<semaphore_mem>>
      %dma_wait3A_105 = tpu.memref_squeeze %dma_wait3A_104 : memref<1x!tpu.dma_semaphore, #tpu.memory_space<semaphore_mem>> -> memref<!tpu.dma_semaphore, #tpu.memory_space<semaphore_mem>>
      tpu.wait_indirect_dma semaphore(%dma_wait3A_105 : memref<!tpu.dma_semaphore, #tpu.memory_space<semaphore_mem>>) src(%dma_wait3A_103 : memref<10240x128xf32, #tpu.memory_space<hbm>>) dst(%dma_wait3A_97 : memref<64x128xf32, #tpu.memory_space<vmem>>)
      %dma_wait3A_106 = arith.constant 0 : i32
      %dma_wait3A_107 = arith.constant 0 : i32
      %dma_wait3A_108 = arith.constant 0 : i32
      %dma_wait3A_109 = arith.constant 0 : i32
      %dma_wait3A_110 = tpu.memref_slice %arg11[%dma_wait3A_107, %dma_wait3A_109] : memref<4x64xi32, #tpu.memory_space<vmem>> -> memref<1x64xi32, #tpu.memory_space<vmem>>
      %dma_wait3A_111 = tpu.memref_squeeze %dma_wait3A_110 : memref<1x64xi32, #tpu.memory_space<vmem>> -> memref<64xi32, #tpu.memory_space<vmem>>
      %dma_wait3A_112 = arith.constant 0 : i32
      %dma_wait3A_113 = tpu.memref_slice %arg5[%arg1, %dma_wait3A_106, %dma_wait3A_112] : memref<16x162x64xi32, #tpu.memory_space<hbm>> -> memref<1x1x64xi32, #tpu.memory_space<hbm>>
      %dma_wait3A_114 = tpu.memref_squeeze %dma_wait3A_113 : memref<1x1x64xi32, #tpu.memory_space<hbm>> -> memref<64xi32, #tpu.memory_space<hbm>>
      %dma_wait3A_115 = tpu.memref_slice %arg14[%dma_wait3A_108] : memref<4x!tpu.dma_semaphore, #tpu.memory_space<semaphore_mem>> -> memref<1x!tpu.dma_semaphore, #tpu.memory_space<semaphore_mem>>
      %dma_wait3A_116 = tpu.memref_squeeze %dma_wait3A_115 : memref<1x!tpu.dma_semaphore, #tpu.memory_space<semaphore_mem>> -> memref<!tpu.dma_semaphore, #tpu.memory_space<semaphore_mem>>
      %dma_wait3A_117 = arith.constant 0 : i32
      %dma_wait3A_118 = tpu.memref_slice %arg11[%dma_wait3A_107, %dma_wait3A_117] : memref<4x64xi32, #tpu.memory_space<vmem>> -> memref<1x64xi32, #tpu.memory_space<vmem>>
      %dma_wait3A_119 = tpu.memref_squeeze %dma_wait3A_118 : memref<1x64xi32, #tpu.memory_space<vmem>> -> memref<64xi32, #tpu.memory_space<vmem>>
      %dma_wait3A_120 = arith.constant 0 : i32
      %dma_wait3A_121 = tpu.memref_slice %arg5[%arg1, %dma_wait3A_106, %dma_wait3A_120] : memref<16x162x64xi32, #tpu.memory_space<hbm>> -> memref<1x1x64xi32, #tpu.memory_space<hbm>>
      %dma_wait3A_122 = tpu.memref_squeeze %dma_wait3A_121 : memref<1x1x64xi32, #tpu.memory_space<hbm>> -> memref<64xi32, #tpu.memory_space<hbm>>
      tpu.wait_dma2 semaphore(%dma_wait3A_116 : memref<!tpu.dma_semaphore, #tpu.memory_space<semaphore_mem>>) src(%dma_wait3A_122 : memref<64xi32, #tpu.memory_space<hbm>>) dst(%dma_wait3A_119 : memref<64xi32, #tpu.memory_space<vmem>>)
      %dma_start3A_123 = arith.constant 0 : i32
      %dma_start3A_124 = arith.constant 0 : i32
      %dma_start3A_125 = arith.constant 0 : i32
      %dma_start3A_126 = arith.constant 0 : i32
      %dma_start3A_127 = arith.constant 0 : i32
      %dma_start3A_128 = tpu.memref_slice %arg12[%dma_start3A_123, %dma_start3A_126, %dma_start3A_127] : memref<4x64x128xf32, #tpu.memory_space<vmem>> -> memref<1x64x128xf32, #tpu.memory_space<vmem>>
      %dma_start3A_129 = tpu.memref_squeeze %dma_start3A_128 : memref<1x64x128xf32, #tpu.memory_space<vmem>> -> memref<64x128xf32, #tpu.memory_space<vmem>>
      %dma_start3A_130 = arith.constant 0 : i32
      %dma_start3A_131 = tpu.memref_slice %arg11[%dma_start3A_124, %dma_start3A_130] : memref<4x64xi32, #tpu.memory_space<vmem>> -> memref<1x64xi32, #tpu.memory_space<vmem>>
      %dma_start3A_132 = tpu.memref_squeeze %dma_start3A_131 : memref<1x64xi32, #tpu.memory_space<vmem>> -> memref<64xi32, #tpu.memory_space<vmem>>
      %dma_start3A_133 = arith.constant 0 : i32
      %dma_start3A_134 = arith.constant 0 : i32
      %dma_start3A_135 = tpu.memref_slice %arg16[%dma_start3A_133, %dma_start3A_134] : memref<10240x128xf32, #tpu.memory_space<vmem_shared>> -> memref<10240x128xf32, #tpu.memory_space<vmem_shared>>
      %dma_start3A_136 = tpu.memref_slice %arg15[%dma_start3A_125] : memref<4x!tpu.dma_semaphore, #tpu.memory_space<semaphore_mem>> -> memref<1x!tpu.dma_semaphore, #tpu.memory_space<semaphore_mem>>
      %dma_start3A_137 = tpu.memref_squeeze %dma_start3A_136 : memref<1x!tpu.dma_semaphore, #tpu.memory_space<semaphore_mem>> -> memref<!tpu.dma_semaphore, #tpu.memory_space<semaphore_mem>>
      tpu.enqueue_indirect_dma source(%dma_start3A_129 : memref<64x128xf32, #tpu.memory_space<vmem>>) target(%dma_start3A_135 : memref<10240x128xf32, #tpu.memory_space<vmem_shared>>) offsets(%dma_start3A_132 : memref<64xi32, #tpu.memory_space<vmem>>) semaphore(%dma_start3A_137 : memref<!tpu.dma_semaphore, #tpu.memory_space<semaphore_mem>>) {add = true}
      %dma_start3A_138 = arith.constant 2 : i32
      %dma_start3A_139 = arith.constant 2 : i32
      %dma_start3A_140 = arith.constant 2 : i32
      %dma_start3A_141 = arith.constant 0 : i32
      %dma_start3A_142 = tpu.memref_slice %arg11[%dma_start3A_139, %dma_start3A_141] : memref<4x64xi32, #tpu.memory_space<vmem>> -> memref<1x64xi32, #tpu.memory_space<vmem>>
      %dma_start3A_143 = tpu.memref_squeeze %dma_start3A_142 : memref<1x64xi32, #tpu.memory_space<vmem>> -> memref<64xi32, #tpu.memory_space<vmem>>
      %dma_start3A_144 = arith.constant 0 : i32
      %dma_start3A_145 = tpu.memref_slice %arg5[%arg1, %dma_start3A_138, %dma_start3A_144] : memref<16x162x64xi32, #tpu.memory_space<hbm>> -> memref<1x1x64xi32, #tpu.memory_space<hbm>>
      %dma_start3A_146 = tpu.memref_squeeze %dma_start3A_145 : memref<1x1x64xi32, #tpu.memory_space<hbm>> -> memref<64xi32, #tpu.memory_space<hbm>>
      %dma_start3A_147 = tpu.memref_slice %arg14[%dma_start3A_140] : memref<4x!tpu.dma_semaphore, #tpu.memory_space<semaphore_mem>> -> memref<1x!tpu.dma_semaphore, #tpu.memory_space<semaphore_mem>>
      %dma_start3A_148 = tpu.memref_squeeze %dma_start3A_147 : memref<1x!tpu.dma_semaphore, #tpu.memory_space<semaphore_mem>> -> memref<!tpu.dma_semaphore, #tpu.memory_space<semaphore_mem>>
      %dma_start3A_149 = arith.constant 0 : i32
      %dma_start3A_150 = tpu.memref_slice %arg11[%dma_start3A_139, %dma_start3A_149] : memref<4x64xi32, #tpu.memory_space<vmem>> -> memref<1x64xi32, #tpu.memory_space<vmem>>
      %dma_start3A_151 = tpu.memref_squeeze %dma_start3A_150 : memref<1x64xi32, #tpu.memory_space<vmem>> -> memref<64xi32, #tpu.memory_space<vmem>>
      %dma_start3A_152 = arith.constant 0 : i32
      %dma_start3A_153 = tpu.memref_slice %arg5[%arg1, %dma_start3A_138, %dma_start3A_152] : memref<16x162x64xi32, #tpu.memory_space<hbm>> -> memref<1x1x64xi32, #tpu.memory_space<hbm>>
      %dma_start3A_154 = tpu.memref_squeeze %dma_start3A_153 : memref<1x1x64xi32, #tpu.memory_space<hbm>> -> memref<64xi32, #tpu.memory_space<hbm>>
      tpu.enqueue_dma source(%dma_start3A_154 : memref<64xi32, #tpu.memory_space<hbm>>) target(%dma_start3A_151 : memref<64xi32, #tpu.memory_space<vmem>>) target_semaphore(%dma_start3A_148 : memref<!tpu.dma_semaphore, #tpu.memory_space<semaphore_mem>>)
      %dma_start3A_155 = arith.constant 1 : i32
      %dma_start3A_156 = arith.constant 2 : i32
      %dma_start3A_157 = arith.constant 2 : i32
      %dma_start3A_158 = arith.constant 0 : i32
      %dma_start3A_159 = arith.constant 0 : i32
      %dma_start3A_160 = tpu.memref_slice %arg12[%dma_start3A_156, %dma_start3A_158, %dma_start3A_159] : memref<4x64x128xf32, #tpu.memory_space<vmem>> -> memref<1x64x128xf32, #tpu.memory_space<vmem>>
      %dma_start3A_161 = tpu.memref_squeeze %dma_start3A_160 : memref<1x64x128xf32, #tpu.memory_space<vmem>> -> memref<64x128xf32, #tpu.memory_space<vmem>>
      %dma_start3A_162 = arith.constant 0 : i32
      %dma_start3A_163 = tpu.memref_slice %arg10[%dma_start3A_155, %dma_start3A_162] : memref<81x128xi32, #tpu.memory_space<vmem>> -> memref<1x64xi32, #tpu.memory_space<vmem>>
      %dma_start3A_164 = tpu.memref_squeeze %dma_start3A_163 : memref<1x64xi32, #tpu.memory_space<vmem>> -> memref<64xi32, #tpu.memory_space<vmem>>
      %dma_start3A_165 = arith.constant 0 : i32
      %dma_start3A_166 = arith.constant 0 : i32
      %dma_start3A_167 = tpu.memref_slice %arg3[%dma_start3A_165, %dma_start3A_166] : memref<10240x128xf32, #tpu.memory_space<hbm>> -> memref<10240x128xf32, #tpu.memory_space<hbm>>
      %dma_start3A_168 = tpu.memref_slice %arg13[%dma_start3A_157] : memref<4x!tpu.dma_semaphore, #tpu.memory_space<semaphore_mem>> -> memref<1x!tpu.dma_semaphore, #tpu.memory_space<semaphore_mem>>
      %dma_start3A_169 = tpu.memref_squeeze %dma_start3A_168 : memref<1x!tpu.dma_semaphore, #tpu.memory_space<semaphore_mem>> -> memref<!tpu.dma_semaphore, #tpu.memory_space<semaphore_mem>>
      tpu.enqueue_indirect_dma source(%dma_start3A_167 : memref<10240x128xf32, #tpu.memory_space<hbm>>) target(%dma_start3A_161 : memref<64x128xf32, #tpu.memory_space<vmem>>) offsets(%dma_start3A_164 : memref<64xi32, #tpu.memory_space<vmem>>) semaphore(%dma_start3A_169 : memref<!tpu.dma_semaphore, #tpu.memory_space<semaphore_mem>>)
      %dma_wait3A_170 = arith.constant 0 : i32
      %dma_wait3A_171 = arith.constant 1 : i32
      %dma_wait3A_172 = arith.constant 1 : i32
      %dma_wait3A_173 = arith.constant 0 : i32
      %dma_wait3A_174 = arith.constant 0 : i32
      %dma_wait3A_175 = tpu.memref_slice %arg12[%dma_wait3A_171, %dma_wait3A_173, %dma_wait3A_174] : memref<4x64x128xf32, #tpu.memory_space<vmem>> -> memref<1x64x128xf32, #tpu.memory_space<vmem>>
      %dma_wait3A_176 = tpu.memref_squeeze %dma_wait3A_175 : memref<1x64x128xf32, #tpu.memory_space<vmem>> -> memref<64x128xf32, #tpu.memory_space<vmem>>
      %dma_wait3A_177 = arith.constant 64 : i32
      %dma_wait3A_178 = tpu.memref_slice %arg10[%dma_wait3A_170, %dma_wait3A_177] : memref<81x128xi32, #tpu.memory_space<vmem>> -> memref<1x64xi32, #tpu.memory_space<vmem>>
      %dma_wait3A_179 = tpu.memref_squeeze %dma_wait3A_178 : memref<1x64xi32, #tpu.memory_space<vmem>> -> memref<64xi32, #tpu.memory_space<vmem>>
      %dma_wait3A_180 = arith.constant 0 : i32
      %dma_wait3A_181 = arith.constant 0 : i32
      %dma_wait3A_182 = tpu.memref_slice %arg3[%dma_wait3A_180, %dma_wait3A_181] : memref<10240x128xf32, #tpu.memory_space<hbm>> -> memref<10240x128xf32, #tpu.memory_space<hbm>>
      %dma_wait3A_183 = tpu.memref_slice %arg13[%dma_wait3A_172] : memref<4x!tpu.dma_semaphore, #tpu.memory_space<semaphore_mem>> -> memref<1x!tpu.dma_semaphore, #tpu.memory_space<semaphore_mem>>
      %dma_wait3A_184 = tpu.memref_squeeze %dma_wait3A_183 : memref<1x!tpu.dma_semaphore, #tpu.memory_space<semaphore_mem>> -> memref<!tpu.dma_semaphore, #tpu.memory_space<semaphore_mem>>
      tpu.wait_indirect_dma semaphore(%dma_wait3A_184 : memref<!tpu.dma_semaphore, #tpu.memory_space<semaphore_mem>>) src(%dma_wait3A_182 : memref<10240x128xf32, #tpu.memory_space<hbm>>) dst(%dma_wait3A_176 : memref<64x128xf32, #tpu.memory_space<vmem>>)
      %dma_wait3A_185 = arith.constant 1 : i32
      %dma_wait3A_186 = arith.constant 1 : i32
      %dma_wait3A_187 = arith.constant 1 : i32
      %dma_wait3A_188 = arith.constant 0 : i32
      %dma_wait3A_189 = tpu.memref_slice %arg11[%dma_wait3A_186, %dma_wait3A_188] : memref<4x64xi32, #tpu.memory_space<vmem>> -> memref<1x64xi32, #tpu.memory_space<vmem>>
      %dma_wait3A_190 = tpu.memref_squeeze %dma_wait3A_189 : memref<1x64xi32, #tpu.memory_space<vmem>> -> memref<64xi32, #tpu.memory_space<vmem>>
      %dma_wait3A_191 = arith.constant 0 : i32
      %dma_wait3A_192 = tpu.memref_slice %arg5[%arg1, %dma_wait3A_185, %dma_wait3A_191] : memref<16x162x64xi32, #tpu.memory_space<hbm>> -> memref<1x1x64xi32, #tpu.memory_space<hbm>>
      %dma_wait3A_193 = tpu.memref_squeeze %dma_wait3A_192 : memref<1x1x64xi32, #tpu.memory_space<hbm>> -> memref<64xi32, #tpu.memory_space<hbm>>
      %dma_wait3A_194 = tpu.memref_slice %arg14[%dma_wait3A_187] : memref<4x!tpu.dma_semaphore, #tpu.memory_space<semaphore_mem>> -> memref<1x!tpu.dma_semaphore, #tpu.memory_space<semaphore_mem>>
      %dma_wait3A_195 = tpu.memref_squeeze %dma_wait3A_194 : memref<1x!tpu.dma_semaphore, #tpu.memory_space<semaphore_mem>> -> memref<!tpu.dma_semaphore, #tpu.memory_space<semaphore_mem>>
      %dma_wait3A_196 = arith.constant 0 : i32
      %dma_wait3A_197 = tpu.memref_slice %arg11[%dma_wait3A_186, %dma_wait3A_196] : memref<4x64xi32, #tpu.memory_space<vmem>> -> memref<1x64xi32, #tpu.memory_space<vmem>>
      %dma_wait3A_198 = tpu.memref_squeeze %dma_wait3A_197 : memref<1x64xi32, #tpu.memory_space<vmem>> -> memref<64xi32, #tpu.memory_space<vmem>>
      %dma_wait3A_199 = arith.constant 0 : i32
      %dma_wait3A_200 = tpu.memref_slice %arg5[%arg1, %dma_wait3A_185, %dma_wait3A_199] : memref<16x162x64xi32, #tpu.memory_space<hbm>> -> memref<1x1x64xi32, #tpu.memory_space<hbm>>
      %dma_wait3A_201 = tpu.memref_squeeze %dma_wait3A_200 : memref<1x1x64xi32, #tpu.memory_space<hbm>> -> memref<64xi32, #tpu.memory_space<hbm>>
      tpu.wait_dma2 semaphore(%dma_wait3A_195 : memref<!tpu.dma_semaphore, #tpu.memory_space<semaphore_mem>>) src(%dma_wait3A_201 : memref<64xi32, #tpu.memory_space<hbm>>) dst(%dma_wait3A_198 : memref<64xi32, #tpu.memory_space<vmem>>)
      %dma_start3A_202 = arith.constant 1 : i32
      %dma_start3A_203 = arith.constant 1 : i32
      %dma_start3A_204 = arith.constant 1 : i32
      %dma_start3A_205 = arith.constant 0 : i32
      %dma_start3A_206 = arith.constant 0 : i32
      %dma_start3A_207 = tpu.memref_slice %arg12[%dma_start3A_202, %dma_start3A_205, %dma_start3A_206] : memref<4x64x128xf32, #tpu.memory_space<vmem>> -> memref<1x64x128xf32, #tpu.memory_space<vmem>>
      %dma_start3A_208 = tpu.memref_squeeze %dma_start3A_207 : memref<1x64x128xf32, #tpu.memory_space<vmem>> -> memref<64x128xf32, #tpu.memory_space<vmem>>
      %dma_start3A_209 = arith.constant 0 : i32
      %dma_start3A_210 = tpu.memref_slice %arg11[%dma_start3A_203, %dma_start3A_209] : memref<4x64xi32, #tpu.memory_space<vmem>> -> memref<1x64xi32, #tpu.memory_space<vmem>>
      %dma_start3A_211 = tpu.memref_squeeze %dma_start3A_210 : memref<1x64xi32, #tpu.memory_space<vmem>> -> memref<64xi32, #tpu.memory_space<vmem>>
      %dma_start3A_212 = arith.constant 0 : i32
      %dma_start3A_213 = arith.constant 0 : i32
      %dma_start3A_214 = tpu.memref_slice %arg16[%dma_start3A_212, %dma_start3A_213] : memref<10240x128xf32, #tpu.memory_space<vmem_shared>> -> memref<10240x128xf32, #tpu.memory_space<vmem_shared>>
      %dma_start3A_215 = tpu.memref_slice %arg15[%dma_start3A_204] : memref<4x!tpu.dma_semaphore, #tpu.memory_space<semaphore_mem>> -> memref<1x!tpu.dma_semaphore, #tpu.memory_space<semaphore_mem>>
      %dma_start3A_216 = tpu.memref_squeeze %dma_start3A_215 : memref<1x!tpu.dma_semaphore, #tpu.memory_space<semaphore_mem>> -> memref<!tpu.dma_semaphore, #tpu.memory_space<semaphore_mem>>
      tpu.enqueue_indirect_dma source(%dma_start3A_208 : memref<64x128xf32, #tpu.memory_space<vmem>>) target(%dma_start3A_214 : memref<10240x128xf32, #tpu.memory_space<vmem_shared>>) offsets(%dma_start3A_211 : memref<64xi32, #tpu.memory_space<vmem>>) semaphore(%dma_start3A_216 : memref<!tpu.dma_semaphore, #tpu.memory_space<semaphore_mem>>) {add = true}
      %dma_start3A_217 = arith.constant 3 : i32
      %dma_start3A_218 = arith.constant 3 : i32
      %dma_start3A_219 = arith.constant 3 : i32
      %dma_start3A_220 = arith.constant 0 : i32
      %dma_start3A_221 = tpu.memref_slice %arg11[%dma_start3A_218, %dma_start3A_220] : memref<4x64xi32, #tpu.memory_space<vmem>> -> memref<1x64xi32, #tpu.memory_space<vmem>>
      %dma_start3A_222 = tpu.memref_squeeze %dma_start3A_221 : memref<1x64xi32, #tpu.memory_space<vmem>> -> memref<64xi32, #tpu.memory_space<vmem>>
      %dma_start3A_223 = arith.constant 0 : i32
      %dma_start3A_224 = tpu.memref_slice %arg5[%arg1, %dma_start3A_217, %dma_start3A_223] : memref<16x162x64xi32, #tpu.memory_space<hbm>> -> memref<1x1x64xi32, #tpu.memory_space<hbm>>
      %dma_start3A_225 = tpu.memref_squeeze %dma_start3A_224 : memref<1x1x64xi32, #tpu.memory_space<hbm>> -> memref<64xi32, #tpu.memory_space<hbm>>
      %dma_start3A_226 = tpu.memref_slice %arg14[%dma_start3A_219] : memref<4x!tpu.dma_semaphore, #tpu.memory_space<semaphore_mem>> -> memref<1x!tpu.dma_semaphore, #tpu.memory_space<semaphore_mem>>
      %dma_start3A_227 = tpu.memref_squeeze %dma_start3A_226 : memref<1x!tpu.dma_semaphore, #tpu.memory_space<semaphore_mem>> -> memref<!tpu.dma_semaphore, #tpu.memory_space<semaphore_mem>>
      %dma_start3A_228 = arith.constant 0 : i32
      %dma_start3A_229 = tpu.memref_slice %arg11[%dma_start3A_218, %dma_start3A_228] : memref<4x64xi32, #tpu.memory_space<vmem>> -> memref<1x64xi32, #tpu.memory_space<vmem>>
      %dma_start3A_230 = tpu.memref_squeeze %dma_start3A_229 : memref<1x64xi32, #tpu.memory_space<vmem>> -> memref<64xi32, #tpu.memory_space<vmem>>
      %dma_start3A_231 = arith.constant 0 : i32
      %dma_start3A_232 = tpu.memref_slice %arg5[%arg1, %dma_start3A_217, %dma_start3A_231] : memref<16x162x64xi32, #tpu.memory_space<hbm>> -> memref<1x1x64xi32, #tpu.memory_space<hbm>>
      %dma_start3A_233 = tpu.memref_squeeze %dma_start3A_232 : memref<1x1x64xi32, #tpu.memory_space<hbm>> -> memref<64xi32, #tpu.memory_space<hbm>>
      tpu.enqueue_dma source(%dma_start3A_233 : memref<64xi32, #tpu.memory_space<hbm>>) target(%dma_start3A_230 : memref<64xi32, #tpu.memory_space<vmem>>) target_semaphore(%dma_start3A_227 : memref<!tpu.dma_semaphore, #tpu.memory_space<semaphore_mem>>)
      %dma_start3A_234 = arith.constant 1 : i32
      %dma_start3A_235 = arith.constant 3 : i32
      %dma_start3A_236 = arith.constant 3 : i32
      %dma_start3A_237 = arith.constant 0 : i32
      %dma_start3A_238 = arith.constant 0 : i32
      %dma_start3A_239 = tpu.memref_slice %arg12[%dma_start3A_235, %dma_start3A_237, %dma_start3A_238] : memref<4x64x128xf32, #tpu.memory_space<vmem>> -> memref<1x64x128xf32, #tpu.memory_space<vmem>>
      %dma_start3A_240 = tpu.memref_squeeze %dma_start3A_239 : memref<1x64x128xf32, #tpu.memory_space<vmem>> -> memref<64x128xf32, #tpu.memory_space<vmem>>
      %dma_start3A_241 = arith.constant 64 : i32
      %dma_start3A_242 = tpu.memref_slice %arg10[%dma_start3A_234, %dma_start3A_241] : memref<81x128xi32, #tpu.memory_space<vmem>> -> memref<1x64xi32, #tpu.memory_space<vmem>>
      %dma_start3A_243 = tpu.memref_squeeze %dma_start3A_242 : memref<1x64xi32, #tpu.memory_space<vmem>> -> memref<64xi32, #tpu.memory_space<vmem>>
      %dma_start3A_244 = arith.constant 0 : i32
      %dma_start3A_245 = arith.constant 0 : i32
      %dma_start3A_246 = tpu.memref_slice %arg3[%dma_start3A_244, %dma_start3A_245] : memref<10240x128xf32, #tpu.memory_space<hbm>> -> memref<10240x128xf32, #tpu.memory_space<hbm>>
      %dma_start3A_247 = tpu.memref_slice %arg13[%dma_start3A_236] : memref<4x!tpu.dma_semaphore, #tpu.memory_space<semaphore_mem>> -> memref<1x!tpu.dma_semaphore, #tpu.memory_space<semaphore_mem>>
      %dma_start3A_248 = tpu.memref_squeeze %dma_start3A_247 : memref<1x!tpu.dma_semaphore, #tpu.memory_space<semaphore_mem>> -> memref<!tpu.dma_semaphore, #tpu.memory_space<semaphore_mem>>
      tpu.enqueue_indirect_dma source(%dma_start3A_246 : memref<10240x128xf32, #tpu.memory_space<hbm>>) target(%dma_start3A_240 : memref<64x128xf32, #tpu.memory_space<vmem>>) offsets(%dma_start3A_243 : memref<64xi32, #tpu.memory_space<vmem>>) semaphore(%dma_start3A_248 : memref<!tpu.dma_semaphore, #tpu.memory_space<semaphore_mem>>)
      %dma_wait3A_249 = arith.constant 1 : i32
      %dma_wait3A_250 = arith.constant 2 : i32
      %dma_wait3A_251 = arith.constant 2 : i32
      %dma_wait3A_252 = arith.constant 0 : i32
      %dma_wait3A_253 = arith.constant 0 : i32
      %dma_wait3A_254 = tpu.memref_slice %arg12[%dma_wait3A_250, %dma_wait3A_252, %dma_wait3A_253] : memref<4x64x128xf32, #tpu.memory_space<vmem>> -> memref<1x64x128xf32, #tpu.memory_space<vmem>>
      %dma_wait3A_255 = tpu.memref_squeeze %dma_wait3A_254 : memref<1x64x128xf32, #tpu.memory_space<vmem>> -> memref<64x128xf32, #tpu.memory_space<vmem>>
      %dma_wait3A_256 = arith.constant 0 : i32
      %dma_wait3A_257 = tpu.memref_slice %arg10[%dma_wait3A_249, %dma_wait3A_256] : memref<81x128xi32, #tpu.memory_space<vmem>> -> memref<1x64xi32, #tpu.memory_space<vmem>>
      %dma_wait3A_258 = tpu.memref_squeeze %dma_wait3A_257 : memref<1x64xi32, #tpu.memory_space<vmem>> -> memref<64xi32, #tpu.memory_space<vmem>>
      %dma_wait3A_259 = arith.constant 0 : i32
      %dma_wait3A_260 = arith.constant 0 : i32
      %dma_wait3A_261 = tpu.memref_slice %arg3[%dma_wait3A_259, %dma_wait3A_260] : memref<10240x128xf32, #tpu.memory_space<hbm>> -> memref<10240x128xf32, #tpu.memory_space<hbm>>
      %dma_wait3A_262 = tpu.memref_slice %arg13[%dma_wait3A_251] : memref<4x!tpu.dma_semaphore, #tpu.memory_space<semaphore_mem>> -> memref<1x!tpu.dma_semaphore, #tpu.memory_space<semaphore_mem>>
      %dma_wait3A_263 = tpu.memref_squeeze %dma_wait3A_262 : memref<1x!tpu.dma_semaphore, #tpu.memory_space<semaphore_mem>> -> memref<!tpu.dma_semaphore, #tpu.memory_space<semaphore_mem>>
      tpu.wait_indirect_dma semaphore(%dma_wait3A_263 : memref<!tpu.dma_semaphore, #tpu.memory_space<semaphore_mem>>) src(%dma_wait3A_261 : memref<10240x128xf32, #tpu.memory_space<hbm>>) dst(%dma_wait3A_255 : memref<64x128xf32, #tpu.memory_space<vmem>>)
      %dma_wait3A_264 = arith.constant 2 : i32
      %dma_wait3A_265 = arith.constant 2 : i32
      %dma_wait3A_266 = arith.constant 2 : i32
      %dma_wait3A_267 = arith.constant 0 : i32
      %dma_wait3A_268 = tpu.memref_slice %arg11[%dma_wait3A_265, %dma_wait3A_267] : memref<4x64xi32, #tpu.memory_space<vmem>> -> memref<1x64xi32, #tpu.memory_space<vmem>>
      %dma_wait3A_269 = tpu.memref_squeeze %dma_wait3A_268 : memref<1x64xi32, #tpu.memory_space<vmem>> -> memref<64xi32, #tpu.memory_space<vmem>>
      %dma_wait3A_270 = arith.constant 0 : i32
      %dma_wait3A_271 = tpu.memref_slice %arg5[%arg1, %dma_wait3A_264, %dma_wait3A_270] : memref<16x162x64xi32, #tpu.memory_space<hbm>> -> memref<1x1x64xi32, #tpu.memory_space<hbm>>
      %dma_wait3A_272 = tpu.memref_squeeze %dma_wait3A_271 : memref<1x1x64xi32, #tpu.memory_space<hbm>> -> memref<64xi32, #tpu.memory_space<hbm>>
      %dma_wait3A_273 = tpu.memref_slice %arg14[%dma_wait3A_266] : memref<4x!tpu.dma_semaphore, #tpu.memory_space<semaphore_mem>> -> memref<1x!tpu.dma_semaphore, #tpu.memory_space<semaphore_mem>>
      %dma_wait3A_274 = tpu.memref_squeeze %dma_wait3A_273 : memref<1x!tpu.dma_semaphore, #tpu.memory_space<semaphore_mem>> -> memref<!tpu.dma_semaphore, #tpu.memory_space<semaphore_mem>>
      %dma_wait3A_275 = arith.constant 0 : i32
      %dma_wait3A_276 = tpu.memref_slice %arg11[%dma_wait3A_265, %dma_wait3A_275] : memref<4x64xi32, #tpu.memory_space<vmem>> -> memref<1x64xi32, #tpu.memory_space<vmem>>
      %dma_wait3A_277 = tpu.memref_squeeze %dma_wait3A_276 : memref<1x64xi32, #tpu.memory_space<vmem>> -> memref<64xi32, #tpu.memory_space<vmem>>
      %dma_wait3A_278 = arith.constant 0 : i32
      %dma_wait3A_279 = tpu.memref_slice %arg5[%arg1, %dma_wait3A_264, %dma_wait3A_278] : memref<16x162x64xi32, #tpu.memory_space<hbm>> -> memref<1x1x64xi32, #tpu.memory_space<hbm>>
      %dma_wait3A_280 = tpu.memref_squeeze %dma_wait3A_279 : memref<1x1x64xi32, #tpu.memory_space<hbm>> -> memref<64xi32, #tpu.memory_space<hbm>>
      tpu.wait_dma2 semaphore(%dma_wait3A_274 : memref<!tpu.dma_semaphore, #tpu.memory_space<semaphore_mem>>) src(%dma_wait3A_280 : memref<64xi32, #tpu.memory_space<hbm>>) dst(%dma_wait3A_277 : memref<64xi32, #tpu.memory_space<vmem>>)
      %dma_start3A_281 = arith.constant 2 : i32
      %dma_start3A_282 = arith.constant 2 : i32
      %dma_start3A_283 = arith.constant 2 : i32
      %dma_start3A_284 = arith.constant 0 : i32
      %dma_start3A_285 = arith.constant 0 : i32
      %dma_start3A_286 = tpu.memref_slice %arg12[%dma_start3A_281, %dma_start3A_284, %dma_start3A_285] : memref<4x64x128xf32, #tpu.memory_space<vmem>> -> memref<1x64x128xf32, #tpu.memory_space<vmem>>
      %dma_start3A_287 = tpu.memref_squeeze %dma_start3A_286 : memref<1x64x128xf32, #tpu.memory_space<vmem>> -> memref<64x128xf32, #tpu.memory_space<vmem>>
      %dma_start3A_288 = arith.constant 0 : i32
      %dma_start3A_289 = tpu.memref_slice %arg11[%dma_start3A_282, %dma_start3A_288] : memref<4x64xi32, #tpu.memory_space<vmem>> -> memref<1x64xi32, #tpu.memory_space<vmem>>
      %dma_start3A_290 = tpu.memref_squeeze %dma_start3A_289 : memref<1x64xi32, #tpu.memory_space<vmem>> -> memref<64xi32, #tpu.memory_space<vmem>>
      %dma_start3A_291 = arith.constant 0 : i32
      %dma_start3A_292 = arith.constant 0 : i32
      %dma_start3A_293 = tpu.memref_slice %arg16[%dma_start3A_291, %dma_start3A_292] : memref<10240x128xf32, #tpu.memory_space<vmem_shared>> -> memref<10240x128xf32, #tpu.memory_space<vmem_shared>>
      %dma_start3A_294 = tpu.memref_slice %arg15[%dma_start3A_283] : memref<4x!tpu.dma_semaphore, #tpu.memory_space<semaphore_mem>> -> memref<1x!tpu.dma_semaphore, #tpu.memory_space<semaphore_mem>>
      %dma_start3A_295 = tpu.memref_squeeze %dma_start3A_294 : memref<1x!tpu.dma_semaphore, #tpu.memory_space<semaphore_mem>> -> memref<!tpu.dma_semaphore, #tpu.memory_space<semaphore_mem>>
      tpu.enqueue_indirect_dma source(%dma_start3A_287 : memref<64x128xf32, #tpu.memory_space<vmem>>) target(%dma_start3A_293 : memref<10240x128xf32, #tpu.memory_space<vmem_shared>>) offsets(%dma_start3A_290 : memref<64xi32, #tpu.memory_space<vmem>>) semaphore(%dma_start3A_295 : memref<!tpu.dma_semaphore, #tpu.memory_space<semaphore_mem>>) {add = true}
      %dma_wait3A_296 = arith.constant 0 : i32
      %dma_wait3A_297 = arith.constant 0 : i32
      %dma_wait3A_298 = arith.constant 0 : i32
      %dma_wait3A_299 = arith.constant 0 : i32
      %dma_wait3A_300 = arith.constant 0 : i32
      %dma_wait3A_301 = tpu.memref_slice %arg12[%dma_wait3A_296, %dma_wait3A_299, %dma_wait3A_300] : memref<4x64x128xf32, #tpu.memory_space<vmem>> -> memref<1x64x128xf32, #tpu.memory_space<vmem>>
      %dma_wait3A_302 = tpu.memref_squeeze %dma_wait3A_301 : memref<1x64x128xf32, #tpu.memory_space<vmem>> -> memref<64x128xf32, #tpu.memory_space<vmem>>
      %dma_wait3A_303 = arith.constant 0 : i32
      %dma_wait3A_304 = tpu.memref_slice %arg11[%dma_wait3A_297, %dma_wait3A_303] : memref<4x64xi32, #tpu.memory_space<vmem>> -> memref<1x64xi32, #tpu.memory_space<vmem>>
      %dma_wait3A_305 = tpu.memref_squeeze %dma_wait3A_304 : memref<1x64xi32, #tpu.memory_space<vmem>> -> memref<64xi32, #tpu.memory_space<vmem>>
      %dma_wait3A_306 = arith.constant 0 : i32
      %dma_wait3A_307 = arith.constant 0 : i32
      %dma_wait3A_308 = tpu.memref_slice %arg16[%dma_wait3A_306, %dma_wait3A_307] : memref<10240x128xf32, #tpu.memory_space<vmem_shared>> -> memref<10240x128xf32, #tpu.memory_space<vmem_shared>>
      %dma_wait3A_309 = tpu.memref_slice %arg15[%dma_wait3A_298] : memref<4x!tpu.dma_semaphore, #tpu.memory_space<semaphore_mem>> -> memref<1x!tpu.dma_semaphore, #tpu.memory_space<semaphore_mem>>
      %dma_wait3A_310 = tpu.memref_squeeze %dma_wait3A_309 : memref<1x!tpu.dma_semaphore, #tpu.memory_space<semaphore_mem>> -> memref<!tpu.dma_semaphore, #tpu.memory_space<semaphore_mem>>
      tpu.wait_indirect_dma semaphore(%dma_wait3A_310 : memref<!tpu.dma_semaphore, #tpu.memory_space<semaphore_mem>>) src(%dma_wait3A_302 : memref<64x128xf32, #tpu.memory_space<vmem>>) dst(%dma_wait3A_308 : memref<10240x128xf32, #tpu.memory_space<vmem_shared>>)
      %dma_start3A_311 = arith.constant 4 : i32
      %dma_start3A_312 = arith.constant 0 : i32
      %dma_start3A_313 = arith.constant 0 : i32
      %dma_start3A_314 = arith.constant 0 : i32
      %dma_start3A_315 = tpu.memref_slice %arg11[%dma_start3A_312, %dma_start3A_314] : memref<4x64xi32, #tpu.memory_space<vmem>> -> memref<1x64xi32, #tpu.memory_space<vmem>>
      %dma_start3A_316 = tpu.memref_squeeze %dma_start3A_315 : memref<1x64xi32, #tpu.memory_space<vmem>> -> memref<64xi32, #tpu.memory_space<vmem>>
      %dma_start3A_317 = arith.constant 0 : i32
      %dma_start3A_318 = tpu.memref_slice %arg5[%arg1, %dma_start3A_311, %dma_start3A_317] : memref<16x162x64xi32, #tpu.memory_space<hbm>> -> memref<1x1x64xi32, #tpu.memory_space<hbm>>
      %dma_start3A_319 = tpu.memref_squeeze %dma_start3A_318 : memref<1x1x64xi32, #tpu.memory_space<hbm>> -> memref<64xi32, #tpu.memory_space<hbm>>
      %dma_start3A_320 = tpu.memref_slice %arg14[%dma_start3A_313] : memref<4x!tpu.dma_semaphore, #tpu.memory_space<semaphore_mem>> -> memref<1x!tpu.dma_semaphore, #tpu.memory_space<semaphore_mem>>
      %dma_start3A_321 = tpu.memref_squeeze %dma_start3A_320 : memref<1x!tpu.dma_semaphore, #tpu.memory_space<semaphore_mem>> -> memref<!tpu.dma_semaphore, #tpu.memory_space<semaphore_mem>>
      %dma_start3A_322 = arith.constant 0 : i32
      %dma_start3A_323 = tpu.memref_slice %arg11[%dma_start3A_312, %dma_start3A_322] : memref<4x64xi32, #tpu.memory_space<vmem>> -> memref<1x64xi32, #tpu.memory_space<vmem>>
      %dma_start3A_324 = tpu.memref_squeeze %dma_start3A_323 : memref<1x64xi32, #tpu.memory_space<vmem>> -> memref<64xi32, #tpu.memory_space<vmem>>
      %dma_start3A_325 = arith.constant 0 : i32
      %dma_start3A_326 = tpu.memref_slice %arg5[%arg1, %dma_start3A_311, %dma_start3A_325] : memref<16x162x64xi32, #tpu.memory_space<hbm>> -> memref<1x1x64xi32, #tpu.memory_space<hbm>>
      %dma_start3A_327 = tpu.memref_squeeze %dma_start3A_326 : memref<1x1x64xi32, #tpu.memory_space<hbm>> -> memref<64xi32, #tpu.memory_space<hbm>>
      tpu.enqueue_dma source(%dma_start3A_327 : memref<64xi32, #tpu.memory_space<hbm>>) target(%dma_start3A_324 : memref<64xi32, #tpu.memory_space<vmem>>) target_semaphore(%dma_start3A_321 : memref<!tpu.dma_semaphore, #tpu.memory_space<semaphore_mem>>)
      %dma_start3A_328 = arith.constant 2 : i32
      %dma_start3A_329 = arith.constant 0 : i32
      %dma_start3A_330 = arith.constant 0 : i32
      %dma_start3A_331 = arith.constant 0 : i32
      %dma_start3A_332 = arith.constant 0 : i32
      %dma_start3A_333 = tpu.memref_slice %arg12[%dma_start3A_329, %dma_start3A_331, %dma_start3A_332] : memref<4x64x128xf32, #tpu.memory_space<vmem>> -> memref<1x64x128xf32, #tpu.memory_space<vmem>>
      %dma_start3A_334 = tpu.memref_squeeze %dma_start3A_333 : memref<1x64x128xf32, #tpu.memory_space<vmem>> -> memref<64x128xf32, #tpu.memory_space<vmem>>
      %dma_start3A_335 = arith.constant 0 : i32
      %dma_start3A_336 = tpu.memref_slice %arg10[%dma_start3A_328, %dma_start3A_335] : memref<81x128xi32, #tpu.memory_space<vmem>> -> memref<1x64xi32, #tpu.memory_space<vmem>>
      %dma_start3A_337 = tpu.memref_squeeze %dma_start3A_336 : memref<1x64xi32, #tpu.memory_space<vmem>> -> memref<64xi32, #tpu.memory_space<vmem>>
      %dma_start3A_338 = arith.constant 0 : i32
      %dma_start3A_339 = arith.constant 0 : i32
      %dma_start3A_340 = tpu.memref_slice %arg3[%dma_start3A_338, %dma_start3A_339] : memref<10240x128xf32, #tpu.memory_space<hbm>> -> memref<10240x128xf32, #tpu.memory_space<hbm>>
      %dma_start3A_341 = tpu.memref_slice %arg13[%dma_start3A_330] : memref<4x!tpu.dma_semaphore, #tpu.memory_space<semaphore_mem>> -> memref<1x!tpu.dma_semaphore, #tpu.memory_space<semaphore_mem>>
      %dma_start3A_342 = tpu.memref_squeeze %dma_start3A_341 : memref<1x!tpu.dma_semaphore, #tpu.memory_space<semaphore_mem>> -> memref<!tpu.dma_semaphore, #tpu.memory_space<semaphore_mem>>
      tpu.enqueue_indirect_dma source(%dma_start3A_340 : memref<10240x128xf32, #tpu.memory_space<hbm>>) target(%dma_start3A_334 : memref<64x128xf32, #tpu.memory_space<vmem>>) offsets(%dma_start3A_337 : memref<64xi32, #tpu.memory_space<vmem>>) semaphore(%dma_start3A_342 : memref<!tpu.dma_semaphore, #tpu.memory_space<semaphore_mem>>)
      %dma_wait3A_343 = arith.constant 1 : i32
      %dma_wait3A_344 = arith.constant 3 : i32
      %dma_wait3A_345 = arith.constant 3 : i32
      %dma_wait3A_346 = arith.constant 0 : i32
      %dma_wait3A_347 = arith.constant 0 : i32
      %dma_wait3A_348 = tpu.memref_slice %arg12[%dma_wait3A_344, %dma_wait3A_346, %dma_wait3A_347] : memref<4x64x128xf32, #tpu.memory_space<vmem>> -> memref<1x64x128xf32, #tpu.memory_space<vmem>>
      %dma_wait3A_349 = tpu.memref_squeeze %dma_wait3A_348 : memref<1x64x128xf32, #tpu.memory_space<vmem>> -> memref<64x128xf32, #tpu.memory_space<vmem>>
      %dma_wait3A_350 = arith.constant 64 : i32
      %dma_wait3A_351 = tpu.memref_slice %arg10[%dma_wait3A_343, %dma_wait3A_350] : memref<81x128xi32, #tpu.memory_space<vmem>> -> memref<1x64xi32, #tpu.memory_space<vmem>>
      %dma_wait3A_352 = tpu.memref_squeeze %dma_wait3A_351 : memref<1x64xi32, #tpu.memory_space<vmem>> -> memref<64xi32, #tpu.memory_space<vmem>>
      %dma_wait3A_353 = arith.constant 0 : i32
      %dma_wait3A_354 = arith.constant 0 : i32
      %dma_wait3A_355 = tpu.memref_slice %arg3[%dma_wait3A_353, %dma_wait3A_354] : memref<10240x128xf32, #tpu.memory_space<hbm>> -> memref<10240x128xf32, #tpu.memory_space<hbm>>
      %dma_wait3A_356 = tpu.memref_slice %arg13[%dma_wait3A_345] : memref<4x!tpu.dma_semaphore, #tpu.memory_space<semaphore_mem>> -> memref<1x!tpu.dma_semaphore, #tpu.memory_space<semaphore_mem>>
      %dma_wait3A_357 = tpu.memref_squeeze %dma_wait3A_356 : memref<1x!tpu.dma_semaphore, #tpu.memory_space<semaphore_mem>> -> memref<!tpu.dma_semaphore, #tpu.memory_space<semaphore_mem>>
      tpu.wait_indirect_dma semaphore(%dma_wait3A_357 : memref<!tpu.dma_semaphore, #tpu.memory_space<semaphore_mem>>) src(%dma_wait3A_355 : memref<10240x128xf32, #tpu.memory_space<hbm>>) dst(%dma_wait3A_349 : memref<64x128xf32, #tpu.memory_space<vmem>>)
      %dma_wait3A_358 = arith.constant 3 : i32
      %dma_wait3A_359 = arith.constant 3 : i32
      %dma_wait3A_360 = arith.constant 3 : i32
      %dma_wait3A_361 = arith.constant 0 : i32
      %dma_wait3A_362 = tpu.memref_slice %arg11[%dma_wait3A_359, %dma_wait3A_361] : memref<4x64xi32, #tpu.memory_space<vmem>> -> memref<1x64xi32, #tpu.memory_space<vmem>>
      %dma_wait3A_363 = tpu.memref_squeeze %dma_wait3A_362 : memref<1x64xi32, #tpu.memory_space<vmem>> -> memref<64xi32, #tpu.memory_space<vmem>>
      %dma_wait3A_364 = arith.constant 0 : i32
      %dma_wait3A_365 = tpu.memref_slice %arg5[%arg1, %dma_wait3A_358, %dma_wait3A_364] : memref<16x162x64xi32, #tpu.memory_space<hbm>> -> memref<1x1x64xi32, #tpu.memory_space<hbm>>
      %dma_wait3A_366 = tpu.memref_squeeze %dma_wait3A_365 : memref<1x1x64xi32, #tpu.memory_space<hbm>> -> memref<64xi32, #tpu.memory_space<hbm>>
      %dma_wait3A_367 = tpu.memref_slice %arg14[%dma_wait3A_360] : memref<4x!tpu.dma_semaphore, #tpu.memory_space<semaphore_mem>> -> memref<1x!tpu.dma_semaphore, #tpu.memory_space<semaphore_mem>>
      %dma_wait3A_368 = tpu.memref_squeeze %dma_wait3A_367 : memref<1x!tpu.dma_semaphore, #tpu.memory_space<semaphore_mem>> -> memref<!tpu.dma_semaphore, #tpu.memory_space<semaphore_mem>>
      %dma_wait3A_369 = arith.constant 0 : i32
      %dma_wait3A_370 = tpu.memref_slice %arg11[%dma_wait3A_359, %dma_wait3A_369] : memref<4x64xi32, #tpu.memory_space<vmem>> -> memref<1x64xi32, #tpu.memory_space<vmem>>
      %dma_wait3A_371 = tpu.memref_squeeze %dma_wait3A_370 : memref<1x64xi32, #tpu.memory_space<vmem>> -> memref<64xi32, #tpu.memory_space<vmem>>
      %dma_wait3A_372 = arith.constant 0 : i32
      %dma_wait3A_373 = tpu.memref_slice %arg5[%arg1, %dma_wait3A_358, %dma_wait3A_372] : memref<16x162x64xi32, #tpu.memory_space<hbm>> -> memref<1x1x64xi32, #tpu.memory_space<hbm>>
      %dma_wait3A_374 = tpu.memref_squeeze %dma_wait3A_373 : memref<1x1x64xi32, #tpu.memory_space<hbm>> -> memref<64xi32, #tpu.memory_space<hbm>>
      tpu.wait_dma2 semaphore(%dma_wait3A_368 : memref<!tpu.dma_semaphore, #tpu.memory_space<semaphore_mem>>) src(%dma_wait3A_374 : memref<64xi32, #tpu.memory_space<hbm>>) dst(%dma_wait3A_371 : memref<64xi32, #tpu.memory_space<vmem>>)
      %dma_start3A_375 = arith.constant 3 : i32
      %dma_start3A_376 = arith.constant 3 : i32
      %dma_start3A_377 = arith.constant 3 : i32
      %dma_start3A_378 = arith.constant 0 : i32
      %dma_start3A_379 = arith.constant 0 : i32
      %dma_start3A_380 = tpu.memref_slice %arg12[%dma_start3A_375, %dma_start3A_378, %dma_start3A_379] : memref<4x64x128xf32, #tpu.memory_space<vmem>> -> memref<1x64x128xf32, #tpu.memory_space<vmem>>
      %dma_start3A_381 = tpu.memref_squeeze %dma_start3A_380 : memref<1x64x128xf32, #tpu.memory_space<vmem>> -> memref<64x128xf32, #tpu.memory_space<vmem>>
      %dma_start3A_382 = arith.constant 0 : i32
      %dma_start3A_383 = tpu.memref_slice %arg11[%dma_start3A_376, %dma_start3A_382] : memref<4x64xi32, #tpu.memory_space<vmem>> -> memref<1x64xi32, #tpu.memory_space<vmem>>
      %dma_start3A_384 = tpu.memref_squeeze %dma_start3A_383 : memref<1x64xi32, #tpu.memory_space<vmem>> -> memref<64xi32, #tpu.memory_space<vmem>>
      %dma_start3A_385 = arith.constant 0 : i32
      %dma_start3A_386 = arith.constant 0 : i32
      %dma_start3A_387 = tpu.memref_slice %arg16[%dma_start3A_385, %dma_start3A_386] : memref<10240x128xf32, #tpu.memory_space<vmem_shared>> -> memref<10240x128xf32, #tpu.memory_space<vmem_shared>>
      %dma_start3A_388 = tpu.memref_slice %arg15[%dma_start3A_377] : memref<4x!tpu.dma_semaphore, #tpu.memory_space<semaphore_mem>> -> memref<1x!tpu.dma_semaphore, #tpu.memory_space<semaphore_mem>>
      %dma_start3A_389 = tpu.memref_squeeze %dma_start3A_388 : memref<1x!tpu.dma_semaphore, #tpu.memory_space<semaphore_mem>> -> memref<!tpu.dma_semaphore, #tpu.memory_space<semaphore_mem>>
      tpu.enqueue_indirect_dma source(%dma_start3A_381 : memref<64x128xf32, #tpu.memory_space<vmem>>) target(%dma_start3A_387 : memref<10240x128xf32, #tpu.memory_space<vmem_shared>>) offsets(%dma_start3A_384 : memref<64xi32, #tpu.memory_space<vmem>>) semaphore(%dma_start3A_389 : memref<!tpu.dma_semaphore, #tpu.memory_space<semaphore_mem>>) {add = true}
      %dma_wait3A_390 = arith.constant 1 : i32
      %dma_wait3A_391 = arith.constant 1 : i32
      %dma_wait3A_392 = arith.constant 1 : i32
      %dma_wait3A_393 = arith.constant 0 : i32
      %dma_wait3A_394 = arith.constant 0 : i32
      %dma_wait3A_395 = tpu.memref_slice %arg12[%dma_wait3A_390, %dma_wait3A_393, %dma_wait3A_394] : memref<4x64x128xf32, #tpu.memory_space<vmem>> -> memref<1x64x128xf32, #tpu.memory_space<vmem>>
      %dma_wait3A_396 = tpu.memref_squeeze %dma_wait3A_395 : memref<1x64x128xf32, #tpu.memory_space<vmem>> -> memref<64x128xf32, #tpu.memory_space<vmem>>
      %dma_wait3A_397 = arith.constant 0 : i32
      %dma_wait3A_398 = tpu.memref_slice %arg11[%dma_wait3A_391, %dma_wait3A_397] : memref<4x64xi32, #tpu.memory_space<vmem>> -> memref<1x64xi32, #tpu.memory_space<vmem>>
      %dma_wait3A_399 = tpu.memref_squeeze %dma_wait3A_398 : memref<1x64xi32, #tpu.memory_space<vmem>> -> memref<64xi32, #tpu.memory_space<vmem>>
      %dma_wait3A_400 = arith.constant 0 : i32
      %dma_wait3A_401 = arith.constant 0 : i32
      %dma_wait3A_402 = tpu.memref_slice %arg16[%dma_wait3A_400, %dma_wait3A_401] : memref<10240x128xf32, #tpu.memory_space<vmem_shared>> -> memref<10240x128xf32, #tpu.memory_space<vmem_shared>>
      %dma_wait3A_403 = tpu.memref_slice %arg15[%dma_wait3A_392] : memref<4x!tpu.dma_semaphore, #tpu.memory_space<semaphore_mem>> -> memref<1x!tpu.dma_semaphore, #tpu.memory_space<semaphore_mem>>
      %dma_wait3A_404 = tpu.memref_squeeze %dma_wait3A_403 : memref<1x!tpu.dma_semaphore, #tpu.memory_space<semaphore_mem>> -> memref<!tpu.dma_semaphore, #tpu.memory_space<semaphore_mem>>
      tpu.wait_indirect_dma semaphore(%dma_wait3A_404 : memref<!tpu.dma_semaphore, #tpu.memory_space<semaphore_mem>>) src(%dma_wait3A_396 : memref<64x128xf32, #tpu.memory_space<vmem>>) dst(%dma_wait3A_402 : memref<10240x128xf32, #tpu.memory_space<vmem_shared>>)
      %dma_start3A_405 = arith.constant 5 : i32
      %dma_start3A_406 = arith.constant 1 : i32
      %dma_start3A_407 = arith.constant 1 : i32
      %dma_start3A_408 = arith.constant 0 : i32
      %dma_start3A_409 = tpu.memref_slice %arg11[%dma_start3A_406, %dma_start3A_408] : memref<4x64xi32, #tpu.memory_space<vmem>> -> memref<1x64xi32, #tpu.memory_space<vmem>>
      %dma_start3A_410 = tpu.memref_squeeze %dma_start3A_409 : memref<1x64xi32, #tpu.memory_space<vmem>> -> memref<64xi32, #tpu.memory_space<vmem>>
      %dma_start3A_411 = arith.constant 0 : i32
      %dma_start3A_412 = tpu.memref_slice %arg5[%arg1, %dma_start3A_405, %dma_start3A_411] : memref<16x162x64xi32, #tpu.memory_space<hbm>> -> memref<1x1x64xi32, #tpu.memory_space<hbm>>
      %dma_start3A_413 = tpu.memref_squeeze %dma_start3A_412 : memref<1x1x64xi32, #tpu.memory_space<hbm>> -> memref<64xi32, #tpu.memory_space<hbm>>
      %dma_start3A_414 = tpu.memref_slice %arg14[%dma_start3A_407] : memref<4x!tpu.dma_semaphore, #tpu.memory_space<semaphore_mem>> -> memref<1x!tpu.dma_semaphore, #tpu.memory_space<semaphore_mem>>
      %dma_start3A_415 = tpu.memref_squeeze %dma_start3A_414 : memref<1x!tpu.dma_semaphore, #tpu.memory_space<semaphore_mem>> -> memref<!tpu.dma_semaphore, #tpu.memory_space<semaphore_mem>>
      %dma_start3A_416 = arith.constant 0 : i32
      %dma_start3A_417 = tpu.memref_slice %arg11[%dma_start3A_406, %dma_start3A_416] : memref<4x64xi32, #tpu.memory_space<vmem>> -> memref<1x64xi32, #tpu.memory_space<vmem>>
      %dma_start3A_418 = tpu.memref_squeeze %dma_start3A_417 : memref<1x64xi32, #tpu.memory_space<vmem>> -> memref<64xi32, #tpu.memory_space<vmem>>
      %dma_start3A_419 = arith.constant 0 : i32
      %dma_start3A_420 = tpu.memref_slice %arg5[%arg1, %dma_start3A_405, %dma_start3A_419] : memref<16x162x64xi32, #tpu.memory_space<hbm>> -> memref<1x1x64xi32, #tpu.memory_space<hbm>>
      %dma_start3A_421 = tpu.memref_squeeze %dma_start3A_420 : memref<1x1x64xi32, #tpu.memory_space<hbm>> -> memref<64xi32, #tpu.memory_space<hbm>>
      tpu.enqueue_dma source(%dma_start3A_421 : memref<64xi32, #tpu.memory_space<hbm>>) target(%dma_start3A_418 : memref<64xi32, #tpu.memory_space<vmem>>) target_semaphore(%dma_start3A_415 : memref<!tpu.dma_semaphore, #tpu.memory_space<semaphore_mem>>)
      %dma_start3A_422 = arith.constant 2 : i32
      %dma_start3A_423 = arith.constant 1 : i32
      %dma_start3A_424 = arith.constant 1 : i32
      %dma_start3A_425 = arith.constant 0 : i32
      %dma_start3A_426 = arith.constant 0 : i32
      %dma_start3A_427 = tpu.memref_slice %arg12[%dma_start3A_423, %dma_start3A_425, %dma_start3A_426] : memref<4x64x128xf32, #tpu.memory_space<vmem>> -> memref<1x64x128xf32, #tpu.memory_space<vmem>>
      %dma_start3A_428 = tpu.memref_squeeze %dma_start3A_427 : memref<1x64x128xf32, #tpu.memory_space<vmem>> -> memref<64x128xf32, #tpu.memory_space<vmem>>
      %dma_start3A_429 = arith.constant 64 : i32
      %dma_start3A_430 = tpu.memref_slice %arg10[%dma_start3A_422, %dma_start3A_429] : memref<81x128xi32, #tpu.memory_space<vmem>> -> memref<1x64xi32, #tpu.memory_space<vmem>>
      %dma_start3A_431 = tpu.memref_squeeze %dma_start3A_430 : memref<1x64xi32, #tpu.memory_space<vmem>> -> memref<64xi32, #tpu.memory_space<vmem>>
      %dma_start3A_432 = arith.constant 0 : i32
      %dma_start3A_433 = arith.constant 0 : i32
      %dma_start3A_434 = tpu.memref_slice %arg3[%dma_start3A_432, %dma_start3A_433] : memref<10240x128xf32, #tpu.memory_space<hbm>> -> memref<10240x128xf32, #tpu.memory_space<hbm>>
      %dma_start3A_435 = tpu.memref_slice %arg13[%dma_start3A_424] : memref<4x!tpu.dma_semaphore, #tpu.memory_space<semaphore_mem>> -> memref<1x!tpu.dma_semaphore, #tpu.memory_space<semaphore_mem>>
      %dma_start3A_436 = tpu.memref_squeeze %dma_start3A_435 : memref<1x!tpu.dma_semaphore, #tpu.memory_space<semaphore_mem>> -> memref<!tpu.dma_semaphore, #tpu.memory_space<semaphore_mem>>
      tpu.enqueue_indirect_dma source(%dma_start3A_434 : memref<10240x128xf32, #tpu.memory_space<hbm>>) target(%dma_start3A_428 : memref<64x128xf32, #tpu.memory_space<vmem>>) offsets(%dma_start3A_431 : memref<64xi32, #tpu.memory_space<vmem>>) semaphore(%dma_start3A_436 : memref<!tpu.dma_semaphore, #tpu.memory_space<semaphore_mem>>)
      %scan3A = arith.constant 0 : i32
      %scan3A_437 = arith.constant 1 : i32
      %scan3A_438 = arith.constant 39 : i32
      %scan3A_439 = arith.addi %scan3A_437, %scan3A_438 : i32
      %scan3A_440 = arith.constant 1 : i32
      scf.for %scan3A_536 = %scan3A_437 to %scan3A_439 step %scan3A_440  : i32 {
        %mul3A_537 = arith.constant 4 : i32
        %mul3A_538 = arith.muli %scan3A_536, %mul3A_537 : i32
        %add3A = arith.constant 0 : i32
        %add3A_539 = arith.addi %mul3A_538, %add3A : i32
        %jit3A = arith.constant 2 : i32
        %div3A = arith.divsi %add3A_539, %jit3A : i32
        %sign3A = arith.constant 0 : i32
        %sign3A_540 = arith.cmpi sgt, %add3A_539, %sign3A : i32
        %sign3A_541 = arith.extui %sign3A_540 : i1 to i32
        %sign3A_542 = arith.constant 0 : i32
        %sign3A_543 = arith.cmpi slt, %add3A_539, %sign3A_542 : i32
        %sign3A_544 = arith.extui %sign3A_543 : i1 to i32
        %sign3A_545 = arith.subi %sign3A_541, %sign3A_544 : i32
        %sign3A_546 = arith.constant 0 : i32
        %sign3A_547 = arith.cmpi sgt, %jit3A, %sign3A_546 : i32
        %sign3A_548 = arith.extui %sign3A_547 : i1 to i32
        %sign3A_549 = arith.constant 0 : i32
        %sign3A_550 = arith.cmpi slt, %jit3A, %sign3A_549 : i32
        %sign3A_551 = arith.extui %sign3A_550 : i1 to i32
        %sign3A_552 = arith.subi %sign3A_548, %sign3A_551 : i32
        %ne3A = arith.cmpi ne, %sign3A_545, %sign3A_552 : i32
        %rem3A = arith.remsi %add3A_539, %jit3A : i32
        %ne3A_553 = arith.constant 0 : i32
        %ne3A_554 = arith.cmpi ne, %rem3A, %ne3A_553 : i32
        %and3A = arith.andi %ne3A, %ne3A_554 : i1
        %sub3A = arith.constant 1 : i32
        %sub3A_555 = arith.subi %div3A, %sub3A : i32
        %select_n3A = arith.select %and3A, %sub3A_555, %div3A : i32
        %jit3A_556 = arith.constant 2 : i32
        %eq3A_557 = arith.constant 0 : i32
        %eq3A_558 = arith.cmpi eq, %jit3A_556, %eq3A_557 : i32
        %jit3A_559 = arith.constant 1 : i32
        %select_n3A_560 = arith.select %eq3A_558, %jit3A_559, %jit3A_556 : i32
        %rem3A_561 = arith.remsi %add3A_539, %select_n3A_560 : i32
        %ne3A_562 = arith.constant 0 : i32
        %ne3A_563 = arith.cmpi ne, %rem3A_561, %ne3A_562 : i32
        %lt3A = arith.constant 0 : i32
        %lt3A_564 = arith.cmpi slt, %rem3A_561, %lt3A : i32
        %lt3A_565 = arith.constant 0 : i32
        %lt3A_566 = arith.cmpi slt, %select_n3A_560, %lt3A_565 : i32
        %ne3A_567 = arith.xori %lt3A_564, %lt3A_566 : i1
        %and3A_568 = arith.andi %ne3A_567, %ne3A_563 : i1
        %add3A_569 = arith.addi %rem3A_561, %select_n3A_560 : i32
        %select_n3A_570 = arith.select %and3A_568, %add3A_569, %rem3A_561 : i32
        %mul3A_571 = arith.constant 64 : i32
        %mul3A_572 = arith.muli %select_n3A_570, %mul3A_571 : i32
        %dma_wait3A_573 = arith.constant 0 : i32
        %dma_wait3A_574 = arith.constant 0 : i32
        %dma_wait3A_575 = arith.constant 0 : i32
        %dma_wait3A_576 = arith.constant 0 : i32
        %dma_wait3A_577 = tpu.memref_slice %arg12[%dma_wait3A_573, %dma_wait3A_575, %dma_wait3A_576] : memref<4x64x128xf32, #tpu.memory_space<vmem>> -> memref<1x64x128xf32, #tpu.memory_space<vmem>>
        %dma_wait3A_578 = tpu.memref_squeeze %dma_wait3A_577 : memref<1x64x128xf32, #tpu.memory_space<vmem>> -> memref<64x128xf32, #tpu.memory_space<vmem>>
        %dma_wait3A_579 = tpu.memref_slice %arg10[%select_n3A, %mul3A_572] : memref<81x128xi32, #tpu.memory_space<vmem>> -> memref<1x64xi32, #tpu.memory_space<vmem>>
        %dma_wait3A_580 = tpu.memref_squeeze %dma_wait3A_579 : memref<1x64xi32, #tpu.memory_space<vmem>> -> memref<64xi32, #tpu.memory_space<vmem>>
        %dma_wait3A_581 = arith.constant 0 : i32
        %dma_wait3A_582 = arith.constant 0 : i32
        %dma_wait3A_583 = tpu.memref_slice %arg3[%dma_wait3A_581, %dma_wait3A_582] : memref<10240x128xf32, #tpu.memory_space<hbm>> -> memref<10240x128xf32, #tpu.memory_space<hbm>>
        %dma_wait3A_584 = tpu.memref_slice %arg13[%dma_wait3A_574] : memref<4x!tpu.dma_semaphore, #tpu.memory_space<semaphore_mem>> -> memref<1x!tpu.dma_semaphore, #tpu.memory_space<semaphore_mem>>
        %dma_wait3A_585 = tpu.memref_squeeze %dma_wait3A_584 : memref<1x!tpu.dma_semaphore, #tpu.memory_space<semaphore_mem>> -> memref<!tpu.dma_semaphore, #tpu.memory_space<semaphore_mem>>
        tpu.wait_indirect_dma semaphore(%dma_wait3A_585 : memref<!tpu.dma_semaphore, #tpu.memory_space<semaphore_mem>>) src(%dma_wait3A_583 : memref<10240x128xf32, #tpu.memory_space<hbm>>) dst(%dma_wait3A_578 : memref<64x128xf32, #tpu.memory_space<vmem>>)
        %dma_wait3A_586 = arith.constant 0 : i32
        %dma_wait3A_587 = arith.constant 0 : i32
        %dma_wait3A_588 = arith.constant 0 : i32
        %dma_wait3A_589 = tpu.memref_slice %arg11[%dma_wait3A_586, %dma_wait3A_588] : memref<4x64xi32, #tpu.memory_space<vmem>> -> memref<1x64xi32, #tpu.memory_space<vmem>>
        %dma_wait3A_590 = tpu.memref_squeeze %dma_wait3A_589 : memref<1x64xi32, #tpu.memory_space<vmem>> -> memref<64xi32, #tpu.memory_space<vmem>>
        %dma_wait3A_591 = arith.constant 0 : i32
        %dma_wait3A_592 = tpu.memref_slice %arg5[%arg1, %add3A_539, %dma_wait3A_591] : memref<16x162x64xi32, #tpu.memory_space<hbm>> -> memref<1x1x64xi32, #tpu.memory_space<hbm>>
        %dma_wait3A_593 = tpu.memref_squeeze %dma_wait3A_592 : memref<1x1x64xi32, #tpu.memory_space<hbm>> -> memref<64xi32, #tpu.memory_space<hbm>>
        %dma_wait3A_594 = tpu.memref_slice %arg14[%dma_wait3A_587] : memref<4x!tpu.dma_semaphore, #tpu.memory_space<semaphore_mem>> -> memref<1x!tpu.dma_semaphore, #tpu.memory_space<semaphore_mem>>
        %dma_wait3A_595 = tpu.memref_squeeze %dma_wait3A_594 : memref<1x!tpu.dma_semaphore, #tpu.memory_space<semaphore_mem>> -> memref<!tpu.dma_semaphore, #tpu.memory_space<semaphore_mem>>
        %dma_wait3A_596 = arith.constant 0 : i32
        %dma_wait3A_597 = tpu.memref_slice %arg11[%dma_wait3A_586, %dma_wait3A_596] : memref<4x64xi32, #tpu.memory_space<vmem>> -> memref<1x64xi32, #tpu.memory_space<vmem>>
        %dma_wait3A_598 = tpu.memref_squeeze %dma_wait3A_597 : memref<1x64xi32, #tpu.memory_space<vmem>> -> memref<64xi32, #tpu.memory_space<vmem>>
        %dma_wait3A_599 = arith.constant 0 : i32
        %dma_wait3A_600 = tpu.memref_slice %arg5[%arg1, %add3A_539, %dma_wait3A_599] : memref<16x162x64xi32, #tpu.memory_space<hbm>> -> memref<1x1x64xi32, #tpu.memory_space<hbm>>
        %dma_wait3A_601 = tpu.memref_squeeze %dma_wait3A_600 : memref<1x1x64xi32, #tpu.memory_space<hbm>> -> memref<64xi32, #tpu.memory_space<hbm>>
        tpu.wait_dma2 semaphore(%dma_wait3A_595 : memref<!tpu.dma_semaphore, #tpu.memory_space<semaphore_mem>>) src(%dma_wait3A_601 : memref<64xi32, #tpu.memory_space<hbm>>) dst(%dma_wait3A_598 : memref<64xi32, #tpu.memory_space<vmem>>)
        %dma_start3A_602 = arith.constant 0 : i32
        %dma_start3A_603 = arith.constant 0 : i32
        %dma_start3A_604 = arith.constant 0 : i32
        %dma_start3A_605 = arith.constant 0 : i32
        %dma_start3A_606 = arith.constant 0 : i32
        %dma_start3A_607 = tpu.memref_slice %arg12[%dma_start3A_602, %dma_start3A_605, %dma_start3A_606] : memref<4x64x128xf32, #tpu.memory_space<vmem>> -> memref<1x64x128xf32, #tpu.memory_space<vmem>>
        %dma_start3A_608 = tpu.memref_squeeze %dma_start3A_607 : memref<1x64x128xf32, #tpu.memory_space<vmem>> -> memref<64x128xf32, #tpu.memory_space<vmem>>
        %dma_start3A_609 = arith.constant 0 : i32
        %dma_start3A_610 = tpu.memref_slice %arg11[%dma_start3A_603, %dma_start3A_609] : memref<4x64xi32, #tpu.memory_space<vmem>> -> memref<1x64xi32, #tpu.memory_space<vmem>>
        %dma_start3A_611 = tpu.memref_squeeze %dma_start3A_610 : memref<1x64xi32, #tpu.memory_space<vmem>> -> memref<64xi32, #tpu.memory_space<vmem>>
        %dma_start3A_612 = arith.constant 0 : i32
        %dma_start3A_613 = arith.constant 0 : i32
        %dma_start3A_614 = tpu.memref_slice %arg16[%dma_start3A_612, %dma_start3A_613] : memref<10240x128xf32, #tpu.memory_space<vmem_shared>> -> memref<10240x128xf32, #tpu.memory_space<vmem_shared>>
        %dma_start3A_615 = tpu.memref_slice %arg15[%dma_start3A_604] : memref<4x!tpu.dma_semaphore, #tpu.memory_space<semaphore_mem>> -> memref<1x!tpu.dma_semaphore, #tpu.memory_space<semaphore_mem>>
        %dma_start3A_616 = tpu.memref_squeeze %dma_start3A_615 : memref<1x!tpu.dma_semaphore, #tpu.memory_space<semaphore_mem>> -> memref<!tpu.dma_semaphore, #tpu.memory_space<semaphore_mem>>
        tpu.enqueue_indirect_dma source(%dma_start3A_608 : memref<64x128xf32, #tpu.memory_space<vmem>>) target(%dma_start3A_614 : memref<10240x128xf32, #tpu.memory_space<vmem_shared>>) offsets(%dma_start3A_611 : memref<64xi32, #tpu.memory_space<vmem>>) semaphore(%dma_start3A_616 : memref<!tpu.dma_semaphore, #tpu.memory_space<semaphore_mem>>) {add = true}
        %dma_wait3A_617 = arith.constant 2 : i32
        %dma_wait3A_618 = arith.constant 2 : i32
        %dma_wait3A_619 = arith.constant 2 : i32
        %dma_wait3A_620 = arith.constant 0 : i32
        %dma_wait3A_621 = arith.constant 0 : i32
        %dma_wait3A_622 = tpu.memref_slice %arg12[%dma_wait3A_617, %dma_wait3A_620, %dma_wait3A_621] : memref<4x64x128xf32, #tpu.memory_space<vmem>> -> memref<1x64x128xf32, #tpu.memory_space<vmem>>
        %dma_wait3A_623 = tpu.memref_squeeze %dma_wait3A_622 : memref<1x64x128xf32, #tpu.memory_space<vmem>> -> memref<64x128xf32, #tpu.memory_space<vmem>>
        %dma_wait3A_624 = arith.constant 0 : i32
        %dma_wait3A_625 = tpu.memref_slice %arg11[%dma_wait3A_618, %dma_wait3A_624] : memref<4x64xi32, #tpu.memory_space<vmem>> -> memref<1x64xi32, #tpu.memory_space<vmem>>
        %dma_wait3A_626 = tpu.memref_squeeze %dma_wait3A_625 : memref<1x64xi32, #tpu.memory_space<vmem>> -> memref<64xi32, #tpu.memory_space<vmem>>
        %dma_wait3A_627 = arith.constant 0 : i32
        %dma_wait3A_628 = arith.constant 0 : i32
        %dma_wait3A_629 = tpu.memref_slice %arg16[%dma_wait3A_627, %dma_wait3A_628] : memref<10240x128xf32, #tpu.memory_space<vmem_shared>> -> memref<10240x128xf32, #tpu.memory_space<vmem_shared>>
        %dma_wait3A_630 = tpu.memref_slice %arg15[%dma_wait3A_619] : memref<4x!tpu.dma_semaphore, #tpu.memory_space<semaphore_mem>> -> memref<1x!tpu.dma_semaphore, #tpu.memory_space<semaphore_mem>>
        %dma_wait3A_631 = tpu.memref_squeeze %dma_wait3A_630 : memref<1x!tpu.dma_semaphore, #tpu.memory_space<semaphore_mem>> -> memref<!tpu.dma_semaphore, #tpu.memory_space<semaphore_mem>>
        tpu.wait_indirect_dma semaphore(%dma_wait3A_631 : memref<!tpu.dma_semaphore, #tpu.memory_space<semaphore_mem>>) src(%dma_wait3A_623 : memref<64x128xf32, #tpu.memory_space<vmem>>) dst(%dma_wait3A_629 : memref<10240x128xf32, #tpu.memory_space<vmem_shared>>)
        %add3A_632 = arith.constant 2 : i32
        %add3A_633 = arith.addi %add3A_539, %add3A_632 : i32
        %dma_start3A_634 = arith.constant 2 : i32
        %dma_start3A_635 = arith.constant 2 : i32
        %dma_start3A_636 = arith.constant 0 : i32
        %dma_start3A_637 = tpu.memref_slice %arg11[%dma_start3A_634, %dma_start3A_636] : memref<4x64xi32, #tpu.memory_space<vmem>> -> memref<1x64xi32, #tpu.memory_space<vmem>>
        %dma_start3A_638 = tpu.memref_squeeze %dma_start3A_637 : memref<1x64xi32, #tpu.memory_space<vmem>> -> memref<64xi32, #tpu.memory_space<vmem>>
        %dma_start3A_639 = arith.constant 0 : i32
        %dma_start3A_640 = tpu.memref_slice %arg5[%arg1, %add3A_633, %dma_start3A_639] : memref<16x162x64xi32, #tpu.memory_space<hbm>> -> memref<1x1x64xi32, #tpu.memory_space<hbm>>
        %dma_start3A_641 = tpu.memref_squeeze %dma_start3A_640 : memref<1x1x64xi32, #tpu.memory_space<hbm>> -> memref<64xi32, #tpu.memory_space<hbm>>
        %dma_start3A_642 = tpu.memref_slice %arg14[%dma_start3A_635] : memref<4x!tpu.dma_semaphore, #tpu.memory_space<semaphore_mem>> -> memref<1x!tpu.dma_semaphore, #tpu.memory_space<semaphore_mem>>
        %dma_start3A_643 = tpu.memref_squeeze %dma_start3A_642 : memref<1x!tpu.dma_semaphore, #tpu.memory_space<semaphore_mem>> -> memref<!tpu.dma_semaphore, #tpu.memory_space<semaphore_mem>>
        %dma_start3A_644 = arith.constant 0 : i32
        %dma_start3A_645 = tpu.memref_slice %arg11[%dma_start3A_634, %dma_start3A_644] : memref<4x64xi32, #tpu.memory_space<vmem>> -> memref<1x64xi32, #tpu.memory_space<vmem>>
        %dma_start3A_646 = tpu.memref_squeeze %dma_start3A_645 : memref<1x64xi32, #tpu.memory_space<vmem>> -> memref<64xi32, #tpu.memory_space<vmem>>
        %dma_start3A_647 = arith.constant 0 : i32
        %dma_start3A_648 = tpu.memref_slice %arg5[%arg1, %add3A_633, %dma_start3A_647] : memref<16x162x64xi32, #tpu.memory_space<hbm>> -> memref<1x1x64xi32, #tpu.memory_space<hbm>>
        %dma_start3A_649 = tpu.memref_squeeze %dma_start3A_648 : memref<1x1x64xi32, #tpu.memory_space<hbm>> -> memref<64xi32, #tpu.memory_space<hbm>>
        tpu.enqueue_dma source(%dma_start3A_649 : memref<64xi32, #tpu.memory_space<hbm>>) target(%dma_start3A_646 : memref<64xi32, #tpu.memory_space<vmem>>) target_semaphore(%dma_start3A_643 : memref<!tpu.dma_semaphore, #tpu.memory_space<semaphore_mem>>)
        %jit3A_650 = arith.constant 2 : i32
        %div3A_651 = arith.divsi %add3A_633, %jit3A_650 : i32
        %sign3A_652 = arith.constant 0 : i32
        %sign3A_653 = arith.cmpi sgt, %add3A_633, %sign3A_652 : i32
        %sign3A_654 = arith.extui %sign3A_653 : i1 to i32
        %sign3A_655 = arith.constant 0 : i32
        %sign3A_656 = arith.cmpi slt, %add3A_633, %sign3A_655 : i32
        %sign3A_657 = arith.extui %sign3A_656 : i1 to i32
        %sign3A_658 = arith.subi %sign3A_654, %sign3A_657 : i32
        %sign3A_659 = arith.constant 0 : i32
        %sign3A_660 = arith.cmpi sgt, %jit3A_650, %sign3A_659 : i32
        %sign3A_661 = arith.extui %sign3A_660 : i1 to i32
        %sign3A_662 = arith.constant 0 : i32
        %sign3A_663 = arith.cmpi slt, %jit3A_650, %sign3A_662 : i32
        %sign3A_664 = arith.extui %sign3A_663 : i1 to i32
        %sign3A_665 = arith.subi %sign3A_661, %sign3A_664 : i32
        %ne3A_666 = arith.cmpi ne, %sign3A_658, %sign3A_665 : i32
        %rem3A_667 = arith.remsi %add3A_633, %jit3A_650 : i32
        %ne3A_668 = arith.constant 0 : i32
        %ne3A_669 = arith.cmpi ne, %rem3A_667, %ne3A_668 : i32
        %and3A_670 = arith.andi %ne3A_666, %ne3A_669 : i1
        %sub3A_671 = arith.constant 1 : i32
        %sub3A_672 = arith.subi %div3A_651, %sub3A_671 : i32
        %select_n3A_673 = arith.select %and3A_670, %sub3A_672, %div3A_651 : i32
        %jit3A_674 = arith.constant 2 : i32
        %eq3A_675 = arith.constant 0 : i32
        %eq3A_676 = arith.cmpi eq, %jit3A_674, %eq3A_675 : i32
        %jit3A_677 = arith.constant 1 : i32
        %select_n3A_678 = arith.select %eq3A_676, %jit3A_677, %jit3A_674 : i32
        %rem3A_679 = arith.remsi %add3A_633, %select_n3A_678 : i32
        %ne3A_680 = arith.constant 0 : i32
        %ne3A_681 = arith.cmpi ne, %rem3A_679, %ne3A_680 : i32
        %lt3A_682 = arith.constant 0 : i32
        %lt3A_683 = arith.cmpi slt, %rem3A_679, %lt3A_682 : i32
        %lt3A_684 = arith.constant 0 : i32
        %lt3A_685 = arith.cmpi slt, %select_n3A_678, %lt3A_684 : i32
        %ne3A_686 = arith.xori %lt3A_683, %lt3A_685 : i1
        %and3A_687 = arith.andi %ne3A_686, %ne3A_681 : i1
        %add3A_688 = arith.addi %rem3A_679, %select_n3A_678 : i32
        %select_n3A_689 = arith.select %and3A_687, %add3A_688, %rem3A_679 : i32
        %mul3A_690 = arith.constant 64 : i32
        %mul3A_691 = arith.muli %select_n3A_689, %mul3A_690 : i32
        %dma_start3A_692 = arith.constant 2 : i32
        %dma_start3A_693 = arith.constant 2 : i32
        %dma_start3A_694 = arith.constant 0 : i32
        %dma_start3A_695 = arith.constant 0 : i32
        %dma_start3A_696 = tpu.memref_slice %arg12[%dma_start3A_692, %dma_start3A_694, %dma_start3A_695] : memref<4x64x128xf32, #tpu.memory_space<vmem>> -> memref<1x64x128xf32, #tpu.memory_space<vmem>>
        %dma_start3A_697 = tpu.memref_squeeze %dma_start3A_696 : memref<1x64x128xf32, #tpu.memory_space<vmem>> -> memref<64x128xf32, #tpu.memory_space<vmem>>
        %dma_start3A_698 = tpu.memref_slice %arg10[%select_n3A_673, %mul3A_691] : memref<81x128xi32, #tpu.memory_space<vmem>> -> memref<1x64xi32, #tpu.memory_space<vmem>>
        %dma_start3A_699 = tpu.memref_squeeze %dma_start3A_698 : memref<1x64xi32, #tpu.memory_space<vmem>> -> memref<64xi32, #tpu.memory_space<vmem>>
        %dma_start3A_700 = arith.constant 0 : i32
        %dma_start3A_701 = arith.constant 0 : i32
        %dma_start3A_702 = tpu.memref_slice %arg3[%dma_start3A_700, %dma_start3A_701] : memref<10240x128xf32, #tpu.memory_space<hbm>> -> memref<10240x128xf32, #tpu.memory_space<hbm>>
        %dma_start3A_703 = tpu.memref_slice %arg13[%dma_start3A_693] : memref<4x!tpu.dma_semaphore, #tpu.memory_space<semaphore_mem>> -> memref<1x!tpu.dma_semaphore, #tpu.memory_space<semaphore_mem>>
        %dma_start3A_704 = tpu.memref_squeeze %dma_start3A_703 : memref<1x!tpu.dma_semaphore, #tpu.memory_space<semaphore_mem>> -> memref<!tpu.dma_semaphore, #tpu.memory_space<semaphore_mem>>
        tpu.enqueue_indirect_dma source(%dma_start3A_702 : memref<10240x128xf32, #tpu.memory_space<hbm>>) target(%dma_start3A_697 : memref<64x128xf32, #tpu.memory_space<vmem>>) offsets(%dma_start3A_699 : memref<64xi32, #tpu.memory_space<vmem>>) semaphore(%dma_start3A_704 : memref<!tpu.dma_semaphore, #tpu.memory_space<semaphore_mem>>)
        %add3A_705 = arith.constant 1 : i32
        %add3A_706 = arith.addi %mul3A_538, %add3A_705 : i32
        %jit3A_707 = arith.constant 2 : i32
        %div3A_708 = arith.divsi %add3A_706, %jit3A_707 : i32
        %sign3A_709 = arith.constant 0 : i32
        %sign3A_710 = arith.cmpi sgt, %add3A_706, %sign3A_709 : i32
        %sign3A_711 = arith.extui %sign3A_710 : i1 to i32
        %sign3A_712 = arith.constant 0 : i32
        %sign3A_713 = arith.cmpi slt, %add3A_706, %sign3A_712 : i32
        %sign3A_714 = arith.extui %sign3A_713 : i1 to i32
        %sign3A_715 = arith.subi %sign3A_711, %sign3A_714 : i32
        %sign3A_716 = arith.constant 0 : i32
        %sign3A_717 = arith.cmpi sgt, %jit3A_707, %sign3A_716 : i32
        %sign3A_718 = arith.extui %sign3A_717 : i1 to i32
        %sign3A_719 = arith.constant 0 : i32
        %sign3A_720 = arith.cmpi slt, %jit3A_707, %sign3A_719 : i32
        %sign3A_721 = arith.extui %sign3A_720 : i1 to i32
        %sign3A_722 = arith.subi %sign3A_718, %sign3A_721 : i32
        %ne3A_723 = arith.cmpi ne, %sign3A_715, %sign3A_722 : i32
        %rem3A_724 = arith.remsi %add3A_706, %jit3A_707 : i32
        %ne3A_725 = arith.constant 0 : i32
        %ne3A_726 = arith.cmpi ne, %rem3A_724, %ne3A_725 : i32
        %and3A_727 = arith.andi %ne3A_723, %ne3A_726 : i1
        %sub3A_728 = arith.constant 1 : i32
        %sub3A_729 = arith.subi %div3A_708, %sub3A_728 : i32
        %select_n3A_730 = arith.select %and3A_727, %sub3A_729, %div3A_708 : i32
        %jit3A_731 = arith.constant 2 : i32
        %eq3A_732 = arith.constant 0 : i32
        %eq3A_733 = arith.cmpi eq, %jit3A_731, %eq3A_732 : i32
        %jit3A_734 = arith.constant 1 : i32
        %select_n3A_735 = arith.select %eq3A_733, %jit3A_734, %jit3A_731 : i32
        %rem3A_736 = arith.remsi %add3A_706, %select_n3A_735 : i32
        %ne3A_737 = arith.constant 0 : i32
        %ne3A_738 = arith.cmpi ne, %rem3A_736, %ne3A_737 : i32
        %lt3A_739 = arith.constant 0 : i32
        %lt3A_740 = arith.cmpi slt, %rem3A_736, %lt3A_739 : i32
        %lt3A_741 = arith.constant 0 : i32
        %lt3A_742 = arith.cmpi slt, %select_n3A_735, %lt3A_741 : i32
        %ne3A_743 = arith.xori %lt3A_740, %lt3A_742 : i1
        %and3A_744 = arith.andi %ne3A_743, %ne3A_738 : i1
        %add3A_745 = arith.addi %rem3A_736, %select_n3A_735 : i32
        %select_n3A_746 = arith.select %and3A_744, %add3A_745, %rem3A_736 : i32
        %mul3A_747 = arith.constant 64 : i32
        %mul3A_748 = arith.muli %select_n3A_746, %mul3A_747 : i32
        %dma_wait3A_749 = arith.constant 1 : i32
        %dma_wait3A_750 = arith.constant 1 : i32
        %dma_wait3A_751 = arith.constant 0 : i32
        %dma_wait3A_752 = arith.constant 0 : i32
        %dma_wait3A_753 = tpu.memref_slice %arg12[%dma_wait3A_749, %dma_wait3A_751, %dma_wait3A_752] : memref<4x64x128xf32, #tpu.memory_space<vmem>> -> memref<1x64x128xf32, #tpu.memory_space<vmem>>
        %dma_wait3A_754 = tpu.memref_squeeze %dma_wait3A_753 : memref<1x64x128xf32, #tpu.memory_space<vmem>> -> memref<64x128xf32, #tpu.memory_space<vmem>>
        %dma_wait3A_755 = tpu.memref_slice %arg10[%select_n3A_730, %mul3A_748] : memref<81x128xi32, #tpu.memory_space<vmem>> -> memref<1x64xi32, #tpu.memory_space<vmem>>
        %dma_wait3A_756 = tpu.memref_squeeze %dma_wait3A_755 : memref<1x64xi32, #tpu.memory_space<vmem>> -> memref<64xi32, #tpu.memory_space<vmem>>
        %dma_wait3A_757 = arith.constant 0 : i32
        %dma_wait3A_758 = arith.constant 0 : i32
        %dma_wait3A_759 = tpu.memref_slice %arg3[%dma_wait3A_757, %dma_wait3A_758] : memref<10240x128xf32, #tpu.memory_space<hbm>> -> memref<10240x128xf32, #tpu.memory_space<hbm>>
        %dma_wait3A_760 = tpu.memref_slice %arg13[%dma_wait3A_750] : memref<4x!tpu.dma_semaphore, #tpu.memory_space<semaphore_mem>> -> memref<1x!tpu.dma_semaphore, #tpu.memory_space<semaphore_mem>>
        %dma_wait3A_761 = tpu.memref_squeeze %dma_wait3A_760 : memref<1x!tpu.dma_semaphore, #tpu.memory_space<semaphore_mem>> -> memref<!tpu.dma_semaphore, #tpu.memory_space<semaphore_mem>>
        tpu.wait_indirect_dma semaphore(%dma_wait3A_761 : memref<!tpu.dma_semaphore, #tpu.memory_space<semaphore_mem>>) src(%dma_wait3A_759 : memref<10240x128xf32, #tpu.memory_space<hbm>>) dst(%dma_wait3A_754 : memref<64x128xf32, #tpu.memory_space<vmem>>)
        %dma_wait3A_762 = arith.constant 1 : i32
        %dma_wait3A_763 = arith.constant 1 : i32
        %dma_wait3A_764 = arith.constant 0 : i32
        %dma_wait3A_765 = tpu.memref_slice %arg11[%dma_wait3A_762, %dma_wait3A_764] : memref<4x64xi32, #tpu.memory_space<vmem>> -> memref<1x64xi32, #tpu.memory_space<vmem>>
        %dma_wait3A_766 = tpu.memref_squeeze %dma_wait3A_765 : memref<1x64xi32, #tpu.memory_space<vmem>> -> memref<64xi32, #tpu.memory_space<vmem>>
        %dma_wait3A_767 = arith.constant 0 : i32
        %dma_wait3A_768 = tpu.memref_slice %arg5[%arg1, %add3A_706, %dma_wait3A_767] : memref<16x162x64xi32, #tpu.memory_space<hbm>> -> memref<1x1x64xi32, #tpu.memory_space<hbm>>
        %dma_wait3A_769 = tpu.memref_squeeze %dma_wait3A_768 : memref<1x1x64xi32, #tpu.memory_space<hbm>> -> memref<64xi32, #tpu.memory_space<hbm>>
        %dma_wait3A_770 = tpu.memref_slice %arg14[%dma_wait3A_763] : memref<4x!tpu.dma_semaphore, #tpu.memory_space<semaphore_mem>> -> memref<1x!tpu.dma_semaphore, #tpu.memory_space<semaphore_mem>>
        %dma_wait3A_771 = tpu.memref_squeeze %dma_wait3A_770 : memref<1x!tpu.dma_semaphore, #tpu.memory_space<semaphore_mem>> -> memref<!tpu.dma_semaphore, #tpu.memory_space<semaphore_mem>>
        %dma_wait3A_772 = arith.constant 0 : i32
        %dma_wait3A_773 = tpu.memref_slice %arg11[%dma_wait3A_762, %dma_wait3A_772] : memref<4x64xi32, #tpu.memory_space<vmem>> -> memref<1x64xi32, #tpu.memory_space<vmem>>
        %dma_wait3A_774 = tpu.memref_squeeze %dma_wait3A_773 : memref<1x64xi32, #tpu.memory_space<vmem>> -> memref<64xi32, #tpu.memory_space<vmem>>
        %dma_wait3A_775 = arith.constant 0 : i32
        %dma_wait3A_776 = tpu.memref_slice %arg5[%arg1, %add3A_706, %dma_wait3A_775] : memref<16x162x64xi32, #tpu.memory_space<hbm>> -> memref<1x1x64xi32, #tpu.memory_space<hbm>>
        %dma_wait3A_777 = tpu.memref_squeeze %dma_wait3A_776 : memref<1x1x64xi32, #tpu.memory_space<hbm>> -> memref<64xi32, #tpu.memory_space<hbm>>
        tpu.wait_dma2 semaphore(%dma_wait3A_771 : memref<!tpu.dma_semaphore, #tpu.memory_space<semaphore_mem>>) src(%dma_wait3A_777 : memref<64xi32, #tpu.memory_space<hbm>>) dst(%dma_wait3A_774 : memref<64xi32, #tpu.memory_space<vmem>>)
        %dma_start3A_778 = arith.constant 1 : i32
        %dma_start3A_779 = arith.constant 1 : i32
        %dma_start3A_780 = arith.constant 1 : i32
        %dma_start3A_781 = arith.constant 0 : i32
        %dma_start3A_782 = arith.constant 0 : i32
        %dma_start3A_783 = tpu.memref_slice %arg12[%dma_start3A_778, %dma_start3A_781, %dma_start3A_782] : memref<4x64x128xf32, #tpu.memory_space<vmem>> -> memref<1x64x128xf32, #tpu.memory_space<vmem>>
        %dma_start3A_784 = tpu.memref_squeeze %dma_start3A_783 : memref<1x64x128xf32, #tpu.memory_space<vmem>> -> memref<64x128xf32, #tpu.memory_space<vmem>>
        %dma_start3A_785 = arith.constant 0 : i32
        %dma_start3A_786 = tpu.memref_slice %arg11[%dma_start3A_779, %dma_start3A_785] : memref<4x64xi32, #tpu.memory_space<vmem>> -> memref<1x64xi32, #tpu.memory_space<vmem>>
        %dma_start3A_787 = tpu.memref_squeeze %dma_start3A_786 : memref<1x64xi32, #tpu.memory_space<vmem>> -> memref<64xi32, #tpu.memory_space<vmem>>
        %dma_start3A_788 = arith.constant 0 : i32
        %dma_start3A_789 = arith.constant 0 : i32
        %dma_start3A_790 = tpu.memref_slice %arg16[%dma_start3A_788, %dma_start3A_789] : memref<10240x128xf32, #tpu.memory_space<vmem_shared>> -> memref<10240x128xf32, #tpu.memory_space<vmem_shared>>
        %dma_start3A_791 = tpu.memref_slice %arg15[%dma_start3A_780] : memref<4x!tpu.dma_semaphore, #tpu.memory_space<semaphore_mem>> -> memref<1x!tpu.dma_semaphore, #tpu.memory_space<semaphore_mem>>
        %dma_start3A_792 = tpu.memref_squeeze %dma_start3A_791 : memref<1x!tpu.dma_semaphore, #tpu.memory_space<semaphore_mem>> -> memref<!tpu.dma_semaphore, #tpu.memory_space<semaphore_mem>>
        tpu.enqueue_indirect_dma source(%dma_start3A_784 : memref<64x128xf32, #tpu.memory_space<vmem>>) target(%dma_start3A_790 : memref<10240x128xf32, #tpu.memory_space<vmem_shared>>) offsets(%dma_start3A_787 : memref<64xi32, #tpu.memory_space<vmem>>) semaphore(%dma_start3A_792 : memref<!tpu.dma_semaphore, #tpu.memory_space<semaphore_mem>>) {add = true}
        %dma_wait3A_793 = arith.constant 3 : i32
        %dma_wait3A_794 = arith.constant 3 : i32
        %dma_wait3A_795 = arith.constant 3 : i32
        %dma_wait3A_796 = arith.constant 0 : i32
        %dma_wait3A_797 = arith.constant 0 : i32
        %dma_wait3A_798 = tpu.memref_slice %arg12[%dma_wait3A_793, %dma_wait3A_796, %dma_wait3A_797] : memref<4x64x128xf32, #tpu.memory_space<vmem>> -> memref<1x64x128xf32, #tpu.memory_space<vmem>>
        %dma_wait3A_799 = tpu.memref_squeeze %dma_wait3A_798 : memref<1x64x128xf32, #tpu.memory_space<vmem>> -> memref<64x128xf32, #tpu.memory_space<vmem>>
        %dma_wait3A_800 = arith.constant 0 : i32
        %dma_wait3A_801 = tpu.memref_slice %arg11[%dma_wait3A_794, %dma_wait3A_800] : memref<4x64xi32, #tpu.memory_space<vmem>> -> memref<1x64xi32, #tpu.memory_space<vmem>>
        %dma_wait3A_802 = tpu.memref_squeeze %dma_wait3A_801 : memref<1x64xi32, #tpu.memory_space<vmem>> -> memref<64xi32, #tpu.memory_space<vmem>>
        %dma_wait3A_803 = arith.constant 0 : i32
        %dma_wait3A_804 = arith.constant 0 : i32
        %dma_wait3A_805 = tpu.memref_slice %arg16[%dma_wait3A_803, %dma_wait3A_804] : memref<10240x128xf32, #tpu.memory_space<vmem_shared>> -> memref<10240x128xf32, #tpu.memory_space<vmem_shared>>
        %dma_wait3A_806 = tpu.memref_slice %arg15[%dma_wait3A_795] : memref<4x!tpu.dma_semaphore, #tpu.memory_space<semaphore_mem>> -> memref<1x!tpu.dma_semaphore, #tpu.memory_space<semaphore_mem>>
        %dma_wait3A_807 = tpu.memref_squeeze %dma_wait3A_806 : memref<1x!tpu.dma_semaphore, #tpu.memory_space<semaphore_mem>> -> memref<!tpu.dma_semaphore, #tpu.memory_space<semaphore_mem>>
        tpu.wait_indirect_dma semaphore(%dma_wait3A_807 : memref<!tpu.dma_semaphore, #tpu.memory_space<semaphore_mem>>) src(%dma_wait3A_799 : memref<64x128xf32, #tpu.memory_space<vmem>>) dst(%dma_wait3A_805 : memref<10240x128xf32, #tpu.memory_space<vmem_shared>>)
        %add3A_808 = arith.constant 2 : i32
        %add3A_809 = arith.addi %add3A_706, %add3A_808 : i32
        %dma_start3A_810 = arith.constant 3 : i32
        %dma_start3A_811 = arith.constant 3 : i32
        %dma_start3A_812 = arith.constant 0 : i32
        %dma_start3A_813 = tpu.memref_slice %arg11[%dma_start3A_810, %dma_start3A_812] : memref<4x64xi32, #tpu.memory_space<vmem>> -> memref<1x64xi32, #tpu.memory_space<vmem>>
        %dma_start3A_814 = tpu.memref_squeeze %dma_start3A_813 : memref<1x64xi32, #tpu.memory_space<vmem>> -> memref<64xi32, #tpu.memory_space<vmem>>
        %dma_start3A_815 = arith.constant 0 : i32
        %dma_start3A_816 = tpu.memref_slice %arg5[%arg1, %add3A_809, %dma_start3A_815] : memref<16x162x64xi32, #tpu.memory_space<hbm>> -> memref<1x1x64xi32, #tpu.memory_space<hbm>>
        %dma_start3A_817 = tpu.memref_squeeze %dma_start3A_816 : memref<1x1x64xi32, #tpu.memory_space<hbm>> -> memref<64xi32, #tpu.memory_space<hbm>>
        %dma_start3A_818 = tpu.memref_slice %arg14[%dma_start3A_811] : memref<4x!tpu.dma_semaphore, #tpu.memory_space<semaphore_mem>> -> memref<1x!tpu.dma_semaphore, #tpu.memory_space<semaphore_mem>>
        %dma_start3A_819 = tpu.memref_squeeze %dma_start3A_818 : memref<1x!tpu.dma_semaphore, #tpu.memory_space<semaphore_mem>> -> memref<!tpu.dma_semaphore, #tpu.memory_space<semaphore_mem>>
        %dma_start3A_820 = arith.constant 0 : i32
        %dma_start3A_821 = tpu.memref_slice %arg11[%dma_start3A_810, %dma_start3A_820] : memref<4x64xi32, #tpu.memory_space<vmem>> -> memref<1x64xi32, #tpu.memory_space<vmem>>
        %dma_start3A_822 = tpu.memref_squeeze %dma_start3A_821 : memref<1x64xi32, #tpu.memory_space<vmem>> -> memref<64xi32, #tpu.memory_space<vmem>>
        %dma_start3A_823 = arith.constant 0 : i32
        %dma_start3A_824 = tpu.memref_slice %arg5[%arg1, %add3A_809, %dma_start3A_823] : memref<16x162x64xi32, #tpu.memory_space<hbm>> -> memref<1x1x64xi32, #tpu.memory_space<hbm>>
        %dma_start3A_825 = tpu.memref_squeeze %dma_start3A_824 : memref<1x1x64xi32, #tpu.memory_space<hbm>> -> memref<64xi32, #tpu.memory_space<hbm>>
        tpu.enqueue_dma source(%dma_start3A_825 : memref<64xi32, #tpu.memory_space<hbm>>) target(%dma_start3A_822 : memref<64xi32, #tpu.memory_space<vmem>>) target_semaphore(%dma_start3A_819 : memref<!tpu.dma_semaphore, #tpu.memory_space<semaphore_mem>>)
        %jit3A_826 = arith.constant 2 : i32
        %div3A_827 = arith.divsi %add3A_809, %jit3A_826 : i32
        %sign3A_828 = arith.constant 0 : i32
        %sign3A_829 = arith.cmpi sgt, %add3A_809, %sign3A_828 : i32
        %sign3A_830 = arith.extui %sign3A_829 : i1 to i32
        %sign3A_831 = arith.constant 0 : i32
        %sign3A_832 = arith.cmpi slt, %add3A_809, %sign3A_831 : i32
        %sign3A_833 = arith.extui %sign3A_832 : i1 to i32
        %sign3A_834 = arith.subi %sign3A_830, %sign3A_833 : i32
        %sign3A_835 = arith.constant 0 : i32
        %sign3A_836 = arith.cmpi sgt, %jit3A_826, %sign3A_835 : i32
        %sign3A_837 = arith.extui %sign3A_836 : i1 to i32
        %sign3A_838 = arith.constant 0 : i32
        %sign3A_839 = arith.cmpi slt, %jit3A_826, %sign3A_838 : i32
        %sign3A_840 = arith.extui %sign3A_839 : i1 to i32
        %sign3A_841 = arith.subi %sign3A_837, %sign3A_840 : i32
        %ne3A_842 = arith.cmpi ne, %sign3A_834, %sign3A_841 : i32
        %rem3A_843 = arith.remsi %add3A_809, %jit3A_826 : i32
        %ne3A_844 = arith.constant 0 : i32
        %ne3A_845 = arith.cmpi ne, %rem3A_843, %ne3A_844 : i32
        %and3A_846 = arith.andi %ne3A_842, %ne3A_845 : i1
        %sub3A_847 = arith.constant 1 : i32
        %sub3A_848 = arith.subi %div3A_827, %sub3A_847 : i32
        %select_n3A_849 = arith.select %and3A_846, %sub3A_848, %div3A_827 : i32
        %jit3A_850 = arith.constant 2 : i32
        %eq3A_851 = arith.constant 0 : i32
        %eq3A_852 = arith.cmpi eq, %jit3A_850, %eq3A_851 : i32
        %jit3A_853 = arith.constant 1 : i32
        %select_n3A_854 = arith.select %eq3A_852, %jit3A_853, %jit3A_850 : i32
        %rem3A_855 = arith.remsi %add3A_809, %select_n3A_854 : i32
        %ne3A_856 = arith.constant 0 : i32
        %ne3A_857 = arith.cmpi ne, %rem3A_855, %ne3A_856 : i32
        %lt3A_858 = arith.constant 0 : i32
        %lt3A_859 = arith.cmpi slt, %rem3A_855, %lt3A_858 : i32
        %lt3A_860 = arith.constant 0 : i32
        %lt3A_861 = arith.cmpi slt, %select_n3A_854, %lt3A_860 : i32
        %ne3A_862 = arith.xori %lt3A_859, %lt3A_861 : i1
        %and3A_863 = arith.andi %ne3A_862, %ne3A_857 : i1
        %add3A_864 = arith.addi %rem3A_855, %select_n3A_854 : i32
        %select_n3A_865 = arith.select %and3A_863, %add3A_864, %rem3A_855 : i32
        %mul3A_866 = arith.constant 64 : i32
        %mul3A_867 = arith.muli %select_n3A_865, %mul3A_866 : i32
        %dma_start3A_868 = arith.constant 3 : i32
        %dma_start3A_869 = arith.constant 3 : i32
        %dma_start3A_870 = arith.constant 0 : i32
        %dma_start3A_871 = arith.constant 0 : i32
        %dma_start3A_872 = tpu.memref_slice %arg12[%dma_start3A_868, %dma_start3A_870, %dma_start3A_871] : memref<4x64x128xf32, #tpu.memory_space<vmem>> -> memref<1x64x128xf32, #tpu.memory_space<vmem>>
        %dma_start3A_873 = tpu.memref_squeeze %dma_start3A_872 : memref<1x64x128xf32, #tpu.memory_space<vmem>> -> memref<64x128xf32, #tpu.memory_space<vmem>>
        %dma_start3A_874 = tpu.memref_slice %arg10[%select_n3A_849, %mul3A_867] : memref<81x128xi32, #tpu.memory_space<vmem>> -> memref<1x64xi32, #tpu.memory_space<vmem>>
        %dma_start3A_875 = tpu.memref_squeeze %dma_start3A_874 : memref<1x64xi32, #tpu.memory_space<vmem>> -> memref<64xi32, #tpu.memory_space<vmem>>
        %dma_start3A_876 = arith.constant 0 : i32
        %dma_start3A_877 = arith.constant 0 : i32
        %dma_start3A_878 = tpu.memref_slice %arg3[%dma_start3A_876, %dma_start3A_877] : memref<10240x128xf32, #tpu.memory_space<hbm>> -> memref<10240x128xf32, #tpu.memory_space<hbm>>
        %dma_start3A_879 = tpu.memref_slice %arg13[%dma_start3A_869] : memref<4x!tpu.dma_semaphore, #tpu.memory_space<semaphore_mem>> -> memref<1x!tpu.dma_semaphore, #tpu.memory_space<semaphore_mem>>
        %dma_start3A_880 = tpu.memref_squeeze %dma_start3A_879 : memref<1x!tpu.dma_semaphore, #tpu.memory_space<semaphore_mem>> -> memref<!tpu.dma_semaphore, #tpu.memory_space<semaphore_mem>>
        tpu.enqueue_indirect_dma source(%dma_start3A_878 : memref<10240x128xf32, #tpu.memory_space<hbm>>) target(%dma_start3A_873 : memref<64x128xf32, #tpu.memory_space<vmem>>) offsets(%dma_start3A_875 : memref<64xi32, #tpu.memory_space<vmem>>) semaphore(%dma_start3A_880 : memref<!tpu.dma_semaphore, #tpu.memory_space<semaphore_mem>>)
        %add3A_881 = arith.constant 2 : i32
        %add3A_882 = arith.addi %mul3A_538, %add3A_881 : i32
        %jit3A_883 = arith.constant 2 : i32
        %div3A_884 = arith.divsi %add3A_882, %jit3A_883 : i32
        %sign3A_885 = arith.constant 0 : i32
        %sign3A_886 = arith.cmpi sgt, %add3A_882, %sign3A_885 : i32
        %sign3A_887 = arith.extui %sign3A_886 : i1 to i32
        %sign3A_888 = arith.constant 0 : i32
        %sign3A_889 = arith.cmpi slt, %add3A_882, %sign3A_888 : i32
        %sign3A_890 = arith.extui %sign3A_889 : i1 to i32
        %sign3A_891 = arith.subi %sign3A_887, %sign3A_890 : i32
        %sign3A_892 = arith.constant 0 : i32
        %sign3A_893 = arith.cmpi sgt, %jit3A_883, %sign3A_892 : i32
        %sign3A_894 = arith.extui %sign3A_893 : i1 to i32
        %sign3A_895 = arith.constant 0 : i32
        %sign3A_896 = arith.cmpi slt, %jit3A_883, %sign3A_895 : i32
        %sign3A_897 = arith.extui %sign3A_896 : i1 to i32
        %sign3A_898 = arith.subi %sign3A_894, %sign3A_897 : i32
        %ne3A_899 = arith.cmpi ne, %sign3A_891, %sign3A_898 : i32
        %rem3A_900 = arith.remsi %add3A_882, %jit3A_883 : i32
        %ne3A_901 = arith.constant 0 : i32
        %ne3A_902 = arith.cmpi ne, %rem3A_900, %ne3A_901 : i32
        %and3A_903 = arith.andi %ne3A_899, %ne3A_902 : i1
        %sub3A_904 = arith.constant 1 : i32
        %sub3A_905 = arith.subi %div3A_884, %sub3A_904 : i32
        %select_n3A_906 = arith.select %and3A_903, %sub3A_905, %div3A_884 : i32
        %jit3A_907 = arith.constant 2 : i32
        %eq3A_908 = arith.constant 0 : i32
        %eq3A_909 = arith.cmpi eq, %jit3A_907, %eq3A_908 : i32
        %jit3A_910 = arith.constant 1 : i32
        %select_n3A_911 = arith.select %eq3A_909, %jit3A_910, %jit3A_907 : i32
        %rem3A_912 = arith.remsi %add3A_882, %select_n3A_911 : i32
        %ne3A_913 = arith.constant 0 : i32
        %ne3A_914 = arith.cmpi ne, %rem3A_912, %ne3A_913 : i32
        %lt3A_915 = arith.constant 0 : i32
        %lt3A_916 = arith.cmpi slt, %rem3A_912, %lt3A_915 : i32
        %lt3A_917 = arith.constant 0 : i32
        %lt3A_918 = arith.cmpi slt, %select_n3A_911, %lt3A_917 : i32
        %ne3A_919 = arith.xori %lt3A_916, %lt3A_918 : i1
        %and3A_920 = arith.andi %ne3A_919, %ne3A_914 : i1
        %add3A_921 = arith.addi %rem3A_912, %select_n3A_911 : i32
        %select_n3A_922 = arith.select %and3A_920, %add3A_921, %rem3A_912 : i32
        %mul3A_923 = arith.constant 64 : i32
        %mul3A_924 = arith.muli %select_n3A_922, %mul3A_923 : i32
        %dma_wait3A_925 = arith.constant 2 : i32
        %dma_wait3A_926 = arith.constant 2 : i32
        %dma_wait3A_927 = arith.constant 0 : i32
        %dma_wait3A_928 = arith.constant 0 : i32
        %dma_wait3A_929 = tpu.memref_slice %arg12[%dma_wait3A_925, %dma_wait3A_927, %dma_wait3A_928] : memref<4x64x128xf32, #tpu.memory_space<vmem>> -> memref<1x64x128xf32, #tpu.memory_space<vmem>>
        %dma_wait3A_930 = tpu.memref_squeeze %dma_wait3A_929 : memref<1x64x128xf32, #tpu.memory_space<vmem>> -> memref<64x128xf32, #tpu.memory_space<vmem>>
        %dma_wait3A_931 = tpu.memref_slice %arg10[%select_n3A_906, %mul3A_924] : memref<81x128xi32, #tpu.memory_space<vmem>> -> memref<1x64xi32, #tpu.memory_space<vmem>>
        %dma_wait3A_932 = tpu.memref_squeeze %dma_wait3A_931 : memref<1x64xi32, #tpu.memory_space<vmem>> -> memref<64xi32, #tpu.memory_space<vmem>>
        %dma_wait3A_933 = arith.constant 0 : i32
        %dma_wait3A_934 = arith.constant 0 : i32
        %dma_wait3A_935 = tpu.memref_slice %arg3[%dma_wait3A_933, %dma_wait3A_934] : memref<10240x128xf32, #tpu.memory_space<hbm>> -> memref<10240x128xf32, #tpu.memory_space<hbm>>
        %dma_wait3A_936 = tpu.memref_slice %arg13[%dma_wait3A_926] : memref<4x!tpu.dma_semaphore, #tpu.memory_space<semaphore_mem>> -> memref<1x!tpu.dma_semaphore, #tpu.memory_space<semaphore_mem>>
        %dma_wait3A_937 = tpu.memref_squeeze %dma_wait3A_936 : memref<1x!tpu.dma_semaphore, #tpu.memory_space<semaphore_mem>> -> memref<!tpu.dma_semaphore, #tpu.memory_space<semaphore_mem>>
        tpu.wait_indirect_dma semaphore(%dma_wait3A_937 : memref<!tpu.dma_semaphore, #tpu.memory_space<semaphore_mem>>) src(%dma_wait3A_935 : memref<10240x128xf32, #tpu.memory_space<hbm>>) dst(%dma_wait3A_930 : memref<64x128xf32, #tpu.memory_space<vmem>>)
        %dma_wait3A_938 = arith.constant 2 : i32
        %dma_wait3A_939 = arith.constant 2 : i32
        %dma_wait3A_940 = arith.constant 0 : i32
        %dma_wait3A_941 = tpu.memref_slice %arg11[%dma_wait3A_938, %dma_wait3A_940] : memref<4x64xi32, #tpu.memory_space<vmem>> -> memref<1x64xi32, #tpu.memory_space<vmem>>
        %dma_wait3A_942 = tpu.memref_squeeze %dma_wait3A_941 : memref<1x64xi32, #tpu.memory_space<vmem>> -> memref<64xi32, #tpu.memory_space<vmem>>
        %dma_wait3A_943 = arith.constant 0 : i32
        %dma_wait3A_944 = tpu.memref_slice %arg5[%arg1, %add3A_882, %dma_wait3A_943] : memref<16x162x64xi32, #tpu.memory_space<hbm>> -> memref<1x1x64xi32, #tpu.memory_space<hbm>>
        %dma_wait3A_945 = tpu.memref_squeeze %dma_wait3A_944 : memref<1x1x64xi32, #tpu.memory_space<hbm>> -> memref<64xi32, #tpu.memory_space<hbm>>
        %dma_wait3A_946 = tpu.memref_slice %arg14[%dma_wait3A_939] : memref<4x!tpu.dma_semaphore, #tpu.memory_space<semaphore_mem>> -> memref<1x!tpu.dma_semaphore, #tpu.memory_space<semaphore_mem>>
        %dma_wait3A_947 = tpu.memref_squeeze %dma_wait3A_946 : memref<1x!tpu.dma_semaphore, #tpu.memory_space<semaphore_mem>> -> memref<!tpu.dma_semaphore, #tpu.memory_space<semaphore_mem>>
        %dma_wait3A_948 = arith.constant 0 : i32
        %dma_wait3A_949 = tpu.memref_slice %arg11[%dma_wait3A_938, %dma_wait3A_948] : memref<4x64xi32, #tpu.memory_space<vmem>> -> memref<1x64xi32, #tpu.memory_space<vmem>>
        %dma_wait3A_950 = tpu.memref_squeeze %dma_wait3A_949 : memref<1x64xi32, #tpu.memory_space<vmem>> -> memref<64xi32, #tpu.memory_space<vmem>>
        %dma_wait3A_951 = arith.constant 0 : i32
        %dma_wait3A_952 = tpu.memref_slice %arg5[%arg1, %add3A_882, %dma_wait3A_951] : memref<16x162x64xi32, #tpu.memory_space<hbm>> -> memref<1x1x64xi32, #tpu.memory_space<hbm>>
        %dma_wait3A_953 = tpu.memref_squeeze %dma_wait3A_952 : memref<1x1x64xi32, #tpu.memory_space<hbm>> -> memref<64xi32, #tpu.memory_space<hbm>>
        tpu.wait_dma2 semaphore(%dma_wait3A_947 : memref<!tpu.dma_semaphore, #tpu.memory_space<semaphore_mem>>) src(%dma_wait3A_953 : memref<64xi32, #tpu.memory_space<hbm>>) dst(%dma_wait3A_950 : memref<64xi32, #tpu.memory_space<vmem>>)
        %dma_start3A_954 = arith.constant 2 : i32
        %dma_start3A_955 = arith.constant 2 : i32
        %dma_start3A_956 = arith.constant 2 : i32
        %dma_start3A_957 = arith.constant 0 : i32
        %dma_start3A_958 = arith.constant 0 : i32
        %dma_start3A_959 = tpu.memref_slice %arg12[%dma_start3A_954, %dma_start3A_957, %dma_start3A_958] : memref<4x64x128xf32, #tpu.memory_space<vmem>> -> memref<1x64x128xf32, #tpu.memory_space<vmem>>
        %dma_start3A_960 = tpu.memref_squeeze %dma_start3A_959 : memref<1x64x128xf32, #tpu.memory_space<vmem>> -> memref<64x128xf32, #tpu.memory_space<vmem>>
        %dma_start3A_961 = arith.constant 0 : i32
        %dma_start3A_962 = tpu.memref_slice %arg11[%dma_start3A_955, %dma_start3A_961] : memref<4x64xi32, #tpu.memory_space<vmem>> -> memref<1x64xi32, #tpu.memory_space<vmem>>
        %dma_start3A_963 = tpu.memref_squeeze %dma_start3A_962 : memref<1x64xi32, #tpu.memory_space<vmem>> -> memref<64xi32, #tpu.memory_space<vmem>>
        %dma_start3A_964 = arith.constant 0 : i32
        %dma_start3A_965 = arith.constant 0 : i32
        %dma_start3A_966 = tpu.memref_slice %arg16[%dma_start3A_964, %dma_start3A_965] : memref<10240x128xf32, #tpu.memory_space<vmem_shared>> -> memref<10240x128xf32, #tpu.memory_space<vmem_shared>>
        %dma_start3A_967 = tpu.memref_slice %arg15[%dma_start3A_956] : memref<4x!tpu.dma_semaphore, #tpu.memory_space<semaphore_mem>> -> memref<1x!tpu.dma_semaphore, #tpu.memory_space<semaphore_mem>>
        %dma_start3A_968 = tpu.memref_squeeze %dma_start3A_967 : memref<1x!tpu.dma_semaphore, #tpu.memory_space<semaphore_mem>> -> memref<!tpu.dma_semaphore, #tpu.memory_space<semaphore_mem>>
        tpu.enqueue_indirect_dma source(%dma_start3A_960 : memref<64x128xf32, #tpu.memory_space<vmem>>) target(%dma_start3A_966 : memref<10240x128xf32, #tpu.memory_space<vmem_shared>>) offsets(%dma_start3A_963 : memref<64xi32, #tpu.memory_space<vmem>>) semaphore(%dma_start3A_968 : memref<!tpu.dma_semaphore, #tpu.memory_space<semaphore_mem>>) {add = true}
        %dma_wait3A_969 = arith.constant 0 : i32
        %dma_wait3A_970 = arith.constant 0 : i32
        %dma_wait3A_971 = arith.constant 0 : i32
        %dma_wait3A_972 = arith.constant 0 : i32
        %dma_wait3A_973 = arith.constant 0 : i32
        %dma_wait3A_974 = tpu.memref_slice %arg12[%dma_wait3A_969, %dma_wait3A_972, %dma_wait3A_973] : memref<4x64x128xf32, #tpu.memory_space<vmem>> -> memref<1x64x128xf32, #tpu.memory_space<vmem>>
        %dma_wait3A_975 = tpu.memref_squeeze %dma_wait3A_974 : memref<1x64x128xf32, #tpu.memory_space<vmem>> -> memref<64x128xf32, #tpu.memory_space<vmem>>
        %dma_wait3A_976 = arith.constant 0 : i32
        %dma_wait3A_977 = tpu.memref_slice %arg11[%dma_wait3A_970, %dma_wait3A_976] : memref<4x64xi32, #tpu.memory_space<vmem>> -> memref<1x64xi32, #tpu.memory_space<vmem>>
        %dma_wait3A_978 = tpu.memref_squeeze %dma_wait3A_977 : memref<1x64xi32, #tpu.memory_space<vmem>> -> memref<64xi32, #tpu.memory_space<vmem>>
        %dma_wait3A_979 = arith.constant 0 : i32
        %dma_wait3A_980 = arith.constant 0 : i32
        %dma_wait3A_981 = tpu.memref_slice %arg16[%dma_wait3A_979, %dma_wait3A_980] : memref<10240x128xf32, #tpu.memory_space<vmem_shared>> -> memref<10240x128xf32, #tpu.memory_space<vmem_shared>>
        %dma_wait3A_982 = tpu.memref_slice %arg15[%dma_wait3A_971] : memref<4x!tpu.dma_semaphore, #tpu.memory_space<semaphore_mem>> -> memref<1x!tpu.dma_semaphore, #tpu.memory_space<semaphore_mem>>
        %dma_wait3A_983 = tpu.memref_squeeze %dma_wait3A_982 : memref<1x!tpu.dma_semaphore, #tpu.memory_space<semaphore_mem>> -> memref<!tpu.dma_semaphore, #tpu.memory_space<semaphore_mem>>
        tpu.wait_indirect_dma semaphore(%dma_wait3A_983 : memref<!tpu.dma_semaphore, #tpu.memory_space<semaphore_mem>>) src(%dma_wait3A_975 : memref<64x128xf32, #tpu.memory_space<vmem>>) dst(%dma_wait3A_981 : memref<10240x128xf32, #tpu.memory_space<vmem_shared>>)
        %add3A_984 = arith.constant 2 : i32
        %add3A_985 = arith.addi %add3A_882, %add3A_984 : i32
        %dma_start3A_986 = arith.constant 0 : i32
        %dma_start3A_987 = arith.constant 0 : i32
        %dma_start3A_988 = arith.constant 0 : i32
        %dma_start3A_989 = tpu.memref_slice %arg11[%dma_start3A_986, %dma_start3A_988] : memref<4x64xi32, #tpu.memory_space<vmem>> -> memref<1x64xi32, #tpu.memory_space<vmem>>
        %dma_start3A_990 = tpu.memref_squeeze %dma_start3A_989 : memref<1x64xi32, #tpu.memory_space<vmem>> -> memref<64xi32, #tpu.memory_space<vmem>>
        %dma_start3A_991 = arith.constant 0 : i32
        %dma_start3A_992 = tpu.memref_slice %arg5[%arg1, %add3A_985, %dma_start3A_991] : memref<16x162x64xi32, #tpu.memory_space<hbm>> -> memref<1x1x64xi32, #tpu.memory_space<hbm>>
        %dma_start3A_993 = tpu.memref_squeeze %dma_start3A_992 : memref<1x1x64xi32, #tpu.memory_space<hbm>> -> memref<64xi32, #tpu.memory_space<hbm>>
        %dma_start3A_994 = tpu.memref_slice %arg14[%dma_start3A_987] : memref<4x!tpu.dma_semaphore, #tpu.memory_space<semaphore_mem>> -> memref<1x!tpu.dma_semaphore, #tpu.memory_space<semaphore_mem>>
        %dma_start3A_995 = tpu.memref_squeeze %dma_start3A_994 : memref<1x!tpu.dma_semaphore, #tpu.memory_space<semaphore_mem>> -> memref<!tpu.dma_semaphore, #tpu.memory_space<semaphore_mem>>
        %dma_start3A_996 = arith.constant 0 : i32
        %dma_start3A_997 = tpu.memref_slice %arg11[%dma_start3A_986, %dma_start3A_996] : memref<4x64xi32, #tpu.memory_space<vmem>> -> memref<1x64xi32, #tpu.memory_space<vmem>>
        %dma_start3A_998 = tpu.memref_squeeze %dma_start3A_997 : memref<1x64xi32, #tpu.memory_space<vmem>> -> memref<64xi32, #tpu.memory_space<vmem>>
        %dma_start3A_999 = arith.constant 0 : i32
        %dma_start3A_1000 = tpu.memref_slice %arg5[%arg1, %add3A_985, %dma_start3A_999] : memref<16x162x64xi32, #tpu.memory_space<hbm>> -> memref<1x1x64xi32, #tpu.memory_space<hbm>>
        %dma_start3A_1001 = tpu.memref_squeeze %dma_start3A_1000 : memref<1x1x64xi32, #tpu.memory_space<hbm>> -> memref<64xi32, #tpu.memory_space<hbm>>
        tpu.enqueue_dma source(%dma_start3A_1001 : memref<64xi32, #tpu.memory_space<hbm>>) target(%dma_start3A_998 : memref<64xi32, #tpu.memory_space<vmem>>) target_semaphore(%dma_start3A_995 : memref<!tpu.dma_semaphore, #tpu.memory_space<semaphore_mem>>)
        %jit3A_1002 = arith.constant 2 : i32
        %div3A_1003 = arith.divsi %add3A_985, %jit3A_1002 : i32
        %sign3A_1004 = arith.constant 0 : i32
        %sign3A_1005 = arith.cmpi sgt, %add3A_985, %sign3A_1004 : i32
        %sign3A_1006 = arith.extui %sign3A_1005 : i1 to i32
        %sign3A_1007 = arith.constant 0 : i32
        %sign3A_1008 = arith.cmpi slt, %add3A_985, %sign3A_1007 : i32
        %sign3A_1009 = arith.extui %sign3A_1008 : i1 to i32
        %sign3A_1010 = arith.subi %sign3A_1006, %sign3A_1009 : i32
        %sign3A_1011 = arith.constant 0 : i32
        %sign3A_1012 = arith.cmpi sgt, %jit3A_1002, %sign3A_1011 : i32
        %sign3A_1013 = arith.extui %sign3A_1012 : i1 to i32
        %sign3A_1014 = arith.constant 0 : i32
        %sign3A_1015 = arith.cmpi slt, %jit3A_1002, %sign3A_1014 : i32
        %sign3A_1016 = arith.extui %sign3A_1015 : i1 to i32
        %sign3A_1017 = arith.subi %sign3A_1013, %sign3A_1016 : i32
        %ne3A_1018 = arith.cmpi ne, %sign3A_1010, %sign3A_1017 : i32
        %rem3A_1019 = arith.remsi %add3A_985, %jit3A_1002 : i32
        %ne3A_1020 = arith.constant 0 : i32
        %ne3A_1021 = arith.cmpi ne, %rem3A_1019, %ne3A_1020 : i32
        %and3A_1022 = arith.andi %ne3A_1018, %ne3A_1021 : i1
        %sub3A_1023 = arith.constant 1 : i32
        %sub3A_1024 = arith.subi %div3A_1003, %sub3A_1023 : i32
        %select_n3A_1025 = arith.select %and3A_1022, %sub3A_1024, %div3A_1003 : i32
        %jit3A_1026 = arith.constant 2 : i32
        %eq3A_1027 = arith.constant 0 : i32
        %eq3A_1028 = arith.cmpi eq, %jit3A_1026, %eq3A_1027 : i32
        %jit3A_1029 = arith.constant 1 : i32
        %select_n3A_1030 = arith.select %eq3A_1028, %jit3A_1029, %jit3A_1026 : i32
        %rem3A_1031 = arith.remsi %add3A_985, %select_n3A_1030 : i32
        %ne3A_1032 = arith.constant 0 : i32
        %ne3A_1033 = arith.cmpi ne, %rem3A_1031, %ne3A_1032 : i32
        %lt3A_1034 = arith.constant 0 : i32
        %lt3A_1035 = arith.cmpi slt, %rem3A_1031, %lt3A_1034 : i32
        %lt3A_1036 = arith.constant 0 : i32
        %lt3A_1037 = arith.cmpi slt, %select_n3A_1030, %lt3A_1036 : i32
        %ne3A_1038 = arith.xori %lt3A_1035, %lt3A_1037 : i1
        %and3A_1039 = arith.andi %ne3A_1038, %ne3A_1033 : i1
        %add3A_1040 = arith.addi %rem3A_1031, %select_n3A_1030 : i32
        %select_n3A_1041 = arith.select %and3A_1039, %add3A_1040, %rem3A_1031 : i32
        %mul3A_1042 = arith.constant 64 : i32
        %mul3A_1043 = arith.muli %select_n3A_1041, %mul3A_1042 : i32
        %dma_start3A_1044 = arith.constant 0 : i32
        %dma_start3A_1045 = arith.constant 0 : i32
        %dma_start3A_1046 = arith.constant 0 : i32
        %dma_start3A_1047 = arith.constant 0 : i32
        %dma_start3A_1048 = tpu.memref_slice %arg12[%dma_start3A_1044, %dma_start3A_1046, %dma_start3A_1047] : memref<4x64x128xf32, #tpu.memory_space<vmem>> -> memref<1x64x128xf32, #tpu.memory_space<vmem>>
        %dma_start3A_1049 = tpu.memref_squeeze %dma_start3A_1048 : memref<1x64x128xf32, #tpu.memory_space<vmem>> -> memref<64x128xf32, #tpu.memory_space<vmem>>
        %dma_start3A_1050 = tpu.memref_slice %arg10[%select_n3A_1025, %mul3A_1043] : memref<81x128xi32, #tpu.memory_space<vmem>> -> memref<1x64xi32, #tpu.memory_space<vmem>>
        %dma_start3A_1051 = tpu.memref_squeeze %dma_start3A_1050 : memref<1x64xi32, #tpu.memory_space<vmem>> -> memref<64xi32, #tpu.memory_space<vmem>>
        %dma_start3A_1052 = arith.constant 0 : i32
        %dma_start3A_1053 = arith.constant 0 : i32
        %dma_start3A_1054 = tpu.memref_slice %arg3[%dma_start3A_1052, %dma_start3A_1053] : memref<10240x128xf32, #tpu.memory_space<hbm>> -> memref<10240x128xf32, #tpu.memory_space<hbm>>
        %dma_start3A_1055 = tpu.memref_slice %arg13[%dma_start3A_1045] : memref<4x!tpu.dma_semaphore, #tpu.memory_space<semaphore_mem>> -> memref<1x!tpu.dma_semaphore, #tpu.memory_space<semaphore_mem>>
        %dma_start3A_1056 = tpu.memref_squeeze %dma_start3A_1055 : memref<1x!tpu.dma_semaphore, #tpu.memory_space<semaphore_mem>> -> memref<!tpu.dma_semaphore, #tpu.memory_space<semaphore_mem>>
        tpu.enqueue_indirect_dma source(%dma_start3A_1054 : memref<10240x128xf32, #tpu.memory_space<hbm>>) target(%dma_start3A_1049 : memref<64x128xf32, #tpu.memory_space<vmem>>) offsets(%dma_start3A_1051 : memref<64xi32, #tpu.memory_space<vmem>>) semaphore(%dma_start3A_1056 : memref<!tpu.dma_semaphore, #tpu.memory_space<semaphore_mem>>)
        %add3A_1057 = arith.constant 3 : i32
        %add3A_1058 = arith.addi %mul3A_538, %add3A_1057 : i32
        %jit3A_1059 = arith.constant 2 : i32
        %div3A_1060 = arith.divsi %add3A_1058, %jit3A_1059 : i32
        %sign3A_1061 = arith.constant 0 : i32
        %sign3A_1062 = arith.cmpi sgt, %add3A_1058, %sign3A_1061 : i32
        %sign3A_1063 = arith.extui %sign3A_1062 : i1 to i32
        %sign3A_1064 = arith.constant 0 : i32
        %sign3A_1065 = arith.cmpi slt, %add3A_1058, %sign3A_1064 : i32
        %sign3A_1066 = arith.extui %sign3A_1065 : i1 to i32
        %sign3A_1067 = arith.subi %sign3A_1063, %sign3A_1066 : i32
        %sign3A_1068 = arith.constant 0 : i32
        %sign3A_1069 = arith.cmpi sgt, %jit3A_1059, %sign3A_1068 : i32
        %sign3A_1070 = arith.extui %sign3A_1069 : i1 to i32
        %sign3A_1071 = arith.constant 0 : i32
        %sign3A_1072 = arith.cmpi slt, %jit3A_1059, %sign3A_1071 : i32
        %sign3A_1073 = arith.extui %sign3A_1072 : i1 to i32
        %sign3A_1074 = arith.subi %sign3A_1070, %sign3A_1073 : i32
        %ne3A_1075 = arith.cmpi ne, %sign3A_1067, %sign3A_1074 : i32
        %rem3A_1076 = arith.remsi %add3A_1058, %jit3A_1059 : i32
        %ne3A_1077 = arith.constant 0 : i32
        %ne3A_1078 = arith.cmpi ne, %rem3A_1076, %ne3A_1077 : i32
        %and3A_1079 = arith.andi %ne3A_1075, %ne3A_1078 : i1
        %sub3A_1080 = arith.constant 1 : i32
        %sub3A_1081 = arith.subi %div3A_1060, %sub3A_1080 : i32
        %select_n3A_1082 = arith.select %and3A_1079, %sub3A_1081, %div3A_1060 : i32
        %jit3A_1083 = arith.constant 2 : i32
        %eq3A_1084 = arith.constant 0 : i32
        %eq3A_1085 = arith.cmpi eq, %jit3A_1083, %eq3A_1084 : i32
        %jit3A_1086 = arith.constant 1 : i32
        %select_n3A_1087 = arith.select %eq3A_1085, %jit3A_1086, %jit3A_1083 : i32
        %rem3A_1088 = arith.remsi %add3A_1058, %select_n3A_1087 : i32
        %ne3A_1089 = arith.constant 0 : i32
        %ne3A_1090 = arith.cmpi ne, %rem3A_1088, %ne3A_1089 : i32
        %lt3A_1091 = arith.constant 0 : i32
        %lt3A_1092 = arith.cmpi slt, %rem3A_1088, %lt3A_1091 : i32
        %lt3A_1093 = arith.constant 0 : i32
        %lt3A_1094 = arith.cmpi slt, %select_n3A_1087, %lt3A_1093 : i32
        %ne3A_1095 = arith.xori %lt3A_1092, %lt3A_1094 : i1
        %and3A_1096 = arith.andi %ne3A_1095, %ne3A_1090 : i1
        %add3A_1097 = arith.addi %rem3A_1088, %select_n3A_1087 : i32
        %select_n3A_1098 = arith.select %and3A_1096, %add3A_1097, %rem3A_1088 : i32
        %mul3A_1099 = arith.constant 64 : i32
        %mul3A_1100 = arith.muli %select_n3A_1098, %mul3A_1099 : i32
        %dma_wait3A_1101 = arith.constant 3 : i32
        %dma_wait3A_1102 = arith.constant 3 : i32
        %dma_wait3A_1103 = arith.constant 0 : i32
        %dma_wait3A_1104 = arith.constant 0 : i32
        %dma_wait3A_1105 = tpu.memref_slice %arg12[%dma_wait3A_1101, %dma_wait3A_1103, %dma_wait3A_1104] : memref<4x64x128xf32, #tpu.memory_space<vmem>> -> memref<1x64x128xf32, #tpu.memory_space<vmem>>
        %dma_wait3A_1106 = tpu.memref_squeeze %dma_wait3A_1105 : memref<1x64x128xf32, #tpu.memory_space<vmem>> -> memref<64x128xf32, #tpu.memory_space<vmem>>
        %dma_wait3A_1107 = tpu.memref_slice %arg10[%select_n3A_1082, %mul3A_1100] : memref<81x128xi32, #tpu.memory_space<vmem>> -> memref<1x64xi32, #tpu.memory_space<vmem>>
        %dma_wait3A_1108 = tpu.memref_squeeze %dma_wait3A_1107 : memref<1x64xi32, #tpu.memory_space<vmem>> -> memref<64xi32, #tpu.memory_space<vmem>>
        %dma_wait3A_1109 = arith.constant 0 : i32
        %dma_wait3A_1110 = arith.constant 0 : i32
        %dma_wait3A_1111 = tpu.memref_slice %arg3[%dma_wait3A_1109, %dma_wait3A_1110] : memref<10240x128xf32, #tpu.memory_space<hbm>> -> memref<10240x128xf32, #tpu.memory_space<hbm>>
        %dma_wait3A_1112 = tpu.memref_slice %arg13[%dma_wait3A_1102] : memref<4x!tpu.dma_semaphore, #tpu.memory_space<semaphore_mem>> -> memref<1x!tpu.dma_semaphore, #tpu.memory_space<semaphore_mem>>
        %dma_wait3A_1113 = tpu.memref_squeeze %dma_wait3A_1112 : memref<1x!tpu.dma_semaphore, #tpu.memory_space<semaphore_mem>> -> memref<!tpu.dma_semaphore, #tpu.memory_space<semaphore_mem>>
        tpu.wait_indirect_dma semaphore(%dma_wait3A_1113 : memref<!tpu.dma_semaphore, #tpu.memory_space<semaphore_mem>>) src(%dma_wait3A_1111 : memref<10240x128xf32, #tpu.memory_space<hbm>>) dst(%dma_wait3A_1106 : memref<64x128xf32, #tpu.memory_space<vmem>>)
        %dma_wait3A_1114 = arith.constant 3 : i32
        %dma_wait3A_1115 = arith.constant 3 : i32
        %dma_wait3A_1116 = arith.constant 0 : i32
        %dma_wait3A_1117 = tpu.memref_slice %arg11[%dma_wait3A_1114, %dma_wait3A_1116] : memref<4x64xi32, #tpu.memory_space<vmem>> -> memref<1x64xi32, #tpu.memory_space<vmem>>
        %dma_wait3A_1118 = tpu.memref_squeeze %dma_wait3A_1117 : memref<1x64xi32, #tpu.memory_space<vmem>> -> memref<64xi32, #tpu.memory_space<vmem>>
        %dma_wait3A_1119 = arith.constant 0 : i32
        %dma_wait3A_1120 = tpu.memref_slice %arg5[%arg1, %add3A_1058, %dma_wait3A_1119] : memref<16x162x64xi32, #tpu.memory_space<hbm>> -> memref<1x1x64xi32, #tpu.memory_space<hbm>>
        %dma_wait3A_1121 = tpu.memref_squeeze %dma_wait3A_1120 : memref<1x1x64xi32, #tpu.memory_space<hbm>> -> memref<64xi32, #tpu.memory_space<hbm>>
        %dma_wait3A_1122 = tpu.memref_slice %arg14[%dma_wait3A_1115] : memref<4x!tpu.dma_semaphore, #tpu.memory_space<semaphore_mem>> -> memref<1x!tpu.dma_semaphore, #tpu.memory_space<semaphore_mem>>
        %dma_wait3A_1123 = tpu.memref_squeeze %dma_wait3A_1122 : memref<1x!tpu.dma_semaphore, #tpu.memory_space<semaphore_mem>> -> memref<!tpu.dma_semaphore, #tpu.memory_space<semaphore_mem>>
        %dma_wait3A_1124 = arith.constant 0 : i32
        %dma_wait3A_1125 = tpu.memref_slice %arg11[%dma_wait3A_1114, %dma_wait3A_1124] : memref<4x64xi32, #tpu.memory_space<vmem>> -> memref<1x64xi32, #tpu.memory_space<vmem>>
        %dma_wait3A_1126 = tpu.memref_squeeze %dma_wait3A_1125 : memref<1x64xi32, #tpu.memory_space<vmem>> -> memref<64xi32, #tpu.memory_space<vmem>>
        %dma_wait3A_1127 = arith.constant 0 : i32
        %dma_wait3A_1128 = tpu.memref_slice %arg5[%arg1, %add3A_1058, %dma_wait3A_1127] : memref<16x162x64xi32, #tpu.memory_space<hbm>> -> memref<1x1x64xi32, #tpu.memory_space<hbm>>
        %dma_wait3A_1129 = tpu.memref_squeeze %dma_wait3A_1128 : memref<1x1x64xi32, #tpu.memory_space<hbm>> -> memref<64xi32, #tpu.memory_space<hbm>>
        tpu.wait_dma2 semaphore(%dma_wait3A_1123 : memref<!tpu.dma_semaphore, #tpu.memory_space<semaphore_mem>>) src(%dma_wait3A_1129 : memref<64xi32, #tpu.memory_space<hbm>>) dst(%dma_wait3A_1126 : memref<64xi32, #tpu.memory_space<vmem>>)
        %dma_start3A_1130 = arith.constant 3 : i32
        %dma_start3A_1131 = arith.constant 3 : i32
        %dma_start3A_1132 = arith.constant 3 : i32
        %dma_start3A_1133 = arith.constant 0 : i32
        %dma_start3A_1134 = arith.constant 0 : i32
        %dma_start3A_1135 = tpu.memref_slice %arg12[%dma_start3A_1130, %dma_start3A_1133, %dma_start3A_1134] : memref<4x64x128xf32, #tpu.memory_space<vmem>> -> memref<1x64x128xf32, #tpu.memory_space<vmem>>
        %dma_start3A_1136 = tpu.memref_squeeze %dma_start3A_1135 : memref<1x64x128xf32, #tpu.memory_space<vmem>> -> memref<64x128xf32, #tpu.memory_space<vmem>>
        %dma_start3A_1137 = arith.constant 0 : i32
        %dma_start3A_1138 = tpu.memref_slice %arg11[%dma_start3A_1131, %dma_start3A_1137] : memref<4x64xi32, #tpu.memory_space<vmem>> -> memref<1x64xi32, #tpu.memory_space<vmem>>
        %dma_start3A_1139 = tpu.memref_squeeze %dma_start3A_1138 : memref<1x64xi32, #tpu.memory_space<vmem>> -> memref<64xi32, #tpu.memory_space<vmem>>
        %dma_start3A_1140 = arith.constant 0 : i32
        %dma_start3A_1141 = arith.constant 0 : i32
        %dma_start3A_1142 = tpu.memref_slice %arg16[%dma_start3A_1140, %dma_start3A_1141] : memref<10240x128xf32, #tpu.memory_space<vmem_shared>> -> memref<10240x128xf32, #tpu.memory_space<vmem_shared>>
        %dma_start3A_1143 = tpu.memref_slice %arg15[%dma_start3A_1132] : memref<4x!tpu.dma_semaphore, #tpu.memory_space<semaphore_mem>> -> memref<1x!tpu.dma_semaphore, #tpu.memory_space<semaphore_mem>>
        %dma_start3A_1144 = tpu.memref_squeeze %dma_start3A_1143 : memref<1x!tpu.dma_semaphore, #tpu.memory_space<semaphore_mem>> -> memref<!tpu.dma_semaphore, #tpu.memory_space<semaphore_mem>>
        tpu.enqueue_indirect_dma source(%dma_start3A_1136 : memref<64x128xf32, #tpu.memory_space<vmem>>) target(%dma_start3A_1142 : memref<10240x128xf32, #tpu.memory_space<vmem_shared>>) offsets(%dma_start3A_1139 : memref<64xi32, #tpu.memory_space<vmem>>) semaphore(%dma_start3A_1144 : memref<!tpu.dma_semaphore, #tpu.memory_space<semaphore_mem>>) {add = true}
        %dma_wait3A_1145 = arith.constant 1 : i32
        %dma_wait3A_1146 = arith.constant 1 : i32
        %dma_wait3A_1147 = arith.constant 1 : i32
        %dma_wait3A_1148 = arith.constant 0 : i32
        %dma_wait3A_1149 = arith.constant 0 : i32
        %dma_wait3A_1150 = tpu.memref_slice %arg12[%dma_wait3A_1145, %dma_wait3A_1148, %dma_wait3A_1149] : memref<4x64x128xf32, #tpu.memory_space<vmem>> -> memref<1x64x128xf32, #tpu.memory_space<vmem>>
        %dma_wait3A_1151 = tpu.memref_squeeze %dma_wait3A_1150 : memref<1x64x128xf32, #tpu.memory_space<vmem>> -> memref<64x128xf32, #tpu.memory_space<vmem>>
        %dma_wait3A_1152 = arith.constant 0 : i32
        %dma_wait3A_1153 = tpu.memref_slice %arg11[%dma_wait3A_1146, %dma_wait3A_1152] : memref<4x64xi32, #tpu.memory_space<vmem>> -> memref<1x64xi32, #tpu.memory_space<vmem>>
        %dma_wait3A_1154 = tpu.memref_squeeze %dma_wait3A_1153 : memref<1x64xi32, #tpu.memory_space<vmem>> -> memref<64xi32, #tpu.memory_space<vmem>>
        %dma_wait3A_1155 = arith.constant 0 : i32
        %dma_wait3A_1156 = arith.constant 0 : i32
        %dma_wait3A_1157 = tpu.memref_slice %arg16[%dma_wait3A_1155, %dma_wait3A_1156] : memref<10240x128xf32, #tpu.memory_space<vmem_shared>> -> memref<10240x128xf32, #tpu.memory_space<vmem_shared>>
        %dma_wait3A_1158 = tpu.memref_slice %arg15[%dma_wait3A_1147] : memref<4x!tpu.dma_semaphore, #tpu.memory_space<semaphore_mem>> -> memref<1x!tpu.dma_semaphore, #tpu.memory_space<semaphore_mem>>
        %dma_wait3A_1159 = tpu.memref_squeeze %dma_wait3A_1158 : memref<1x!tpu.dma_semaphore, #tpu.memory_space<semaphore_mem>> -> memref<!tpu.dma_semaphore, #tpu.memory_space<semaphore_mem>>
        tpu.wait_indirect_dma semaphore(%dma_wait3A_1159 : memref<!tpu.dma_semaphore, #tpu.memory_space<semaphore_mem>>) src(%dma_wait3A_1151 : memref<64x128xf32, #tpu.memory_space<vmem>>) dst(%dma_wait3A_1157 : memref<10240x128xf32, #tpu.memory_space<vmem_shared>>)
        %add3A_1160 = arith.constant 2 : i32
        %add3A_1161 = arith.addi %add3A_1058, %add3A_1160 : i32
        %dma_start3A_1162 = arith.constant 1 : i32
        %dma_start3A_1163 = arith.constant 1 : i32
        %dma_start3A_1164 = arith.constant 0 : i32
        %dma_start3A_1165 = tpu.memref_slice %arg11[%dma_start3A_1162, %dma_start3A_1164] : memref<4x64xi32, #tpu.memory_space<vmem>> -> memref<1x64xi32, #tpu.memory_space<vmem>>
        %dma_start3A_1166 = tpu.memref_squeeze %dma_start3A_1165 : memref<1x64xi32, #tpu.memory_space<vmem>> -> memref<64xi32, #tpu.memory_space<vmem>>
        %dma_start3A_1167 = arith.constant 0 : i32
        %dma_start3A_1168 = tpu.memref_slice %arg5[%arg1, %add3A_1161, %dma_start3A_1167] : memref<16x162x64xi32, #tpu.memory_space<hbm>> -> memref<1x1x64xi32, #tpu.memory_space<hbm>>
        %dma_start3A_1169 = tpu.memref_squeeze %dma_start3A_1168 : memref<1x1x64xi32, #tpu.memory_space<hbm>> -> memref<64xi32, #tpu.memory_space<hbm>>
        %dma_start3A_1170 = tpu.memref_slice %arg14[%dma_start3A_1163] : memref<4x!tpu.dma_semaphore, #tpu.memory_space<semaphore_mem>> -> memref<1x!tpu.dma_semaphore, #tpu.memory_space<semaphore_mem>>
        %dma_start3A_1171 = tpu.memref_squeeze %dma_start3A_1170 : memref<1x!tpu.dma_semaphore, #tpu.memory_space<semaphore_mem>> -> memref<!tpu.dma_semaphore, #tpu.memory_space<semaphore_mem>>
        %dma_start3A_1172 = arith.constant 0 : i32
        %dma_start3A_1173 = tpu.memref_slice %arg11[%dma_start3A_1162, %dma_start3A_1172] : memref<4x64xi32, #tpu.memory_space<vmem>> -> memref<1x64xi32, #tpu.memory_space<vmem>>
        %dma_start3A_1174 = tpu.memref_squeeze %dma_start3A_1173 : memref<1x64xi32, #tpu.memory_space<vmem>> -> memref<64xi32, #tpu.memory_space<vmem>>
        %dma_start3A_1175 = arith.constant 0 : i32
        %dma_start3A_1176 = tpu.memref_slice %arg5[%arg1, %add3A_1161, %dma_start3A_1175] : memref<16x162x64xi32, #tpu.memory_space<hbm>> -> memref<1x1x64xi32, #tpu.memory_space<hbm>>
        %dma_start3A_1177 = tpu.memref_squeeze %dma_start3A_1176 : memref<1x1x64xi32, #tpu.memory_space<hbm>> -> memref<64xi32, #tpu.memory_space<hbm>>
        tpu.enqueue_dma source(%dma_start3A_1177 : memref<64xi32, #tpu.memory_space<hbm>>) target(%dma_start3A_1174 : memref<64xi32, #tpu.memory_space<vmem>>) target_semaphore(%dma_start3A_1171 : memref<!tpu.dma_semaphore, #tpu.memory_space<semaphore_mem>>)
        %jit3A_1178 = arith.constant 2 : i32
        %div3A_1179 = arith.divsi %add3A_1161, %jit3A_1178 : i32
        %sign3A_1180 = arith.constant 0 : i32
        %sign3A_1181 = arith.cmpi sgt, %add3A_1161, %sign3A_1180 : i32
        %sign3A_1182 = arith.extui %sign3A_1181 : i1 to i32
        %sign3A_1183 = arith.constant 0 : i32
        %sign3A_1184 = arith.cmpi slt, %add3A_1161, %sign3A_1183 : i32
        %sign3A_1185 = arith.extui %sign3A_1184 : i1 to i32
        %sign3A_1186 = arith.subi %sign3A_1182, %sign3A_1185 : i32
        %sign3A_1187 = arith.constant 0 : i32
        %sign3A_1188 = arith.cmpi sgt, %jit3A_1178, %sign3A_1187 : i32
        %sign3A_1189 = arith.extui %sign3A_1188 : i1 to i32
        %sign3A_1190 = arith.constant 0 : i32
        %sign3A_1191 = arith.cmpi slt, %jit3A_1178, %sign3A_1190 : i32
        %sign3A_1192 = arith.extui %sign3A_1191 : i1 to i32
        %sign3A_1193 = arith.subi %sign3A_1189, %sign3A_1192 : i32
        %ne3A_1194 = arith.cmpi ne, %sign3A_1186, %sign3A_1193 : i32
        %rem3A_1195 = arith.remsi %add3A_1161, %jit3A_1178 : i32
        %ne3A_1196 = arith.constant 0 : i32
        %ne3A_1197 = arith.cmpi ne, %rem3A_1195, %ne3A_1196 : i32
        %and3A_1198 = arith.andi %ne3A_1194, %ne3A_1197 : i1
        %sub3A_1199 = arith.constant 1 : i32
        %sub3A_1200 = arith.subi %div3A_1179, %sub3A_1199 : i32
        %select_n3A_1201 = arith.select %and3A_1198, %sub3A_1200, %div3A_1179 : i32
        %jit3A_1202 = arith.constant 2 : i32
        %eq3A_1203 = arith.constant 0 : i32
        %eq3A_1204 = arith.cmpi eq, %jit3A_1202, %eq3A_1203 : i32
        %jit3A_1205 = arith.constant 1 : i32
        %select_n3A_1206 = arith.select %eq3A_1204, %jit3A_1205, %jit3A_1202 : i32
        %rem3A_1207 = arith.remsi %add3A_1161, %select_n3A_1206 : i32
        %ne3A_1208 = arith.constant 0 : i32
        %ne3A_1209 = arith.cmpi ne, %rem3A_1207, %ne3A_1208 : i32
        %lt3A_1210 = arith.constant 0 : i32
        %lt3A_1211 = arith.cmpi slt, %rem3A_1207, %lt3A_1210 : i32
        %lt3A_1212 = arith.constant 0 : i32
        %lt3A_1213 = arith.cmpi slt, %select_n3A_1206, %lt3A_1212 : i32
        %ne3A_1214 = arith.xori %lt3A_1211, %lt3A_1213 : i1
        %and3A_1215 = arith.andi %ne3A_1214, %ne3A_1209 : i1
        %add3A_1216 = arith.addi %rem3A_1207, %select_n3A_1206 : i32
        %select_n3A_1217 = arith.select %and3A_1215, %add3A_1216, %rem3A_1207 : i32
        %mul3A_1218 = arith.constant 64 : i32
        %mul3A_1219 = arith.muli %select_n3A_1217, %mul3A_1218 : i32
        %dma_start3A_1220 = arith.constant 1 : i32
        %dma_start3A_1221 = arith.constant 1 : i32
        %dma_start3A_1222 = arith.constant 0 : i32
        %dma_start3A_1223 = arith.constant 0 : i32
        %dma_start3A_1224 = tpu.memref_slice %arg12[%dma_start3A_1220, %dma_start3A_1222, %dma_start3A_1223] : memref<4x64x128xf32, #tpu.memory_space<vmem>> -> memref<1x64x128xf32, #tpu.memory_space<vmem>>
        %dma_start3A_1225 = tpu.memref_squeeze %dma_start3A_1224 : memref<1x64x128xf32, #tpu.memory_space<vmem>> -> memref<64x128xf32, #tpu.memory_space<vmem>>
        %dma_start3A_1226 = tpu.memref_slice %arg10[%select_n3A_1201, %mul3A_1219] : memref<81x128xi32, #tpu.memory_space<vmem>> -> memref<1x64xi32, #tpu.memory_space<vmem>>
        %dma_start3A_1227 = tpu.memref_squeeze %dma_start3A_1226 : memref<1x64xi32, #tpu.memory_space<vmem>> -> memref<64xi32, #tpu.memory_space<vmem>>
        %dma_start3A_1228 = arith.constant 0 : i32
        %dma_start3A_1229 = arith.constant 0 : i32
        %dma_start3A_1230 = tpu.memref_slice %arg3[%dma_start3A_1228, %dma_start3A_1229] : memref<10240x128xf32, #tpu.memory_space<hbm>> -> memref<10240x128xf32, #tpu.memory_space<hbm>>
        %dma_start3A_1231 = tpu.memref_slice %arg13[%dma_start3A_1221] : memref<4x!tpu.dma_semaphore, #tpu.memory_space<semaphore_mem>> -> memref<1x!tpu.dma_semaphore, #tpu.memory_space<semaphore_mem>>
        %dma_start3A_1232 = tpu.memref_squeeze %dma_start3A_1231 : memref<1x!tpu.dma_semaphore, #tpu.memory_space<semaphore_mem>> -> memref<!tpu.dma_semaphore, #tpu.memory_space<semaphore_mem>>
        tpu.enqueue_indirect_dma source(%dma_start3A_1230 : memref<10240x128xf32, #tpu.memory_space<hbm>>) target(%dma_start3A_1225 : memref<64x128xf32, #tpu.memory_space<vmem>>) offsets(%dma_start3A_1227 : memref<64xi32, #tpu.memory_space<vmem>>) semaphore(%dma_start3A_1232 : memref<!tpu.dma_semaphore, #tpu.memory_space<semaphore_mem>>)
      }
      %scan3A_441 = arith.constant 39 : i32
      %dma_wait3A_442 = arith.constant 2 : i32
      %dma_wait3A_443 = arith.constant 2 : i32
      %dma_wait3A_444 = arith.constant 2 : i32
      %dma_wait3A_445 = arith.constant 0 : i32
      %dma_wait3A_446 = arith.constant 0 : i32
      %dma_wait3A_447 = tpu.memref_slice %arg12[%dma_wait3A_442, %dma_wait3A_445, %dma_wait3A_446] : memref<4x64x128xf32, #tpu.memory_space<vmem>> -> memref<1x64x128xf32, #tpu.memory_space<vmem>>
      %dma_wait3A_448 = tpu.memref_squeeze %dma_wait3A_447 : memref<1x64x128xf32, #tpu.memory_space<vmem>> -> memref<64x128xf32, #tpu.memory_space<vmem>>
      %dma_wait3A_449 = arith.constant 0 : i32
      %dma_wait3A_450 = tpu.memref_slice %arg11[%dma_wait3A_443, %dma_wait3A_449] : memref<4x64xi32, #tpu.memory_space<vmem>> -> memref<1x64xi32, #tpu.memory_space<vmem>>
      %dma_wait3A_451 = tpu.memref_squeeze %dma_wait3A_450 : memref<1x64xi32, #tpu.memory_space<vmem>> -> memref<64xi32, #tpu.memory_space<vmem>>
      %dma_wait3A_452 = arith.constant 0 : i32
      %dma_wait3A_453 = arith.constant 0 : i32
      %dma_wait3A_454 = tpu.memref_slice %arg16[%dma_wait3A_452, %dma_wait3A_453] : memref<10240x128xf32, #tpu.memory_space<vmem_shared>> -> memref<10240x128xf32, #tpu.memory_space<vmem_shared>>
      %dma_wait3A_455 = tpu.memref_slice %arg15[%dma_wait3A_444] : memref<4x!tpu.dma_semaphore, #tpu.memory_space<semaphore_mem>> -> memref<1x!tpu.dma_semaphore, #tpu.memory_space<semaphore_mem>>
      %dma_wait3A_456 = tpu.memref_squeeze %dma_wait3A_455 : memref<1x!tpu.dma_semaphore, #tpu.memory_space<semaphore_mem>> -> memref<!tpu.dma_semaphore, #tpu.memory_space<semaphore_mem>>
      tpu.wait_indirect_dma semaphore(%dma_wait3A_456 : memref<!tpu.dma_semaphore, #tpu.memory_space<semaphore_mem>>) src(%dma_wait3A_448 : memref<64x128xf32, #tpu.memory_space<vmem>>) dst(%dma_wait3A_454 : memref<10240x128xf32, #tpu.memory_space<vmem_shared>>)
      %dma_wait3A_457 = arith.constant 3 : i32
      %dma_wait3A_458 = arith.constant 3 : i32
      %dma_wait3A_459 = arith.constant 3 : i32
      %dma_wait3A_460 = arith.constant 0 : i32
      %dma_wait3A_461 = arith.constant 0 : i32
      %dma_wait3A_462 = tpu.memref_slice %arg12[%dma_wait3A_457, %dma_wait3A_460, %dma_wait3A_461] : memref<4x64x128xf32, #tpu.memory_space<vmem>> -> memref<1x64x128xf32, #tpu.memory_space<vmem>>
      %dma_wait3A_463 = tpu.memref_squeeze %dma_wait3A_462 : memref<1x64x128xf32, #tpu.memory_space<vmem>> -> memref<64x128xf32, #tpu.memory_space<vmem>>
      %dma_wait3A_464 = arith.constant 0 : i32
      %dma_wait3A_465 = tpu.memref_slice %arg11[%dma_wait3A_458, %dma_wait3A_464] : memref<4x64xi32, #tpu.memory_space<vmem>> -> memref<1x64xi32, #tpu.memory_space<vmem>>
      %dma_wait3A_466 = tpu.memref_squeeze %dma_wait3A_465 : memref<1x64xi32, #tpu.memory_space<vmem>> -> memref<64xi32, #tpu.memory_space<vmem>>
      %dma_wait3A_467 = arith.constant 0 : i32
      %dma_wait3A_468 = arith.constant 0 : i32
      %dma_wait3A_469 = tpu.memref_slice %arg16[%dma_wait3A_467, %dma_wait3A_468] : memref<10240x128xf32, #tpu.memory_space<vmem_shared>> -> memref<10240x128xf32, #tpu.memory_space<vmem_shared>>
      %dma_wait3A_470 = tpu.memref_slice %arg15[%dma_wait3A_459] : memref<4x!tpu.dma_semaphore, #tpu.memory_space<semaphore_mem>> -> memref<1x!tpu.dma_semaphore, #tpu.memory_space<semaphore_mem>>
      %dma_wait3A_471 = tpu.memref_squeeze %dma_wait3A_470 : memref<1x!tpu.dma_semaphore, #tpu.memory_space<semaphore_mem>> -> memref<!tpu.dma_semaphore, #tpu.memory_space<semaphore_mem>>
      tpu.wait_indirect_dma semaphore(%dma_wait3A_471 : memref<!tpu.dma_semaphore, #tpu.memory_space<semaphore_mem>>) src(%dma_wait3A_463 : memref<64x128xf32, #tpu.memory_space<vmem>>) dst(%dma_wait3A_469 : memref<10240x128xf32, #tpu.memory_space<vmem_shared>>)
      %dma_wait3A_472 = arith.constant 80 : i32
      %dma_wait3A_473 = arith.constant 0 : i32
      %dma_wait3A_474 = arith.constant 0 : i32
      %dma_wait3A_475 = arith.constant 0 : i32
      %dma_wait3A_476 = arith.constant 0 : i32
      %dma_wait3A_477 = tpu.memref_slice %arg12[%dma_wait3A_473, %dma_wait3A_475, %dma_wait3A_476] : memref<4x64x128xf32, #tpu.memory_space<vmem>> -> memref<1x64x128xf32, #tpu.memory_space<vmem>>
      %dma_wait3A_478 = tpu.memref_squeeze %dma_wait3A_477 : memref<1x64x128xf32, #tpu.memory_space<vmem>> -> memref<64x128xf32, #tpu.memory_space<vmem>>
      %dma_wait3A_479 = arith.constant 0 : i32
      %dma_wait3A_480 = tpu.memref_slice %arg10[%dma_wait3A_472, %dma_wait3A_479] : memref<81x128xi32, #tpu.memory_space<vmem>> -> memref<1x64xi32, #tpu.memory_space<vmem>>
      %dma_wait3A_481 = tpu.memref_squeeze %dma_wait3A_480 : memref<1x64xi32, #tpu.memory_space<vmem>> -> memref<64xi32, #tpu.memory_space<vmem>>
      %dma_wait3A_482 = arith.constant 0 : i32
      %dma_wait3A_483 = arith.constant 0 : i32
      %dma_wait3A_484 = tpu.memref_slice %arg3[%dma_wait3A_482, %dma_wait3A_483] : memref<10240x128xf32, #tpu.memory_space<hbm>> -> memref<10240x128xf32, #tpu.memory_space<hbm>>
      %dma_wait3A_485 = tpu.memref_slice %arg13[%dma_wait3A_474] : memref<4x!tpu.dma_semaphore, #tpu.memory_space<semaphore_mem>> -> memref<1x!tpu.dma_semaphore, #tpu.memory_space<semaphore_mem>>
      %dma_wait3A_486 = tpu.memref_squeeze %dma_wait3A_485 : memref<1x!tpu.dma_semaphore, #tpu.memory_space<semaphore_mem>> -> memref<!tpu.dma_semaphore, #tpu.memory_space<semaphore_mem>>
      tpu.wait_indirect_dma semaphore(%dma_wait3A_486 : memref<!tpu.dma_semaphore, #tpu.memory_space<semaphore_mem>>) src(%dma_wait3A_484 : memref<10240x128xf32, #tpu.memory_space<hbm>>) dst(%dma_wait3A_478 : memref<64x128xf32, #tpu.memory_space<vmem>>)
      %dma_wait3A_487 = arith.constant 160 : i32
      %dma_wait3A_488 = arith.constant 0 : i32
      %dma_wait3A_489 = arith.constant 0 : i32
      %dma_wait3A_490 = arith.constant 0 : i32
      %dma_wait3A_491 = tpu.memref_slice %arg11[%dma_wait3A_488, %dma_wait3A_490] : memref<4x64xi32, #tpu.memory_space<vmem>> -> memref<1x64xi32, #tpu.memory_space<vmem>>
      %dma_wait3A_492 = tpu.memref_squeeze %dma_wait3A_491 : memref<1x64xi32, #tpu.memory_space<vmem>> -> memref<64xi32, #tpu.memory_space<vmem>>
      %dma_wait3A_493 = arith.constant 0 : i32
      %dma_wait3A_494 = tpu.memref_slice %arg5[%arg1, %dma_wait3A_487, %dma_wait3A_493] : memref<16x162x64xi32, #tpu.memory_space<hbm>> -> memref<1x1x64xi32, #tpu.memory_space<hbm>>
      %dma_wait3A_495 = tpu.memref_squeeze %dma_wait3A_494 : memref<1x1x64xi32, #tpu.memory_space<hbm>> -> memref<64xi32, #tpu.memory_space<hbm>>
      %dma_wait3A_496 = tpu.memref_slice %arg14[%dma_wait3A_489] : memref<4x!tpu.dma_semaphore, #tpu.memory_space<semaphore_mem>> -> memref<1x!tpu.dma_semaphore, #tpu.memory_space<semaphore_mem>>
      %dma_wait3A_497 = tpu.memref_squeeze %dma_wait3A_496 : memref<1x!tpu.dma_semaphore, #tpu.memory_space<semaphore_mem>> -> memref<!tpu.dma_semaphore, #tpu.memory_space<semaphore_mem>>
      %dma_wait3A_498 = arith.constant 0 : i32
      %dma_wait3A_499 = tpu.memref_slice %arg11[%dma_wait3A_488, %dma_wait3A_498] : memref<4x64xi32, #tpu.memory_space<vmem>> -> memref<1x64xi32, #tpu.memory_space<vmem>>
      %dma_wait3A_500 = tpu.memref_squeeze %dma_wait3A_499 : memref<1x64xi32, #tpu.memory_space<vmem>> -> memref<64xi32, #tpu.memory_space<vmem>>
      %dma_wait3A_501 = arith.constant 0 : i32
      %dma_wait3A_502 = tpu.memref_slice %arg5[%arg1, %dma_wait3A_487, %dma_wait3A_501] : memref<16x162x64xi32, #tpu.memory_space<hbm>> -> memref<1x1x64xi32, #tpu.memory_space<hbm>>
      %dma_wait3A_503 = tpu.memref_squeeze %dma_wait3A_502 : memref<1x1x64xi32, #tpu.memory_space<hbm>> -> memref<64xi32, #tpu.memory_space<hbm>>
      tpu.wait_dma2 semaphore(%dma_wait3A_497 : memref<!tpu.dma_semaphore, #tpu.memory_space<semaphore_mem>>) src(%dma_wait3A_503 : memref<64xi32, #tpu.memory_space<hbm>>) dst(%dma_wait3A_500 : memref<64xi32, #tpu.memory_space<vmem>>)
      %dma_wait3A_504 = arith.constant 80 : i32
      %dma_wait3A_505 = arith.constant 1 : i32
      %dma_wait3A_506 = arith.constant 1 : i32
      %dma_wait3A_507 = arith.constant 0 : i32
      %dma_wait3A_508 = arith.constant 0 : i32
      %dma_wait3A_509 = tpu.memref_slice %arg12[%dma_wait3A_505, %dma_wait3A_507, %dma_wait3A_508] : memref<4x64x128xf32, #tpu.memory_space<vmem>> -> memref<1x64x128xf32, #tpu.memory_space<vmem>>
      %dma_wait3A_510 = tpu.memref_squeeze %dma_wait3A_509 : memref<1x64x128xf32, #tpu.memory_space<vmem>> -> memref<64x128xf32, #tpu.memory_space<vmem>>
      %dma_wait3A_511 = arith.constant 64 : i32
      %dma_wait3A_512 = tpu.memref_slice %arg10[%dma_wait3A_504, %dma_wait3A_511] : memref<81x128xi32, #tpu.memory_space<vmem>> -> memref<1x64xi32, #tpu.memory_space<vmem>>
      %dma_wait3A_513 = tpu.memref_squeeze %dma_wait3A_512 : memref<1x64xi32, #tpu.memory_space<vmem>> -> memref<64xi32, #tpu.memory_space<vmem>>
      %dma_wait3A_514 = arith.constant 0 : i32
      %dma_wait3A_515 = arith.constant 0 : i32
      %dma_wait3A_516 = tpu.memref_slice %arg3[%dma_wait3A_514, %dma_wait3A_515] : memref<10240x128xf32, #tpu.memory_space<hbm>> -> memref<10240x128xf32, #tpu.memory_space<hbm>>
      %dma_wait3A_517 = tpu.memref_slice %arg13[%dma_wait3A_506] : memref<4x!tpu.dma_semaphore, #tpu.memory_space<semaphore_mem>> -> memref<1x!tpu.dma_semaphore, #tpu.memory_space<semaphore_mem>>
      %dma_wait3A_518 = tpu.memref_squeeze %dma_wait3A_517 : memref<1x!tpu.dma_semaphore, #tpu.memory_space<semaphore_mem>> -> memref<!tpu.dma_semaphore, #tpu.memory_space<semaphore_mem>>
      tpu.wait_indirect_dma semaphore(%dma_wait3A_518 : memref<!tpu.dma_semaphore, #tpu.memory_space<semaphore_mem>>) src(%dma_wait3A_516 : memref<10240x128xf32, #tpu.memory_space<hbm>>) dst(%dma_wait3A_510 : memref<64x128xf32, #tpu.memory_space<vmem>>)
      %dma_wait3A_519 = arith.constant 161 : i32
      %dma_wait3A_520 = arith.constant 1 : i32
      %dma_wait3A_521 = arith.constant 1 : i32
      %dma_wait3A_522 = arith.constant 0 : i32
      %dma_wait3A_523 = tpu.memref_slice %arg11[%dma_wait3A_520, %dma_wait3A_522] : memref<4x64xi32, #tpu.memory_space<vmem>> -> memref<1x64xi32, #tpu.memory_space<vmem>>
      %dma_wait3A_524 = tpu.memref_squeeze %dma_wait3A_523 : memref<1x64xi32, #tpu.memory_space<vmem>> -> memref<64xi32, #tpu.memory_space<vmem>>
      %dma_wait3A_525 = arith.constant 0 : i32
      %dma_wait3A_526 = tpu.memref_slice %arg5[%arg1, %dma_wait3A_519, %dma_wait3A_525] : memref<16x162x64xi32, #tpu.memory_space<hbm>> -> memref<1x1x64xi32, #tpu.memory_space<hbm>>
      %dma_wait3A_527 = tpu.memref_squeeze %dma_wait3A_526 : memref<1x1x64xi32, #tpu.memory_space<hbm>> -> memref<64xi32, #tpu.memory_space<hbm>>
      %dma_wait3A_528 = tpu.memref_slice %arg14[%dma_wait3A_521] : memref<4x!tpu.dma_semaphore, #tpu.memory_space<semaphore_mem>> -> memref<1x!tpu.dma_semaphore, #tpu.memory_space<semaphore_mem>>
      %dma_wait3A_529 = tpu.memref_squeeze %dma_wait3A_528 : memref<1x!tpu.dma_semaphore, #tpu.memory_space<semaphore_mem>> -> memref<!tpu.dma_semaphore, #tpu.memory_space<semaphore_mem>>
      %dma_wait3A_530 = arith.constant 0 : i32
      %dma_wait3A_531 = tpu.memref_slice %arg11[%dma_wait3A_520, %dma_wait3A_530] : memref<4x64xi32, #tpu.memory_space<vmem>> -> memref<1x64xi32, #tpu.memory_space<vmem>>
      %dma_wait3A_532 = tpu.memref_squeeze %dma_wait3A_531 : memref<1x64xi32, #tpu.memory_space<vmem>> -> memref<64xi32, #tpu.memory_space<vmem>>
      %dma_wait3A_533 = arith.constant 0 : i32
      %dma_wait3A_534 = tpu.memref_slice %arg5[%arg1, %dma_wait3A_519, %dma_wait3A_533] : memref<16x162x64xi32, #tpu.memory_space<hbm>> -> memref<1x1x64xi32, #tpu.memory_space<hbm>>
      %dma_wait3A_535 = tpu.memref_squeeze %dma_wait3A_534 : memref<1x1x64xi32, #tpu.memory_space<hbm>> -> memref<64xi32, #tpu.memory_space<hbm>>
      tpu.wait_dma2 semaphore(%dma_wait3A_529 : memref<!tpu.dma_semaphore, #tpu.memory_space<semaphore_mem>>) src(%dma_wait3A_535 : memref<64xi32, #tpu.memory_space<hbm>>) dst(%dma_wait3A_532 : memref<64xi32, #tpu.memory_space<vmem>>)
    } else {
    }
    %barrier3A_18 = arith.constant 0 : index
    tpu.barrier barrier_id(%barrier3A_18)
    %eq3A_19 = arith.constant 0 : i32
    %eq3A_20 = arith.cmpi eq, %arg0, %eq3A_19 : i32
    %convert_element_type3A_21 = arith.extui %eq3A_20 : i1 to i32
    %cond3A_22 = arith.constant 0 : i32
    %cond3A_23 = arith.cmpi ne, %convert_element_type3A_21, %cond3A_22 : i32
    scf.if %cond3A_23 {
      "tpu.region"() ({
        %run_scoped3A = tpu.sem_alloc : memref<!tpu.dma_semaphore, #tpu.memory_space<semaphore_mem>>
        %dma_start3A = arith.constant 0 : i32
        %dma_start3A_29 = tpu.memref_slice %arg8[%mul3A_0, %dma_start3A] : memref<10240x128xf32, #tpu.memory_space<hbm>> -> memref<640x128xf32, #tpu.memory_space<hbm>>
        %dma_start3A_30 = arith.constant 0 : i32
        %dma_start3A_31 = tpu.memref_slice %arg16[%mul3A_0, %dma_start3A_30] : memref<10240x128xf32, #tpu.memory_space<vmem_shared>> -> memref<640x128xf32, #tpu.memory_space<vmem_shared>>
        tpu.enqueue_dma source(%dma_start3A_31 : memref<640x128xf32, #tpu.memory_space<vmem_shared>>) target(%dma_start3A_29 : memref<640x128xf32, #tpu.memory_space<hbm>>) target_semaphore(%run_scoped3A : memref<!tpu.dma_semaphore, #tpu.memory_space<semaphore_mem>>)
        %dma_wait3A = arith.constant 0 : i32
        %dma_wait3A_32 = tpu.memref_slice %arg8[%mul3A_0, %dma_wait3A] : memref<10240x128xf32, #tpu.memory_space<hbm>> -> memref<640x128xf32, #tpu.memory_space<hbm>>
        %dma_wait3A_33 = arith.constant 0 : i32
        %dma_wait3A_34 = tpu.memref_slice %arg16[%mul3A_0, %dma_wait3A_33] : memref<10240x128xf32, #tpu.memory_space<vmem_shared>> -> memref<640x128xf32, #tpu.memory_space<vmem_shared>>
        tpu.wait_dma2 semaphore(%run_scoped3A : memref<!tpu.dma_semaphore, #tpu.memory_space<semaphore_mem>>) src(%dma_wait3A_34 : memref<640x128xf32, #tpu.memory_space<vmem_shared>>) dst(%dma_wait3A_32 : memref<640x128xf32, #tpu.memory_space<hbm>>)
        tpu.yield
      }) : () -> ()
    } else {
    }
    %eq3A_24 = arith.constant 1 : i32
    %eq3A_25 = arith.cmpi eq, %arg0, %eq3A_24 : i32
    %convert_element_type3A_26 = arith.extui %eq3A_25 : i1 to i32
    %cond3A_27 = arith.constant 0 : i32
    %cond3A_28 = arith.cmpi ne, %convert_element_type3A_26, %cond3A_27 : i32
    scf.if %cond3A_28 {
      "tpu.region"() ({
        %run_scoped3A = tpu.sem_alloc : memref<!tpu.dma_semaphore, #tpu.memory_space<semaphore_mem>>
        %dma_start3A = arith.constant 0 : i32
        %dma_start3A_29 = tpu.memref_slice %arg9[%mul3A_0, %dma_start3A] : memref<10240x128xf32, #tpu.memory_space<hbm>> -> memref<640x128xf32, #tpu.memory_space<hbm>>
        %dma_start3A_30 = arith.constant 0 : i32
        %dma_start3A_31 = tpu.memref_slice %arg16[%mul3A_0, %dma_start3A_30] : memref<10240x128xf32, #tpu.memory_space<vmem_shared>> -> memref<640x128xf32, #tpu.memory_space<vmem_shared>>
        tpu.enqueue_dma source(%dma_start3A_31 : memref<640x128xf32, #tpu.memory_space<vmem_shared>>) target(%dma_start3A_29 : memref<640x128xf32, #tpu.memory_space<hbm>>) target_semaphore(%run_scoped3A : memref<!tpu.dma_semaphore, #tpu.memory_space<semaphore_mem>>)
        %dma_wait3A = arith.constant 0 : i32
        %dma_wait3A_32 = tpu.memref_slice %arg9[%mul3A_0, %dma_wait3A] : memref<10240x128xf32, #tpu.memory_space<hbm>> -> memref<640x128xf32, #tpu.memory_space<hbm>>
        %dma_wait3A_33 = arith.constant 0 : i32
        %dma_wait3A_34 = tpu.memref_slice %arg16[%mul3A_0, %dma_wait3A_33] : memref<10240x128xf32, #tpu.memory_space<vmem_shared>> -> memref<640x128xf32, #tpu.memory_space<vmem_shared>>
        tpu.wait_dma2 semaphore(%run_scoped3A : memref<!tpu.dma_semaphore, #tpu.memory_space<semaphore_mem>>) src(%dma_wait3A_34 : memref<640x128xf32, #tpu.memory_space<vmem_shared>>) dst(%dma_wait3A_32 : memref<640x128xf32, #tpu.memory_space<hbm>>)
        tpu.yield
      }) : () -> ()
    } else {
    }
    return
  }
}

module attributes {stable_mosaic.version = 14 : i64} {
  func.func @_mm_body(%arg0: i32, %arg1: memref<512x256xf32, #tpu.memory_space<vmem>>, %arg2: memref<256x256xf32, #tpu.memory_space<vmem>>, %arg3: memref<2x512x1xf32, #tpu.memory_space<vmem>>, %arg4: memref<512x128xf32, #tpu.memory_space<vmem>>, %arg5: memref<512x128xf32, #tpu.memory_space<vmem>>) attributes {dimension_semantics = [#tpu.dimension_semantics<arbitrary>], iteration_bounds = array<i64: 20>, scalar_prefetch = 0 : i64, scratch_operands = 0 : i64, tpu.core_type = #tpu.core_type<tc>, window_params = [{transform_indices = @transform_0, window_bounds = array<i64: 512, 256>}, {pipeline_mode = #tpu.pipeline_mode<synchronous>, transform_indices = @transform_1, window_bounds = array<i64: 256, 256>}, {transform_indices = @transform_2, window_bounds = array<i64: 2, 512, 1>}, {transform_indices = @transform_3, window_bounds = array<i64: 512, 128>}, {transform_indices = @transform_4, window_bounds = array<i64: 512, 128>}]} {
    %get3A = arith.constant 0 : index
    %get3A_0 = arith.constant 0 : index
    %get3A_1 = arith.constant 0 : index
    %get3A_2 = vector.load %arg3[%get3A, %get3A_0, %get3A_1] : memref<2x512x1xf32, #tpu.memory_space<vmem>>, vector<2x512x1xf32>
    %slice3A = vector.extract_strided_slice %get3A_2 {offsets = [0, 0, 0], sizes = [1, 512, 1], strides = [1, 1, 1]} : vector<2x512x1xf32> to vector<1x512x1xf32>
    %squeeze3A = vector.shape_cast %slice3A : vector<1x512x1xf32> to vector<512x1xf32>
    %slice3A_3 = vector.extract_strided_slice %get3A_2 {offsets = [1, 0, 0], sizes = [1, 512, 1], strides = [1, 1, 1]} : vector<2x512x1xf32> to vector<1x512x1xf32>
    %squeeze3A_4 = vector.shape_cast %slice3A_3 : vector<1x512x1xf32> to vector<512x1xf32>
    %add3A = arith.addf %squeeze3A, %squeeze3A_4 : vector<512x1xf32>
    %add3A_5 = arith.constant 1.000000e+00 : f32
    %add3A_6 = vector.broadcast %add3A_5 : f32 to vector<512x1xf32>
    %add3A_7 = arith.addf %add3A, %add3A_6 : vector<512x1xf32>
    %rsqrt3A = math.rsqrt %add3A_7 : vector<512x1xf32>
    %get3A_8 = arith.constant 0 : index
    %get3A_9 = arith.constant 0 : index
    %get3A_10 = vector.load %arg1[%get3A_8, %get3A_9] : memref<512x256xf32, #tpu.memory_space<vmem>>, vector<512x256xf32>
    %get3A_11 = arith.constant 0 : index
    %get3A_12 = arith.constant 0 : index
    %get3A_13 = vector.load %arg2[%get3A_11, %get3A_12] : memref<256x256xf32, #tpu.memory_space<vmem>>, vector<256x256xf32>
    %dot_general3A = arith.constant dense<0.000000e+00> : vector<512x256xf32>
    %dot_general3A_14 = tpu.matmul %get3A_10, %get3A_13, %dot_general3A {dimension_numbers = #tpu.dot_dimension_numbers<[1], [1], [0], [0], [0, 0, 1, 0], [], []>, transpose_lhs_hint = false} : vector<512x256xf32>, vector<256x256xf32>, vector<512x256xf32> -> vector<512x256xf32>
    %mul3A = vector.broadcast %rsqrt3A : vector<512x1xf32> to vector<512x256xf32>
    %mul3A_15 = arith.mulf %dot_general3A_14, %mul3A : vector<512x256xf32>
    %slice3A_16 = vector.extract_strided_slice %mul3A_15 {offsets = [0, 0], sizes = [512, 128], strides = [1, 1]} : vector<512x256xf32> to vector<512x128xf32>
    %swap3A = arith.constant 0 : index
    %swap3A_17 = arith.constant 0 : index
    %swap3A_18 = vector.load %arg4[%swap3A, %swap3A_17] : memref<512x128xf32, #tpu.memory_space<vmem>>, vector<512x128xf32>
    tpu.vector_store %arg4[%swap3A, %swap3A_17], %slice3A_16 {strides = array<i32>} : memref<512x128xf32, #tpu.memory_space<vmem>>, vector<512x128xf32>,
    %slice3A_19 = vector.extract_strided_slice %mul3A_15 {offsets = [0, 128], sizes = [512, 128], strides = [1, 1]} : vector<512x256xf32> to vector<512x128xf32>
    %swap3A_20 = arith.constant 0 : index
    %swap3A_21 = arith.constant 0 : index
    %swap3A_22 = vector.load %arg5[%swap3A_20, %swap3A_21] : memref<512x128xf32, #tpu.memory_space<vmem>>, vector<512x128xf32>
    tpu.vector_store %arg5[%swap3A_20, %swap3A_21], %slice3A_19 {strides = array<i32>} : memref<512x128xf32, #tpu.memory_space<vmem>>, vector<512x128xf32>,
    return
  }
  func.func @transform_0(%arg0: i32) -> (i32, i32) {
    %c0_i32 = arith.constant 0 : i32
    %c0_i32_0 = arith.constant 0 : i32
    return %arg0, %c0_i32 : i32, i32
  }
  func.func @transform_1(%arg0: i32) -> (i32, i32) {
    %c0_i32 = arith.constant 0 : i32
    %c0_i32_0 = arith.constant 0 : i32
    %c0_i32_1 = arith.constant 0 : i32
    return %c0_i32, %c0_i32_0 : i32, i32
  }
  func.func @transform_2(%arg0: i32) -> (i32, i32, i32) {
    %c0_i32 = arith.constant 0 : i32
    %c0_i32_0 = arith.constant 0 : i32
    %c0_i32_1 = arith.constant 0 : i32
    return %c0_i32, %arg0, %c0_i32_0 : i32, i32, i32
  }
  func.func @transform_3(%arg0: i32) -> (i32, i32) {
    %c0_i32 = arith.constant 0 : i32
    %c0_i32_0 = arith.constant 0 : i32
    return %arg0, %c0_i32 : i32, i32
  }
  func.func @transform_4(%arg0: i32) -> (i32, i32) {
    %c0_i32 = arith.constant 0 : i32
    %c0_i32_0 = arith.constant 0 : i32
    return %arg0, %c0_i32 : i32, i32
  }
}

module attributes {stable_mosaic.version = 14 : i64} {
  func.func @_epi_body(%arg0: i32, %arg1: memref<400x128xf32, #tpu.memory_space<vmem>>, %arg2: memref<400x128xf32, #tpu.memory_space<vmem>>, %arg3: memref<400x128xf32, #tpu.memory_space<vmem>>, %arg4: memref<400x128xf32, #tpu.memory_space<vmem>>, %arg5: memref<2x400x1xf32, #tpu.memory_space<vmem>>, %arg6: memref<1x256xf32, #tpu.memory_space<vmem>>, %arg7: memref<400x256xf32, #tpu.memory_space<vmem>>) attributes {dimension_semantics = [#tpu.dimension_semantics<arbitrary>], iteration_bounds = array<i64: 25>, scalar_prefetch = 0 : i64, scratch_operands = 0 : i64, tpu.core_type = #tpu.core_type<tc>, window_params = [{transform_indices = @transform_0, window_bounds = array<i64: 400, 128>}, {transform_indices = @transform_1, window_bounds = array<i64: 400, 128>}, {transform_indices = @transform_2, window_bounds = array<i64: 400, 128>}, {transform_indices = @transform_3, window_bounds = array<i64: 400, 128>}, {transform_indices = @transform_4, window_bounds = array<i64: 2, 400, 1>}, {pipeline_mode = #tpu.pipeline_mode<synchronous>, transform_indices = @transform_5, window_bounds = array<i64: 1, 256>}, {transform_indices = @transform_6, window_bounds = array<i64: 400, 256>}]} {
    %get3A = arith.constant 0 : index
    %get3A_0 = arith.constant 0 : index
    %get3A_1 = arith.constant 0 : index
    %get3A_2 = vector.load %arg5[%get3A, %get3A_0, %get3A_1] : memref<2x400x1xf32, #tpu.memory_space<vmem>>, vector<2x400x1xf32>
    %slice3A = vector.extract_strided_slice %get3A_2 {offsets = [0, 0, 0], sizes = [1, 400, 1], strides = [1, 1, 1]} : vector<2x400x1xf32> to vector<1x400x1xf32>
    %squeeze3A = vector.shape_cast %slice3A : vector<1x400x1xf32> to vector<400x1xf32>
    %slice3A_3 = vector.extract_strided_slice %get3A_2 {offsets = [1, 0, 0], sizes = [1, 400, 1], strides = [1, 1, 1]} : vector<2x400x1xf32> to vector<1x400x1xf32>
    %squeeze3A_4 = vector.shape_cast %slice3A_3 : vector<1x400x1xf32> to vector<400x1xf32>
    %add3A = arith.addf %squeeze3A, %squeeze3A_4 : vector<400x1xf32>
    %add3A_5 = arith.constant 1.000000e+00 : f32
    %add3A_6 = vector.broadcast %add3A_5 : f32 to vector<400x1xf32>
    %add3A_7 = arith.addf %add3A, %add3A_6 : vector<400x1xf32>
    %rsqrt3A = math.rsqrt %add3A_7 : vector<400x1xf32>
    %get3A_8 = arith.constant 0 : index
    %get3A_9 = arith.constant 0 : index
    %get3A_10 = vector.load %arg6[%get3A_8, %get3A_9] : memref<1x256xf32, #tpu.memory_space<vmem>>, vector<1x256xf32>
    %get3A_11 = arith.constant 0 : index
    %get3A_12 = arith.constant 0 : index
    %get3A_13 = vector.load %arg1[%get3A_11, %get3A_12] : memref<400x128xf32, #tpu.memory_space<vmem>>, vector<400x128xf32>
    %get3A_14 = arith.constant 0 : index
    %get3A_15 = arith.constant 0 : index
    %get3A_16 = vector.load %arg3[%get3A_14, %get3A_15] : memref<400x128xf32, #tpu.memory_space<vmem>>, vector<400x128xf32>
    %add3A_17 = arith.addf %get3A_13, %get3A_16 : vector<400x128xf32>
    %mul3A = vector.broadcast %rsqrt3A : vector<400x1xf32> to vector<400x128xf32>
    %mul3A_18 = arith.mulf %mul3A, %add3A_17 : vector<400x128xf32>
    %slice3A_19 = vector.extract_strided_slice %get3A_10 {offsets = [0, 0], sizes = [1, 128], strides = [1, 1]} : vector<1x256xf32> to vector<1x128xf32>
    %add3A_20 = vector.broadcast %slice3A_19 : vector<1x128xf32> to vector<400x128xf32>
    %add3A_21 = arith.addf %mul3A_18, %add3A_20 : vector<400x128xf32>
    %get3A_22 = arith.constant 0 : index
    %get3A_23 = arith.constant 0 : index
    %get3A_24 = vector.load %arg2[%get3A_22, %get3A_23] : memref<400x128xf32, #tpu.memory_space<vmem>>, vector<400x128xf32>
    %get3A_25 = arith.constant 0 : index
    %get3A_26 = arith.constant 0 : index
    %get3A_27 = vector.load %arg4[%get3A_25, %get3A_26] : memref<400x128xf32, #tpu.memory_space<vmem>>, vector<400x128xf32>
    %add3A_28 = arith.addf %get3A_24, %get3A_27 : vector<400x128xf32>
    %mul3A_29 = vector.broadcast %rsqrt3A : vector<400x1xf32> to vector<400x128xf32>
    %mul3A_30 = arith.mulf %mul3A_29, %add3A_28 : vector<400x128xf32>
    %slice3A_31 = vector.extract_strided_slice %get3A_10 {offsets = [0, 128], sizes = [1, 128], strides = [1, 1]} : vector<1x256xf32> to vector<1x128xf32>
    %add3A_32 = vector.broadcast %slice3A_31 : vector<1x128xf32> to vector<400x128xf32>
    %add3A_33 = arith.addf %mul3A_30, %add3A_32 : vector<400x128xf32>
    %max3A = arith.constant 0.000000e+00 : f32
    %max3A_34 = vector.broadcast %max3A : f32 to vector<400x128xf32>
    %max3A_35 = arith.maximumf %add3A_21, %max3A_34 : vector<400x128xf32>
    %swap3A = arith.constant 0 : index
    %swap3A_36 = arith.constant 0 : index
    %swap3A_37 = vector.load %arg7[%swap3A, %swap3A_36] : memref<400x256xf32, #tpu.memory_space<vmem>>, vector<400x128xf32>
    tpu.vector_store %arg7[%swap3A, %swap3A_36], %max3A_35 {strides = array<i32>} : memref<400x256xf32, #tpu.memory_space<vmem>>, vector<400x128xf32>,
    %max3A_38 = arith.constant 0.000000e+00 : f32
    %max3A_39 = vector.broadcast %max3A_38 : f32 to vector<400x128xf32>
    %max3A_40 = arith.maximumf %add3A_33, %max3A_39 : vector<400x128xf32>
    %swap3A_41 = arith.constant 0 : index
    %swap3A_42 = arith.constant 128 : index
    %swap3A_43 = vector.load %arg7[%swap3A_41, %swap3A_42] : memref<400x256xf32, #tpu.memory_space<vmem>>, vector<400x128xf32>
    tpu.vector_store %arg7[%swap3A_41, %swap3A_42], %max3A_40 {strides = array<i32>} : memref<400x256xf32, #tpu.memory_space<vmem>>, vector<400x128xf32>,
    return
  }
  func.func @transform_0(%arg0: i32) -> (i32, i32) {
    %c0_i32 = arith.constant 0 : i32
    %c0_i32_0 = arith.constant 0 : i32
    return %arg0, %c0_i32 : i32, i32
  }
  func.func @transform_1(%arg0: i32) -> (i32, i32) {
    %c0_i32 = arith.constant 0 : i32
    %c0_i32_0 = arith.constant 0 : i32
    return %arg0, %c0_i32 : i32, i32
  }
  func.func @transform_2(%arg0: i32) -> (i32, i32) {
    %c0_i32 = arith.constant 0 : i32
    %c0_i32_0 = arith.constant 0 : i32
    return %arg0, %c0_i32 : i32, i32
  }
  func.func @transform_3(%arg0: i32) -> (i32, i32) {
    %c0_i32 = arith.constant 0 : i32
    %c0_i32_0 = arith.constant 0 : i32
    return %arg0, %c0_i32 : i32, i32
  }
  func.func @transform_4(%arg0: i32) -> (i32, i32, i32) {
    %c0_i32 = arith.constant 0 : i32
    %c0_i32_0 = arith.constant 0 : i32
    %c0_i32_1 = arith.constant 0 : i32
    return %c0_i32, %arg0, %c0_i32_0 : i32, i32, i32
  }
  func.func @transform_5(%arg0: i32) -> (i32, i32) {
    %c0_i32 = arith.constant 0 : i32
    %c0_i32_0 = arith.constant 0 : i32
    %c0_i32_1 = arith.constant 0 : i32
    return %c0_i32, %c0_i32_0 : i32, i32
  }
  func.func @transform_6(%arg0: i32) -> (i32, i32) {
    %c0_i32 = arith.constant 0 : i32
    %c0_i32_0 = arith.constant 0 : i32
    return %arg0, %c0_i32 : i32, i32
  }
}

</mosaic_0001>

<sc_bundles>
// kernel: kernel.6.cloned.1.call-start
scs
__scs_entry_jumppad:
0x0: {  	(pc) =	sbr.rel $0x88, $3  }
0x1: {  	(tag) =	ssettag $0x0;
	lr =	simm.s32 $0x1  }
0x2: {  	[smem:$0x3F9D] =	sst lr;
	_ =	strace $0xD0000000  }
0x3: {  	_ = 	snop  }
0x4: {  	_ = 	snop  }
0x5: {  	_ = 	snop  }
0x6: {  	_ = 	snop  }
0x7: {  	_ = 	snop  }
__scs_overlays_trampoline_lowered:
0x8: {  	[smem:$0x3FAC] =	sst s0  }
0x9: {  	[smem:$0x3FAD] =	sst s1  }
0xa: {  	[smem:$0x3FAE] =	sst s2  }
0xb: {  	[smem:$0x3FAF] =	sst s3  }
0xc: {  	[smem:$0x3FB0] =	sst s4  }
0xd: {  	[smem:$0x3FB1] =	sst s5  }
0xe: {  	[smem:$0x3FB2] =	sst s6  }
0xf: {  	[smem:$0x3FB3] =	sst s7  }
0x10: {  	[smem:$0x3FB4] =	sst s8  }
0x11: {  	[smem:$0x3FB5] =	sst s9;
	s0 =	simm.s32 @!p0 $0x0  }
0x12: {  	s1 =	sld [smem:$0x3F9B];
	s0 =	simm.s32 @p0 $0x1  }
0x13: {  	[smem:$0x3FB6] =	sst s0;
	s0 =	simm.s32 @!p1 $0x0  }
0x14: {  	s2 =	sld [smem:$0x3F9A];
	s0 =	simm.s32 @p1 $0x1  }
0x15: {  	[smem:$0x3FB7] =	sst s0;
	s0 =	simm.s32 @!p2 $0x0  }
0x16: {  	s3 =	sld [smem:$0x3FDB];
	s0 =	simm.s32 @p2 $0x1  }
0x17: {  	s4 =	simm.s32 $0x1BF5;
	[smem:$0x3FB9] =	sst s0  }
0x18: {  	s0 =	sld [smem:$0x3F9C];
	_ =	swait.ge [sflag:s4], $0x0  }
0x19: {  	s7 =	sld [smem:$0x3F9D]  }
0x1a: {  	s8 =	sadd.s32 $0xFFFFE003, lr  }
0x1b: {  	s9 =	sadd.s32 $0xFFFFFEF7, lr;
	s5 =	simm.s32 $0xFFFFFFFF;
	p2 =	slt.u32 s8, $0xFFFFF086  }
0x1c: {  	p1 =	slt.u32 s9, $0xF7A;
	s5 =	simm.s32 @!p2 $0x0  }
0x1d: {  	s5 =	simm.s32 @p1 $0x1;
	p0 =	seq.s32 s7, s2  }
0x1e: {  	s7 =	smul.u32 @!p0 $0xF7A, s2;
	p2 =	seq.s32 @!p0 s5, $0x0  }
0x1f: {  	s9 =	smul.u32 $0xF7A, s1;
	s8 =	simm.s32 @!p0 $0x1BF5;
	p2 =	por !p2, p0  }
0x20: {  	[sflag:s8] =	ssyncset.s32 @!p0 $0xFFFFF086;
	s6 =	sadd.s32 @!p0 s3, s7;
	s7 =	simm.s32 @!p0 $0x108  }
0x21: {  	s3 =	sadd.s32 s3, s9;
	s6 =	sadd.s32 @!p0 $0x88, s6;
	s7 =	simm.s32 @p2 $0x1082  }
0x22: {  	[simem:s7], [sflag:s8] =	dma.local @!p0 [hbm:s6], $0xF7A  }
0x23: {  	s9 =	sor.u32 $0xD0000000, s2;
	s6 =	simm.s32 $0x108;
	_ =	swait.ge @!p0 [sflag:s8], $0x0  }
0x24: {  	s3 =	sadd.s32 $0x88, s3;
	s6 =	simm.s32 @!p1 $0x1082;
	[sflag:s4] =	ssyncset.s32 $0xFFFFF086  }
0x25: {  	[simem:s6], [sflag:s4] =	dma.local [hbm:s3], $0xF7A  }
0x26: {  	[smem:$0x3F9D] =	sst s1;
	(tag) =	ssettag s2;
	_ =	strace s9  }
0x27: {  	s1 =	sld [smem:$0x3FAD]  }
0x28: {  	s2 =	sld [smem:$0x3FAE]  }
0x29: {  	s4 =	sld [smem:$0x3FB0]  }
0x2a: {  	p0 =	seq.s32 s5, $0x0;
	s5 =	sld [smem:$0x3FB1]  }
0x2b: {  	s6 =	sld [smem:$0x3FB2]  }
0x2c: {  	s7 =	sld [smem:$0x3FB3]  }
0x2d: {  	s3 =	simm.s32 $0x108;
	s8 =	sld [smem:$0x3FB4]  }
0x2e: {  	s3 =	simm.s32 @!p0 $0x1082;
	s9 =	sld [smem:$0x3FB5]  }
0x2f: {  	lr =	sadd.s32 s0, s3;
	s0 =	sld [smem:$0x3FAC]  }
0x30: {  	s3 =	sld [smem:$0x3FAF]  }
0x31: {  	[smem:$0x3FB8] =	sst s10  }
0x32: {  	s10 =	sld [smem:$0x3FB6];
	_ =	sdelay $0x3  }
0x33: {  	p0 =	seq.s32 s10, $0x1;
	s10 =	sld [smem:$0x3FB8];
	_ =	sdelay $0x3  }
0x34: {  	[smem:$0x3FB8] =	sst s10  }
0x35: {  	s10 =	sld [smem:$0x3FB7];
	_ =	sdelay $0x3  }
0x36: {  	p1 =	seq.s32 s10, $0x1;
	s10 =	sld [smem:$0x3FB8];
	_ =	sdelay $0x3  }
0x37: {  	[smem:$0x3FB8] =	sst s10  }
0x38: {  	s10 =	sld [smem:$0x3FB9]  }
0x39: {  	_ = 	snop;
	(pc) =	sbr.ind lr, $3  }
0x3a: {  	_ = 	snop  }
0x3b: {  	_ = 	snop  }
0x3c: {  	p2 =	seq.s32 s10, $0x1;
	s10 =	sld [smem:$0x3FB8]  }
0x3d: {  	_ =	shalt  }
0x3e: {  	_ =	shalt  }
0x3f: {  	_ =	shalt  }
0x40: {  	_ =	shalt  }
0x41: {  	_ =	shalt  }
0x42: {  	_ =	shalt  }
0x43: {  	_ =	shalt  }
0x44: {  	_ =	shalt  }
0x45: {  	_ =	shalt  }
0x46: {  	_ =	shalt  }
0x47: {  	_ =	shalt  }
0x48: {  	_ =	shalt  }
0x49: {  	_ =	shalt  }
0x4a: {  	_ =	shalt  }
0x4b: {  	_ =	shalt  }
0x4c: {  	_ =	shalt  }
0x4d: {  	_ =	shalt  }
0x4e: {  	_ =	shalt  }
0x4f: {  	_ =	shalt  }
0x50: {  	_ =	shalt  }
0x51: {  	_ =	shalt  }
0x52: {  	_ =	shalt  }
0x53: {  	_ =	shalt  }
0x54: {  	_ =	shalt  }
0x55: {  	_ =	shalt  }
0x56: {  	_ =	shalt  }
0x57: {  	_ =	shalt  }
0x58: {  	_ =	shalt  }
0x59: {  	_ =	shalt  }
0x5a: {  	_ =	shalt  }
0x5b: {  	_ =	shalt  }
0x5c: {  	_ =	shalt  }
0x5d: {  	_ =	shalt  }
0x5e: {  	_ =	shalt  }
0x5f: {  	_ =	shalt  }
0x60: {  	_ =	shalt  }
0x61: {  	_ =	shalt  }
0x62: {  	_ =	shalt  }
0x63: {  	_ =	shalt  }
0x64: {  	_ =	shalt  }
0x65: {  	_ =	shalt  }
0x66: {  	_ =	shalt  }
0x67: {  	_ =	shalt  }
0x68: {  	_ =	shalt  }
0x69: {  	_ =	shalt  }
0x6a: {  	_ =	shalt  }
0x6b: {  	_ =	shalt  }
0x6c: {  	_ =	shalt  }
0x6d: {  	_ =	shalt  }
0x6e: {  	_ =	shalt  }
0x6f: {  	_ =	shalt  }
0x70: {  	_ =	shalt  }
0x71: {  	_ =	shalt  }
0x72: {  	_ =	shalt  }
0x73: {  	_ =	shalt  }
0x74: {  	_ =	shalt  }
0x75: {  	_ =	shalt  }
0x76: {  	_ =	shalt  }
0x77: {  	_ =	shalt  }
0x78: {  	_ =	shalt  }
0x79: {  	_ =	shalt  }
0x7a: {  	_ =	shalt  }
0x7b: {  	_ =	shalt  }
0x7c: {  	_ =	shalt  }
0x7d: {  	_ =	shalt  }
0x7e: {  	_ =	shalt  }
0x7f: {  	_ =	shalt  }
0x80: {  	_ =	shalt  }
0x81: {  	_ =	shalt  }
0x82: {  	_ =	shalt  }
0x83: {  	_ =	shalt  }
0x84: {  	_ =	shalt  }
0x85: {  	_ =	shalt  }
0x86: {  	_ =	shalt  }
0x87: {  	_ =	shalt  }
.Lfunc_end0:
.L_simem_size_0:
called_computation_lowered:
.L_overlay_start_0:
0x88: {  	s2 =	sld [smem:$0x3FD9]  }
0x89: {  	s3 =	sld [smem:$0x3FFE];
	_ =	sdelay $0x1  }
0x8a: {  	s1 =	srdreg.scid  }
0x8b: {  	s0 =	sand.u32 $0x1, s1  }
0x8c: {  	s17 =	sshll.u32 s0, $0xA;
	s2 =	sadd.s32 s3, s2  }
0x8d: {  	s2 =	sadd.s32 s2, s17  }
0x8e: {  	[smem:$0x3FC4] =	sst s2  }
0x8f: {  	_ = 	snop  }
0x90: {  	s2 =	sld [smem:$0x3FD0];
	(tm) =	ssettm $0x1  }
0x91: {  	s18 =	sld [smem:$0x3FFB];
	_ =	sdelay $0x3  }
0x92: {  	_ =	strace s18  }
0x93: {  	s3 =	sld [smem:$0x3FFC];
	_ =	sdelay $0x3  }
0x94: {  	_ =	strace s3  }
0x95: {  	s3 =	sld [smem:$0x3FFD];
	_ =	sdelay $0x3  }
0x96: {  	_ =	strace s3  }
0x97: {  	_ =	strace $0x8FFFFFFF  }
0x98: {  	s19 =	sld [smem:$0x3FDB];
	_ =	sdelay $0x1  }
0x99: {  	s4 =	simm.s32 $_scs_section_size  }
0x9a: {  	s5 =	simm.s32 $_size__tile_overlayer_lowered;
	s6 =	simm.s32 $_tile_overlayer_lowered  }
0x9b: {  	s22 =	simm.s32 $0x1BFF;
	s21 =	sshll.u32 s6, $0x1;
	s3 =	sadd.s32 s4, s19  }
0x9c: {  	s7 =	simm.s32 $0x0;
	s20 =	sshll.u32 s5, $0x1;
	s5 =	sadd.s32 s21, s3  }
0x9d: {  	[timem:s7], [sflag:s22] =	dma.local [hbm:s5], s20  }
0x9e: {  	_ =	swait.ge [sflag:s22], s20  }
0x9f: {  	s4 =	ssub.s32 $0x0, s20;
	[sflag:s22] =	ssyncset.done $0x0  }
0xa0: {  	[sflag:s22] =	ssyncadd.s32 s4;
	_ =	sdelay $0x1  }
0xa1: {  	s23 =	simm.s32 $0x1B8B  }
0xa2: {  	_ =	swait.ge [sflag:s23], $0x1  }
0xa3: {  	[sflag:s23] =	ssyncset.done $0x0  }
0xa4: {  	s25 =	simm.s32 $0x1B8E;
	s24 =	sld [smem:$0x3FFE];
	[sflag:s23] =	ssyncadd.s32 $0xFFFFFFFF  }
0xa5: {  	s26 =	simm.s32 $execute0_lowered;
	[smem:$0x3FD2] =	sst s25  }
0xa6: {  	s5 =	sshll.u32 s26, $0x1;
	_ =	strace $0x80000046;
	[dreg:$0x1] =	wrdreg $0xFFFFFFFF  }
0xa7: {  	s28 =	simm.s32 $_size_execute0_lowered;
	s3 =	sadd.s32 s3, s5;
	[dreg:$0x0] =	wrdreg $0x0  }
0xa8: {  	s5 =	sshll.u32 s28, $0x1;
	[dreg:$0x2] =	wrdreg s3  }
0xa9: {  	[dreg:$0x3] =	wrdreg s5  }
0xaa: {  	[dreg:$0x4] =	wrdreg $0xC0  }
0xab: {  	_ =	task [dreg:s7], $0x5FFFF  }
0xac: {  	[dreg:$0x1] =	wrdreg $0xFFFFFFFF  }
0xad: {  	[dreg:$0x0] =	wrdreg $0x60  }
0xae: {  	[dreg:$0x2] =	wrdreg s2  }
0xaf: {  	[dreg:$0x3] =	wrdreg s24  }
0xb0: {  	[dreg:$0x4] =	wrdreg $0x17000  }
0xb1: {  	[dreg:$0x5] =	wrdreg $0x9  }
0xb2: {  	_ =	task.clear_ibuf [dreg:s7], $0x6FFFF;
	_ =	strace $0x90000046  }
0xb3: {  	s29 =	simm.s32 $0x9;
	_ =	strace $0x80000048  }
0xb4: {  	_ =	swait.ge [sflag:s29], $0x1  }
0xb5: {  	[sflag:s29] =	ssyncadd.s32 $0xFFFFFFFF  }
0xb6: {  	_ =	strace $0x90000048  }
0xb7: {  	_ =	sfence  }
0xb8: {  	s30 =	sld [smem:$0x0];
	_ =	sdelay $0x2  }
0xb9: {  	s31 =	sshll.u32 s1, $0xD;
	s1 =	sshrl.u32 s1, $0x2  }
0xba: {  	s3 =	sand.u32 $0x4000, s31;
	s1 =	sadd.s32 s1, s30  }
0xbb: {  	s0 =	sor.u32 s3, s0;
	s1 =	sshll.u32 s1, $0x11  }
0xbc: {  	s0 =	sor.u32 s1, s0  }
0xbd: {  	s0 =	sadd.s32 $0x8F2B, s0  }
0xbe: {  	[sflag:s0] =	ssyncadd.remote.s32 $0x1  }
0xbf: {  	_ =	sfence.sel $0xFFFF  }
0xc0: {  	[dreg:$0x0] =	wrdreg $0xFFFFFFFF;
	(pc) =	sbr.abs _section_cstart, $3  }
0xc1: {  	[dreg:$0x1] =	wrdreg $0xFFFFFFFF  }
0xc2: {  	_ =	task.clear_ibuf [dreg:s7], $0x2FFFF;
	_ =	strace $0x9FFFFFFF  }
0xc3: {  	(tm) =	ssettm $0x7FFFFFFF  }
tec
execute0_lowered:
.L_overlay_start_1:
0x0: {  	(tag) =	ssettag $0x1  }
0x1: {  	s5 =	rddreg [dreg:$0x0]  }
0x2: {  	s4 =	rddreg [dreg:$0x1]  }
0x3: {  	s2 =	rddreg [dreg:$0x2]  }
0x4: {  	s0 =	rddreg [dreg:$0x3]  }
0x5: {  	s3 =	simm.s32 $0x0;
	s6 =	srdreg.scid;
	s1 =	stileid.u32  }
0x6: {  	s11 =	simm.s32 $0x1400;
	s14 =	simm.s32 $0x20;
	s15 =	simm.s32 $0x10  }
0x7: {  	s16 =	simm.s32 $0x0;
	[smem:$0x7FF] =	sst s3;
	s7 =	smul.u32 $0x500, s1  }
0x8: {  	s6 =	sand.u32 $0x1, s6;
	s30 =	smul.u32 $0xA00, s1;
	s12 =	sshll.u32 s1, $0x6  }
0x9: {  	_ =	strace $0x80000047;
	s8 =	sshll.u32 s6, $0x7;
	s9 =	sshll.u32 s6, $0x4  }
0xa: {  	s6 =	ssub.s32 $0x2, s6;
	s12 =	sor.u32 $0x1C01, s12;
	s7 =	sor.u32 s8, s7  }
0xb: {  	s9 =	sor.u32 s1, s9;
	s31 =	sshrl.u32 s6, $0x1;
	s8 =	sshrl.u32 s30, $0x2  }
0xc: {  	s7 =	sshrl.u32 s7, $0x3;
	s9 =	smul.u32 $0x280, s9;
	s10 =	ssub.s32 s6, s31  }
0xd: {  	s7 =	sadd.s32 s7, s4;
	s4 =	sadd.s32 s8, s2;
	s8 =	simm.s32 $0x1480  }
0xe: {  	s5 =	sadd.s32 s5, s9;
	s6 =	sadd.s32 $0x1E00, s7;
	s7 =	smax.u32 s10, $0x1  }
0xf: {  	v0 =	vimm.f32 $1.000000000e+00;
	v1 =	vimm.f32 $0.0e+00;
	s9 =	simm.s32 $0x1;
	s10 =	simm.s32 $0x80;
	s13 =	sshrl.u32 s4, $0x3  }
.LBB2_1:
0x10: {  	[tilespmem:$0x1400] =	vst v0  }
0x11: {  	[tilespmem:$0x1410] =	vst v0  }
0x12: {  	[tilespmem:$0x1420] =	vst v0  }
0x13: {  	[tilespmem:$0x1430] =	vst v0  }
0x14: {  	[tilespmem:$0x1440] =	vst v0  }
0x15: {  	[tilespmem:$0x1450] =	vst v0  }
0x16: {  	[tilespmem:$0x1460] =	vst v0  }
0x17: {  	[tilespmem:$0x1470] =	vst v0  }
0x18: {  	[tilespmem:$0x1480] =	vst v1  }
0x19: {  	[tilespmem:$0x1490] =	vst v1  }
0x1a: {  	[tilespmem:$0x14A0] =	vst v1  }
0x1b: {  	[tilespmem:$0x14B0] =	vst v1  }
0x1c: {  	[tilespmem:$0x14C0] =	vst v1  }
0x1d: {  	[tilespmem:$0x14D0] =	vst v1  }
0x1e: {  	[tilespmem:$0x14E0] =	vst v1  }
0x1f: {  	[tilespmem:$0x14F0] =	vst v1  }
0x20: {  	[tilespmem:$0x1500] =	vst v1  }
0x21: {  	[tilespmem:$0x1510] =	vst v1  }
0x22: {  	[tilespmem:$0x1520] =	vst v1  }
0x23: {  	[tilespmem:$0x1530] =	vst v1  }
0x24: {  	[tilespmem:$0x1540] =	vst v1  }
0x25: {  	[tilespmem:$0x1550] =	vst v1  }
0x26: {  	[tilespmem:$0x1560] =	vst v1  }
0x27: {  	[tilespmem:$0x1570] =	vst v1  }
0x28: {  	[tilespmem:$0x1580] =	vst v1  }
0x29: {  	[tilespmem:$0x1590] =	vst v1  }
0x2a: {  	[tilespmem:$0x15A0] =	vst v1  }
0x2b: {  	[tilespmem:$0x15B0] =	vst v1  }
0x2c: {  	[tilespmem:$0x15C0] =	vst v1  }
0x2d: {  	[tilespmem:$0x15D0] =	vst v1  }
0x2e: {  	[tilespmem:$0x15E0] =	vst v1  }
0x2f: {  	[tilespmem:$0x15F0] =	vst v1  }
0x30: {  	[tilespmem:$0x1600] =	vst v1  }
0x31: {  	[tilespmem:$0x1610] =	vst v1  }
0x32: {  	[tilespmem:$0x1620] =	vst v1  }
0x33: {  	[tilespmem:$0x1630] =	vst v1  }
0x34: {  	[tilespmem:$0x1640] =	vst v1  }
0x35: {  	[tilespmem:$0x1650] =	vst v1  }
0x36: {  	[tilespmem:$0x1660] =	vst v1  }
0x37: {  	[tilespmem:$0x1670] =	vst v1  }
0x38: {  	[tilespmem:$0x1680] =	vst v1  }
0x39: {  	[tilespmem:$0x1690] =	vst v1  }
0x3a: {  	[tilespmem:$0x16A0] =	vst v1  }
0x3b: {  	[tilespmem:$0x16B0] =	vst v1  }
0x3c: {  	[tilespmem:$0x16C0] =	vst v1  }
0x3d: {  	[tilespmem:$0x16D0] =	vst v1  }
0x3e: {  	[tilespmem:$0x16E0] =	vst v1  }
0x3f: {  	[tilespmem:$0x16F0] =	vst v1  }
0x40: {  	[spmem:s4] =	stream.linear.scatter [tilespmem:s8], [sflag:$0x1], $0x280, $0x38;
	[tilespmem:$0x1980] =	vst v63  }
0x41: {  	_ =	swait.ge [sflag:s9], $0x280  }
0x42: {  	[sflag:s9] =	ssyncset.done $0x0  }
0x43: {  	[sflag:s9] =	ssyncadd.s32 $0xFFFFFD80  }
0x44: {  	[tilespmem:s3], [sflag:$0x1] =	stream.linear.gather [hbm4b:s5+s3], $0x1400, $0x38;
	[tilespmem:$0x1980] =	vst v63  }
0x45: {  	_ =	swait.ge [sflag:s9], $0x1400  }
0x46: {  	[sflag:s9] =	ssyncset.done $0x0  }
0x47: {  	[sflag:s9] =	ssyncadd.s32 $0xFFFFEC00  }
0x48: {  	s17 =	simm.s32 $0x0;
	[bflag:$0x0] =	sbarrier.arrive $0xFFFF  }
0x49: {  	[spmem:s2] =	stream.indirect.scatter.add.f32 [tilespmem:s11], [sflag:$0x1], $0x1, s17, s10, $0xb8;
	[tilespmem:$0x1980] =	vst v63  }
0x4a: {  	_ =	swait.ge [sflag:s9], $0x80  }
0x4b: {  	s17 =	simm.s32 $0x200;
	[sflag:s9] =	ssyncset.done $0x0  }
.LBB2_2:
0x4c: {  	s18 =	sshra.s32 s17, $0x2;
	[sflag:s9] =	ssyncadd.s32 $0xFFFFFF80;
	p0 =	sne.s32 s17, $0x4E00  }
0x4d: {  	[spmem:s2] =	stream.indirect.scatter.add.f32 [tilespmem:s11], [sflag:$0x1], $0x1, s18, s10, $0xb8;
	[tilespmem:$0x1980] =	vst v63  }
.Ltmp0:
0x4e: {  	_ = 	snop;
	(pc) =	sbr.rel @p0 .LBB2_2-.Ltmp0, $4  }
0x4f: {  	_ = 	snop  }
0x50: {  	s17 =	sadd.s32 $0x200, s17  }
0x51: {  	_ =	swait.ge [sflag:s9], $0x80  }
0x52: {  	[sflag:s9] =	ssyncset.done $0x0  }
0x53: {  	s16 =	sadd.s32 $0x1, s16  }
0x54: {  	[sflag:s9] =	ssyncadd.s32 $0xFFFFFF80;
	p0 =	sne.s32 s16, s7  }
.Ltmp1:
0x55: {  	[bflag:$0x0] =	sbarrier.arrive $0xFFFF;
	(pc) =	sbr.rel @p0 .LBB2_1-.Ltmp1, $4  }
0x56: {  	[hbm:s6@s14], [sflag:s12] =	dma.strided [spmem:s13@s15], $0x50, s9, $0x10   }
0x57: {  	_ =	swait.ge [sflag:s9], $0x50  }
0x58: {  	[sflag:s9] =	ssyncset.done $0x0  }
0x59: {  	[sflag:s9] =	ssyncadd.s32 $0xFFFFFFB0  }
0x5a: {  	_ =	sfence.sel $0x180000  }
0x5b: {  	[bflag:$0x0] =	sbarrier.arrive $0xFFFF  }
0x5c: {  	p0 =	sne.s32 s1, $0x0;
	_ =	strace $0x90000047  }
0x5d: {  	s0 =	sadd.s32 @!p0 $0x100000, s0;
	[bflag:$0x2] =	sbarrier.arrive $0xFFFF  }
0x5e: {  	[sflag:s0] =	ssyncadd.tile.s32 @!p0 $0x1;
	_ =	shalt  }
.Lfunc_end2:
_tile_overlayer_lowered:
.L_overlay_start_2:
0x5f: {  	(tag) =	ssettag $0x2  }
0x60: {  	s0 =	rddreg [dreg:$0x0];
	s2 =	stileid.u32  }
0x61: {  	s1 =	rddreg [dreg:$0x1];
	p0 =	sne.s32 s2, $0x0  }
0x62: {  	s3 =	rddreg [dreg:$0x2];
	[bflag:$0x3] =	sbarrier.arrive $0xFFFF;
	s2 =	simm.s32 @!p0 $0x1C01  }
0x63: {  	[timem:s3], [sflag:s2] =	dma.local @!p0 [hbm:s0], s1  }
0x64: {  	s0 =	simm.s32 @!p0 $0x1  }
0x65: {  	_ =	swait.ge @!p0 [sflag:s0], s1  }
0x66: {  	s1 =	ssub.s32 @!p0 $0x0, s1;
	[sflag:s0] =	ssyncset.done @!p0 $0x0  }
0x67: {  	[sflag:s0] =	ssyncadd.s32 @!p0 s1  }
0x68: {  	[bflag:$0x3] =	sbarrier.arrive $0xFFFF  }
0x69: {  	_ =	shalt  }

// kernel: kernel.9.cloned.1.call-start
scs
__scs_entry_jumppad:
0x0: {  	(pc) =	sbr.rel $0x88, $3  }
0x1: {  	(tag) =	ssettag $0x0;
	lr =	simm.s32 $0x1  }
0x2: {  	[smem:$0x3F9D] =	sst lr;
	_ =	strace $0xD0000000  }
0x3: {  	_ = 	snop  }
0x4: {  	_ = 	snop  }
0x5: {  	_ = 	snop  }
0x6: {  	_ = 	snop  }
0x7: {  	_ = 	snop  }
__scs_overlays_trampoline_lowered:
0x8: {  	[smem:$0x3FAC] =	sst s0  }
0x9: {  	[smem:$0x3FAD] =	sst s1  }
0xa: {  	[smem:$0x3FAE] =	sst s2  }
0xb: {  	[smem:$0x3FAF] =	sst s3  }
0xc: {  	[smem:$0x3FB0] =	sst s4  }
0xd: {  	[smem:$0x3FB1] =	sst s5  }
0xe: {  	[smem:$0x3FB2] =	sst s6  }
0xf: {  	[smem:$0x3FB3] =	sst s7  }
0x10: {  	[smem:$0x3FB4] =	sst s8  }
0x11: {  	[smem:$0x3FB5] =	sst s9;
	s0 =	simm.s32 @!p0 $0x0  }
0x12: {  	s1 =	sld [smem:$0x3F9B];
	s0 =	simm.s32 @p0 $0x1  }
0x13: {  	[smem:$0x3FB6] =	sst s0;
	s0 =	simm.s32 @!p1 $0x0  }
0x14: {  	s2 =	sld [smem:$0x3F9A];
	s0 =	simm.s32 @p1 $0x1  }
0x15: {  	[smem:$0x3FB7] =	sst s0;
	s0 =	simm.s32 @!p2 $0x0  }
0x16: {  	s3 =	sld [smem:$0x3FDB];
	s0 =	simm.s32 @p2 $0x1  }
0x17: {  	s4 =	simm.s32 $0x1BF5;
	[smem:$0x3FB9] =	sst s0  }
0x18: {  	s0 =	sld [smem:$0x3F9C];
	_ =	swait.ge [sflag:s4], $0x0  }
0x19: {  	s7 =	sld [smem:$0x3F9D]  }
0x1a: {  	s8 =	sadd.s32 $0xFFFFE003, lr  }
0x1b: {  	s9 =	sadd.s32 $0xFFFFFEF7, lr;
	s5 =	simm.s32 $0xFFFFFFFF;
	p2 =	slt.u32 s8, $0xFFFFF086  }
0x1c: {  	p1 =	slt.u32 s9, $0xF7A;
	s5 =	simm.s32 @!p2 $0x0  }
0x1d: {  	s5 =	simm.s32 @p1 $0x1;
	p0 =	seq.s32 s7, s2  }
0x1e: {  	s7 =	smul.u32 @!p0 $0xF7A, s2;
	p2 =	seq.s32 @!p0 s5, $0x0  }
0x1f: {  	s9 =	smul.u32 $0xF7A, s1;
	s8 =	simm.s32 @!p0 $0x1BF5;
	p2 =	por !p2, p0  }
0x20: {  	[sflag:s8] =	ssyncset.s32 @!p0 $0xFFFFF086;
	s6 =	sadd.s32 @!p0 s3, s7;
	s7 =	simm.s32 @!p0 $0x108  }
0x21: {  	s3 =	sadd.s32 s3, s9;
	s6 =	sadd.s32 @!p0 $0x88, s6;
	s7 =	simm.s32 @p2 $0x1082  }
0x22: {  	[simem:s7], [sflag:s8] =	dma.local @!p0 [hbm:s6], $0xF7A  }
0x23: {  	s9 =	sor.u32 $0xD0000000, s2;
	s6 =	simm.s32 $0x108;
	_ =	swait.ge @!p0 [sflag:s8], $0x0  }
0x24: {  	s3 =	sadd.s32 $0x88, s3;
	s6 =	simm.s32 @!p1 $0x1082;
	[sflag:s4] =	ssyncset.s32 $0xFFFFF086  }
0x25: {  	[simem:s6], [sflag:s4] =	dma.local [hbm:s3], $0xF7A  }
0x26: {  	[smem:$0x3F9D] =	sst s1;
	(tag) =	ssettag s2;
	_ =	strace s9  }
0x27: {  	s1 =	sld [smem:$0x3FAD]  }
0x28: {  	s2 =	sld [smem:$0x3FAE]  }
0x29: {  	s4 =	sld [smem:$0x3FB0]  }
0x2a: {  	p0 =	seq.s32 s5, $0x0;
	s5 =	sld [smem:$0x3FB1]  }
0x2b: {  	s6 =	sld [smem:$0x3FB2]  }
0x2c: {  	s7 =	sld [smem:$0x3FB3]  }
0x2d: {  	s3 =	simm.s32 $0x108;
	s8 =	sld [smem:$0x3FB4]  }
0x2e: {  	s3 =	simm.s32 @!p0 $0x1082;
	s9 =	sld [smem:$0x3FB5]  }
0x2f: {  	lr =	sadd.s32 s0, s3;
	s0 =	sld [smem:$0x3FAC]  }
0x30: {  	s3 =	sld [smem:$0x3FAF]  }
0x31: {  	[smem:$0x3FB8] =	sst s10  }
0x32: {  	s10 =	sld [smem:$0x3FB6];
	_ =	sdelay $0x3  }
0x33: {  	p0 =	seq.s32 s10, $0x1;
	s10 =	sld [smem:$0x3FB8];
	_ =	sdelay $0x3  }
0x34: {  	[smem:$0x3FB8] =	sst s10  }
0x35: {  	s10 =	sld [smem:$0x3FB7];
	_ =	sdelay $0x3  }
0x36: {  	p1 =	seq.s32 s10, $0x1;
	s10 =	sld [smem:$0x3FB8];
	_ =	sdelay $0x3  }
0x37: {  	[smem:$0x3FB8] =	sst s10  }
0x38: {  	s10 =	sld [smem:$0x3FB9]  }
0x39: {  	_ = 	snop;
	(pc) =	sbr.ind lr, $3  }
0x3a: {  	_ = 	snop  }
0x3b: {  	_ = 	snop  }
0x3c: {  	p2 =	seq.s32 s10, $0x1;
	s10 =	sld [smem:$0x3FB8]  }
0x3d: {  	_ =	shalt  }
0x3e: {  	_ =	shalt  }
0x3f: {  	_ =	shalt  }
0x40: {  	_ =	shalt  }
0x41: {  	_ =	shalt  }
0x42: {  	_ =	shalt  }
0x43: {  	_ =	shalt  }
0x44: {  	_ =	shalt  }
0x45: {  	_ =	shalt  }
0x46: {  	_ =	shalt  }
0x47: {  	_ =	shalt  }
0x48: {  	_ =	shalt  }
0x49: {  	_ =	shalt  }
0x4a: {  	_ =	shalt  }
0x4b: {  	_ =	shalt  }
0x4c: {  	_ =	shalt  }
0x4d: {  	_ =	shalt  }
0x4e: {  	_ =	shalt  }
0x4f: {  	_ =	shalt  }
0x50: {  	_ =	shalt  }
0x51: {  	_ =	shalt  }
0x52: {  	_ =	shalt  }
0x53: {  	_ =	shalt  }
0x54: {  	_ =	shalt  }
0x55: {  	_ =	shalt  }
0x56: {  	_ =	shalt  }
0x57: {  	_ =	shalt  }
0x58: {  	_ =	shalt  }
0x59: {  	_ =	shalt  }
0x5a: {  	_ =	shalt  }
0x5b: {  	_ =	shalt  }
0x5c: {  	_ =	shalt  }
0x5d: {  	_ =	shalt  }
0x5e: {  	_ =	shalt  }
0x5f: {  	_ =	shalt  }
0x60: {  	_ =	shalt  }
0x61: {  	_ =	shalt  }
0x62: {  	_ =	shalt  }
0x63: {  	_ =	shalt  }
0x64: {  	_ =	shalt  }
0x65: {  	_ =	shalt  }
0x66: {  	_ =	shalt  }
0x67: {  	_ =	shalt  }
0x68: {  	_ =	shalt  }
0x69: {  	_ =	shalt  }
0x6a: {  	_ =	shalt  }
0x6b: {  	_ =	shalt  }
0x6c: {  	_ =	shalt  }
0x6d: {  	_ =	shalt  }
0x6e: {  	_ =	shalt  }
0x6f: {  	_ =	shalt  }
0x70: {  	_ =	shalt  }
0x71: {  	_ =	shalt  }
0x72: {  	_ =	shalt  }
0x73: {  	_ =	shalt  }
0x74: {  	_ =	shalt  }
0x75: {  	_ =	shalt  }
0x76: {  	_ =	shalt  }
0x77: {  	_ =	shalt  }
0x78: {  	_ =	shalt  }
0x79: {  	_ =	shalt  }
0x7a: {  	_ =	shalt  }
0x7b: {  	_ =	shalt  }
0x7c: {  	_ =	shalt  }
0x7d: {  	_ =	shalt  }
0x7e: {  	_ =	shalt  }
0x7f: {  	_ =	shalt  }
0x80: {  	_ =	shalt  }
0x81: {  	_ =	shalt  }
0x82: {  	_ =	shalt  }
0x83: {  	_ =	shalt  }
0x84: {  	_ =	shalt  }
0x85: {  	_ =	shalt  }
0x86: {  	_ =	shalt  }
0x87: {  	_ =	shalt  }
.Lfunc_end0:
.L_simem_size_0:
called_computation.1_lowered:
.L_overlay_start_0:
0x88: {  	s2 =	sld [smem:$0x3FD9]  }
0x89: {  	s3 =	sld [smem:$0x3FFE];
	_ =	sdelay $0x1  }
0x8a: {  	s1 =	srdreg.scid  }
0x8b: {  	s0 =	sand.u32 $0x1, s1  }
0x8c: {  	s17 =	sshll.u32 s0, $0xA;
	s2 =	sadd.s32 s3, s2  }
0x8d: {  	s2 =	sadd.s32 s2, s17  }
0x8e: {  	[smem:$0x3FC4] =	sst s2  }
0x8f: {  	_ = 	snop  }
0x90: {  	s2 =	sld [smem:$0x3FD0];
	(tm) =	ssettm $0x1  }
0x91: {  	s18 =	sld [smem:$0x3FFB];
	_ =	sdelay $0x3  }
0x92: {  	_ =	strace s18  }
0x93: {  	s3 =	sld [smem:$0x3FFC];
	_ =	sdelay $0x3  }
0x94: {  	_ =	strace s3  }
0x95: {  	s3 =	sld [smem:$0x3FFD];
	_ =	sdelay $0x3  }
0x96: {  	_ =	strace s3  }
0x97: {  	_ =	strace $0x8FFFFFFF  }
0x98: {  	s19 =	sld [smem:$0x3FDB];
	_ =	sdelay $0x1  }
0x99: {  	s4 =	simm.s32 $_scs_section_size  }
0x9a: {  	s5 =	simm.s32 $_size__tile_overlayer_lowered;
	s6 =	simm.s32 $_tile_overlayer_lowered  }
0x9b: {  	s22 =	simm.s32 $0x1BFF;
	s21 =	sshll.u32 s6, $0x1;
	s3 =	sadd.s32 s4, s19  }
0x9c: {  	s7 =	simm.s32 $0x0;
	s20 =	sshll.u32 s5, $0x1;
	s5 =	sadd.s32 s21, s3  }
0x9d: {  	[timem:s7], [sflag:s22] =	dma.local [hbm:s5], s20  }
0x9e: {  	_ =	swait.ge [sflag:s22], s20  }
0x9f: {  	s4 =	ssub.s32 $0x0, s20;
	[sflag:s22] =	ssyncset.done $0x0  }
0xa0: {  	[sflag:s22] =	ssyncadd.s32 s4;
	_ =	sdelay $0x1  }
0xa1: {  	s23 =	simm.s32 $0x1B8B  }
0xa2: {  	_ =	swait.ge [sflag:s23], $0x1  }
0xa3: {  	[sflag:s23] =	ssyncset.done $0x0  }
0xa4: {  	s25 =	simm.s32 $0x1B8E;
	s24 =	sld [smem:$0x3FFE];
	[sflag:s23] =	ssyncadd.s32 $0xFFFFFFFF  }
0xa5: {  	s26 =	simm.s32 $execute0_lowered;
	[smem:$0x3FD2] =	sst s25  }
0xa6: {  	s5 =	sshll.u32 s26, $0x1;
	_ =	strace $0x80000049;
	[dreg:$0x1] =	wrdreg $0xFFFFFFFF  }
0xa7: {  	s28 =	simm.s32 $_size_execute0_lowered;
	s3 =	sadd.s32 s3, s5;
	[dreg:$0x0] =	wrdreg $0x0  }
0xa8: {  	s5 =	sshll.u32 s28, $0x1;
	[dreg:$0x2] =	wrdreg s3  }
0xa9: {  	[dreg:$0x3] =	wrdreg s5  }
0xaa: {  	[dreg:$0x4] =	wrdreg $0xC0  }
0xab: {  	_ =	task [dreg:s7], $0x5FFFF  }
0xac: {  	[dreg:$0x1] =	wrdreg $0xFFFFFFFF  }
0xad: {  	[dreg:$0x0] =	wrdreg $0x60  }
0xae: {  	[dreg:$0x2] =	wrdreg s2  }
0xaf: {  	[dreg:$0x3] =	wrdreg s24  }
0xb0: {  	[dreg:$0x4] =	wrdreg $0xAE000  }
0xb1: {  	[dreg:$0x5] =	wrdreg $0x9  }
0xb2: {  	_ =	task.clear_ibuf [dreg:s7], $0x6FFFF;
	_ =	strace $0x90000049  }
0xb3: {  	s29 =	simm.s32 $0x9;
	_ =	strace $0x8000004B  }
0xb4: {  	_ =	swait.ge [sflag:s29], $0x1  }
0xb5: {  	[sflag:s29] =	ssyncadd.s32 $0xFFFFFFFF  }
0xb6: {  	_ =	strace $0x9000004B  }
0xb7: {  	_ =	sfence  }
0xb8: {  	s30 =	sld [smem:$0x0];
	_ =	sdelay $0x2  }
0xb9: {  	s31 =	sshll.u32 s1, $0xD;
	s1 =	sshrl.u32 s1, $0x2  }
0xba: {  	s3 =	sand.u32 $0x4000, s31;
	s1 =	sadd.s32 s1, s30  }
0xbb: {  	s0 =	sor.u32 s3, s0;
	s1 =	sshll.u32 s1, $0x11  }
0xbc: {  	s0 =	sor.u32 s1, s0  }
0xbd: {  	s0 =	sadd.s32 $0x8F2B, s0  }
0xbe: {  	[sflag:s0] =	ssyncadd.remote.s32 $0x1  }
0xbf: {  	_ =	sfence.sel $0xFFFF  }
0xc0: {  	[dreg:$0x0] =	wrdreg $0xFFFFFFFF;
	(pc) =	sbr.abs _section_cstart, $3  }
0xc1: {  	[dreg:$0x1] =	wrdreg $0xFFFFFFFF  }
0xc2: {  	_ =	task.clear_ibuf [dreg:s7], $0x2FFFF;
	_ =	strace $0x9FFFFFFF  }
0xc3: {  	(tm) =	ssettm $0x7FFFFFFF  }
tec
execute0_lowered:
.L_overlay_start_1:
0x0: {  	(tag) =	ssettag $0x1  }
0x1: {  	s23 =	rddreg [dreg:$0x0]  }
0x2: {  	s0 =	rddreg [dreg:$0x1]  }
0x3: {  	s3 =	rddreg [dreg:$0x2]  }
0x4: {  	s4 =	simm.s32 $0x0;
	s1 =	stileid.u32;
	s6 =	srdreg.scid  }
0x5: {  	s28 =	simm.s32 $0x4E00;
	s29 =	simm.s32 $0x1;
	s30 =	simm.s32 $0x5  }
0x6: {  	s13 =	simm.s32 $0x8E00;
	s14 =	simm.s32 $0x3;
	s15 =	simm.s32 $0x7  }
0x7: {  	s16 =	simm.s32 $0x4;
	s31 =	simm.s32 $0x0;
	s2 =	smul.u32 $0x580, s1  }
0x8: {  	[smem:$0x7FF] =	sst s4;
	s5 =	sadd.s32 $0x62800, s0;
	s8 =	smul.u32 $0x2800, s1  }
0x9: {  	s7 =	sadd.s32 $0x8000, s0;
	s9 =	smul.u32 $0x50000, s1;
	s6 =	sand.u32 $0x1, s6  }
0xa: {  	s11 =	sadd.s32 $0xB2800, s0;
	_ =	strace $0x8000004A;
	[dreg:$0x4] =	wrdreg s5  }
0xb: {  	s26 =	sshll.u32 s1, $0x6;
	[dreg:$0x6] =	wrdreg s11;
	s17 =	ssub.s32 $0x2, s6  }
0xc: {  	s11 =	sor.u32 $0x1C0D, s26;
	p0 =	sne.s32 s6, $0x0;
	s26 =	simm.s32 $0x6E00  }
0xd: {  	s6 =	simm.s32 $0x9;
	s2 =	sadd.s32 s2, s0;
	[dreg:$0x5] =	wrdreg s8  }
0xe: {  	s10 =	sadd.s32 s8, s0;
	s8 =	smul.u32 $0x5400, s1;
	s0 =	sadd.s32 $0xDA800, s0  }
0xf: {  	s18 =	sshrl.u32 s17, $0x1;
	s9 =	sshrl.u32 s9, $0x2;
	[dreg:$0x11] =	wrdreg s11  }
0x10: {  	[dreg:$0x7] =	wrdreg s0;
	s0 =	ssub.s32 s17, s18;
	s10 =	sadd.s32 $0x8A800, s10  }
0x11: {  	s9 =	sadd.s32 s9, s3;
	s2 =	sadd.s32 $0x2800, s2;
	[dreg:$0x9] =	wrdreg s10  }
0x12: {  	s12 =	sshrl.u32 s8, $0x3;
	[dreg:$0xa] =	wrdreg s2;
	s0 =	smax.u32 s0, $0x1  }
0x13: {  	s17 =	simm.s32 $0x8;
	s19 =	sadd.s32 s7, s12;
	[dreg:$0x10] =	wrdreg s0  }
0x14: {  	s18 =	simm.s32 $0xA;
	s20 =	sadd.s32 $0x10, s19;
	[dreg:$0x8] =	wrdreg s19  }
0x15: {  	s2 =	simm.s32 $0x2D00;
	s21 =	sadd.s32 $0x20, s19;
	[dreg:$0xb] =	wrdreg s20  }
0x16: {  	s10 =	simm.s32 $0x6;
	s22 =	sadd.s32 $0x30, s19;
	[dreg:$0xc] =	wrdreg s21  }
.Ltmp0:
0x17: {  	s24 =	sadd.s32 $0x40, s19;
	[dreg:$0xd] =	wrdreg s22;
	(pc) =	sbr.rel .LBB2_1-.Ltmp0, $4  }
0x18: {  	s12 =	simm.s32 $0x2D80;
	s25 =	sadd.s32 $0x50, s19;
	[dreg:$0xe] =	wrdreg s24  }
0x19: {  	s19 =	simm.s32 $0xB;
	[dreg:$0xf] =	wrdreg s25;
	s20 =	sshrl.u32 s9, $0x3  }
0x1a: {  	s21 =	simm.s32 $0xD;
	s22 =	simm.s32 $0x2C00;
	s24 =	simm.s32 $0x40  }
0x1b: {  	s25 =	simm.s32 $0x2E00;
	s9 =	simm.s32 $0x2;
	[dreg:$0x12] =	wrdreg s20  }
.LBB2_7:
0x1c: {  	s1 =	sshrl.u32 s11, $0x3  }
0x1d: {  	[sflag:s19] =	ssyncadd.s32 $0xFFFFE000;
	s11 =	rddreg [dreg:$0x7];
	s1 =	sadd.s32 s7, s1  }
0x1e: {  	[tilespmem:s5], [sflag:$0x6] =	stream.linear.gather [hbm4b:s1+s4], $0x80, $0x38;
	[tilespmem:$0x1EE00] =	vst v63  }
0x1f: {  	s31 =	rddreg [dreg:$0x13]  }
0x20: {  	[tilespmem:s25], [sflag:$0x2] =	stream.indirect.gather [hbm4b:s23+s24], $0x80, s22, s24, $0xb8;
	[tilespmem:$0x1EE00] =	vst v63  }
0x21: {  	s28 =	simm.s32 $0x4E00;
	s18 =	simm.s32 $0xA;
	s23 =	rddreg [dreg:$0x0]  }
.LBB2_8:
0x22: {  	s19 =	simm.s32 $0xB  }
0x23: {  	_ =	swait.ge [sflag:s19], $0x2000  }
0x24: {  	[sflag:s19] =	ssyncset.done $0x0  }
0x25: {  	s0 =	simm.s32 $0xC;
	[sflag:s19] =	ssyncadd.s32 $0xFFFFE000  }
0x26: {  	_ =	swait.ge [sflag:s0], $0x2000  }
0x27: {  	[sflag:s0] =	ssyncset.done $0x0  }
0x28: {  	s29 =	simm.s32 $0x1;
	[sflag:s0] =	ssyncadd.s32 $0xFFFFE000  }
0x29: {  	_ =	swait.ge [sflag:s29], $0x2000  }
0x2a: {  	[sflag:s29] =	ssyncset.done $0x0  }
0x2b: {  	s30 =	simm.s32 $0x5;
	[sflag:s29] =	ssyncadd.s32 $0xFFFFE000  }
0x2c: {  	_ =	swait.ge [sflag:s30], $0x80  }
0x2d: {  	[sflag:s30] =	ssyncset.done $0x0  }
0x2e: {  	s9 =	simm.s32 $0x2;
	[sflag:s30] =	ssyncadd.s32 $0xFFFFFF80  }
0x2f: {  	_ =	swait.ge [sflag:s9], $0x2000  }
0x30: {  	[sflag:s9] =	ssyncset.done $0x0  }
0x31: {  	s10 =	simm.s32 $0x6;
	[sflag:s9] =	ssyncadd.s32 $0xFFFFE000  }
0x32: {  	_ =	swait.ge [sflag:s10], $0x80  }
0x33: {  	[sflag:s10] =	ssyncset.done $0x0  }
0x34: {  	[sflag:s10] =	ssyncadd.s32 $0xFFFFFF80  }
0x35: {  	s1 =	rddreg [dreg:$0x5];
	[bflag:$0x0] =	sbarrier.arrive $0xFFFF  }
0x36: {  	s1 =	sadd.s32 s11, s1;
	s11 =	rddreg [dreg:$0x11]  }
0x37: {  	s21 =	simm.s32 $0xD;
	s20 =	rddreg [dreg:$0x12]  }
0x38: {  	[hbm:s1], [sflag:s11] =	dma.local [spmem:s20], $0x2800  }
0x39: {  	_ =	swait.ge [sflag:s21], $0x2800  }
0x3a: {  	s31 =	sadd.s32 $0x1, s31;
	s26 =	rddreg [dreg:$0x10]  }
0x3b: {  	p1 =	sne.s32 s31, s26  }
.Ltmp1:
0x3c: {  	s22 =	simm.s32 $0x2C00;
	(pc) =	sbr.rel @!p1 .LBB2_9-.Ltmp1, $4  }
0x3d: {  	s25 =	simm.s32 $0x2E00;
	s2 =	simm.s32 $0x2D00;
	s12 =	simm.s32 $0x2D80  }
0x3e: {  	s13 =	simm.s32 $0x8E00;
	s14 =	simm.s32 $0x3;
	s15 =	simm.s32 $0x7  }
0x3f: {  	s6 =	simm.s32 $0x9;
	s16 =	simm.s32 $0x4;
	[sflag:s21] =	ssyncset.done $0x0  }
0x40: {  	s17 =	simm.s32 $0x8;
	[sflag:s21] =	ssyncadd.s32 $0xFFFFD800;
	s26 =	simm.s32 $0x6E00  }
.LBB2_1:
0x41: {  	[dreg:$0x13] =	wrdreg s31  }
0x42: {  	s1 =	rddreg [dreg:$0x9]  }
0x43: {  	[spmem:s20], [sflag:s11] =	dma.local [hbm:s1], $0x2800  }
0x44: {  	_ =	swait.ge [sflag:s21], $0x2800  }
0x45: {  	[sflag:s21] =	ssyncset.done $0x0  }
0x46: {  	s20 =	rddreg [dreg:$0xa];
	[sflag:s21] =	ssyncadd.s32 $0xFFFFD800  }
0x47: {  	[tilespmem:s4], [sflag:$0xD] =	stream.linear.gather [hbm4b:s20+s4], $0x2880, $0x38;
	[tilespmem:$0x1EE00] =	vst v63  }
0x48: {  	_ =	swait.ge [sflag:s21], $0x2880  }
.Ltmp2:
0x49: {  	[sflag:s21] =	ssyncset.done $0x0;
	(pc) =	sbr.rel @p0 .LBB2_5-.Ltmp2, $4  }
0x4a: {  	[sflag:s21] =	ssyncadd.s32 $0xFFFFD780  }
0x4b: {  	[bflag:$0x0] =	sbarrier.arrive $0xFFFF  }
0x4c: {  	s31 =	rddreg [dreg:$0x8]  }
0x4d: {  	[tilespmem:s22], [sflag:$0x5] =	stream.linear.gather [hbm4b:s31+s4], $0x80, $0x38;
	[tilespmem:$0x1EE00] =	vst v63  }
0x4e: {  	[tilespmem:s25], [sflag:$0x1] =	stream.indirect.gather [hbm4b:s23+s24], $0x80, s4, s24, $0xb8;
	[tilespmem:$0x1EE00] =	vst v63  }
0x4f: {  	s1 =	rddreg [dreg:$0xb];
	s21 =	simm.s32 $0x2C80  }
0x50: {  	[tilespmem:s21], [sflag:$0x6] =	stream.linear.gather [hbm4b:s1+s4], $0x80, $0x38;
	[tilespmem:$0x1EE00] =	vst v63  }
0x51: {  	_ = 	snop  }
0x52: {  	[tilespmem:s28], [sflag:$0x2] =	stream.indirect.gather [hbm4b:s23+s24], $0x80, s24, s24, $0xb8;
	[tilespmem:$0x1EE00] =	vst v63  }
0x53: {  	_ =	swait.ge [sflag:s29], $0x2000  }
0x54: {  	[sflag:s29] =	ssyncset.done $0x0  }
0x55: {  	[sflag:s29] =	ssyncadd.s32 $0xFFFFE000  }
0x56: {  	_ =	swait.ge [sflag:s30], $0x80  }
0x57: {  	[sflag:s30] =	ssyncset.done $0x0  }
0x58: {  	[sflag:s30] =	ssyncadd.s32 $0xFFFFFF80  }
0x59: {  	[spmem:s3] =	stream.indirect.scatter.add.f32 [tilespmem:s25], [sflag:$0x9], $0x80, s22, s24, $0xb8;
	[tilespmem:$0x1EE00] =	vst v63  }
0x5a: {  	s20 =	rddreg [dreg:$0xc]  }
0x5b: {  	[tilespmem:s2], [sflag:$0x7] =	stream.linear.gather [hbm4b:s20+s4], $0x80, $0x38;
	[tilespmem:$0x1EE00] =	vst v63  }
0x5c: {  	s0 =	simm.s32 $0x80  }
0x5d: {  	[tilespmem:s26], [sflag:$0x3] =	stream.indirect.gather [hbm4b:s23+s24], $0x80, s0, s24, $0xb8;
	[tilespmem:$0x1EE00] =	vst v63  }
0x5e: {  	_ =	swait.ge [sflag:s9], $0x2000  }
0x5f: {  	[sflag:s9] =	ssyncset.done $0x0  }
0x60: {  	[sflag:s9] =	ssyncadd.s32 $0xFFFFE000  }
0x61: {  	_ =	swait.ge [sflag:s10], $0x80  }
0x62: {  	[sflag:s10] =	ssyncset.done $0x0  }
0x63: {  	[sflag:s10] =	ssyncadd.s32 $0xFFFFFF80  }
0x64: {  	[spmem:s3] =	stream.indirect.scatter.add.f32 [tilespmem:s28], [sflag:$0xA], $0x80, s21, s24, $0xb8;
	[tilespmem:$0x1EE00] =	vst v63  }
0x65: {  	s0 =	rddreg [dreg:$0xd]  }
0x66: {  	[tilespmem:s12], [sflag:$0x8] =	stream.linear.gather [hbm4b:s0+s4], $0x80, $0x38;
	[tilespmem:$0x1EE00] =	vst v63  }
0x67: {  	s5 =	simm.s32 $0xC0  }
0x68: {  	[tilespmem:s13], [sflag:$0x4] =	stream.indirect.gather [hbm4b:s23+s24], $0x80, s5, s24, $0xb8;
	[tilespmem:$0x1EE00] =	vst v63  }
0x69: {  	_ =	swait.ge [sflag:s14], $0x2000  }
0x6a: {  	[sflag:s14] =	ssyncset.done $0x0  }
0x6b: {  	[sflag:s14] =	ssyncadd.s32 $0xFFFFE000  }
0x6c: {  	_ =	swait.ge [sflag:s15], $0x80  }
0x6d: {  	[sflag:s15] =	ssyncset.done $0x0  }
0x6e: {  	[sflag:s15] =	ssyncadd.s32 $0xFFFFFF80  }
0x6f: {  	[spmem:s3] =	stream.indirect.scatter.add.f32 [tilespmem:s26], [sflag:$0xB], $0x80, s2, s24, $0xb8;
	[tilespmem:$0x1EE00] =	vst v63  }
0x70: {  	_ =	swait.ge [sflag:s6], $0x2000  }
0x71: {  	[sflag:s6] =	ssyncset.done $0x0  }
0x72: {  	s11 =	rddreg [dreg:$0xe];
	[sflag:s6] =	ssyncadd.s32 $0xFFFFE000  }
0x73: {  	[tilespmem:s22], [sflag:$0x5] =	stream.linear.gather [hbm4b:s11+s4], $0x80, $0x38;
	[tilespmem:$0x1EE00] =	vst v63  }
0x74: {  	s20 =	simm.s32 $0x100  }
0x75: {  	[tilespmem:s25], [sflag:$0x1] =	stream.indirect.gather [hbm4b:s23+s24], $0x80, s20, s24, $0xb8;
	[tilespmem:$0x1EE00] =	vst v63  }
0x76: {  	_ =	swait.ge [sflag:s16], $0x2000  }
0x77: {  	[sflag:s16] =	ssyncset.done $0x0  }
0x78: {  	[sflag:s16] =	ssyncadd.s32 $0xFFFFE000  }
0x79: {  	_ =	swait.ge [sflag:s17], $0x80  }
0x7a: {  	[sflag:s17] =	ssyncset.done $0x0  }
0x7b: {  	[sflag:s17] =	ssyncadd.s32 $0xFFFFFF80  }
0x7c: {  	[spmem:s3] =	stream.indirect.scatter.add.f32 [tilespmem:s13], [sflag:$0xC], $0x80, s12, s24, $0xb8;
	[tilespmem:$0x1EE00] =	vst v63  }
0x7d: {  	_ =	swait.ge [sflag:s18], $0x2000  }
0x7e: {  	[sflag:s18] =	ssyncset.done $0x0  }
0x7f: {  	s0 =	rddreg [dreg:$0xf];
	[sflag:s18] =	ssyncadd.s32 $0xFFFFE000  }
0x80: {  	[tilespmem:s21], [sflag:$0x6] =	stream.linear.gather [hbm4b:s0+s4], $0x80, $0x38;
	[tilespmem:$0x1EE00] =	vst v63  }
0x81: {  	s1 =	simm.s32 $0x140  }
0x82: {  	[tilespmem:s28], [sflag:$0x2] =	stream.indirect.gather [hbm4b:s23+s24], $0x80, s1, s24, $0xb8;
	[tilespmem:$0x1EE00] =	vst v63  }
0x83: {  	_ =	swait.ge [sflag:s29], $0x2000  }
0x84: {  	[sflag:s29] =	ssyncset.done $0x0  }
0x85: {  	[sflag:s29] =	ssyncadd.s32 $0xFFFFE000  }
0x86: {  	s11 =	simm.s32 $0x200;
	_ =	swait.ge [sflag:s30], $0x80  }
0x87: {  	s11 =	sand.u32 $0x7C00, s11;
	s20 =	simm.s32 $0x300;
	[sflag:s30] =	ssyncset.done $0x0  }
0x88: {  	s11 =	sadd.s32 s8, s11;
	s20 =	sand.u32 $0x300, s20;
	[sflag:s30] =	ssyncadd.s32 $0xFFFFFF80  }
0x89: {  	[spmem:s3] =	stream.indirect.scatter.add.f32 [tilespmem:s25], [sflag:$0x9], $0x80, s22, s24, $0xb8;
	[tilespmem:$0x1EE00] =	vst v63  }
0x8a: {  	s20 =	sor.u32 s11, s20;
	_ =	swait.ge [sflag:s19], $0x2000  }
0x8b: {  	s20 =	sshrl.u32 s20, $0x3;
	[sflag:s19] =	ssyncset.done $0x0  }
0x8c: {  	s20 =	sadd.s32 s7, s20;
	[sflag:s19] =	ssyncadd.s32 $0xFFFFE000  }
0x8d: {  	[tilespmem:s2], [sflag:$0x7] =	stream.linear.gather [hbm4b:s20+s4], $0x80, $0x38;
	[tilespmem:$0x1EE00] =	vst v63  }
0x8e: {  	s5 =	simm.s32 $0x180  }
0x8f: {  	[tilespmem:s26], [sflag:$0x3] =	stream.indirect.gather [hbm4b:s23+s24], $0x80, s5, s24, $0xb8;
	[tilespmem:$0x1EE00] =	vst v63  }
0x90: {  	_ =	swait.ge [sflag:s9], $0x2000  }
0x91: {  	[sflag:s9] =	ssyncset.done $0x0  }
0x92: {  	[sflag:s9] =	ssyncadd.s32 $0xFFFFE000  }
0x93: {  	_ =	swait.ge [sflag:s10], $0x80  }
0x94: {  	s9 =	simm.s32 $0x380;
	[sflag:s10] =	ssyncset.done $0x0  }
0x95: {  	s31 =	simm.s32 $0xC;
	s20 =	sand.u32 $0x380, s9;
	[sflag:s10] =	ssyncadd.s32 $0xFFFFFF80  }
0x96: {  	[spmem:s3] =	stream.indirect.scatter.add.f32 [tilespmem:s28], [sflag:$0xA], $0x80, s21, s24, $0xb8;
	[tilespmem:$0x1EE00] =	vst v63  }
0x97: {  	s11 =	sor.u32 s11, s20;
	_ =	swait.ge [sflag:s31], $0x2000  }
0x98: {  	s11 =	sshrl.u32 s11, $0x3;
	[sflag:s31] =	ssyncset.done $0x0  }
0x99: {  	s11 =	sadd.s32 s7, s11;
	[sflag:s31] =	ssyncadd.s32 $0xFFFFE000  }
0x9a: {  	[tilespmem:s12], [sflag:$0x8] =	stream.linear.gather [hbm4b:s11+s4], $0x80, $0x38;
	[tilespmem:$0x1EE00] =	vst v63  }
0x9b: {  	s18 =	simm.s32 $0x1C0  }
0x9c: {  	[tilespmem:s13], [sflag:$0x4] =	stream.indirect.gather [hbm4b:s23+s24], $0x80, s18, s24, $0xb8;
	[tilespmem:$0x1EE00] =	vst v63  }
0x9d: {  	_ =	swait.ge [sflag:s14], $0x2000  }
0x9e: {  	[sflag:s14] =	ssyncset.done $0x0  }
0x9f: {  	[sflag:s14] =	ssyncadd.s32 $0xFFFFE000  }
0xa0: {  	s19 =	simm.s32 $0x400;
	_ =	swait.ge [sflag:s15], $0x80  }
0xa1: {  	s21 =	sand.u32 $0xFC00, s19;
	[sflag:s15] =	ssyncset.done $0x0  }
0xa2: {  	s20 =	sadd.s32 s8, s21;
	s11 =	sand.u32 $0x200, s19;
	[sflag:s15] =	ssyncadd.s32 $0xFFFFFF80  }
0xa3: {  	[spmem:s3] =	stream.indirect.scatter.add.f32 [tilespmem:s26], [sflag:$0xB], $0x80, s2, s24, $0xb8;
	[tilespmem:$0x1EE00] =	vst v63  }
0xa4: {  	s30 =	simm.s32 $0x1;
	s11 =	sor.u32 s11, s20;
	_ =	swait.ge [sflag:s6], $0x2000  }
0xa5: {  	s9 =	simm.s32 $0x5;
	s11 =	sshrl.u32 s11, $0x3;
	[sflag:s6] =	ssyncset.done $0x0  }
0xa6: {  	s10 =	simm.s32 $0x2;
	s11 =	sadd.s32 s7, s11;
	[sflag:s6] =	ssyncadd.s32 $0xFFFFE000  }
0xa7: {  	[tilespmem:s22], [sflag:$0x5] =	stream.linear.gather [hbm4b:s11+s4], $0x80, $0x38;
	[tilespmem:$0x1EE00] =	vst v63  }
0xa8: {  	s28 =	simm.s32 $0x2D80;
	s21 =	simm.s32 $0x680;
	s22 =	simm.s32 $0x200  }
0xa9: {  	[tilespmem:s25], [sflag:$0x1] =	stream.indirect.gather [hbm4b:s23+s24], $0x80, s22, s24, $0xb8;
	[tilespmem:$0x1EE00] =	vst v63  }
0xaa: {  	s19 =	simm.s32 $0xA;
	s20 =	simm.s32 $0x240;
	_ =	swait.ge [sflag:s16], $0x2000  }
0xab: {  	s18 =	simm.s32 $0x8;
	s13 =	simm.s32 $0x6;
	[sflag:s16] =	ssyncset.done $0x0  }
0xac: {  	s15 =	simm.s32 $0x3;
	s2 =	simm.s32 $0xB;
	[sflag:s16] =	ssyncadd.s32 $0xFFFFE000  }
0xad: {  	s26 =	simm.s32 $0x8E00;
	s25 =	simm.s32 $0x480;
	_ =	swait.ge [sflag:s17], $0x80  }
0xae: {  	s6 =	simm.s32 $0x7;
	s29 =	sand.u32 $0xFC00, s25;
	[sflag:s17] =	ssyncset.done $0x0  }
0xaf: {  	s11 =	sand.u32 $0x280, s25;
	s22 =	sadd.s32 s8, s29;
	[sflag:s17] =	ssyncadd.s32 $0xFFFFFF80  }
0xb0: {  	[spmem:s3] =	stream.indirect.scatter.add.f32 [tilespmem:s26], [sflag:$0xC], $0x80, s28, s24, $0xb8;
	[tilespmem:$0x1EE00] =	vst v63  }
0xb1: {  	s16 =	simm.s32 $0x9;
	s11 =	sor.u32 s11, s22;
	_ =	swait.ge [sflag:s19], $0x2000  }
0xb2: {  	s22 =	simm.s32 $0x240;
	s17 =	simm.s32 $0x4;
	[sflag:s19] =	ssyncset.done $0x0  }
.LBB2_3:
0xb3: {  	s1 =	sshrl.u32 s11, $0x3  }
0xb4: {  	[sflag:s19] =	ssyncadd.s32 $0xFFFFE000;
	s26 =	simm.s32 $0x2C80;
	s1 =	sadd.s32 s7, s1  }
0xb5: {  	[tilespmem:s26], [sflag:$0x6] =	stream.linear.gather [hbm4b:s1+s4], $0x80, $0x38;
	[tilespmem:$0x1EE00] =	vst v63  }
0xb6: {  	s0 =	simm.s32 $0x4E00  }
0xb7: {  	[tilespmem:s0], [sflag:$0x2] =	stream.indirect.gather [hbm4b:s23+s24], $0x80, s22, s24, $0xb8;
	[tilespmem:$0x1EE00] =	vst v63  }
0xb8: {  	_ =	swait.ge [sflag:s30], $0x2000  }
0xb9: {  	s11 =	smov.u32 s21;
	s29 =	simm.s32 $0x2C00;
	[sflag:s30] =	ssyncset.done $0x0  }
0xba: {  	s5 =	sadd.s32 $0xFFFFFD80, s11;
	s12 =	sadd.s32 $0xFFFFFF00, s11;
	[sflag:s30] =	ssyncadd.s32 $0xFFFFE000  }
0xbb: {  	s25 =	sadd.s32 $0xFFFFFE80, s11;
	s1 =	sand.u32 $0x7C00, s5;
	_ =	swait.ge [sflag:s9], $0x80  }
0xbc: {  	s25 =	sand.u32 $0x300, s25;
	s1 =	sadd.s32 s8, s1;
	[sflag:s9] =	ssyncset.done $0x0  }
0xbd: {  	s23 =	sand.u32 $0x380, s12;
	s12 =	simm.s32 $0x2E00;
	[sflag:s9] =	ssyncadd.s32 $0xFFFFFF80  }
0xbe: {  	[spmem:s3] =	stream.indirect.scatter.add.f32 [tilespmem:s12], [sflag:$0x9], $0x80, s29, s24, $0xb8;
	[tilespmem:$0x1EE00] =	vst v63  }
0xbf: {  	s20 =	sadd.s32 $0x100, s20;
	s25 =	sor.u32 s1, s25;
	_ =	swait.ge [sflag:s2], $0x2000  }
0xc0: {  	s5 =	simm.s32 $0x2D00;
	s25 =	sshrl.u32 s25, $0x3;
	[sflag:s2] =	ssyncset.done $0x0  }
0xc1: {  	s1 =	sor.u32 s1, s23;
	s14 =	sadd.s32 s7, s25;
	[sflag:s2] =	ssyncadd.s32 $0xFFFFE000  }
0xc2: {  	[tilespmem:s5], [sflag:$0x7] =	stream.linear.gather [hbm4b:s14+s4], $0x80, $0x38;
	[tilespmem:$0x1EE00] =	vst v63  }
0xc3: {  	s25 =	sadd.s32 $0xFFFFFF40, s20;
	s23 =	rddreg [dreg:$0x0];
	s14 =	simm.s32 $0x6E00  }
0xc4: {  	[tilespmem:s14], [sflag:$0x3] =	stream.indirect.gather [hbm4b:s23+s24], $0x80, s25, s24, $0xb8;
	[tilespmem:$0x1EE00] =	vst v63  }
0xc5: {  	_ =	swait.ge [sflag:s10], $0x2000  }
0xc6: {  	[sflag:s10] =	ssyncset.done $0x0  }
0xc7: {  	[sflag:s10] =	ssyncadd.s32 $0xFFFFE000  }
0xc8: {  	_ =	swait.ge [sflag:s13], $0x80  }
0xc9: {  	[sflag:s13] =	ssyncset.done $0x0  }
0xca: {  	[sflag:s13] =	ssyncadd.s32 $0xFFFFFF80  }
0xcb: {  	[spmem:s3] =	stream.indirect.scatter.add.f32 [tilespmem:s0], [sflag:$0xA], $0x80, s26, s24, $0xb8;
	[tilespmem:$0x1EE00] =	vst v63  }
0xcc: {  	_ =	swait.ge [sflag:s31], $0x2000  }
0xcd: {  	s1 =	sshrl.u32 s1, $0x3;
	[sflag:s31] =	ssyncset.done $0x0  }
0xce: {  	s1 =	sadd.s32 s7, s1;
	s26 =	simm.s32 $0x2D80;
	[sflag:s31] =	ssyncadd.s32 $0xFFFFE000  }
0xcf: {  	[tilespmem:s26], [sflag:$0x8] =	stream.linear.gather [hbm4b:s1+s4], $0x80, $0x38;
	[tilespmem:$0x1EE00] =	vst v63  }
0xd0: {  	s23 =	sadd.s32 $0xFFFFFF80, s20;
	s0 =	simm.s32 $0x8E00;
	s1 =	rddreg [dreg:$0x0]  }
0xd1: {  	[tilespmem:s0], [sflag:$0x4] =	stream.indirect.gather [hbm4b:s1+s24], $0x80, s23, s24, $0xb8;
	[tilespmem:$0x1EE00] =	vst v63  }
0xd2: {  	_ =	swait.ge [sflag:s15], $0x2000  }
0xd3: {  	[sflag:s15] =	ssyncset.done $0x0  }
0xd4: {  	[sflag:s15] =	ssyncadd.s32 $0xFFFFE000  }
0xd5: {  	s1 =	sadd.s32 $0xFFFFFF80, s11;
	_ =	swait.ge [sflag:s6], $0x80  }
0xd6: {  	s23 =	sand.u32 $0xFC00, s1;
	[sflag:s6] =	ssyncset.done $0x0  }
0xd7: {  	s1 =	sand.u32 $0x200, s1;
	s23 =	sadd.s32 s8, s23;
	[sflag:s6] =	ssyncadd.s32 $0xFFFFFF80  }
0xd8: {  	[spmem:s3] =	stream.indirect.scatter.add.f32 [tilespmem:s14], [sflag:$0xB], $0x80, s5, s24, $0xb8;
	[tilespmem:$0x1EE00] =	vst v63  }
0xd9: {  	s1 =	sor.u32 s1, s23;
	s23 =	rddreg [dreg:$0x0];
	_ =	swait.ge [sflag:s16], $0x2000  }
0xda: {  	s1 =	sshrl.u32 s1, $0x3;
	[sflag:s16] =	ssyncset.done $0x0  }
0xdb: {  	s1 =	sadd.s32 s7, s1;
	[sflag:s16] =	ssyncadd.s32 $0xFFFFE000  }
0xdc: {  	[tilespmem:s29], [sflag:$0x5] =	stream.linear.gather [hbm4b:s1+s4], $0x80, $0x38;
	[tilespmem:$0x1EE00] =	vst v63  }
0xdd: {  	s14 =	sadd.s32 $0xFFFFFFC0, s20  }
0xde: {  	[tilespmem:s12], [sflag:$0x1] =	stream.indirect.gather [hbm4b:s23+s24], $0x80, s14, s24, $0xb8;
	[tilespmem:$0x1EE00] =	vst v63  }
0xdf: {  	_ =	swait.ge [sflag:s17], $0x2000  }
0xe0: {  	[sflag:s17] =	ssyncset.done $0x0  }
0xe1: {  	[sflag:s17] =	ssyncadd.s32 $0xFFFFE000  }
0xe2: {  	p1 =	seq.s32 s21, $0x5080;
	s21 =	sadd.s32 $0x200, s21;
	_ =	swait.ge [sflag:s18], $0x80  }
.Ltmp3:
0xe3: {  	s28 =	simm.s32 $0x2C80;
	[sflag:s18] =	ssyncset.done $0x0;
	(pc) =	sbr.rel @!p1 .LBB2_3-.Ltmp3, $4  }
0xe4: {  	s22 =	smov.u32 s20;
	s29 =	sand.u32 $0xFC00, s11;
	[sflag:s18] =	ssyncadd.s32 $0xFFFFFF80  }
0xe5: {  	[spmem:s3] =	stream.indirect.scatter.add.f32 [tilespmem:s0], [sflag:$0xC], $0x80, s26, s24, $0xb8;
	[tilespmem:$0x1EE00] =	vst v63  }
0xe6: {  	s11 =	sand.u32 $0x280, s11;
	s1 =	sadd.s32 s8, s29;
	_ =	swait.ge [sflag:s19], $0x2000  }
0xe7: {  	s25 =	simm.s32 $0x4E00;
	s11 =	sor.u32 s11, s1;
	[sflag:s19] =	ssyncset.done $0x0  }
.Ltmp4:
0xe8: {  	s1 =	sshrl.u32 s11, $0x3;
	(pc) =	sbr.rel .LBB2_8-.Ltmp4, $4  }
0xe9: {  	[sflag:s19] =	ssyncadd.s32 $0xFFFFE000;
	s11 =	rddreg [dreg:$0x6];
	s1 =	sadd.s32 s7, s1  }
0xea: {  	[tilespmem:s28], [sflag:$0x6] =	stream.linear.gather [hbm4b:s1+s4], $0x80, $0x38;
	[tilespmem:$0x1EE00] =	vst v63  }
0xeb: {  	s18 =	simm.s32 $0xA;
	s31 =	rddreg [dreg:$0x13];
	s28 =	simm.s32 $0x4E00  }
0xec: {  	[tilespmem:s25], [sflag:$0x2] =	stream.indirect.gather [hbm4b:s23+s24], $0x80, s22, s24, $0xb8;
	[tilespmem:$0x1EE00] =	vst v63  }
.LBB2_5:
0xed: {  	s23 =	rddreg [dreg:$0x4]  }
0xee: {  	[tilespmem:s25], [sflag:$0x1] =	stream.indirect.gather [hbm4b:s23+s24], $0x80, s4, s24, $0xb8;
	[tilespmem:$0x1EE00] =	vst v63  }
0xef: {  	s1 =	rddreg [dreg:$0xb];
	s20 =	simm.s32 $0x2C80  }
0xf0: {  	[tilespmem:s20], [sflag:$0x6] =	stream.linear.gather [hbm4b:s1+s4], $0x80, $0x38;
	[tilespmem:$0x1EE00] =	vst v63  }
0xf1: {  	_ = 	snop  }
0xf2: {  	[tilespmem:s28], [sflag:$0x2] =	stream.indirect.gather [hbm4b:s23+s24], $0x80, s24, s24, $0xb8;
	[tilespmem:$0x1EE00] =	vst v63  }
0xf3: {  	_ =	swait.ge [sflag:s29], $0x2000  }
0xf4: {  	[sflag:s29] =	ssyncset.done $0x0  }
0xf5: {  	[sflag:s29] =	ssyncadd.s32 $0xFFFFE000  }
0xf6: {  	_ =	swait.ge [sflag:s30], $0x80  }
0xf7: {  	[sflag:s30] =	ssyncset.done $0x0  }
0xf8: {  	[sflag:s30] =	ssyncadd.s32 $0xFFFFFF80  }
0xf9: {  	[spmem:s3] =	stream.indirect.scatter.add.f32 [tilespmem:s25], [sflag:$0x9], $0x80, s22, s24, $0xb8;
	[tilespmem:$0x1EE00] =	vst v63  }
0xfa: {  	s5 =	rddreg [dreg:$0xc]  }
0xfb: {  	[tilespmem:s2], [sflag:$0x7] =	stream.linear.gather [hbm4b:s5+s4], $0x80, $0x38;
	[tilespmem:$0x1EE00] =	vst v63  }
0xfc: {  	s0 =	simm.s32 $0x80  }
0xfd: {  	[tilespmem:s26], [sflag:$0x3] =	stream.indirect.gather [hbm4b:s23+s24], $0x80, s0, s24, $0xb8;
	[tilespmem:$0x1EE00] =	vst v63  }
0xfe: {  	_ =	swait.ge [sflag:s9], $0x2000  }
0xff: {  	[sflag:s9] =	ssyncset.done $0x0  }
0x100: {  	[sflag:s9] =	ssyncadd.s32 $0xFFFFE000  }
0x101: {  	_ =	swait.ge [sflag:s10], $0x80  }
0x102: {  	[sflag:s10] =	ssyncset.done $0x0  }
0x103: {  	[sflag:s10] =	ssyncadd.s32 $0xFFFFFF80  }
0x104: {  	[spmem:s3] =	stream.indirect.scatter.add.f32 [tilespmem:s28], [sflag:$0xA], $0x80, s20, s24, $0xb8;
	[tilespmem:$0x1EE00] =	vst v63  }
0x105: {  	s11 =	rddreg [dreg:$0xd]  }
0x106: {  	[tilespmem:s12], [sflag:$0x8] =	stream.linear.gather [hbm4b:s11+s4], $0x80, $0x38;
	[tilespmem:$0x1EE00] =	vst v63  }
0x107: {  	s21 =	simm.s32 $0xC0  }
0x108: {  	[tilespmem:s13], [sflag:$0x4] =	stream.indirect.gather [hbm4b:s23+s24], $0x80, s21, s24, $0xb8;
	[tilespmem:$0x1EE00] =	vst v63  }
0x109: {  	_ =	swait.ge [sflag:s14], $0x2000  }
0x10a: {  	[sflag:s14] =	ssyncset.done $0x0  }
0x10b: {  	[sflag:s14] =	ssyncadd.s32 $0xFFFFE000  }
0x10c: {  	_ =	swait.ge [sflag:s15], $0x80  }
0x10d: {  	[sflag:s15] =	ssyncset.done $0x0  }
0x10e: {  	[sflag:s15] =	ssyncadd.s32 $0xFFFFFF80  }
0x10f: {  	[spmem:s3] =	stream.indirect.scatter.add.f32 [tilespmem:s26], [sflag:$0xB], $0x80, s2, s24, $0xb8;
	[tilespmem:$0x1EE00] =	vst v63  }
0x110: {  	_ =	swait.ge [sflag:s6], $0x2000  }
0x111: {  	[sflag:s6] =	ssyncset.done $0x0  }
0x112: {  	s0 =	rddreg [dreg:$0xe];
	[sflag:s6] =	ssyncadd.s32 $0xFFFFE000  }
0x113: {  	[tilespmem:s22], [sflag:$0x5] =	stream.linear.gather [hbm4b:s0+s4], $0x80, $0x38;
	[tilespmem:$0x1EE00] =	vst v63  }
0x114: {  	s5 =	simm.s32 $0x100  }
0x115: {  	[tilespmem:s25], [sflag:$0x1] =	stream.indirect.gather [hbm4b:s23+s24], $0x80, s5, s24, $0xb8;
	[tilespmem:$0x1EE00] =	vst v63  }
0x116: {  	_ =	swait.ge [sflag:s16], $0x2000  }
0x117: {  	[sflag:s16] =	ssyncset.done $0x0  }
0x118: {  	[sflag:s16] =	ssyncadd.s32 $0xFFFFE000  }
0x119: {  	_ =	swait.ge [sflag:s17], $0x80  }
0x11a: {  	[sflag:s17] =	ssyncset.done $0x0  }
0x11b: {  	[sflag:s17] =	ssyncadd.s32 $0xFFFFFF80  }
0x11c: {  	[spmem:s3] =	stream.indirect.scatter.add.f32 [tilespmem:s13], [sflag:$0xC], $0x80, s12, s24, $0xb8;
	[tilespmem:$0x1EE00] =	vst v63  }
0x11d: {  	_ =	swait.ge [sflag:s18], $0x2000  }
0x11e: {  	[sflag:s18] =	ssyncset.done $0x0  }
0x11f: {  	s11 =	rddreg [dreg:$0xf];
	[sflag:s18] =	ssyncadd.s32 $0xFFFFE000  }
0x120: {  	[tilespmem:s20], [sflag:$0x6] =	stream.linear.gather [hbm4b:s11+s4], $0x80, $0x38;
	[tilespmem:$0x1EE00] =	vst v63  }
0x121: {  	s21 =	simm.s32 $0x140  }
0x122: {  	[tilespmem:s28], [sflag:$0x2] =	stream.indirect.gather [hbm4b:s23+s24], $0x80, s21, s24, $0xb8;
	[tilespmem:$0x1EE00] =	vst v63  }
0x123: {  	_ =	swait.ge [sflag:s29], $0x2000  }
0x124: {  	[sflag:s29] =	ssyncset.done $0x0  }
0x125: {  	[sflag:s29] =	ssyncadd.s32 $0xFFFFE000  }
0x126: {  	s0 =	simm.s32 $0x200;
	_ =	swait.ge [sflag:s30], $0x80  }
0x127: {  	s1 =	sand.u32 $0x7C00, s0;
	s11 =	simm.s32 $0x300;
	[sflag:s30] =	ssyncset.done $0x0  }
0x128: {  	s1 =	sadd.s32 s8, s1;
	s11 =	sand.u32 $0x300, s11;
	[sflag:s30] =	ssyncadd.s32 $0xFFFFFF80  }
0x129: {  	[spmem:s3] =	stream.indirect.scatter.add.f32 [tilespmem:s25], [sflag:$0x9], $0x80, s22, s24, $0xb8;
	[tilespmem:$0x1EE00] =	vst v63  }
0x12a: {  	s11 =	sor.u32 s1, s11;
	_ =	swait.ge [sflag:s19], $0x2000  }
0x12b: {  	s11 =	sshrl.u32 s11, $0x3;
	[sflag:s19] =	ssyncset.done $0x0  }
0x12c: {  	s11 =	sadd.s32 s7, s11;
	[sflag:s19] =	ssyncadd.s32 $0xFFFFE000  }
0x12d: {  	[tilespmem:s2], [sflag:$0x7] =	stream.linear.gather [hbm4b:s11+s4], $0x80, $0x38;
	[tilespmem:$0x1EE00] =	vst v63  }
0x12e: {  	s5 =	simm.s32 $0x180  }
0x12f: {  	[tilespmem:s26], [sflag:$0x3] =	stream.indirect.gather [hbm4b:s23+s24], $0x80, s5, s24, $0xb8;
	[tilespmem:$0x1EE00] =	vst v63  }
0x130: {  	_ =	swait.ge [sflag:s9], $0x2000  }
0x131: {  	[sflag:s9] =	ssyncset.done $0x0  }
0x132: {  	[sflag:s9] =	ssyncadd.s32 $0xFFFFE000  }
0x133: {  	_ =	swait.ge [sflag:s10], $0x80  }
0x134: {  	s9 =	simm.s32 $0x380;
	[sflag:s10] =	ssyncset.done $0x0  }
0x135: {  	s31 =	simm.s32 $0xC;
	s11 =	sand.u32 $0x380, s9;
	[sflag:s10] =	ssyncadd.s32 $0xFFFFFF80  }
0x136: {  	[spmem:s3] =	stream.indirect.scatter.add.f32 [tilespmem:s28], [sflag:$0xA], $0x80, s20, s24, $0xb8;
	[tilespmem:$0x1EE00] =	vst v63  }
0x137: {  	s1 =	sor.u32 s1, s11;
	_ =	swait.ge [sflag:s31], $0x2000  }
0x138: {  	s1 =	sshrl.u32 s1, $0x3;
	[sflag:s31] =	ssyncset.done $0x0  }
0x139: {  	s1 =	sadd.s32 s7, s1;
	[sflag:s31] =	ssyncadd.s32 $0xFFFFE000  }
0x13a: {  	[tilespmem:s12], [sflag:$0x8] =	stream.linear.gather [hbm4b:s1+s4], $0x80, $0x38;
	[tilespmem:$0x1EE00] =	vst v63  }
0x13b: {  	s19 =	simm.s32 $0x1C0  }
0x13c: {  	[tilespmem:s13], [sflag:$0x4] =	stream.indirect.gather [hbm4b:s23+s24], $0x80, s19, s24, $0xb8;
	[tilespmem:$0x1EE00] =	vst v63  }
0x13d: {  	_ =	swait.ge [sflag:s14], $0x2000  }
0x13e: {  	[sflag:s14] =	ssyncset.done $0x0  }
0x13f: {  	[sflag:s14] =	ssyncadd.s32 $0xFFFFE000  }
0x140: {  	s20 =	simm.s32 $0x400;
	_ =	swait.ge [sflag:s15], $0x80  }
0x141: {  	s21 =	sand.u32 $0xFC00, s20;
	[sflag:s15] =	ssyncset.done $0x0  }
0x142: {  	s11 =	sadd.s32 s8, s21;
	s1 =	sand.u32 $0x200, s20;
	[sflag:s15] =	ssyncadd.s32 $0xFFFFFF80  }
0x143: {  	[spmem:s3] =	stream.indirect.scatter.add.f32 [tilespmem:s26], [sflag:$0xB], $0x80, s2, s24, $0xb8;
	[tilespmem:$0x1EE00] =	vst v63  }
0x144: {  	s1 =	sor.u32 s1, s11;
	_ =	swait.ge [sflag:s6], $0x2000  }
0x145: {  	s29 =	simm.s32 $0x2D80;
	s1 =	sshrl.u32 s1, $0x3;
	[sflag:s6] =	ssyncset.done $0x0  }
0x146: {  	s30 =	simm.s32 $0x1;
	s1 =	sadd.s32 s7, s1;
	[sflag:s6] =	ssyncadd.s32 $0xFFFFE000  }
0x147: {  	[tilespmem:s22], [sflag:$0x5] =	stream.linear.gather [hbm4b:s1+s4], $0x80, $0x38;
	[tilespmem:$0x1EE00] =	vst v63  }
0x148: {  	s9 =	simm.s32 $0x5;
	s10 =	simm.s32 $0x2;
	s22 =	simm.s32 $0x200  }
0x149: {  	[tilespmem:s25], [sflag:$0x1] =	stream.indirect.gather [hbm4b:s23+s24], $0x80, s22, s24, $0xb8;
	[tilespmem:$0x1EE00] =	vst v63  }
0x14a: {  	s21 =	simm.s32 $0x680;
	s20 =	simm.s32 $0x240;
	_ =	swait.ge [sflag:s16], $0x2000  }
0x14b: {  	s19 =	simm.s32 $0xA;
	s26 =	simm.s32 $0x480;
	[sflag:s16] =	ssyncset.done $0x0  }
0x14c: {  	s15 =	simm.s32 $0x3;
	s28 =	sand.u32 $0xFC00, s26;
	[sflag:s16] =	ssyncadd.s32 $0xFFFFE000  }
0x14d: {  	s2 =	simm.s32 $0xB;
	s11 =	sadd.s32 s8, s28;
	_ =	swait.ge [sflag:s17], $0x80  }
0x14e: {  	s6 =	simm.s32 $0x7;
	s1 =	sand.u32 $0x280, s26;
	[sflag:s17] =	ssyncset.done $0x0  }
0x14f: {  	s11 =	sor.u32 s1, s11;
	s22 =	simm.s32 $0x240;
	[sflag:s17] =	ssyncadd.s32 $0xFFFFFF80  }
0x150: {  	[spmem:s3] =	stream.indirect.scatter.add.f32 [tilespmem:s13], [sflag:$0xC], $0x80, s12, s24, $0xb8;
	[tilespmem:$0x1EE00] =	vst v63  }
0x151: {  	s16 =	simm.s32 $0x9;
	s17 =	simm.s32 $0x4;
	_ =	swait.ge [sflag:s18], $0x2000  }
0x152: {  	s13 =	simm.s32 $0x6;
	[sflag:s18] =	ssyncset.done $0x0;
	s18 =	simm.s32 $0x8  }
.LBB2_6:
0x153: {  	s1 =	sshrl.u32 s11, $0x3  }
0x154: {  	[sflag:s19] =	ssyncadd.s32 $0xFFFFE000;
	s0 =	simm.s32 $0x2C80;
	s1 =	sadd.s32 s7, s1  }
0x155: {  	[tilespmem:s0], [sflag:$0x6] =	stream.linear.gather [hbm4b:s1+s4], $0x80, $0x38;
	[tilespmem:$0x1EE00] =	vst v63  }
0x156: {  	s4 =	simm.s32 $0x4E00  }
0x157: {  	[tilespmem:s4], [sflag:$0x2] =	stream.indirect.gather [hbm4b:s23+s24], $0x80, s22, s24, $0xb8;
	[tilespmem:$0x1EE00] =	vst v63  }
0x158: {  	s20 =	sadd.s32 $0x100, s20;
	_ =	swait.ge [sflag:s30], $0x2000  }
0x159: {  	s11 =	smov.u32 s21;
	s26 =	simm.s32 $0x2E00;
	[sflag:s30] =	ssyncset.done $0x0  }
0x15a: {  	s28 =	sadd.s32 $0xFFFFFD80, s11;
	s12 =	sadd.s32 $0xFFFFFF00, s11;
	[sflag:s30] =	ssyncadd.s32 $0xFFFFE000  }
0x15b: {  	s25 =	sadd.s32 $0xFFFFFE80, s11;
	s1 =	sand.u32 $0x7C00, s28;
	_ =	swait.ge [sflag:s9], $0x80  }
0x15c: {  	s25 =	sand.u32 $0x300, s25;
	s1 =	sadd.s32 s8, s1;
	[sflag:s9] =	ssyncset.done $0x0  }
0x15d: {  	s23 =	sand.u32 $0x380, s12;
	s12 =	simm.s32 $0x2C00;
	[sflag:s9] =	ssyncadd.s32 $0xFFFFFF80  }
0x15e: {  	[spmem:s3] =	stream.indirect.scatter.add.f32 [tilespmem:s26], [sflag:$0x9], $0x80, s12, s24, $0xb8;
	[tilespmem:$0x1EE00] =	vst v63  }
0x15f: {  	s5 =	simm.s32 $0x0;
	s25 =	sor.u32 s1, s25;
	_ =	swait.ge [sflag:s2], $0x2000  }
0x160: {  	s28 =	simm.s32 $0x2D00;
	s25 =	sshrl.u32 s25, $0x3;
	[sflag:s2] =	ssyncset.done $0x0  }
0x161: {  	s1 =	sor.u32 s1, s23;
	s14 =	sadd.s32 s7, s25;
	[sflag:s2] =	ssyncadd.s32 $0xFFFFE000  }
0x162: {  	[tilespmem:s28], [sflag:$0x7] =	stream.linear.gather [hbm4b:s14+s5], $0x80, $0x38;
	[tilespmem:$0x1EE00] =	vst v63  }
0x163: {  	s25 =	sadd.s32 $0xFFFFFF40, s20;
	s23 =	rddreg [dreg:$0x4];
	s14 =	simm.s32 $0x6E00  }
0x164: {  	[tilespmem:s14], [sflag:$0x3] =	stream.indirect.gather [hbm4b:s23+s24], $0x80, s25, s24, $0xb8;
	[tilespmem:$0x1EE00] =	vst v63  }
0x165: {  	_ =	swait.ge [sflag:s10], $0x2000  }
0x166: {  	[sflag:s10] =	ssyncset.done $0x0  }
0x167: {  	[sflag:s10] =	ssyncadd.s32 $0xFFFFE000  }
0x168: {  	_ =	swait.ge [sflag:s13], $0x80  }
0x169: {  	[sflag:s13] =	ssyncset.done $0x0  }
0x16a: {  	[sflag:s13] =	ssyncadd.s32 $0xFFFFFF80  }
0x16b: {  	[spmem:s3] =	stream.indirect.scatter.add.f32 [tilespmem:s4], [sflag:$0xA], $0x80, s0, s24, $0xb8;
	[tilespmem:$0x1EE00] =	vst v63  }
0x16c: {  	_ =	swait.ge [sflag:s31], $0x2000  }
0x16d: {  	s1 =	sshrl.u32 s1, $0x3;
	[sflag:s31] =	ssyncset.done $0x0  }
0x16e: {  	s1 =	sadd.s32 s7, s1;
	s4 =	simm.s32 $0x0;
	[sflag:s31] =	ssyncadd.s32 $0xFFFFE000  }
0x16f: {  	[tilespmem:s29], [sflag:$0x8] =	stream.linear.gather [hbm4b:s1+s4], $0x80, $0x38;
	[tilespmem:$0x1EE00] =	vst v63  }
0x170: {  	s23 =	sadd.s32 $0xFFFFFF80, s20;
	s0 =	simm.s32 $0x8E00;
	s1 =	rddreg [dreg:$0x4]  }
0x171: {  	[tilespmem:s0], [sflag:$0x4] =	stream.indirect.gather [hbm4b:s1+s24], $0x80, s23, s24, $0xb8;
	[tilespmem:$0x1EE00] =	vst v63  }
0x172: {  	_ =	swait.ge [sflag:s15], $0x2000  }
0x173: {  	[sflag:s15] =	ssyncset.done $0x0  }
0x174: {  	[sflag:s15] =	ssyncadd.s32 $0xFFFFE000  }
0x175: {  	s1 =	sadd.s32 $0xFFFFFF80, s11;
	_ =	swait.ge [sflag:s6], $0x80  }
0x176: {  	s23 =	sand.u32 $0xFC00, s1;
	[sflag:s6] =	ssyncset.done $0x0  }
0x177: {  	s1 =	sand.u32 $0x200, s1;
	s23 =	sadd.s32 s8, s23;
	[sflag:s6] =	ssyncadd.s32 $0xFFFFFF80  }
0x178: {  	[spmem:s3] =	stream.indirect.scatter.add.f32 [tilespmem:s14], [sflag:$0xB], $0x80, s28, s24, $0xb8;
	[tilespmem:$0x1EE00] =	vst v63  }
0x179: {  	s1 =	sor.u32 s1, s23;
	s23 =	rddreg [dreg:$0x4];
	_ =	swait.ge [sflag:s16], $0x2000  }
0x17a: {  	s1 =	sshrl.u32 s1, $0x3;
	[sflag:s16] =	ssyncset.done $0x0  }
0x17b: {  	s1 =	sadd.s32 s7, s1;
	[sflag:s16] =	ssyncadd.s32 $0xFFFFE000  }
0x17c: {  	[tilespmem:s12], [sflag:$0x5] =	stream.linear.gather [hbm4b:s1+s4], $0x80, $0x38;
	[tilespmem:$0x1EE00] =	vst v63  }
0x17d: {  	s14 =	sadd.s32 $0xFFFFFFC0, s20  }
0x17e: {  	[tilespmem:s26], [sflag:$0x1] =	stream.indirect.gather [hbm4b:s23+s24], $0x80, s14, s24, $0xb8;
	[tilespmem:$0x1EE00] =	vst v63  }
0x17f: {  	_ =	swait.ge [sflag:s17], $0x2000  }
0x180: {  	[sflag:s17] =	ssyncset.done $0x0  }
0x181: {  	[sflag:s17] =	ssyncadd.s32 $0xFFFFE000  }
0x182: {  	p1 =	sne.s32 s21, $0x5080;
	s21 =	sadd.s32 $0x200, s21;
	_ =	swait.ge [sflag:s18], $0x80  }
.Ltmp5:
0x183: {  	s22 =	smov.u32 s20;
	[sflag:s18] =	ssyncset.done $0x0;
	(pc) =	sbr.rel @p1 .LBB2_6-.Ltmp5, $4  }
0x184: {  	s5 =	simm.s32 $0x2C80;
	s28 =	sand.u32 $0xFC00, s11;
	[sflag:s18] =	ssyncadd.s32 $0xFFFFFF80  }
0x185: {  	[spmem:s3] =	stream.indirect.scatter.add.f32 [tilespmem:s0], [sflag:$0xC], $0x80, s29, s24, $0xb8;
	[tilespmem:$0x1EE00] =	vst v63  }
0x186: {  	s11 =	sand.u32 $0x280, s11;
	s1 =	sadd.s32 s8, s28;
	_ =	swait.ge [sflag:s19], $0x2000  }
0x187: {  	s25 =	simm.s32 $0x4E00;
	s11 =	sor.u32 s11, s1;
	[sflag:s19] =	ssyncset.done $0x0  }
.Ltmp6:
0x188: {  	_ = 	snop;
	(pc) =	sbr.rel .LBB2_7-.Ltmp6, $1  }
0x189: {  	_ =	sdelay $0x3  }
.LBB2_9:
0x18a: {  	_ =	sfence.sel $0x180000  }
0x18b: {  	[bflag:$0x0] =	sbarrier.arrive $0xFFFF  }
0x18c: {  	_ =	strace $0x9000004A  }
0x18d: {  	s0 =	stileid.u32;
	[bflag:$0x2] =	sbarrier.arrive $0xFFFF  }
0x18e: {  	p0 =	sne.s32 s0, $0x0;
	s0 =	rddreg [dreg:$0x3]  }
0x18f: {  	s0 =	sadd.s32 @!p0 $0x100000, s0  }
0x190: {  	[sflag:s0] =	ssyncadd.tile.s32 @!p0 $0x1;
	_ =	shalt  }
.Lfunc_end2:
_tile_overlayer_lowered:
.L_overlay_start_2:
0x191: {  	(tag) =	ssettag $0x2  }
0x192: {  	s0 =	rddreg [dreg:$0x0];
	s2 =	stileid.u32  }
0x193: {  	s1 =	rddreg [dreg:$0x1];
	p0 =	sne.s32 s2, $0x0  }
0x194: {  	s3 =	rddreg [dreg:$0x2];
	[bflag:$0x3] =	sbarrier.arrive $0xFFFF;
	s2 =	simm.s32 @!p0 $0x1C0D  }
0x195: {  	[timem:s3], [sflag:s2] =	dma.local @!p0 [hbm:s0], s1  }
0x196: {  	s0 =	simm.s32 @!p0 $0xD  }
0x197: {  	_ =	swait.ge @!p0 [sflag:s0], s1  }
0x198: {  	s1 =	ssub.s32 @!p0 $0x0, s1;
	[sflag:s0] =	ssyncset.done @!p0 $0x0  }
0x199: {  	[sflag:s0] =	ssyncadd.s32 @!p0 s1  }
0x19a: {  	[bflag:$0x3] =	sbarrier.arrive $0xFFFF  }
0x19b: {  	_ =	shalt  }

</sc_bundles>
